<compile_context>
chip_gen: v7x
topology: tpu7x:2x2x1
jax: 0.10.2.dev20260603
libtpu: 0.0.44.dev20260713+nightly
codegen_flags: <defaults>
</compile_context>

<pallas_src>
import functools

import jax
import jax.numpy as jnp
from jax import lax
from jax.experimental import pallas as pl
from jax.experimental.pallas import tpu as pltpu
from jax.experimental.pallas import tpu_sc as plsc

_USER_REG = 0.0025
_POS_ITEM_REG = 0.0025
_NEG_ITEM_REG = 0.00025

_L = 16


def _softplus(t):
    m = jnp.maximum(t, 0.0)
    z = jnp.exp(-jnp.abs(t))
    s = z / (z + 2.0)
    s2 = s * s
    poly = 1.0 + s2 * (1.0 / 3.0 + s2 * (1.0 / 5.0 + s2 * (1.0 / 7.0)))
    return m + 2.0 * s * poly


@functools.lru_cache(maxsize=None)
def _make_sc_kernel(B, D, n_workers, n_cores):
    R = B // n_workers
    CH = 128
    NCH = R // CH
    GRP = R // _L

    mesh = plsc.VectorSubcoreMesh(core_axis_name="c", subcore_axis_name="s")

    @functools.partial(
        pl.kernel,
        out_type=jax.ShapeDtypeStruct((n_workers, _L), jnp.float32),
        mesh=mesh,
        compiler_params=pltpu.CompilerParams(
            needs_layout_passes=False, use_tc_tiling_on_sc=False),
        scratch_types=[
            pltpu.VMEM((NCH, CH), jnp.int32),
            pltpu.VMEM((NCH, CH), jnp.int32),
            pltpu.VMEM((NCH, CH), jnp.int32),
            pltpu.VMEM((R, D), jnp.float32),
            pltpu.VMEM((R, D), jnp.float32),
            pltpu.VMEM((R, D), jnp.float32),
            pltpu.VMEM((_L,), jnp.float32),
            pltpu.SemaphoreType.DMA,
        ],
    )
    def body(uid_h, pid_h, nid_h, uemb_h, iemb_h, out_h,
             idxu, idxp, idxn, urows, prows, nrows, outv, sem):
        wid = lax.axis_index("s") * n_cores + lax.axis_index("c")
        base = wid * R

        for j in range(NCH):
            pltpu.sync_copy(uid_h.at[pl.ds(base + j * CH, CH)], idxu.at[j])
            pltpu.sync_copy(pid_h.at[pl.ds(base + j * CH, CH)], idxp.at[j])
            pltpu.sync_copy(nid_h.at[pl.ds(base + j * CH, CH)], idxn.at[j])

        cps = []
        for j in range(NCH):
            dst = pl.ds(j * CH, CH)
            cps.append(pltpu.async_copy(uemb_h.at[idxu.at[j]], urows.at[dst], sem))
            cps.append(pltpu.async_copy(iemb_h.at[idxp.at[j]], prows.at[dst], sem))
            cps.append(pltpu.async_copy(iemb_h.at[idxn.at[j]], nrows.at[dst], sem))
        for cp in cps:
            cp.wait()

        lanes = lax.iota(jnp.int32, _L)
        zero = jnp.zeros((_L,), jnp.float32)

        def gbody(g, carry):
            u2, p2, n2, spacc = carry
            row = g * _L + lanes
            up = zero
            un = zero
            for d in range(D):
                col = jnp.full((_L,), d, jnp.int32)
                uv = plsc.load_gather(urows, [row, col])
                pv = plsc.load_gather(prows, [row, col])
                nv = plsc.load_gather(nrows, [row, col])
                up = up + uv * pv
                un = un + uv * nv
                u2 = u2 + uv * uv
                p2 = p2 + pv * pv
                n2 = n2 + nv * nv
            x = up - un
            spacc = spacc + _softplus(-x)
            return (u2, p2, n2, spacc)

        u2, p2, n2, spacc = lax.fori_loop(0, GRP, gbody, (zero, zero, zero, zero))
        outv[...] = (_USER_REG * u2 + _POS_ITEM_REG * p2
                     + _NEG_ITEM_REG * n2 + spacc)
        pltpu.sync_copy(outv, out_h.at[wid])

    return body


def kernel(user_ids, pos_ids, neg_ids, user_embeddings, item_embeddings,
           user_bias_mat, item_bias):
    del user_bias_mat, item_bias
    info = plsc.get_sparse_core_info()
    n_workers = info.num_cores * info.num_subcores
    B = user_ids.shape[0]
    D = user_embeddings.shape[1]
    sc = _make_sc_kernel(B, D, n_workers, info.num_cores)
    partials = sc(user_ids, pos_ids, neg_ids, user_embeddings, item_embeddings)
    return jnp.sum(partials)

# --- scband reference (transcript-rebuilt; emitter-appended) ---
"""Pipeline reference for scband-bpr-87969520157216 (READ-ONLY COPY).

The authoritative reference and input builder live on the scoring server;
editing this copy changes nothing except your own understanding.
"""

import jax, jax.numpy as jnp
import numpy as np

N_USERS = 1000000
N_ITEMS = 1000000
DIM = 32
B = 16384

USER_REG = 0.0025
USER_BIAS_REG = 0.001
POS_ITEM_REG = 0.0025
NEG_ITEM_REG = 0.00025
ITEM_BIAS_REG = 0.001


def setup_inputs(seed: int = 0) -> dict:
    key = jax.random.key(seed)
    k1, k2, k3, k4, k5 = jax.random.split(key, 5)
    user_ids = jax.random.randint(k1, (B,), 0, N_USERS)
    pos_ids = jax.random.randint(k2, (B,), 0, N_ITEMS)
    neg_ids = jax.random.randint(k3, (B,), 0, N_ITEMS)
    user_embeddings = jax.random.normal(k4, (N_USERS, DIM), dtype=jnp.float32) * 0.01
    item_embeddings = jax.random.normal(k5, (N_ITEMS, DIM), dtype=jnp.float32) * 0.01
    user_bias_mat = jnp.zeros((N_USERS, 1), dtype=jnp.float32)
    item_bias = jnp.zeros((N_ITEMS, 1), dtype=jnp.float32)
    return {
        "user_ids": user_ids,
        "pos_ids": pos_ids,
        "neg_ids": neg_ids,
        "user_embeddings": user_embeddings,
        "item_embeddings": item_embeddings,
        "user_bias_mat": user_bias_mat,
        "item_bias": item_bias,
    }


def reference(user_ids, pos_ids, neg_ids, user_embeddings, item_embeddings, user_bias_mat, item_bias):
    # embedding lookups (SparseCore gathers)
    u_vectors = jnp.take(user_embeddings, user_ids, axis=0)
    p_vectors = jnp.take(item_embeddings, pos_ids, axis=0)
    n_vectors = jnp.take(item_embeddings, neg_ids, axis=0)
    user_bias = jnp.take(user_bias_mat, user_ids, axis=0)
    pos_item_bias = jnp.take(item_bias, pos_ids, axis=0)
    neg_item_bias = jnp.take(item_bias, neg_ids, axis=0)

    # distances
    pos_distances = pos_item_bias + jnp.sum(u_vectors * p_vectors, axis=1, keepdims=True)
    neg_distances = neg_item_bias + jnp.sum(u_vectors * n_vectors, axis=1, keepdims=True)
    x_hat = pos_distances - neg_distances

    # l2 regularization
    norm = (USER_REG * jnp.sum(u_vectors * u_vectors)
            + USER_BIAS_REG * jnp.sum(user_bias * user_bias)
            + POS_ITEM_REG * jnp.sum(p_vectors * p_vectors)
            + NEG_ITEM_REG * jnp.sum(n_vectors * n_vectors)
            + ITEM_BIAS_REG * jnp.sum(pos_item_bias * pos_item_bias)
            + ITEM_BIAS_REG * jnp.sum(neg_item_bias * neg_item_bias))

    loss = norm - jnp.sum(jnp.log(jax.nn.sigmoid(x_hat)))
    return loss

if __name__ == "__main__":
    import jax
    _d = setup_inputs()
    print(jax.jit(kernel)(*tuple(_d.values())))

</pallas_src>

<mosaic_0001>
#map = affine_map<(d0, d1) -> (0)>
#map1 = affine_map<(d0, d1) -> (0, 0)>
module attributes {stable_mosaic.version = 14 : i64} {
  func.func @body(%arg0: i32, %arg1: i32, %arg2: memref<16384xi32, #tpu.memory_space<hbm>>, %arg3: memref<16384xi32, #tpu.memory_space<hbm>>, %arg4: memref<16384xi32, #tpu.memory_space<hbm>>, %arg5: memref<1000000x32xf32, #tpu.memory_space<hbm>>, %arg6: memref<1000000x32xf32, #tpu.memory_space<hbm>>, %arg7: memref<32x16xf32, #tpu.memory_space<hbm>>, %arg8: memref<4x128xi32, #tpu.memory_space<vmem>>, %arg9: memref<4x128xi32, #tpu.memory_space<vmem>>, %arg10: memref<4x128xi32, #tpu.memory_space<vmem>>, %arg11: memref<512x32xf32, #tpu.memory_space<vmem>>, %arg12: memref<512x32xf32, #tpu.memory_space<vmem>>, %arg13: memref<512x32xf32, #tpu.memory_space<vmem>>, %arg14: memref<16xf32, #tpu.memory_space<vmem>>, %arg15: memref<!tpu.dma_semaphore, #tpu.memory_space<semaphore_mem>>) attributes {dimension_semantics = [#tpu.dimension_semantics<core_parallel>, #tpu.dimension_semantics<subcore_parallel>], iteration_bounds = array<i64: 2, 16>, scalar_prefetch = 0 : i64, scratch_operands = 8 : i64, tpu.core_type = #tpu.core_type<sc_vector_subcore>, window_params = [{transform_indices = #map}, {transform_indices = #map}, {transform_indices = #map}, {transform_indices = #map1}, {transform_indices = #map1}, {transform_indices = #map1}]} {
    %mul3A = arith.constant 2 : i32
    %mul3A_0 = arith.muli %arg1, %mul3A : i32
    %add3A = arith.addi %mul3A_0, %arg0 : i32
    %mul3A_1 = arith.constant 512 : i32
    %mul3A_2 = arith.muli %add3A, %mul3A_1 : i32
    %add3A_3 = arith.constant 0 : i32
    %add3A_4 = arith.addi %mul3A_2, %add3A_3 : i32
    %run_scoped3A = arith.constant 0 : i32
    "tpu.region"() ({
      %run_scoped3A_295 = tpu.sem_alloc : memref<!tpu.dma_semaphore, #tpu.memory_space<semaphore_mem>>
      %dma_start3A_296 = arith.constant 0 : i32
      %dma_start3A_297 = tpu.memref_slice %arg8[%run_scoped3A, %dma_start3A_296] : memref<4x128xi32, #tpu.memory_space<vmem>> -> memref<1x128xi32, #tpu.memory_space<vmem>>
      %dma_start3A_298 = tpu.memref_squeeze %dma_start3A_297 : memref<1x128xi32, #tpu.memory_space<vmem>> -> memref<128xi32, #tpu.memory_space<vmem>>
      %dma_start3A_299 = tpu.memref_slice %arg2[%add3A_4] : memref<16384xi32, #tpu.memory_space<hbm>> -> memref<128xi32, #tpu.memory_space<hbm>>
      %dma_start3A_300 = arith.constant 0 : i32
      %dma_start3A_301 = tpu.memref_slice %arg8[%run_scoped3A, %dma_start3A_300] : memref<4x128xi32, #tpu.memory_space<vmem>> -> memref<1x128xi32, #tpu.memory_space<vmem>>
      %dma_start3A_302 = tpu.memref_squeeze %dma_start3A_301 : memref<1x128xi32, #tpu.memory_space<vmem>> -> memref<128xi32, #tpu.memory_space<vmem>>
      %dma_start3A_303 = tpu.memref_slice %arg2[%add3A_4] : memref<16384xi32, #tpu.memory_space<hbm>> -> memref<128xi32, #tpu.memory_space<hbm>>
      tpu.enqueue_dma source(%dma_start3A_303 : memref<128xi32, #tpu.memory_space<hbm>>) target(%dma_start3A_302 : memref<128xi32, #tpu.memory_space<vmem>>) target_semaphore(%run_scoped3A_295 : memref<!tpu.dma_semaphore, #tpu.memory_space<semaphore_mem>>)
      %dma_wait3A_304 = arith.constant 0 : i32
      %dma_wait3A_305 = tpu.memref_slice %arg8[%run_scoped3A, %dma_wait3A_304] : memref<4x128xi32, #tpu.memory_space<vmem>> -> memref<1x128xi32, #tpu.memory_space<vmem>>
      %dma_wait3A_306 = tpu.memref_squeeze %dma_wait3A_305 : memref<1x128xi32, #tpu.memory_space<vmem>> -> memref<128xi32, #tpu.memory_space<vmem>>
      %dma_wait3A_307 = tpu.memref_slice %arg2[%add3A_4] : memref<16384xi32, #tpu.memory_space<hbm>> -> memref<128xi32, #tpu.memory_space<hbm>>
      %dma_wait3A_308 = arith.constant 0 : i32
      %dma_wait3A_309 = tpu.memref_slice %arg8[%run_scoped3A, %dma_wait3A_308] : memref<4x128xi32, #tpu.memory_space<vmem>> -> memref<1x128xi32, #tpu.memory_space<vmem>>
      %dma_wait3A_310 = tpu.memref_squeeze %dma_wait3A_309 : memref<1x128xi32, #tpu.memory_space<vmem>> -> memref<128xi32, #tpu.memory_space<vmem>>
      %dma_wait3A_311 = tpu.memref_slice %arg2[%add3A_4] : memref<16384xi32, #tpu.memory_space<hbm>> -> memref<128xi32, #tpu.memory_space<hbm>>
      tpu.wait_dma2 semaphore(%run_scoped3A_295 : memref<!tpu.dma_semaphore, #tpu.memory_space<semaphore_mem>>) src(%dma_wait3A_311 : memref<128xi32, #tpu.memory_space<hbm>>) dst(%dma_wait3A_310 : memref<128xi32, #tpu.memory_space<vmem>>)
      tpu.yield
    }) : () -> ()
    %add3A_5 = arith.constant 0 : i32
    %add3A_6 = arith.addi %mul3A_2, %add3A_5 : i32
    %run_scoped3A_7 = arith.constant 0 : i32
    "tpu.region"() ({
      %run_scoped3A_295 = tpu.sem_alloc : memref<!tpu.dma_semaphore, #tpu.memory_space<semaphore_mem>>
      %dma_start3A_296 = arith.constant 0 : i32
      %dma_start3A_297 = tpu.memref_slice %arg9[%run_scoped3A_7, %dma_start3A_296] : memref<4x128xi32, #tpu.memory_space<vmem>> -> memref<1x128xi32, #tpu.memory_space<vmem>>
      %dma_start3A_298 = tpu.memref_squeeze %dma_start3A_297 : memref<1x128xi32, #tpu.memory_space<vmem>> -> memref<128xi32, #tpu.memory_space<vmem>>
      %dma_start3A_299 = tpu.memref_slice %arg3[%add3A_6] : memref<16384xi32, #tpu.memory_space<hbm>> -> memref<128xi32, #tpu.memory_space<hbm>>
      %dma_start3A_300 = arith.constant 0 : i32
      %dma_start3A_301 = tpu.memref_slice %arg9[%run_scoped3A_7, %dma_start3A_300] : memref<4x128xi32, #tpu.memory_space<vmem>> -> memref<1x128xi32, #tpu.memory_space<vmem>>
      %dma_start3A_302 = tpu.memref_squeeze %dma_start3A_301 : memref<1x128xi32, #tpu.memory_space<vmem>> -> memref<128xi32, #tpu.memory_space<vmem>>
      %dma_start3A_303 = tpu.memref_slice %arg3[%add3A_6] : memref<16384xi32, #tpu.memory_space<hbm>> -> memref<128xi32, #tpu.memory_space<hbm>>
      tpu.enqueue_dma source(%dma_start3A_303 : memref<128xi32, #tpu.memory_space<hbm>>) target(%dma_start3A_302 : memref<128xi32, #tpu.memory_space<vmem>>) target_semaphore(%run_scoped3A_295 : memref<!tpu.dma_semaphore, #tpu.memory_space<semaphore_mem>>)
      %dma_wait3A_304 = arith.constant 0 : i32
      %dma_wait3A_305 = tpu.memref_slice %arg9[%run_scoped3A_7, %dma_wait3A_304] : memref<4x128xi32, #tpu.memory_space<vmem>> -> memref<1x128xi32, #tpu.memory_space<vmem>>
      %dma_wait3A_306 = tpu.memref_squeeze %dma_wait3A_305 : memref<1x128xi32, #tpu.memory_space<vmem>> -> memref<128xi32, #tpu.memory_space<vmem>>
      %dma_wait3A_307 = tpu.memref_slice %arg3[%add3A_6] : memref<16384xi32, #tpu.memory_space<hbm>> -> memref<128xi32, #tpu.memory_space<hbm>>
      %dma_wait3A_308 = arith.constant 0 : i32
      %dma_wait3A_309 = tpu.memref_slice %arg9[%run_scoped3A_7, %dma_wait3A_308] : memref<4x128xi32, #tpu.memory_space<vmem>> -> memref<1x128xi32, #tpu.memory_space<vmem>>
      %dma_wait3A_310 = tpu.memref_squeeze %dma_wait3A_309 : memref<1x128xi32, #tpu.memory_space<vmem>> -> memref<128xi32, #tpu.memory_space<vmem>>
      %dma_wait3A_311 = tpu.memref_slice %arg3[%add3A_6] : memref<16384xi32, #tpu.memory_space<hbm>> -> memref<128xi32, #tpu.memory_space<hbm>>
      tpu.wait_dma2 semaphore(%run_scoped3A_295 : memref<!tpu.dma_semaphore, #tpu.memory_space<semaphore_mem>>) src(%dma_wait3A_311 : memref<128xi32, #tpu.memory_space<hbm>>) dst(%dma_wait3A_310 : memref<128xi32, #tpu.memory_space<vmem>>)
      tpu.yield
    }) : () -> ()
    %add3A_8 = arith.constant 0 : i32
    %add3A_9 = arith.addi %mul3A_2, %add3A_8 : i32
    %run_scoped3A_10 = arith.constant 0 : i32
    "tpu.region"() ({
      %run_scoped3A_295 = tpu.sem_alloc : memref<!tpu.dma_semaphore, #tpu.memory_space<semaphore_mem>>
      %dma_start3A_296 = arith.constant 0 : i32
      %dma_start3A_297 = tpu.memref_slice %arg10[%run_scoped3A_10, %dma_start3A_296] : memref<4x128xi32, #tpu.memory_space<vmem>> -> memref<1x128xi32, #tpu.memory_space<vmem>>
      %dma_start3A_298 = tpu.memref_squeeze %dma_start3A_297 : memref<1x128xi32, #tpu.memory_space<vmem>> -> memref<128xi32, #tpu.memory_space<vmem>>
      %dma_start3A_299 = tpu.memref_slice %arg4[%add3A_9] : memref<16384xi32, #tpu.memory_space<hbm>> -> memref<128xi32, #tpu.memory_space<hbm>>
      %dma_start3A_300 = arith.constant 0 : i32
      %dma_start3A_301 = tpu.memref_slice %arg10[%run_scoped3A_10, %dma_start3A_300] : memref<4x128xi32, #tpu.memory_space<vmem>> -> memref<1x128xi32, #tpu.memory_space<vmem>>
      %dma_start3A_302 = tpu.memref_squeeze %dma_start3A_301 : memref<1x128xi32, #tpu.memory_space<vmem>> -> memref<128xi32, #tpu.memory_space<vmem>>
      %dma_start3A_303 = tpu.memref_slice %arg4[%add3A_9] : memref<16384xi32, #tpu.memory_space<hbm>> -> memref<128xi32, #tpu.memory_space<hbm>>
      tpu.enqueue_dma source(%dma_start3A_303 : memref<128xi32, #tpu.memory_space<hbm>>) target(%dma_start3A_302 : memref<128xi32, #tpu.memory_space<vmem>>) target_semaphore(%run_scoped3A_295 : memref<!tpu.dma_semaphore, #tpu.memory_space<semaphore_mem>>)
      %dma_wait3A_304 = arith.constant 0 : i32
      %dma_wait3A_305 = tpu.memref_slice %arg10[%run_scoped3A_10, %dma_wait3A_304] : memref<4x128xi32, #tpu.memory_space<vmem>> -> memref<1x128xi32, #tpu.memory_space<vmem>>
      %dma_wait3A_306 = tpu.memref_squeeze %dma_wait3A_305 : memref<1x128xi32, #tpu.memory_space<vmem>> -> memref<128xi32, #tpu.memory_space<vmem>>
      %dma_wait3A_307 = tpu.memref_slice %arg4[%add3A_9] : memref<16384xi32, #tpu.memory_space<hbm>> -> memref<128xi32, #tpu.memory_space<hbm>>
      %dma_wait3A_308 = arith.constant 0 : i32
      %dma_wait3A_309 = tpu.memref_slice %arg10[%run_scoped3A_10, %dma_wait3A_308] : memref<4x128xi32, #tpu.memory_space<vmem>> -> memref<1x128xi32, #tpu.memory_space<vmem>>
      %dma_wait3A_310 = tpu.memref_squeeze %dma_wait3A_309 : memref<1x128xi32, #tpu.memory_space<vmem>> -> memref<128xi32, #tpu.memory_space<vmem>>
      %dma_wait3A_311 = tpu.memref_slice %arg4[%add3A_9] : memref<16384xi32, #tpu.memory_space<hbm>> -> memref<128xi32, #tpu.memory_space<hbm>>
      tpu.wait_dma2 semaphore(%run_scoped3A_295 : memref<!tpu.dma_semaphore, #tpu.memory_space<semaphore_mem>>) src(%dma_wait3A_311 : memref<128xi32, #tpu.memory_space<hbm>>) dst(%dma_wait3A_310 : memref<128xi32, #tpu.memory_space<vmem>>)
      tpu.yield
    }) : () -> ()
    %add3A_11 = arith.constant 128 : i32
    %add3A_12 = arith.addi %mul3A_2, %add3A_11 : i32
    %run_scoped3A_13 = arith.constant 1 : i32
    "tpu.region"() ({
      %run_scoped3A_295 = tpu.sem_alloc : memref<!tpu.dma_semaphore, #tpu.memory_space<semaphore_mem>>
      %dma_start3A_296 = arith.constant 0 : i32
      %dma_start3A_297 = tpu.memref_slice %arg8[%run_scoped3A_13, %dma_start3A_296] : memref<4x128xi32, #tpu.memory_space<vmem>> -> memref<1x128xi32, #tpu.memory_space<vmem>>
      %dma_start3A_298 = tpu.memref_squeeze %dma_start3A_297 : memref<1x128xi32, #tpu.memory_space<vmem>> -> memref<128xi32, #tpu.memory_space<vmem>>
      %dma_start3A_299 = tpu.memref_slice %arg2[%add3A_12] : memref<16384xi32, #tpu.memory_space<hbm>> -> memref<128xi32, #tpu.memory_space<hbm>>
      %dma_start3A_300 = arith.constant 0 : i32
      %dma_start3A_301 = tpu.memref_slice %arg8[%run_scoped3A_13, %dma_start3A_300] : memref<4x128xi32, #tpu.memory_space<vmem>> -> memref<1x128xi32, #tpu.memory_space<vmem>>
      %dma_start3A_302 = tpu.memref_squeeze %dma_start3A_301 : memref<1x128xi32, #tpu.memory_space<vmem>> -> memref<128xi32, #tpu.memory_space<vmem>>
      %dma_start3A_303 = tpu.memref_slice %arg2[%add3A_12] : memref<16384xi32, #tpu.memory_space<hbm>> -> memref<128xi32, #tpu.memory_space<hbm>>
      tpu.enqueue_dma source(%dma_start3A_303 : memref<128xi32, #tpu.memory_space<hbm>>) target(%dma_start3A_302 : memref<128xi32, #tpu.memory_space<vmem>>) target_semaphore(%run_scoped3A_295 : memref<!tpu.dma_semaphore, #tpu.memory_space<semaphore_mem>>)
      %dma_wait3A_304 = arith.constant 0 : i32
      %dma_wait3A_305 = tpu.memref_slice %arg8[%run_scoped3A_13, %dma_wait3A_304] : memref<4x128xi32, #tpu.memory_space<vmem>> -> memref<1x128xi32, #tpu.memory_space<vmem>>
      %dma_wait3A_306 = tpu.memref_squeeze %dma_wait3A_305 : memref<1x128xi32, #tpu.memory_space<vmem>> -> memref<128xi32, #tpu.memory_space<vmem>>
      %dma_wait3A_307 = tpu.memref_slice %arg2[%add3A_12] : memref<16384xi32, #tpu.memory_space<hbm>> -> memref<128xi32, #tpu.memory_space<hbm>>
      %dma_wait3A_308 = arith.constant 0 : i32
      %dma_wait3A_309 = tpu.memref_slice %arg8[%run_scoped3A_13, %dma_wait3A_308] : memref<4x128xi32, #tpu.memory_space<vmem>> -> memref<1x128xi32, #tpu.memory_space<vmem>>
      %dma_wait3A_310 = tpu.memref_squeeze %dma_wait3A_309 : memref<1x128xi32, #tpu.memory_space<vmem>> -> memref<128xi32, #tpu.memory_space<vmem>>
      %dma_wait3A_311 = tpu.memref_slice %arg2[%add3A_12] : memref<16384xi32, #tpu.memory_space<hbm>> -> memref<128xi32, #tpu.memory_space<hbm>>
      tpu.wait_dma2 semaphore(%run_scoped3A_295 : memref<!tpu.dma_semaphore, #tpu.memory_space<semaphore_mem>>) src(%dma_wait3A_311 : memref<128xi32, #tpu.memory_space<hbm>>) dst(%dma_wait3A_310 : memref<128xi32, #tpu.memory_space<vmem>>)
      tpu.yield
    }) : () -> ()
    %add3A_14 = arith.constant 128 : i32
    %add3A_15 = arith.addi %mul3A_2, %add3A_14 : i32
    %run_scoped3A_16 = arith.constant 1 : i32
    "tpu.region"() ({
      %run_scoped3A_295 = tpu.sem_alloc : memref<!tpu.dma_semaphore, #tpu.memory_space<semaphore_mem>>
      %dma_start3A_296 = arith.constant 0 : i32
      %dma_start3A_297 = tpu.memref_slice %arg9[%run_scoped3A_16, %dma_start3A_296] : memref<4x128xi32, #tpu.memory_space<vmem>> -> memref<1x128xi32, #tpu.memory_space<vmem>>
      %dma_start3A_298 = tpu.memref_squeeze %dma_start3A_297 : memref<1x128xi32, #tpu.memory_space<vmem>> -> memref<128xi32, #tpu.memory_space<vmem>>
      %dma_start3A_299 = tpu.memref_slice %arg3[%add3A_15] : memref<16384xi32, #tpu.memory_space<hbm>> -> memref<128xi32, #tpu.memory_space<hbm>>
      %dma_start3A_300 = arith.constant 0 : i32
      %dma_start3A_301 = tpu.memref_slice %arg9[%run_scoped3A_16, %dma_start3A_300] : memref<4x128xi32, #tpu.memory_space<vmem>> -> memref<1x128xi32, #tpu.memory_space<vmem>>
      %dma_start3A_302 = tpu.memref_squeeze %dma_start3A_301 : memref<1x128xi32, #tpu.memory_space<vmem>> -> memref<128xi32, #tpu.memory_space<vmem>>
      %dma_start3A_303 = tpu.memref_slice %arg3[%add3A_15] : memref<16384xi32, #tpu.memory_space<hbm>> -> memref<128xi32, #tpu.memory_space<hbm>>
      tpu.enqueue_dma source(%dma_start3A_303 : memref<128xi32, #tpu.memory_space<hbm>>) target(%dma_start3A_302 : memref<128xi32, #tpu.memory_space<vmem>>) target_semaphore(%run_scoped3A_295 : memref<!tpu.dma_semaphore, #tpu.memory_space<semaphore_mem>>)
      %dma_wait3A_304 = arith.constant 0 : i32
      %dma_wait3A_305 = tpu.memref_slice %arg9[%run_scoped3A_16, %dma_wait3A_304] : memref<4x128xi32, #tpu.memory_space<vmem>> -> memref<1x128xi32, #tpu.memory_space<vmem>>
      %dma_wait3A_306 = tpu.memref_squeeze %dma_wait3A_305 : memref<1x128xi32, #tpu.memory_space<vmem>> -> memref<128xi32, #tpu.memory_space<vmem>>
      %dma_wait3A_307 = tpu.memref_slice %arg3[%add3A_15] : memref<16384xi32, #tpu.memory_space<hbm>> -> memref<128xi32, #tpu.memory_space<hbm>>
      %dma_wait3A_308 = arith.constant 0 : i32
      %dma_wait3A_309 = tpu.memref_slice %arg9[%run_scoped3A_16, %dma_wait3A_308] : memref<4x128xi32, #tpu.memory_space<vmem>> -> memref<1x128xi32, #tpu.memory_space<vmem>>
      %dma_wait3A_310 = tpu.memref_squeeze %dma_wait3A_309 : memref<1x128xi32, #tpu.memory_space<vmem>> -> memref<128xi32, #tpu.memory_space<vmem>>
      %dma_wait3A_311 = tpu.memref_slice %arg3[%add3A_15] : memref<16384xi32, #tpu.memory_space<hbm>> -> memref<128xi32, #tpu.memory_space<hbm>>
      tpu.wait_dma2 semaphore(%run_scoped3A_295 : memref<!tpu.dma_semaphore, #tpu.memory_space<semaphore_mem>>) src(%dma_wait3A_311 : memref<128xi32, #tpu.memory_space<hbm>>) dst(%dma_wait3A_310 : memref<128xi32, #tpu.memory_space<vmem>>)
      tpu.yield
    }) : () -> ()
    %add3A_17 = arith.constant 128 : i32
    %add3A_18 = arith.addi %mul3A_2, %add3A_17 : i32
    %run_scoped3A_19 = arith.constant 1 : i32
    "tpu.region"() ({
      %run_scoped3A_295 = tpu.sem_alloc : memref<!tpu.dma_semaphore, #tpu.memory_space<semaphore_mem>>
      %dma_start3A_296 = arith.constant 0 : i32
      %dma_start3A_297 = tpu.memref_slice %arg10[%run_scoped3A_19, %dma_start3A_296] : memref<4x128xi32, #tpu.memory_space<vmem>> -> memref<1x128xi32, #tpu.memory_space<vmem>>
      %dma_start3A_298 = tpu.memref_squeeze %dma_start3A_297 : memref<1x128xi32, #tpu.memory_space<vmem>> -> memref<128xi32, #tpu.memory_space<vmem>>
      %dma_start3A_299 = tpu.memref_slice %arg4[%add3A_18] : memref<16384xi32, #tpu.memory_space<hbm>> -> memref<128xi32, #tpu.memory_space<hbm>>
      %dma_start3A_300 = arith.constant 0 : i32
      %dma_start3A_301 = tpu.memref_slice %arg10[%run_scoped3A_19, %dma_start3A_300] : memref<4x128xi32, #tpu.memory_space<vmem>> -> memref<1x128xi32, #tpu.memory_space<vmem>>
      %dma_start3A_302 = tpu.memref_squeeze %dma_start3A_301 : memref<1x128xi32, #tpu.memory_space<vmem>> -> memref<128xi32, #tpu.memory_space<vmem>>
      %dma_start3A_303 = tpu.memref_slice %arg4[%add3A_18] : memref<16384xi32, #tpu.memory_space<hbm>> -> memref<128xi32, #tpu.memory_space<hbm>>
      tpu.enqueue_dma source(%dma_start3A_303 : memref<128xi32, #tpu.memory_space<hbm>>) target(%dma_start3A_302 : memref<128xi32, #tpu.memory_space<vmem>>) target_semaphore(%run_scoped3A_295 : memref<!tpu.dma_semaphore, #tpu.memory_space<semaphore_mem>>)
      %dma_wait3A_304 = arith.constant 0 : i32
      %dma_wait3A_305 = tpu.memref_slice %arg10[%run_scoped3A_19, %dma_wait3A_304] : memref<4x128xi32, #tpu.memory_space<vmem>> -> memref<1x128xi32, #tpu.memory_space<vmem>>
      %dma_wait3A_306 = tpu.memref_squeeze %dma_wait3A_305 : memref<1x128xi32, #tpu.memory_space<vmem>> -> memref<128xi32, #tpu.memory_space<vmem>>
      %dma_wait3A_307 = tpu.memref_slice %arg4[%add3A_18] : memref<16384xi32, #tpu.memory_space<hbm>> -> memref<128xi32, #tpu.memory_space<hbm>>
      %dma_wait3A_308 = arith.constant 0 : i32
      %dma_wait3A_309 = tpu.memref_slice %arg10[%run_scoped3A_19, %dma_wait3A_308] : memref<4x128xi32, #tpu.memory_space<vmem>> -> memref<1x128xi32, #tpu.memory_space<vmem>>
      %dma_wait3A_310 = tpu.memref_squeeze %dma_wait3A_309 : memref<1x128xi32, #tpu.memory_space<vmem>> -> memref<128xi32, #tpu.memory_space<vmem>>
      %dma_wait3A_311 = tpu.memref_slice %arg4[%add3A_18] : memref<16384xi32, #tpu.memory_space<hbm>> -> memref<128xi32, #tpu.memory_space<hbm>>
      tpu.wait_dma2 semaphore(%run_scoped3A_295 : memref<!tpu.dma_semaphore, #tpu.memory_space<semaphore_mem>>) src(%dma_wait3A_311 : memref<128xi32, #tpu.memory_space<hbm>>) dst(%dma_wait3A_310 : memref<128xi32, #tpu.memory_space<vmem>>)
      tpu.yield
    }) : () -> ()
    %add3A_20 = arith.constant 256 : i32
    %add3A_21 = arith.addi %mul3A_2, %add3A_20 : i32
    %run_scoped3A_22 = arith.constant 2 : i32
    "tpu.region"() ({
      %run_scoped3A_295 = tpu.sem_alloc : memref<!tpu.dma_semaphore, #tpu.memory_space<semaphore_mem>>
      %dma_start3A_296 = arith.constant 0 : i32
      %dma_start3A_297 = tpu.memref_slice %arg8[%run_scoped3A_22, %dma_start3A_296] : memref<4x128xi32, #tpu.memory_space<vmem>> -> memref<1x128xi32, #tpu.memory_space<vmem>>
      %dma_start3A_298 = tpu.memref_squeeze %dma_start3A_297 : memref<1x128xi32, #tpu.memory_space<vmem>> -> memref<128xi32, #tpu.memory_space<vmem>>
      %dma_start3A_299 = tpu.memref_slice %arg2[%add3A_21] : memref<16384xi32, #tpu.memory_space<hbm>> -> memref<128xi32, #tpu.memory_space<hbm>>
      %dma_start3A_300 = arith.constant 0 : i32
      %dma_start3A_301 = tpu.memref_slice %arg8[%run_scoped3A_22, %dma_start3A_300] : memref<4x128xi32, #tpu.memory_space<vmem>> -> memref<1x128xi32, #tpu.memory_space<vmem>>
      %dma_start3A_302 = tpu.memref_squeeze %dma_start3A_301 : memref<1x128xi32, #tpu.memory_space<vmem>> -> memref<128xi32, #tpu.memory_space<vmem>>
      %dma_start3A_303 = tpu.memref_slice %arg2[%add3A_21] : memref<16384xi32, #tpu.memory_space<hbm>> -> memref<128xi32, #tpu.memory_space<hbm>>
      tpu.enqueue_dma source(%dma_start3A_303 : memref<128xi32, #tpu.memory_space<hbm>>) target(%dma_start3A_302 : memref<128xi32, #tpu.memory_space<vmem>>) target_semaphore(%run_scoped3A_295 : memref<!tpu.dma_semaphore, #tpu.memory_space<semaphore_mem>>)
      %dma_wait3A_304 = arith.constant 0 : i32
      %dma_wait3A_305 = tpu.memref_slice %arg8[%run_scoped3A_22, %dma_wait3A_304] : memref<4x128xi32, #tpu.memory_space<vmem>> -> memref<1x128xi32, #tpu.memory_space<vmem>>
      %dma_wait3A_306 = tpu.memref_squeeze %dma_wait3A_305 : memref<1x128xi32, #tpu.memory_space<vmem>> -> memref<128xi32, #tpu.memory_space<vmem>>
      %dma_wait3A_307 = tpu.memref_slice %arg2[%add3A_21] : memref<16384xi32, #tpu.memory_space<hbm>> -> memref<128xi32, #tpu.memory_space<hbm>>
      %dma_wait3A_308 = arith.constant 0 : i32
      %dma_wait3A_309 = tpu.memref_slice %arg8[%run_scoped3A_22, %dma_wait3A_308] : memref<4x128xi32, #tpu.memory_space<vmem>> -> memref<1x128xi32, #tpu.memory_space<vmem>>
      %dma_wait3A_310 = tpu.memref_squeeze %dma_wait3A_309 : memref<1x128xi32, #tpu.memory_space<vmem>> -> memref<128xi32, #tpu.memory_space<vmem>>
      %dma_wait3A_311 = tpu.memref_slice %arg2[%add3A_21] : memref<16384xi32, #tpu.memory_space<hbm>> -> memref<128xi32, #tpu.memory_space<hbm>>
      tpu.wait_dma2 semaphore(%run_scoped3A_295 : memref<!tpu.dma_semaphore, #tpu.memory_space<semaphore_mem>>) src(%dma_wait3A_311 : memref<128xi32, #tpu.memory_space<hbm>>) dst(%dma_wait3A_310 : memref<128xi32, #tpu.memory_space<vmem>>)
      tpu.yield
    }) : () -> ()
    %add3A_23 = arith.constant 256 : i32
    %add3A_24 = arith.addi %mul3A_2, %add3A_23 : i32
    %run_scoped3A_25 = arith.constant 2 : i32
    "tpu.region"() ({
      %run_scoped3A_295 = tpu.sem_alloc : memref<!tpu.dma_semaphore, #tpu.memory_space<semaphore_mem>>
      %dma_start3A_296 = arith.constant 0 : i32
      %dma_start3A_297 = tpu.memref_slice %arg9[%run_scoped3A_25, %dma_start3A_296] : memref<4x128xi32, #tpu.memory_space<vmem>> -> memref<1x128xi32, #tpu.memory_space<vmem>>
      %dma_start3A_298 = tpu.memref_squeeze %dma_start3A_297 : memref<1x128xi32, #tpu.memory_space<vmem>> -> memref<128xi32, #tpu.memory_space<vmem>>
      %dma_start3A_299 = tpu.memref_slice %arg3[%add3A_24] : memref<16384xi32, #tpu.memory_space<hbm>> -> memref<128xi32, #tpu.memory_space<hbm>>
      %dma_start3A_300 = arith.constant 0 : i32
      %dma_start3A_301 = tpu.memref_slice %arg9[%run_scoped3A_25, %dma_start3A_300] : memref<4x128xi32, #tpu.memory_space<vmem>> -> memref<1x128xi32, #tpu.memory_space<vmem>>
      %dma_start3A_302 = tpu.memref_squeeze %dma_start3A_301 : memref<1x128xi32, #tpu.memory_space<vmem>> -> memref<128xi32, #tpu.memory_space<vmem>>
      %dma_start3A_303 = tpu.memref_slice %arg3[%add3A_24] : memref<16384xi32, #tpu.memory_space<hbm>> -> memref<128xi32, #tpu.memory_space<hbm>>
      tpu.enqueue_dma source(%dma_start3A_303 : memref<128xi32, #tpu.memory_space<hbm>>) target(%dma_start3A_302 : memref<128xi32, #tpu.memory_space<vmem>>) target_semaphore(%run_scoped3A_295 : memref<!tpu.dma_semaphore, #tpu.memory_space<semaphore_mem>>)
      %dma_wait3A_304 = arith.constant 0 : i32
      %dma_wait3A_305 = tpu.memref_slice %arg9[%run_scoped3A_25, %dma_wait3A_304] : memref<4x128xi32, #tpu.memory_space<vmem>> -> memref<1x128xi32, #tpu.memory_space<vmem>>
      %dma_wait3A_306 = tpu.memref_squeeze %dma_wait3A_305 : memref<1x128xi32, #tpu.memory_space<vmem>> -> memref<128xi32, #tpu.memory_space<vmem>>
      %dma_wait3A_307 = tpu.memref_slice %arg3[%add3A_24] : memref<16384xi32, #tpu.memory_space<hbm>> -> memref<128xi32, #tpu.memory_space<hbm>>
      %dma_wait3A_308 = arith.constant 0 : i32
      %dma_wait3A_309 = tpu.memref_slice %arg9[%run_scoped3A_25, %dma_wait3A_308] : memref<4x128xi32, #tpu.memory_space<vmem>> -> memref<1x128xi32, #tpu.memory_space<vmem>>
      %dma_wait3A_310 = tpu.memref_squeeze %dma_wait3A_309 : memref<1x128xi32, #tpu.memory_space<vmem>> -> memref<128xi32, #tpu.memory_space<vmem>>
      %dma_wait3A_311 = tpu.memref_slice %arg3[%add3A_24] : memref<16384xi32, #tpu.memory_space<hbm>> -> memref<128xi32, #tpu.memory_space<hbm>>
      tpu.wait_dma2 semaphore(%run_scoped3A_295 : memref<!tpu.dma_semaphore, #tpu.memory_space<semaphore_mem>>) src(%dma_wait3A_311 : memref<128xi32, #tpu.memory_space<hbm>>) dst(%dma_wait3A_310 : memref<128xi32, #tpu.memory_space<vmem>>)
      tpu.yield
    }) : () -> ()
    %add3A_26 = arith.constant 256 : i32
    %add3A_27 = arith.addi %mul3A_2, %add3A_26 : i32
    %run_scoped3A_28 = arith.constant 2 : i32
    "tpu.region"() ({
      %run_scoped3A_295 = tpu.sem_alloc : memref<!tpu.dma_semaphore, #tpu.memory_space<semaphore_mem>>
      %dma_start3A_296 = arith.constant 0 : i32
      %dma_start3A_297 = tpu.memref_slice %arg10[%run_scoped3A_28, %dma_start3A_296] : memref<4x128xi32, #tpu.memory_space<vmem>> -> memref<1x128xi32, #tpu.memory_space<vmem>>
      %dma_start3A_298 = tpu.memref_squeeze %dma_start3A_297 : memref<1x128xi32, #tpu.memory_space<vmem>> -> memref<128xi32, #tpu.memory_space<vmem>>
      %dma_start3A_299 = tpu.memref_slice %arg4[%add3A_27] : memref<16384xi32, #tpu.memory_space<hbm>> -> memref<128xi32, #tpu.memory_space<hbm>>
      %dma_start3A_300 = arith.constant 0 : i32
      %dma_start3A_301 = tpu.memref_slice %arg10[%run_scoped3A_28, %dma_start3A_300] : memref<4x128xi32, #tpu.memory_space<vmem>> -> memref<1x128xi32, #tpu.memory_space<vmem>>
      %dma_start3A_302 = tpu.memref_squeeze %dma_start3A_301 : memref<1x128xi32, #tpu.memory_space<vmem>> -> memref<128xi32, #tpu.memory_space<vmem>>
      %dma_start3A_303 = tpu.memref_slice %arg4[%add3A_27] : memref<16384xi32, #tpu.memory_space<hbm>> -> memref<128xi32, #tpu.memory_space<hbm>>
      tpu.enqueue_dma source(%dma_start3A_303 : memref<128xi32, #tpu.memory_space<hbm>>) target(%dma_start3A_302 : memref<128xi32, #tpu.memory_space<vmem>>) target_semaphore(%run_scoped3A_295 : memref<!tpu.dma_semaphore, #tpu.memory_space<semaphore_mem>>)
      %dma_wait3A_304 = arith.constant 0 : i32
      %dma_wait3A_305 = tpu.memref_slice %arg10[%run_scoped3A_28, %dma_wait3A_304] : memref<4x128xi32, #tpu.memory_space<vmem>> -> memref<1x128xi32, #tpu.memory_space<vmem>>
      %dma_wait3A_306 = tpu.memref_squeeze %dma_wait3A_305 : memref<1x128xi32, #tpu.memory_space<vmem>> -> memref<128xi32, #tpu.memory_space<vmem>>
      %dma_wait3A_307 = tpu.memref_slice %arg4[%add3A_27] : memref<16384xi32, #tpu.memory_space<hbm>> -> memref<128xi32, #tpu.memory_space<hbm>>
      %dma_wait3A_308 = arith.constant 0 : i32
      %dma_wait3A_309 = tpu.memref_slice %arg10[%run_scoped3A_28, %dma_wait3A_308] : memref<4x128xi32, #tpu.memory_space<vmem>> -> memref<1x128xi32, #tpu.memory_space<vmem>>
      %dma_wait3A_310 = tpu.memref_squeeze %dma_wait3A_309 : memref<1x128xi32, #tpu.memory_space<vmem>> -> memref<128xi32, #tpu.memory_space<vmem>>
      %dma_wait3A_311 = tpu.memref_slice %arg4[%add3A_27] : memref<16384xi32, #tpu.memory_space<hbm>> -> memref<128xi32, #tpu.memory_space<hbm>>
      tpu.wait_dma2 semaphore(%run_scoped3A_295 : memref<!tpu.dma_semaphore, #tpu.memory_space<semaphore_mem>>) src(%dma_wait3A_311 : memref<128xi32, #tpu.memory_space<hbm>>) dst(%dma_wait3A_310 : memref<128xi32, #tpu.memory_space<vmem>>)
      tpu.yield
    }) : () -> ()
    %add3A_29 = arith.constant 384 : i32
    %add3A_30 = arith.addi %mul3A_2, %add3A_29 : i32
    %run_scoped3A_31 = arith.constant 3 : i32
    "tpu.region"() ({
      %run_scoped3A_295 = tpu.sem_alloc : memref<!tpu.dma_semaphore, #tpu.memory_space<semaphore_mem>>
      %dma_start3A_296 = arith.constant 0 : i32
      %dma_start3A_297 = tpu.memref_slice %arg8[%run_scoped3A_31, %dma_start3A_296] : memref<4x128xi32, #tpu.memory_space<vmem>> -> memref<1x128xi32, #tpu.memory_space<vmem>>
      %dma_start3A_298 = tpu.memref_squeeze %dma_start3A_297 : memref<1x128xi32, #tpu.memory_space<vmem>> -> memref<128xi32, #tpu.memory_space<vmem>>
      %dma_start3A_299 = tpu.memref_slice %arg2[%add3A_30] : memref<16384xi32, #tpu.memory_space<hbm>> -> memref<128xi32, #tpu.memory_space<hbm>>
      %dma_start3A_300 = arith.constant 0 : i32
      %dma_start3A_301 = tpu.memref_slice %arg8[%run_scoped3A_31, %dma_start3A_300] : memref<4x128xi32, #tpu.memory_space<vmem>> -> memref<1x128xi32, #tpu.memory_space<vmem>>
      %dma_start3A_302 = tpu.memref_squeeze %dma_start3A_301 : memref<1x128xi32, #tpu.memory_space<vmem>> -> memref<128xi32, #tpu.memory_space<vmem>>
      %dma_start3A_303 = tpu.memref_slice %arg2[%add3A_30] : memref<16384xi32, #tpu.memory_space<hbm>> -> memref<128xi32, #tpu.memory_space<hbm>>
      tpu.enqueue_dma source(%dma_start3A_303 : memref<128xi32, #tpu.memory_space<hbm>>) target(%dma_start3A_302 : memref<128xi32, #tpu.memory_space<vmem>>) target_semaphore(%run_scoped3A_295 : memref<!tpu.dma_semaphore, #tpu.memory_space<semaphore_mem>>)
      %dma_wait3A_304 = arith.constant 0 : i32
      %dma_wait3A_305 = tpu.memref_slice %arg8[%run_scoped3A_31, %dma_wait3A_304] : memref<4x128xi32, #tpu.memory_space<vmem>> -> memref<1x128xi32, #tpu.memory_space<vmem>>
      %dma_wait3A_306 = tpu.memref_squeeze %dma_wait3A_305 : memref<1x128xi32, #tpu.memory_space<vmem>> -> memref<128xi32, #tpu.memory_space<vmem>>
      %dma_wait3A_307 = tpu.memref_slice %arg2[%add3A_30] : memref<16384xi32, #tpu.memory_space<hbm>> -> memref<128xi32, #tpu.memory_space<hbm>>
      %dma_wait3A_308 = arith.constant 0 : i32
      %dma_wait3A_309 = tpu.memref_slice %arg8[%run_scoped3A_31, %dma_wait3A_308] : memref<4x128xi32, #tpu.memory_space<vmem>> -> memref<1x128xi32, #tpu.memory_space<vmem>>
      %dma_wait3A_310 = tpu.memref_squeeze %dma_wait3A_309 : memref<1x128xi32, #tpu.memory_space<vmem>> -> memref<128xi32, #tpu.memory_space<vmem>>
      %dma_wait3A_311 = tpu.memref_slice %arg2[%add3A_30] : memref<16384xi32, #tpu.memory_space<hbm>> -> memref<128xi32, #tpu.memory_space<hbm>>
      tpu.wait_dma2 semaphore(%run_scoped3A_295 : memref<!tpu.dma_semaphore, #tpu.memory_space<semaphore_mem>>) src(%dma_wait3A_311 : memref<128xi32, #tpu.memory_space<hbm>>) dst(%dma_wait3A_310 : memref<128xi32, #tpu.memory_space<vmem>>)
      tpu.yield
    }) : () -> ()
    %add3A_32 = arith.constant 384 : i32
    %add3A_33 = arith.addi %mul3A_2, %add3A_32 : i32
    %run_scoped3A_34 = arith.constant 3 : i32
    "tpu.region"() ({
      %run_scoped3A_295 = tpu.sem_alloc : memref<!tpu.dma_semaphore, #tpu.memory_space<semaphore_mem>>
      %dma_start3A_296 = arith.constant 0 : i32
      %dma_start3A_297 = tpu.memref_slice %arg9[%run_scoped3A_34, %dma_start3A_296] : memref<4x128xi32, #tpu.memory_space<vmem>> -> memref<1x128xi32, #tpu.memory_space<vmem>>
      %dma_start3A_298 = tpu.memref_squeeze %dma_start3A_297 : memref<1x128xi32, #tpu.memory_space<vmem>> -> memref<128xi32, #tpu.memory_space<vmem>>
      %dma_start3A_299 = tpu.memref_slice %arg3[%add3A_33] : memref<16384xi32, #tpu.memory_space<hbm>> -> memref<128xi32, #tpu.memory_space<hbm>>
      %dma_start3A_300 = arith.constant 0 : i32
      %dma_start3A_301 = tpu.memref_slice %arg9[%run_scoped3A_34, %dma_start3A_300] : memref<4x128xi32, #tpu.memory_space<vmem>> -> memref<1x128xi32, #tpu.memory_space<vmem>>
      %dma_start3A_302 = tpu.memref_squeeze %dma_start3A_301 : memref<1x128xi32, #tpu.memory_space<vmem>> -> memref<128xi32, #tpu.memory_space<vmem>>
      %dma_start3A_303 = tpu.memref_slice %arg3[%add3A_33] : memref<16384xi32, #tpu.memory_space<hbm>> -> memref<128xi32, #tpu.memory_space<hbm>>
      tpu.enqueue_dma source(%dma_start3A_303 : memref<128xi32, #tpu.memory_space<hbm>>) target(%dma_start3A_302 : memref<128xi32, #tpu.memory_space<vmem>>) target_semaphore(%run_scoped3A_295 : memref<!tpu.dma_semaphore, #tpu.memory_space<semaphore_mem>>)
      %dma_wait3A_304 = arith.constant 0 : i32
      %dma_wait3A_305 = tpu.memref_slice %arg9[%run_scoped3A_34, %dma_wait3A_304] : memref<4x128xi32, #tpu.memory_space<vmem>> -> memref<1x128xi32, #tpu.memory_space<vmem>>
      %dma_wait3A_306 = tpu.memref_squeeze %dma_wait3A_305 : memref<1x128xi32, #tpu.memory_space<vmem>> -> memref<128xi32, #tpu.memory_space<vmem>>
      %dma_wait3A_307 = tpu.memref_slice %arg3[%add3A_33] : memref<16384xi32, #tpu.memory_space<hbm>> -> memref<128xi32, #tpu.memory_space<hbm>>
      %dma_wait3A_308 = arith.constant 0 : i32
      %dma_wait3A_309 = tpu.memref_slice %arg9[%run_scoped3A_34, %dma_wait3A_308] : memref<4x128xi32, #tpu.memory_space<vmem>> -> memref<1x128xi32, #tpu.memory_space<vmem>>
      %dma_wait3A_310 = tpu.memref_squeeze %dma_wait3A_309 : memref<1x128xi32, #tpu.memory_space<vmem>> -> memref<128xi32, #tpu.memory_space<vmem>>
      %dma_wait3A_311 = tpu.memref_slice %arg3[%add3A_33] : memref<16384xi32, #tpu.memory_space<hbm>> -> memref<128xi32, #tpu.memory_space<hbm>>
      tpu.wait_dma2 semaphore(%run_scoped3A_295 : memref<!tpu.dma_semaphore, #tpu.memory_space<semaphore_mem>>) src(%dma_wait3A_311 : memref<128xi32, #tpu.memory_space<hbm>>) dst(%dma_wait3A_310 : memref<128xi32, #tpu.memory_space<vmem>>)
      tpu.yield
    }) : () -> ()
    %add3A_35 = arith.constant 384 : i32
    %add3A_36 = arith.addi %mul3A_2, %add3A_35 : i32
    %run_scoped3A_37 = arith.constant 3 : i32
    "tpu.region"() ({
      %run_scoped3A_295 = tpu.sem_alloc : memref<!tpu.dma_semaphore, #tpu.memory_space<semaphore_mem>>
      %dma_start3A_296 = arith.constant 0 : i32
      %dma_start3A_297 = tpu.memref_slice %arg10[%run_scoped3A_37, %dma_start3A_296] : memref<4x128xi32, #tpu.memory_space<vmem>> -> memref<1x128xi32, #tpu.memory_space<vmem>>
      %dma_start3A_298 = tpu.memref_squeeze %dma_start3A_297 : memref<1x128xi32, #tpu.memory_space<vmem>> -> memref<128xi32, #tpu.memory_space<vmem>>
      %dma_start3A_299 = tpu.memref_slice %arg4[%add3A_36] : memref<16384xi32, #tpu.memory_space<hbm>> -> memref<128xi32, #tpu.memory_space<hbm>>
      %dma_start3A_300 = arith.constant 0 : i32
      %dma_start3A_301 = tpu.memref_slice %arg10[%run_scoped3A_37, %dma_start3A_300] : memref<4x128xi32, #tpu.memory_space<vmem>> -> memref<1x128xi32, #tpu.memory_space<vmem>>
      %dma_start3A_302 = tpu.memref_squeeze %dma_start3A_301 : memref<1x128xi32, #tpu.memory_space<vmem>> -> memref<128xi32, #tpu.memory_space<vmem>>
      %dma_start3A_303 = tpu.memref_slice %arg4[%add3A_36] : memref<16384xi32, #tpu.memory_space<hbm>> -> memref<128xi32, #tpu.memory_space<hbm>>
      tpu.enqueue_dma source(%dma_start3A_303 : memref<128xi32, #tpu.memory_space<hbm>>) target(%dma_start3A_302 : memref<128xi32, #tpu.memory_space<vmem>>) target_semaphore(%run_scoped3A_295 : memref<!tpu.dma_semaphore, #tpu.memory_space<semaphore_mem>>)
      %dma_wait3A_304 = arith.constant 0 : i32
      %dma_wait3A_305 = tpu.memref_slice %arg10[%run_scoped3A_37, %dma_wait3A_304] : memref<4x128xi32, #tpu.memory_space<vmem>> -> memref<1x128xi32, #tpu.memory_space<vmem>>
      %dma_wait3A_306 = tpu.memref_squeeze %dma_wait3A_305 : memref<1x128xi32, #tpu.memory_space<vmem>> -> memref<128xi32, #tpu.memory_space<vmem>>
      %dma_wait3A_307 = tpu.memref_slice %arg4[%add3A_36] : memref<16384xi32, #tpu.memory_space<hbm>> -> memref<128xi32, #tpu.memory_space<hbm>>
      %dma_wait3A_308 = arith.constant 0 : i32
      %dma_wait3A_309 = tpu.memref_slice %arg10[%run_scoped3A_37, %dma_wait3A_308] : memref<4x128xi32, #tpu.memory_space<vmem>> -> memref<1x128xi32, #tpu.memory_space<vmem>>
      %dma_wait3A_310 = tpu.memref_squeeze %dma_wait3A_309 : memref<1x128xi32, #tpu.memory_space<vmem>> -> memref<128xi32, #tpu.memory_space<vmem>>
      %dma_wait3A_311 = tpu.memref_slice %arg4[%add3A_36] : memref<16384xi32, #tpu.memory_space<hbm>> -> memref<128xi32, #tpu.memory_space<hbm>>
      tpu.wait_dma2 semaphore(%run_scoped3A_295 : memref<!tpu.dma_semaphore, #tpu.memory_space<semaphore_mem>>) src(%dma_wait3A_311 : memref<128xi32, #tpu.memory_space<hbm>>) dst(%dma_wait3A_310 : memref<128xi32, #tpu.memory_space<vmem>>)
      tpu.yield
    }) : () -> ()
    %dma_start3A = arith.constant 0 : i32
    %dma_start3A_38 = arith.constant 0 : i32
    %dma_start3A_39 = arith.constant 0 : i32
    %dma_start3A_40 = tpu.memref_slice %arg11[%dma_start3A_38, %dma_start3A_39] : memref<512x32xf32, #tpu.memory_space<vmem>> -> memref<128x32xf32, #tpu.memory_space<vmem>>
    %dma_start3A_41 = arith.constant 0 : i32
    %dma_start3A_42 = tpu.memref_slice %arg8[%dma_start3A, %dma_start3A_41] : memref<4x128xi32, #tpu.memory_space<vmem>> -> memref<1x128xi32, #tpu.memory_space<vmem>>
    %dma_start3A_43 = tpu.memref_squeeze %dma_start3A_42 : memref<1x128xi32, #tpu.memory_space<vmem>> -> memref<128xi32, #tpu.memory_space<vmem>>
    %dma_start3A_44 = arith.constant 0 : i32
    %dma_start3A_45 = arith.constant 0 : i32
    %dma_start3A_46 = tpu.memref_slice %arg5[%dma_start3A_44, %dma_start3A_45] : memref<1000000x32xf32, #tpu.memory_space<hbm>> -> memref<1000000x32xf32, #tpu.memory_space<hbm>>
    tpu.enqueue_indirect_dma source(%dma_start3A_46 : memref<1000000x32xf32, #tpu.memory_space<hbm>>) target(%dma_start3A_40 : memref<128x32xf32, #tpu.memory_space<vmem>>) offsets(%dma_start3A_43 : memref<128xi32, #tpu.memory_space<vmem>>) semaphore(%arg15 : memref<!tpu.dma_semaphore, #tpu.memory_space<semaphore_mem>>)
    %dma_start3A_47 = arith.constant 0 : i32
    %dma_start3A_48 = arith.constant 0 : i32
    %dma_start3A_49 = arith.constant 0 : i32
    %dma_start3A_50 = tpu.memref_slice %arg12[%dma_start3A_48, %dma_start3A_49] : memref<512x32xf32, #tpu.memory_space<vmem>> -> memref<128x32xf32, #tpu.memory_space<vmem>>
    %dma_start3A_51 = arith.constant 0 : i32
    %dma_start3A_52 = tpu.memref_slice %arg9[%dma_start3A_47, %dma_start3A_51] : memref<4x128xi32, #tpu.memory_space<vmem>> -> memref<1x128xi32, #tpu.memory_space<vmem>>
    %dma_start3A_53 = tpu.memref_squeeze %dma_start3A_52 : memref<1x128xi32, #tpu.memory_space<vmem>> -> memref<128xi32, #tpu.memory_space<vmem>>
    %dma_start3A_54 = arith.constant 0 : i32
    %dma_start3A_55 = arith.constant 0 : i32
    %dma_start3A_56 = tpu.memref_slice %arg6[%dma_start3A_54, %dma_start3A_55] : memref<1000000x32xf32, #tpu.memory_space<hbm>> -> memref<1000000x32xf32, #tpu.memory_space<hbm>>
    tpu.enqueue_indirect_dma source(%dma_start3A_56 : memref<1000000x32xf32, #tpu.memory_space<hbm>>) target(%dma_start3A_50 : memref<128x32xf32, #tpu.memory_space<vmem>>) offsets(%dma_start3A_53 : memref<128xi32, #tpu.memory_space<vmem>>) semaphore(%arg15 : memref<!tpu.dma_semaphore, #tpu.memory_space<semaphore_mem>>)
    %dma_start3A_57 = arith.constant 0 : i32
    %dma_start3A_58 = arith.constant 0 : i32
    %dma_start3A_59 = arith.constant 0 : i32
    %dma_start3A_60 = tpu.memref_slice %arg13[%dma_start3A_58, %dma_start3A_59] : memref<512x32xf32, #tpu.memory_space<vmem>> -> memref<128x32xf32, #tpu.memory_space<vmem>>
    %dma_start3A_61 = arith.constant 0 : i32
    %dma_start3A_62 = tpu.memref_slice %arg10[%dma_start3A_57, %dma_start3A_61] : memref<4x128xi32, #tpu.memory_space<vmem>> -> memref<1x128xi32, #tpu.memory_space<vmem>>
    %dma_start3A_63 = tpu.memref_squeeze %dma_start3A_62 : memref<1x128xi32, #tpu.memory_space<vmem>> -> memref<128xi32, #tpu.memory_space<vmem>>
    %dma_start3A_64 = arith.constant 0 : i32
    %dma_start3A_65 = arith.constant 0 : i32
    %dma_start3A_66 = tpu.memref_slice %arg6[%dma_start3A_64, %dma_start3A_65] : memref<1000000x32xf32, #tpu.memory_space<hbm>> -> memref<1000000x32xf32, #tpu.memory_space<hbm>>
    tpu.enqueue_indirect_dma source(%dma_start3A_66 : memref<1000000x32xf32, #tpu.memory_space<hbm>>) target(%dma_start3A_60 : memref<128x32xf32, #tpu.memory_space<vmem>>) offsets(%dma_start3A_63 : memref<128xi32, #tpu.memory_space<vmem>>) semaphore(%arg15 : memref<!tpu.dma_semaphore, #tpu.memory_space<semaphore_mem>>)
    %dma_start3A_67 = arith.constant 1 : i32
    %dma_start3A_68 = arith.constant 128 : i32
    %dma_start3A_69 = arith.constant 0 : i32
    %dma_start3A_70 = tpu.memref_slice %arg11[%dma_start3A_68, %dma_start3A_69] : memref<512x32xf32, #tpu.memory_space<vmem>> -> memref<128x32xf32, #tpu.memory_space<vmem>>
    %dma_start3A_71 = arith.constant 0 : i32
    %dma_start3A_72 = tpu.memref_slice %arg8[%dma_start3A_67, %dma_start3A_71] : memref<4x128xi32, #tpu.memory_space<vmem>> -> memref<1x128xi32, #tpu.memory_space<vmem>>
    %dma_start3A_73 = tpu.memref_squeeze %dma_start3A_72 : memref<1x128xi32, #tpu.memory_space<vmem>> -> memref<128xi32, #tpu.memory_space<vmem>>
    %dma_start3A_74 = arith.constant 0 : i32
    %dma_start3A_75 = arith.constant 0 : i32
    %dma_start3A_76 = tpu.memref_slice %arg5[%dma_start3A_74, %dma_start3A_75] : memref<1000000x32xf32, #tpu.memory_space<hbm>> -> memref<1000000x32xf32, #tpu.memory_space<hbm>>
    tpu.enqueue_indirect_dma source(%dma_start3A_76 : memref<1000000x32xf32, #tpu.memory_space<hbm>>) target(%dma_start3A_70 : memref<128x32xf32, #tpu.memory_space<vmem>>) offsets(%dma_start3A_73 : memref<128xi32, #tpu.memory_space<vmem>>) semaphore(%arg15 : memref<!tpu.dma_semaphore, #tpu.memory_space<semaphore_mem>>)
    %dma_start3A_77 = arith.constant 1 : i32
    %dma_start3A_78 = arith.constant 128 : i32
    %dma_start3A_79 = arith.constant 0 : i32
    %dma_start3A_80 = tpu.memref_slice %arg12[%dma_start3A_78, %dma_start3A_79] : memref<512x32xf32, #tpu.memory_space<vmem>> -> memref<128x32xf32, #tpu.memory_space<vmem>>
    %dma_start3A_81 = arith.constant 0 : i32
    %dma_start3A_82 = tpu.memref_slice %arg9[%dma_start3A_77, %dma_start3A_81] : memref<4x128xi32, #tpu.memory_space<vmem>> -> memref<1x128xi32, #tpu.memory_space<vmem>>
    %dma_start3A_83 = tpu.memref_squeeze %dma_start3A_82 : memref<1x128xi32, #tpu.memory_space<vmem>> -> memref<128xi32, #tpu.memory_space<vmem>>
    %dma_start3A_84 = arith.constant 0 : i32
    %dma_start3A_85 = arith.constant 0 : i32
    %dma_start3A_86 = tpu.memref_slice %arg6[%dma_start3A_84, %dma_start3A_85] : memref<1000000x32xf32, #tpu.memory_space<hbm>> -> memref<1000000x32xf32, #tpu.memory_space<hbm>>
    tpu.enqueue_indirect_dma source(%dma_start3A_86 : memref<1000000x32xf32, #tpu.memory_space<hbm>>) target(%dma_start3A_80 : memref<128x32xf32, #tpu.memory_space<vmem>>) offsets(%dma_start3A_83 : memref<128xi32, #tpu.memory_space<vmem>>) semaphore(%arg15 : memref<!tpu.dma_semaphore, #tpu.memory_space<semaphore_mem>>)
    %dma_start3A_87 = arith.constant 1 : i32
    %dma_start3A_88 = arith.constant 128 : i32
    %dma_start3A_89 = arith.constant 0 : i32
    %dma_start3A_90 = tpu.memref_slice %arg13[%dma_start3A_88, %dma_start3A_89] : memref<512x32xf32, #tpu.memory_space<vmem>> -> memref<128x32xf32, #tpu.memory_space<vmem>>
    %dma_start3A_91 = arith.constant 0 : i32
    %dma_start3A_92 = tpu.memref_slice %arg10[%dma_start3A_87, %dma_start3A_91] : memref<4x128xi32, #tpu.memory_space<vmem>> -> memref<1x128xi32, #tpu.memory_space<vmem>>
    %dma_start3A_93 = tpu.memref_squeeze %dma_start3A_92 : memref<1x128xi32, #tpu.memory_space<vmem>> -> memref<128xi32, #tpu.memory_space<vmem>>
    %dma_start3A_94 = arith.constant 0 : i32
    %dma_start3A_95 = arith.constant 0 : i32
    %dma_start3A_96 = tpu.memref_slice %arg6[%dma_start3A_94, %dma_start3A_95] : memref<1000000x32xf32, #tpu.memory_space<hbm>> -> memref<1000000x32xf32, #tpu.memory_space<hbm>>
    tpu.enqueue_indirect_dma source(%dma_start3A_96 : memref<1000000x32xf32, #tpu.memory_space<hbm>>) target(%dma_start3A_90 : memref<128x32xf32, #tpu.memory_space<vmem>>) offsets(%dma_start3A_93 : memref<128xi32, #tpu.memory_space<vmem>>) semaphore(%arg15 : memref<!tpu.dma_semaphore, #tpu.memory_space<semaphore_mem>>)
    %dma_start3A_97 = arith.constant 2 : i32
    %dma_start3A_98 = arith.constant 256 : i32
    %dma_start3A_99 = arith.constant 0 : i32
    %dma_start3A_100 = tpu.memref_slice %arg11[%dma_start3A_98, %dma_start3A_99] : memref<512x32xf32, #tpu.memory_space<vmem>> -> memref<128x32xf32, #tpu.memory_space<vmem>>
    %dma_start3A_101 = arith.constant 0 : i32
    %dma_start3A_102 = tpu.memref_slice %arg8[%dma_start3A_97, %dma_start3A_101] : memref<4x128xi32, #tpu.memory_space<vmem>> -> memref<1x128xi32, #tpu.memory_space<vmem>>
    %dma_start3A_103 = tpu.memref_squeeze %dma_start3A_102 : memref<1x128xi32, #tpu.memory_space<vmem>> -> memref<128xi32, #tpu.memory_space<vmem>>
    %dma_start3A_104 = arith.constant 0 : i32
    %dma_start3A_105 = arith.constant 0 : i32
    %dma_start3A_106 = tpu.memref_slice %arg5[%dma_start3A_104, %dma_start3A_105] : memref<1000000x32xf32, #tpu.memory_space<hbm>> -> memref<1000000x32xf32, #tpu.memory_space<hbm>>
    tpu.enqueue_indirect_dma source(%dma_start3A_106 : memref<1000000x32xf32, #tpu.memory_space<hbm>>) target(%dma_start3A_100 : memref<128x32xf32, #tpu.memory_space<vmem>>) offsets(%dma_start3A_103 : memref<128xi32, #tpu.memory_space<vmem>>) semaphore(%arg15 : memref<!tpu.dma_semaphore, #tpu.memory_space<semaphore_mem>>)
    %dma_start3A_107 = arith.constant 2 : i32
    %dma_start3A_108 = arith.constant 256 : i32
    %dma_start3A_109 = arith.constant 0 : i32
    %dma_start3A_110 = tpu.memref_slice %arg12[%dma_start3A_108, %dma_start3A_109] : memref<512x32xf32, #tpu.memory_space<vmem>> -> memref<128x32xf32, #tpu.memory_space<vmem>>
    %dma_start3A_111 = arith.constant 0 : i32
    %dma_start3A_112 = tpu.memref_slice %arg9[%dma_start3A_107, %dma_start3A_111] : memref<4x128xi32, #tpu.memory_space<vmem>> -> memref<1x128xi32, #tpu.memory_space<vmem>>
    %dma_start3A_113 = tpu.memref_squeeze %dma_start3A_112 : memref<1x128xi32, #tpu.memory_space<vmem>> -> memref<128xi32, #tpu.memory_space<vmem>>
    %dma_start3A_114 = arith.constant 0 : i32
    %dma_start3A_115 = arith.constant 0 : i32
    %dma_start3A_116 = tpu.memref_slice %arg6[%dma_start3A_114, %dma_start3A_115] : memref<1000000x32xf32, #tpu.memory_space<hbm>> -> memref<1000000x32xf32, #tpu.memory_space<hbm>>
    tpu.enqueue_indirect_dma source(%dma_start3A_116 : memref<1000000x32xf32, #tpu.memory_space<hbm>>) target(%dma_start3A_110 : memref<128x32xf32, #tpu.memory_space<vmem>>) offsets(%dma_start3A_113 : memref<128xi32, #tpu.memory_space<vmem>>) semaphore(%arg15 : memref<!tpu.dma_semaphore, #tpu.memory_space<semaphore_mem>>)
    %dma_start3A_117 = arith.constant 2 : i32
    %dma_start3A_118 = arith.constant 256 : i32
    %dma_start3A_119 = arith.constant 0 : i32
    %dma_start3A_120 = tpu.memref_slice %arg13[%dma_start3A_118, %dma_start3A_119] : memref<512x32xf32, #tpu.memory_space<vmem>> -> memref<128x32xf32, #tpu.memory_space<vmem>>
    %dma_start3A_121 = arith.constant 0 : i32
    %dma_start3A_122 = tpu.memref_slice %arg10[%dma_start3A_117, %dma_start3A_121] : memref<4x128xi32, #tpu.memory_space<vmem>> -> memref<1x128xi32, #tpu.memory_space<vmem>>
    %dma_start3A_123 = tpu.memref_squeeze %dma_start3A_122 : memref<1x128xi32, #tpu.memory_space<vmem>> -> memref<128xi32, #tpu.memory_space<vmem>>
    %dma_start3A_124 = arith.constant 0 : i32
    %dma_start3A_125 = arith.constant 0 : i32
    %dma_start3A_126 = tpu.memref_slice %arg6[%dma_start3A_124, %dma_start3A_125] : memref<1000000x32xf32, #tpu.memory_space<hbm>> -> memref<1000000x32xf32, #tpu.memory_space<hbm>>
    tpu.enqueue_indirect_dma source(%dma_start3A_126 : memref<1000000x32xf32, #tpu.memory_space<hbm>>) target(%dma_start3A_120 : memref<128x32xf32, #tpu.memory_space<vmem>>) offsets(%dma_start3A_123 : memref<128xi32, #tpu.memory_space<vmem>>) semaphore(%arg15 : memref<!tpu.dma_semaphore, #tpu.memory_space<semaphore_mem>>)
    %dma_start3A_127 = arith.constant 3 : i32
    %dma_start3A_128 = arith.constant 384 : i32
    %dma_start3A_129 = arith.constant 0 : i32
    %dma_start3A_130 = tpu.memref_slice %arg11[%dma_start3A_128, %dma_start3A_129] : memref<512x32xf32, #tpu.memory_space<vmem>> -> memref<128x32xf32, #tpu.memory_space<vmem>>
    %dma_start3A_131 = arith.constant 0 : i32
    %dma_start3A_132 = tpu.memref_slice %arg8[%dma_start3A_127, %dma_start3A_131] : memref<4x128xi32, #tpu.memory_space<vmem>> -> memref<1x128xi32, #tpu.memory_space<vmem>>
    %dma_start3A_133 = tpu.memref_squeeze %dma_start3A_132 : memref<1x128xi32, #tpu.memory_space<vmem>> -> memref<128xi32, #tpu.memory_space<vmem>>
    %dma_start3A_134 = arith.constant 0 : i32
    %dma_start3A_135 = arith.constant 0 : i32
    %dma_start3A_136 = tpu.memref_slice %arg5[%dma_start3A_134, %dma_start3A_135] : memref<1000000x32xf32, #tpu.memory_space<hbm>> -> memref<1000000x32xf32, #tpu.memory_space<hbm>>
    tpu.enqueue_indirect_dma source(%dma_start3A_136 : memref<1000000x32xf32, #tpu.memory_space<hbm>>) target(%dma_start3A_130 : memref<128x32xf32, #tpu.memory_space<vmem>>) offsets(%dma_start3A_133 : memref<128xi32, #tpu.memory_space<vmem>>) semaphore(%arg15 : memref<!tpu.dma_semaphore, #tpu.memory_space<semaphore_mem>>)
    %dma_start3A_137 = arith.constant 3 : i32
    %dma_start3A_138 = arith.constant 384 : i32
    %dma_start3A_139 = arith.constant 0 : i32
    %dma_start3A_140 = tpu.memref_slice %arg12[%dma_start3A_138, %dma_start3A_139] : memref<512x32xf32, #tpu.memory_space<vmem>> -> memref<128x32xf32, #tpu.memory_space<vmem>>
    %dma_start3A_141 = arith.constant 0 : i32
    %dma_start3A_142 = tpu.memref_slice %arg9[%dma_start3A_137, %dma_start3A_141] : memref<4x128xi32, #tpu.memory_space<vmem>> -> memref<1x128xi32, #tpu.memory_space<vmem>>
    %dma_start3A_143 = tpu.memref_squeeze %dma_start3A_142 : memref<1x128xi32, #tpu.memory_space<vmem>> -> memref<128xi32, #tpu.memory_space<vmem>>
    %dma_start3A_144 = arith.constant 0 : i32
    %dma_start3A_145 = arith.constant 0 : i32
    %dma_start3A_146 = tpu.memref_slice %arg6[%dma_start3A_144, %dma_start3A_145] : memref<1000000x32xf32, #tpu.memory_space<hbm>> -> memref<1000000x32xf32, #tpu.memory_space<hbm>>
    tpu.enqueue_indirect_dma source(%dma_start3A_146 : memref<1000000x32xf32, #tpu.memory_space<hbm>>) target(%dma_start3A_140 : memref<128x32xf32, #tpu.memory_space<vmem>>) offsets(%dma_start3A_143 : memref<128xi32, #tpu.memory_space<vmem>>) semaphore(%arg15 : memref<!tpu.dma_semaphore, #tpu.memory_space<semaphore_mem>>)
    %dma_start3A_147 = arith.constant 3 : i32
    %dma_start3A_148 = arith.constant 384 : i32
    %dma_start3A_149 = arith.constant 0 : i32
    %dma_start3A_150 = tpu.memref_slice %arg13[%dma_start3A_148, %dma_start3A_149] : memref<512x32xf32, #tpu.memory_space<vmem>> -> memref<128x32xf32, #tpu.memory_space<vmem>>
    %dma_start3A_151 = arith.constant 0 : i32
    %dma_start3A_152 = tpu.memref_slice %arg10[%dma_start3A_147, %dma_start3A_151] : memref<4x128xi32, #tpu.memory_space<vmem>> -> memref<1x128xi32, #tpu.memory_space<vmem>>
    %dma_start3A_153 = tpu.memref_squeeze %dma_start3A_152 : memref<1x128xi32, #tpu.memory_space<vmem>> -> memref<128xi32, #tpu.memory_space<vmem>>
    %dma_start3A_154 = arith.constant 0 : i32
    %dma_start3A_155 = arith.constant 0 : i32
    %dma_start3A_156 = tpu.memref_slice %arg6[%dma_start3A_154, %dma_start3A_155] : memref<1000000x32xf32, #tpu.memory_space<hbm>> -> memref<1000000x32xf32, #tpu.memory_space<hbm>>
    tpu.enqueue_indirect_dma source(%dma_start3A_156 : memref<1000000x32xf32, #tpu.memory_space<hbm>>) target(%dma_start3A_150 : memref<128x32xf32, #tpu.memory_space<vmem>>) offsets(%dma_start3A_153 : memref<128xi32, #tpu.memory_space<vmem>>) semaphore(%arg15 : memref<!tpu.dma_semaphore, #tpu.memory_space<semaphore_mem>>)
    %dma_wait3A = arith.constant 0 : i32
    %dma_wait3A_157 = arith.constant 0 : i32
    %dma_wait3A_158 = arith.constant 0 : i32
    %dma_wait3A_159 = tpu.memref_slice %arg11[%dma_wait3A_157, %dma_wait3A_158] : memref<512x32xf32, #tpu.memory_space<vmem>> -> memref<128x32xf32, #tpu.memory_space<vmem>>
    %dma_wait3A_160 = arith.constant 0 : i32
    %dma_wait3A_161 = tpu.memref_slice %arg8[%dma_wait3A, %dma_wait3A_160] : memref<4x128xi32, #tpu.memory_space<vmem>> -> memref<1x128xi32, #tpu.memory_space<vmem>>
    %dma_wait3A_162 = tpu.memref_squeeze %dma_wait3A_161 : memref<1x128xi32, #tpu.memory_space<vmem>> -> memref<128xi32, #tpu.memory_space<vmem>>
    %dma_wait3A_163 = arith.constant 0 : i32
    %dma_wait3A_164 = arith.constant 0 : i32
    %dma_wait3A_165 = tpu.memref_slice %arg5[%dma_wait3A_163, %dma_wait3A_164] : memref<1000000x32xf32, #tpu.memory_space<hbm>> -> memref<1000000x32xf32, #tpu.memory_space<hbm>>
    tpu.wait_indirect_dma semaphore(%arg15 : memref<!tpu.dma_semaphore, #tpu.memory_space<semaphore_mem>>) src(%dma_wait3A_165 : memref<1000000x32xf32, #tpu.memory_space<hbm>>) dst(%dma_wait3A_159 : memref<128x32xf32, #tpu.memory_space<vmem>>)
    %dma_wait3A_166 = arith.constant 0 : i32
    %dma_wait3A_167 = arith.constant 0 : i32
    %dma_wait3A_168 = arith.constant 0 : i32
    %dma_wait3A_169 = tpu.memref_slice %arg12[%dma_wait3A_167, %dma_wait3A_168] : memref<512x32xf32, #tpu.memory_space<vmem>> -> memref<128x32xf32, #tpu.memory_space<vmem>>
    %dma_wait3A_170 = arith.constant 0 : i32
    %dma_wait3A_171 = tpu.memref_slice %arg9[%dma_wait3A_166, %dma_wait3A_170] : memref<4x128xi32, #tpu.memory_space<vmem>> -> memref<1x128xi32, #tpu.memory_space<vmem>>
    %dma_wait3A_172 = tpu.memref_squeeze %dma_wait3A_171 : memref<1x128xi32, #tpu.memory_space<vmem>> -> memref<128xi32, #tpu.memory_space<vmem>>
    %dma_wait3A_173 = arith.constant 0 : i32
    %dma_wait3A_174 = arith.constant 0 : i32
    %dma_wait3A_175 = tpu.memref_slice %arg6[%dma_wait3A_173, %dma_wait3A_174] : memref<1000000x32xf32, #tpu.memory_space<hbm>> -> memref<1000000x32xf32, #tpu.memory_space<hbm>>
    tpu.wait_indirect_dma semaphore(%arg15 : memref<!tpu.dma_semaphore, #tpu.memory_space<semaphore_mem>>) src(%dma_wait3A_175 : memref<1000000x32xf32, #tpu.memory_space<hbm>>) dst(%dma_wait3A_169 : memref<128x32xf32, #tpu.memory_space<vmem>>)
    %dma_wait3A_176 = arith.constant 0 : i32
    %dma_wait3A_177 = arith.constant 0 : i32
    %dma_wait3A_178 = arith.constant 0 : i32
    %dma_wait3A_179 = tpu.memref_slice %arg13[%dma_wait3A_177, %dma_wait3A_178] : memref<512x32xf32, #tpu.memory_space<vmem>> -> memref<128x32xf32, #tpu.memory_space<vmem>>
    %dma_wait3A_180 = arith.constant 0 : i32
    %dma_wait3A_181 = tpu.memref_slice %arg10[%dma_wait3A_176, %dma_wait3A_180] : memref<4x128xi32, #tpu.memory_space<vmem>> -> memref<1x128xi32, #tpu.memory_space<vmem>>
    %dma_wait3A_182 = tpu.memref_squeeze %dma_wait3A_181 : memref<1x128xi32, #tpu.memory_space<vmem>> -> memref<128xi32, #tpu.memory_space<vmem>>
    %dma_wait3A_183 = arith.constant 0 : i32
    %dma_wait3A_184 = arith.constant 0 : i32
    %dma_wait3A_185 = tpu.memref_slice %arg6[%dma_wait3A_183, %dma_wait3A_184] : memref<1000000x32xf32, #tpu.memory_space<hbm>> -> memref<1000000x32xf32, #tpu.memory_space<hbm>>
    tpu.wait_indirect_dma semaphore(%arg15 : memref<!tpu.dma_semaphore, #tpu.memory_space<semaphore_mem>>) src(%dma_wait3A_185 : memref<1000000x32xf32, #tpu.memory_space<hbm>>) dst(%dma_wait3A_179 : memref<128x32xf32, #tpu.memory_space<vmem>>)
    %dma_wait3A_186 = arith.constant 1 : i32
    %dma_wait3A_187 = arith.constant 128 : i32
    %dma_wait3A_188 = arith.constant 0 : i32
    %dma_wait3A_189 = tpu.memref_slice %arg11[%dma_wait3A_187, %dma_wait3A_188] : memref<512x32xf32, #tpu.memory_space<vmem>> -> memref<128x32xf32, #tpu.memory_space<vmem>>
    %dma_wait3A_190 = arith.constant 0 : i32
    %dma_wait3A_191 = tpu.memref_slice %arg8[%dma_wait3A_186, %dma_wait3A_190] : memref<4x128xi32, #tpu.memory_space<vmem>> -> memref<1x128xi32, #tpu.memory_space<vmem>>
    %dma_wait3A_192 = tpu.memref_squeeze %dma_wait3A_191 : memref<1x128xi32, #tpu.memory_space<vmem>> -> memref<128xi32, #tpu.memory_space<vmem>>
    %dma_wait3A_193 = arith.constant 0 : i32
    %dma_wait3A_194 = arith.constant 0 : i32
    %dma_wait3A_195 = tpu.memref_slice %arg5[%dma_wait3A_193, %dma_wait3A_194] : memref<1000000x32xf32, #tpu.memory_space<hbm>> -> memref<1000000x32xf32, #tpu.memory_space<hbm>>
    tpu.wait_indirect_dma semaphore(%arg15 : memref<!tpu.dma_semaphore, #tpu.memory_space<semaphore_mem>>) src(%dma_wait3A_195 : memref<1000000x32xf32, #tpu.memory_space<hbm>>) dst(%dma_wait3A_189 : memref<128x32xf32, #tpu.memory_space<vmem>>)
    %dma_wait3A_196 = arith.constant 1 : i32
    %dma_wait3A_197 = arith.constant 128 : i32
    %dma_wait3A_198 = arith.constant 0 : i32
    %dma_wait3A_199 = tpu.memref_slice %arg12[%dma_wait3A_197, %dma_wait3A_198] : memref<512x32xf32, #tpu.memory_space<vmem>> -> memref<128x32xf32, #tpu.memory_space<vmem>>
    %dma_wait3A_200 = arith.constant 0 : i32
    %dma_wait3A_201 = tpu.memref_slice %arg9[%dma_wait3A_196, %dma_wait3A_200] : memref<4x128xi32, #tpu.memory_space<vmem>> -> memref<1x128xi32, #tpu.memory_space<vmem>>
    %dma_wait3A_202 = tpu.memref_squeeze %dma_wait3A_201 : memref<1x128xi32, #tpu.memory_space<vmem>> -> memref<128xi32, #tpu.memory_space<vmem>>
    %dma_wait3A_203 = arith.constant 0 : i32
    %dma_wait3A_204 = arith.constant 0 : i32
    %dma_wait3A_205 = tpu.memref_slice %arg6[%dma_wait3A_203, %dma_wait3A_204] : memref<1000000x32xf32, #tpu.memory_space<hbm>> -> memref<1000000x32xf32, #tpu.memory_space<hbm>>
    tpu.wait_indirect_dma semaphore(%arg15 : memref<!tpu.dma_semaphore, #tpu.memory_space<semaphore_mem>>) src(%dma_wait3A_205 : memref<1000000x32xf32, #tpu.memory_space<hbm>>) dst(%dma_wait3A_199 : memref<128x32xf32, #tpu.memory_space<vmem>>)
    %dma_wait3A_206 = arith.constant 1 : i32
    %dma_wait3A_207 = arith.constant 128 : i32
    %dma_wait3A_208 = arith.constant 0 : i32
    %dma_wait3A_209 = tpu.memref_slice %arg13[%dma_wait3A_207, %dma_wait3A_208] : memref<512x32xf32, #tpu.memory_space<vmem>> -> memref<128x32xf32, #tpu.memory_space<vmem>>
    %dma_wait3A_210 = arith.constant 0 : i32
    %dma_wait3A_211 = tpu.memref_slice %arg10[%dma_wait3A_206, %dma_wait3A_210] : memref<4x128xi32, #tpu.memory_space<vmem>> -> memref<1x128xi32, #tpu.memory_space<vmem>>
    %dma_wait3A_212 = tpu.memref_squeeze %dma_wait3A_211 : memref<1x128xi32, #tpu.memory_space<vmem>> -> memref<128xi32, #tpu.memory_space<vmem>>
    %dma_wait3A_213 = arith.constant 0 : i32
    %dma_wait3A_214 = arith.constant 0 : i32
    %dma_wait3A_215 = tpu.memref_slice %arg6[%dma_wait3A_213, %dma_wait3A_214] : memref<1000000x32xf32, #tpu.memory_space<hbm>> -> memref<1000000x32xf32, #tpu.memory_space<hbm>>
    tpu.wait_indirect_dma semaphore(%arg15 : memref<!tpu.dma_semaphore, #tpu.memory_space<semaphore_mem>>) src(%dma_wait3A_215 : memref<1000000x32xf32, #tpu.memory_space<hbm>>) dst(%dma_wait3A_209 : memref<128x32xf32, #tpu.memory_space<vmem>>)
    %dma_wait3A_216 = arith.constant 2 : i32
    %dma_wait3A_217 = arith.constant 256 : i32
    %dma_wait3A_218 = arith.constant 0 : i32
    %dma_wait3A_219 = tpu.memref_slice %arg11[%dma_wait3A_217, %dma_wait3A_218] : memref<512x32xf32, #tpu.memory_space<vmem>> -> memref<128x32xf32, #tpu.memory_space<vmem>>
    %dma_wait3A_220 = arith.constant 0 : i32
    %dma_wait3A_221 = tpu.memref_slice %arg8[%dma_wait3A_216, %dma_wait3A_220] : memref<4x128xi32, #tpu.memory_space<vmem>> -> memref<1x128xi32, #tpu.memory_space<vmem>>
    %dma_wait3A_222 = tpu.memref_squeeze %dma_wait3A_221 : memref<1x128xi32, #tpu.memory_space<vmem>> -> memref<128xi32, #tpu.memory_space<vmem>>
    %dma_wait3A_223 = arith.constant 0 : i32
    %dma_wait3A_224 = arith.constant 0 : i32
    %dma_wait3A_225 = tpu.memref_slice %arg5[%dma_wait3A_223, %dma_wait3A_224] : memref<1000000x32xf32, #tpu.memory_space<hbm>> -> memref<1000000x32xf32, #tpu.memory_space<hbm>>
    tpu.wait_indirect_dma semaphore(%arg15 : memref<!tpu.dma_semaphore, #tpu.memory_space<semaphore_mem>>) src(%dma_wait3A_225 : memref<1000000x32xf32, #tpu.memory_space<hbm>>) dst(%dma_wait3A_219 : memref<128x32xf32, #tpu.memory_space<vmem>>)
    %dma_wait3A_226 = arith.constant 2 : i32
    %dma_wait3A_227 = arith.constant 256 : i32
    %dma_wait3A_228 = arith.constant 0 : i32
    %dma_wait3A_229 = tpu.memref_slice %arg12[%dma_wait3A_227, %dma_wait3A_228] : memref<512x32xf32, #tpu.memory_space<vmem>> -> memref<128x32xf32, #tpu.memory_space<vmem>>
    %dma_wait3A_230 = arith.constant 0 : i32
    %dma_wait3A_231 = tpu.memref_slice %arg9[%dma_wait3A_226, %dma_wait3A_230] : memref<4x128xi32, #tpu.memory_space<vmem>> -> memref<1x128xi32, #tpu.memory_space<vmem>>
    %dma_wait3A_232 = tpu.memref_squeeze %dma_wait3A_231 : memref<1x128xi32, #tpu.memory_space<vmem>> -> memref<128xi32, #tpu.memory_space<vmem>>
    %dma_wait3A_233 = arith.constant 0 : i32
    %dma_wait3A_234 = arith.constant 0 : i32
    %dma_wait3A_235 = tpu.memref_slice %arg6[%dma_wait3A_233, %dma_wait3A_234] : memref<1000000x32xf32, #tpu.memory_space<hbm>> -> memref<1000000x32xf32, #tpu.memory_space<hbm>>
    tpu.wait_indirect_dma semaphore(%arg15 : memref<!tpu.dma_semaphore, #tpu.memory_space<semaphore_mem>>) src(%dma_wait3A_235 : memref<1000000x32xf32, #tpu.memory_space<hbm>>) dst(%dma_wait3A_229 : memref<128x32xf32, #tpu.memory_space<vmem>>)
    %dma_wait3A_236 = arith.constant 2 : i32
    %dma_wait3A_237 = arith.constant 256 : i32
    %dma_wait3A_238 = arith.constant 0 : i32
    %dma_wait3A_239 = tpu.memref_slice %arg13[%dma_wait3A_237, %dma_wait3A_238] : memref<512x32xf32, #tpu.memory_space<vmem>> -> memref<128x32xf32, #tpu.memory_space<vmem>>
    %dma_wait3A_240 = arith.constant 0 : i32
    %dma_wait3A_241 = tpu.memref_slice %arg10[%dma_wait3A_236, %dma_wait3A_240] : memref<4x128xi32, #tpu.memory_space<vmem>> -> memref<1x128xi32, #tpu.memory_space<vmem>>
    %dma_wait3A_242 = tpu.memref_squeeze %dma_wait3A_241 : memref<1x128xi32, #tpu.memory_space<vmem>> -> memref<128xi32, #tpu.memory_space<vmem>>
    %dma_wait3A_243 = arith.constant 0 : i32
    %dma_wait3A_244 = arith.constant 0 : i32
    %dma_wait3A_245 = tpu.memref_slice %arg6[%dma_wait3A_243, %dma_wait3A_244] : memref<1000000x32xf32, #tpu.memory_space<hbm>> -> memref<1000000x32xf32, #tpu.memory_space<hbm>>
    tpu.wait_indirect_dma semaphore(%arg15 : memref<!tpu.dma_semaphore, #tpu.memory_space<semaphore_mem>>) src(%dma_wait3A_245 : memref<1000000x32xf32, #tpu.memory_space<hbm>>) dst(%dma_wait3A_239 : memref<128x32xf32, #tpu.memory_space<vmem>>)
    %dma_wait3A_246 = arith.constant 3 : i32
    %dma_wait3A_247 = arith.constant 384 : i32
    %dma_wait3A_248 = arith.constant 0 : i32
    %dma_wait3A_249 = tpu.memref_slice %arg11[%dma_wait3A_247, %dma_wait3A_248] : memref<512x32xf32, #tpu.memory_space<vmem>> -> memref<128x32xf32, #tpu.memory_space<vmem>>
    %dma_wait3A_250 = arith.constant 0 : i32
    %dma_wait3A_251 = tpu.memref_slice %arg8[%dma_wait3A_246, %dma_wait3A_250] : memref<4x128xi32, #tpu.memory_space<vmem>> -> memref<1x128xi32, #tpu.memory_space<vmem>>
    %dma_wait3A_252 = tpu.memref_squeeze %dma_wait3A_251 : memref<1x128xi32, #tpu.memory_space<vmem>> -> memref<128xi32, #tpu.memory_space<vmem>>
    %dma_wait3A_253 = arith.constant 0 : i32
    %dma_wait3A_254 = arith.constant 0 : i32
    %dma_wait3A_255 = tpu.memref_slice %arg5[%dma_wait3A_253, %dma_wait3A_254] : memref<1000000x32xf32, #tpu.memory_space<hbm>> -> memref<1000000x32xf32, #tpu.memory_space<hbm>>
    tpu.wait_indirect_dma semaphore(%arg15 : memref<!tpu.dma_semaphore, #tpu.memory_space<semaphore_mem>>) src(%dma_wait3A_255 : memref<1000000x32xf32, #tpu.memory_space<hbm>>) dst(%dma_wait3A_249 : memref<128x32xf32, #tpu.memory_space<vmem>>)
    %dma_wait3A_256 = arith.constant 3 : i32
    %dma_wait3A_257 = arith.constant 384 : i32
    %dma_wait3A_258 = arith.constant 0 : i32
    %dma_wait3A_259 = tpu.memref_slice %arg12[%dma_wait3A_257, %dma_wait3A_258] : memref<512x32xf32, #tpu.memory_space<vmem>> -> memref<128x32xf32, #tpu.memory_space<vmem>>
    %dma_wait3A_260 = arith.constant 0 : i32
    %dma_wait3A_261 = tpu.memref_slice %arg9[%dma_wait3A_256, %dma_wait3A_260] : memref<4x128xi32, #tpu.memory_space<vmem>> -> memref<1x128xi32, #tpu.memory_space<vmem>>
    %dma_wait3A_262 = tpu.memref_squeeze %dma_wait3A_261 : memref<1x128xi32, #tpu.memory_space<vmem>> -> memref<128xi32, #tpu.memory_space<vmem>>
    %dma_wait3A_263 = arith.constant 0 : i32
    %dma_wait3A_264 = arith.constant 0 : i32
    %dma_wait3A_265 = tpu.memref_slice %arg6[%dma_wait3A_263, %dma_wait3A_264] : memref<1000000x32xf32, #tpu.memory_space<hbm>> -> memref<1000000x32xf32, #tpu.memory_space<hbm>>
    tpu.wait_indirect_dma semaphore(%arg15 : memref<!tpu.dma_semaphore, #tpu.memory_space<semaphore_mem>>) src(%dma_wait3A_265 : memref<1000000x32xf32, #tpu.memory_space<hbm>>) dst(%dma_wait3A_259 : memref<128x32xf32, #tpu.memory_space<vmem>>)
    %dma_wait3A_266 = arith.constant 3 : i32
    %dma_wait3A_267 = arith.constant 384 : i32
    %dma_wait3A_268 = arith.constant 0 : i32
    %dma_wait3A_269 = tpu.memref_slice %arg13[%dma_wait3A_267, %dma_wait3A_268] : memref<512x32xf32, #tpu.memory_space<vmem>> -> memref<128x32xf32, #tpu.memory_space<vmem>>
    %dma_wait3A_270 = arith.constant 0 : i32
    %dma_wait3A_271 = tpu.memref_slice %arg10[%dma_wait3A_266, %dma_wait3A_270] : memref<4x128xi32, #tpu.memory_space<vmem>> -> memref<1x128xi32, #tpu.memory_space<vmem>>
    %dma_wait3A_272 = tpu.memref_squeeze %dma_wait3A_271 : memref<1x128xi32, #tpu.memory_space<vmem>> -> memref<128xi32, #tpu.memory_space<vmem>>
    %dma_wait3A_273 = arith.constant 0 : i32
    %dma_wait3A_274 = arith.constant 0 : i32
    %dma_wait3A_275 = tpu.memref_slice %arg6[%dma_wait3A_273, %dma_wait3A_274] : memref<1000000x32xf32, #tpu.memory_space<hbm>> -> memref<1000000x32xf32, #tpu.memory_space<hbm>>
    tpu.wait_indirect_dma semaphore(%arg15 : memref<!tpu.dma_semaphore, #tpu.memory_space<semaphore_mem>>) src(%dma_wait3A_275 : memref<1000000x32xf32, #tpu.memory_space<hbm>>) dst(%dma_wait3A_269 : memref<128x32xf32, #tpu.memory_space<vmem>>)
    %iota3A = tpu.iota {dimensions = array<i32: 0>} : vector<16xi32>
    %broadcast_in_dim3A = arith.constant 0.000000e+00 : f32
    %broadcast_in_dim3A_276 = vector.broadcast %broadcast_in_dim3A : f32 to vector<16xf32>
    %scan3A = arith.constant 0 : i32
    %scan3A_277 = arith.constant 32 : i32
    %scan3A_278 = arith.addi %scan3A, %scan3A_277 : i32
    %scan3A_279 = arith.constant 1 : i32
    %scan3A_280:4 = scf.for %scan3A_295 = %scan3A to %scan3A_278 step %scan3A_279 iter_args(%scan3A_296 = %broadcast_in_dim3A_276, %scan3A_297 = %broadcast_in_dim3A_276, %scan3A_298 = %broadcast_in_dim3A_276, %scan3A_299 = %broadcast_in_dim3A_276) -> (vector<16xf32>, vector<16xf32>, vector<16xf32>, vector<16xf32>)  : i32 {
      %mul3A_300 = arith.constant 16 : i32
      %mul3A_301 = arith.muli %scan3A_295, %mul3A_300 : i32
      %add3A_302 = vector.broadcast %mul3A_301 : i32 to vector<16xi32>
      %add3A_303 = arith.addi %add3A_302, %iota3A : vector<16xi32>
      %broadcast_in_dim3A_304 = arith.constant 0 : i32
      %broadcast_in_dim3A_305 = vector.broadcast %broadcast_in_dim3A_304 : i32 to vector<16xi32>
      %gather3A = tpu.vector_load_idx %arg11[%add3A_303, %broadcast_in_dim3A_305] : memref<512x32xf32, #tpu.memory_space<vmem>>[vector<16xi32>, vector<16xi32>], vector<16xf32>,
      %gather3A_306 = tpu.vector_load_idx %arg12[%add3A_303, %broadcast_in_dim3A_305] : memref<512x32xf32, #tpu.memory_space<vmem>>[vector<16xi32>, vector<16xi32>], vector<16xf32>,
      %gather3A_307 = tpu.vector_load_idx %arg13[%add3A_303, %broadcast_in_dim3A_305] : memref<512x32xf32, #tpu.memory_space<vmem>>[vector<16xi32>, vector<16xi32>], vector<16xf32>,
      %mul3A_308 = arith.mulf %gather3A, %gather3A_306 : vector<16xf32>
      %add3A_309 = arith.addf %broadcast_in_dim3A_276, %mul3A_308 : vector<16xf32>
      %mul3A_310 = arith.mulf %gather3A, %gather3A_307 : vector<16xf32>
      %add3A_311 = arith.addf %broadcast_in_dim3A_276, %mul3A_310 : vector<16xf32>
      %mul3A_312 = arith.mulf %gather3A, %gather3A : vector<16xf32>
      %add3A_313 = arith.addf %scan3A_296, %mul3A_312 : vector<16xf32>
      %mul3A_314 = arith.mulf %gather3A_306, %gather3A_306 : vector<16xf32>
      %add3A_315 = arith.addf %scan3A_297, %mul3A_314 : vector<16xf32>
      %mul3A_316 = arith.mulf %gather3A_307, %gather3A_307 : vector<16xf32>
      %add3A_317 = arith.addf %scan3A_298, %mul3A_316 : vector<16xf32>
      %broadcast_in_dim3A_318 = arith.constant 1 : i32
      %broadcast_in_dim3A_319 = vector.broadcast %broadcast_in_dim3A_318 : i32 to vector<16xi32>
      %gather3A_320 = tpu.vector_load_idx %arg11[%add3A_303, %broadcast_in_dim3A_319] : memref<512x32xf32, #tpu.memory_space<vmem>>[vector<16xi32>, vector<16xi32>], vector<16xf32>,
      %gather3A_321 = tpu.vector_load_idx %arg12[%add3A_303, %broadcast_in_dim3A_319] : memref<512x32xf32, #tpu.memory_space<vmem>>[vector<16xi32>, vector<16xi32>], vector<16xf32>,
      %gather3A_322 = tpu.vector_load_idx %arg13[%add3A_303, %broadcast_in_dim3A_319] : memref<512x32xf32, #tpu.memory_space<vmem>>[vector<16xi32>, vector<16xi32>], vector<16xf32>,
      %mul3A_323 = arith.mulf %gather3A_320, %gather3A_321 : vector<16xf32>
      %add3A_324 = arith.addf %add3A_309, %mul3A_323 : vector<16xf32>
      %mul3A_325 = arith.mulf %gather3A_320, %gather3A_322 : vector<16xf32>
      %add3A_326 = arith.addf %add3A_311, %mul3A_325 : vector<16xf32>
      %mul3A_327 = arith.mulf %gather3A_320, %gather3A_320 : vector<16xf32>
      %add3A_328 = arith.addf %add3A_313, %mul3A_327 : vector<16xf32>
      %mul3A_329 = arith.mulf %gather3A_321, %gather3A_321 : vector<16xf32>
      %add3A_330 = arith.addf %add3A_315, %mul3A_329 : vector<16xf32>
      %mul3A_331 = arith.mulf %gather3A_322, %gather3A_322 : vector<16xf32>
      %add3A_332 = arith.addf %add3A_317, %mul3A_331 : vector<16xf32>
      %broadcast_in_dim3A_333 = arith.constant 2 : i32
      %broadcast_in_dim3A_334 = vector.broadcast %broadcast_in_dim3A_333 : i32 to vector<16xi32>
      %gather3A_335 = tpu.vector_load_idx %arg11[%add3A_303, %broadcast_in_dim3A_334] : memref<512x32xf32, #tpu.memory_space<vmem>>[vector<16xi32>, vector<16xi32>], vector<16xf32>,
      %gather3A_336 = tpu.vector_load_idx %arg12[%add3A_303, %broadcast_in_dim3A_334] : memref<512x32xf32, #tpu.memory_space<vmem>>[vector<16xi32>, vector<16xi32>], vector<16xf32>,
      %gather3A_337 = tpu.vector_load_idx %arg13[%add3A_303, %broadcast_in_dim3A_334] : memref<512x32xf32, #tpu.memory_space<vmem>>[vector<16xi32>, vector<16xi32>], vector<16xf32>,
      %mul3A_338 = arith.mulf %gather3A_335, %gather3A_336 : vector<16xf32>
      %add3A_339 = arith.addf %add3A_324, %mul3A_338 : vector<16xf32>
      %mul3A_340 = arith.mulf %gather3A_335, %gather3A_337 : vector<16xf32>
      %add3A_341 = arith.addf %add3A_326, %mul3A_340 : vector<16xf32>
      %mul3A_342 = arith.mulf %gather3A_335, %gather3A_335 : vector<16xf32>
      %add3A_343 = arith.addf %add3A_328, %mul3A_342 : vector<16xf32>
      %mul3A_344 = arith.mulf %gather3A_336, %gather3A_336 : vector<16xf32>
      %add3A_345 = arith.addf %add3A_330, %mul3A_344 : vector<16xf32>
      %mul3A_346 = arith.mulf %gather3A_337, %gather3A_337 : vector<16xf32>
      %add3A_347 = arith.addf %add3A_332, %mul3A_346 : vector<16xf32>
      %broadcast_in_dim3A_348 = arith.constant 3 : i32
      %broadcast_in_dim3A_349 = vector.broadcast %broadcast_in_dim3A_348 : i32 to vector<16xi32>
      %gather3A_350 = tpu.vector_load_idx %arg11[%add3A_303, %broadcast_in_dim3A_349] : memref<512x32xf32, #tpu.memory_space<vmem>>[vector<16xi32>, vector<16xi32>], vector<16xf32>,
      %gather3A_351 = tpu.vector_load_idx %arg12[%add3A_303, %broadcast_in_dim3A_349] : memref<512x32xf32, #tpu.memory_space<vmem>>[vector<16xi32>, vector<16xi32>], vector<16xf32>,
      %gather3A_352 = tpu.vector_load_idx %arg13[%add3A_303, %broadcast_in_dim3A_349] : memref<512x32xf32, #tpu.memory_space<vmem>>[vector<16xi32>, vector<16xi32>], vector<16xf32>,
      %mul3A_353 = arith.mulf %gather3A_350, %gather3A_351 : vector<16xf32>
      %add3A_354 = arith.addf %add3A_339, %mul3A_353 : vector<16xf32>
      %mul3A_355 = arith.mulf %gather3A_350, %gather3A_352 : vector<16xf32>
      %add3A_356 = arith.addf %add3A_341, %mul3A_355 : vector<16xf32>
      %mul3A_357 = arith.mulf %gather3A_350, %gather3A_350 : vector<16xf32>
      %add3A_358 = arith.addf %add3A_343, %mul3A_357 : vector<16xf32>
      %mul3A_359 = arith.mulf %gather3A_351, %gather3A_351 : vector<16xf32>
      %add3A_360 = arith.addf %add3A_345, %mul3A_359 : vector<16xf32>
      %mul3A_361 = arith.mulf %gather3A_352, %gather3A_352 : vector<16xf32>
      %add3A_362 = arith.addf %add3A_347, %mul3A_361 : vector<16xf32>
      %broadcast_in_dim3A_363 = arith.constant 4 : i32
      %broadcast_in_dim3A_364 = vector.broadcast %broadcast_in_dim3A_363 : i32 to vector<16xi32>
      %gather3A_365 = tpu.vector_load_idx %arg11[%add3A_303, %broadcast_in_dim3A_364] : memref<512x32xf32, #tpu.memory_space<vmem>>[vector<16xi32>, vector<16xi32>], vector<16xf32>,
      %gather3A_366 = tpu.vector_load_idx %arg12[%add3A_303, %broadcast_in_dim3A_364] : memref<512x32xf32, #tpu.memory_space<vmem>>[vector<16xi32>, vector<16xi32>], vector<16xf32>,
      %gather3A_367 = tpu.vector_load_idx %arg13[%add3A_303, %broadcast_in_dim3A_364] : memref<512x32xf32, #tpu.memory_space<vmem>>[vector<16xi32>, vector<16xi32>], vector<16xf32>,
      %mul3A_368 = arith.mulf %gather3A_365, %gather3A_366 : vector<16xf32>
      %add3A_369 = arith.addf %add3A_354, %mul3A_368 : vector<16xf32>
      %mul3A_370 = arith.mulf %gather3A_365, %gather3A_367 : vector<16xf32>
      %add3A_371 = arith.addf %add3A_356, %mul3A_370 : vector<16xf32>
      %mul3A_372 = arith.mulf %gather3A_365, %gather3A_365 : vector<16xf32>
      %add3A_373 = arith.addf %add3A_358, %mul3A_372 : vector<16xf32>
      %mul3A_374 = arith.mulf %gather3A_366, %gather3A_366 : vector<16xf32>
      %add3A_375 = arith.addf %add3A_360, %mul3A_374 : vector<16xf32>
      %mul3A_376 = arith.mulf %gather3A_367, %gather3A_367 : vector<16xf32>
      %add3A_377 = arith.addf %add3A_362, %mul3A_376 : vector<16xf32>
      %broadcast_in_dim3A_378 = arith.constant 5 : i32
      %broadcast_in_dim3A_379 = vector.broadcast %broadcast_in_dim3A_378 : i32 to vector<16xi32>
      %gather3A_380 = tpu.vector_load_idx %arg11[%add3A_303, %broadcast_in_dim3A_379] : memref<512x32xf32, #tpu.memory_space<vmem>>[vector<16xi32>, vector<16xi32>], vector<16xf32>,
      %gather3A_381 = tpu.vector_load_idx %arg12[%add3A_303, %broadcast_in_dim3A_379] : memref<512x32xf32, #tpu.memory_space<vmem>>[vector<16xi32>, vector<16xi32>], vector<16xf32>,
      %gather3A_382 = tpu.vector_load_idx %arg13[%add3A_303, %broadcast_in_dim3A_379] : memref<512x32xf32, #tpu.memory_space<vmem>>[vector<16xi32>, vector<16xi32>], vector<16xf32>,
      %mul3A_383 = arith.mulf %gather3A_380, %gather3A_381 : vector<16xf32>
      %add3A_384 = arith.addf %add3A_369, %mul3A_383 : vector<16xf32>
      %mul3A_385 = arith.mulf %gather3A_380, %gather3A_382 : vector<16xf32>
      %add3A_386 = arith.addf %add3A_371, %mul3A_385 : vector<16xf32>
      %mul3A_387 = arith.mulf %gather3A_380, %gather3A_380 : vector<16xf32>
      %add3A_388 = arith.addf %add3A_373, %mul3A_387 : vector<16xf32>
      %mul3A_389 = arith.mulf %gather3A_381, %gather3A_381 : vector<16xf32>
      %add3A_390 = arith.addf %add3A_375, %mul3A_389 : vector<16xf32>
      %mul3A_391 = arith.mulf %gather3A_382, %gather3A_382 : vector<16xf32>
      %add3A_392 = arith.addf %add3A_377, %mul3A_391 : vector<16xf32>
      %broadcast_in_dim3A_393 = arith.constant 6 : i32
      %broadcast_in_dim3A_394 = vector.broadcast %broadcast_in_dim3A_393 : i32 to vector<16xi32>
      %gather3A_395 = tpu.vector_load_idx %arg11[%add3A_303, %broadcast_in_dim3A_394] : memref<512x32xf32, #tpu.memory_space<vmem>>[vector<16xi32>, vector<16xi32>], vector<16xf32>,
      %gather3A_396 = tpu.vector_load_idx %arg12[%add3A_303, %broadcast_in_dim3A_394] : memref<512x32xf32, #tpu.memory_space<vmem>>[vector<16xi32>, vector<16xi32>], vector<16xf32>,
      %gather3A_397 = tpu.vector_load_idx %arg13[%add3A_303, %broadcast_in_dim3A_394] : memref<512x32xf32, #tpu.memory_space<vmem>>[vector<16xi32>, vector<16xi32>], vector<16xf32>,
      %mul3A_398 = arith.mulf %gather3A_395, %gather3A_396 : vector<16xf32>
      %add3A_399 = arith.addf %add3A_384, %mul3A_398 : vector<16xf32>
      %mul3A_400 = arith.mulf %gather3A_395, %gather3A_397 : vector<16xf32>
      %add3A_401 = arith.addf %add3A_386, %mul3A_400 : vector<16xf32>
      %mul3A_402 = arith.mulf %gather3A_395, %gather3A_395 : vector<16xf32>
      %add3A_403 = arith.addf %add3A_388, %mul3A_402 : vector<16xf32>
      %mul3A_404 = arith.mulf %gather3A_396, %gather3A_396 : vector<16xf32>
      %add3A_405 = arith.addf %add3A_390, %mul3A_404 : vector<16xf32>
      %mul3A_406 = arith.mulf %gather3A_397, %gather3A_397 : vector<16xf32>
      %add3A_407 = arith.addf %add3A_392, %mul3A_406 : vector<16xf32>
      %broadcast_in_dim3A_408 = arith.constant 7 : i32
      %broadcast_in_dim3A_409 = vector.broadcast %broadcast_in_dim3A_408 : i32 to vector<16xi32>
      %gather3A_410 = tpu.vector_load_idx %arg11[%add3A_303, %broadcast_in_dim3A_409] : memref<512x32xf32, #tpu.memory_space<vmem>>[vector<16xi32>, vector<16xi32>], vector<16xf32>,
      %gather3A_411 = tpu.vector_load_idx %arg12[%add3A_303, %broadcast_in_dim3A_409] : memref<512x32xf32, #tpu.memory_space<vmem>>[vector<16xi32>, vector<16xi32>], vector<16xf32>,
      %gather3A_412 = tpu.vector_load_idx %arg13[%add3A_303, %broadcast_in_dim3A_409] : memref<512x32xf32, #tpu.memory_space<vmem>>[vector<16xi32>, vector<16xi32>], vector<16xf32>,
      %mul3A_413 = arith.mulf %gather3A_410, %gather3A_411 : vector<16xf32>
      %add3A_414 = arith.addf %add3A_399, %mul3A_413 : vector<16xf32>
      %mul3A_415 = arith.mulf %gather3A_410, %gather3A_412 : vector<16xf32>
      %add3A_416 = arith.addf %add3A_401, %mul3A_415 : vector<16xf32>
      %mul3A_417 = arith.mulf %gather3A_410, %gather3A_410 : vector<16xf32>
      %add3A_418 = arith.addf %add3A_403, %mul3A_417 : vector<16xf32>
      %mul3A_419 = arith.mulf %gather3A_411, %gather3A_411 : vector<16xf32>
      %add3A_420 = arith.addf %add3A_405, %mul3A_419 : vector<16xf32>
      %mul3A_421 = arith.mulf %gather3A_412, %gather3A_412 : vector<16xf32>
      %add3A_422 = arith.addf %add3A_407, %mul3A_421 : vector<16xf32>
      %broadcast_in_dim3A_423 = arith.constant 8 : i32
      %broadcast_in_dim3A_424 = vector.broadcast %broadcast_in_dim3A_423 : i32 to vector<16xi32>
      %gather3A_425 = tpu.vector_load_idx %arg11[%add3A_303, %broadcast_in_dim3A_424] : memref<512x32xf32, #tpu.memory_space<vmem>>[vector<16xi32>, vector<16xi32>], vector<16xf32>,
      %gather3A_426 = tpu.vector_load_idx %arg12[%add3A_303, %broadcast_in_dim3A_424] : memref<512x32xf32, #tpu.memory_space<vmem>>[vector<16xi32>, vector<16xi32>], vector<16xf32>,
      %gather3A_427 = tpu.vector_load_idx %arg13[%add3A_303, %broadcast_in_dim3A_424] : memref<512x32xf32, #tpu.memory_space<vmem>>[vector<16xi32>, vector<16xi32>], vector<16xf32>,
      %mul3A_428 = arith.mulf %gather3A_425, %gather3A_426 : vector<16xf32>
      %add3A_429 = arith.addf %add3A_414, %mul3A_428 : vector<16xf32>
      %mul3A_430 = arith.mulf %gather3A_425, %gather3A_427 : vector<16xf32>
      %add3A_431 = arith.addf %add3A_416, %mul3A_430 : vector<16xf32>
      %mul3A_432 = arith.mulf %gather3A_425, %gather3A_425 : vector<16xf32>
      %add3A_433 = arith.addf %add3A_418, %mul3A_432 : vector<16xf32>
      %mul3A_434 = arith.mulf %gather3A_426, %gather3A_426 : vector<16xf32>
      %add3A_435 = arith.addf %add3A_420, %mul3A_434 : vector<16xf32>
      %mul3A_436 = arith.mulf %gather3A_427, %gather3A_427 : vector<16xf32>
      %add3A_437 = arith.addf %add3A_422, %mul3A_436 : vector<16xf32>
      %broadcast_in_dim3A_438 = arith.constant 9 : i32
      %broadcast_in_dim3A_439 = vector.broadcast %broadcast_in_dim3A_438 : i32 to vector<16xi32>
      %gather3A_440 = tpu.vector_load_idx %arg11[%add3A_303, %broadcast_in_dim3A_439] : memref<512x32xf32, #tpu.memory_space<vmem>>[vector<16xi32>, vector<16xi32>], vector<16xf32>,
      %gather3A_441 = tpu.vector_load_idx %arg12[%add3A_303, %broadcast_in_dim3A_439] : memref<512x32xf32, #tpu.memory_space<vmem>>[vector<16xi32>, vector<16xi32>], vector<16xf32>,
      %gather3A_442 = tpu.vector_load_idx %arg13[%add3A_303, %broadcast_in_dim3A_439] : memref<512x32xf32, #tpu.memory_space<vmem>>[vector<16xi32>, vector<16xi32>], vector<16xf32>,
      %mul3A_443 = arith.mulf %gather3A_440, %gather3A_441 : vector<16xf32>
      %add3A_444 = arith.addf %add3A_429, %mul3A_443 : vector<16xf32>
      %mul3A_445 = arith.mulf %gather3A_440, %gather3A_442 : vector<16xf32>
      %add3A_446 = arith.addf %add3A_431, %mul3A_445 : vector<16xf32>
      %mul3A_447 = arith.mulf %gather3A_440, %gather3A_440 : vector<16xf32>
      %add3A_448 = arith.addf %add3A_433, %mul3A_447 : vector<16xf32>
      %mul3A_449 = arith.mulf %gather3A_441, %gather3A_441 : vector<16xf32>
      %add3A_450 = arith.addf %add3A_435, %mul3A_449 : vector<16xf32>
      %mul3A_451 = arith.mulf %gather3A_442, %gather3A_442 : vector<16xf32>
      %add3A_452 = arith.addf %add3A_437, %mul3A_451 : vector<16xf32>
      %broadcast_in_dim3A_453 = arith.constant 10 : i32
      %broadcast_in_dim3A_454 = vector.broadcast %broadcast_in_dim3A_453 : i32 to vector<16xi32>
      %gather3A_455 = tpu.vector_load_idx %arg11[%add3A_303, %broadcast_in_dim3A_454] : memref<512x32xf32, #tpu.memory_space<vmem>>[vector<16xi32>, vector<16xi32>], vector<16xf32>,
      %gather3A_456 = tpu.vector_load_idx %arg12[%add3A_303, %broadcast_in_dim3A_454] : memref<512x32xf32, #tpu.memory_space<vmem>>[vector<16xi32>, vector<16xi32>], vector<16xf32>,
      %gather3A_457 = tpu.vector_load_idx %arg13[%add3A_303, %broadcast_in_dim3A_454] : memref<512x32xf32, #tpu.memory_space<vmem>>[vector<16xi32>, vector<16xi32>], vector<16xf32>,
      %mul3A_458 = arith.mulf %gather3A_455, %gather3A_456 : vector<16xf32>
      %add3A_459 = arith.addf %add3A_444, %mul3A_458 : vector<16xf32>
      %mul3A_460 = arith.mulf %gather3A_455, %gather3A_457 : vector<16xf32>
      %add3A_461 = arith.addf %add3A_446, %mul3A_460 : vector<16xf32>
      %mul3A_462 = arith.mulf %gather3A_455, %gather3A_455 : vector<16xf32>
      %add3A_463 = arith.addf %add3A_448, %mul3A_462 : vector<16xf32>
      %mul3A_464 = arith.mulf %gather3A_456, %gather3A_456 : vector<16xf32>
      %add3A_465 = arith.addf %add3A_450, %mul3A_464 : vector<16xf32>
      %mul3A_466 = arith.mulf %gather3A_457, %gather3A_457 : vector<16xf32>
      %add3A_467 = arith.addf %add3A_452, %mul3A_466 : vector<16xf32>
      %broadcast_in_dim3A_468 = arith.constant 11 : i32
      %broadcast_in_dim3A_469 = vector.broadcast %broadcast_in_dim3A_468 : i32 to vector<16xi32>
      %gather3A_470 = tpu.vector_load_idx %arg11[%add3A_303, %broadcast_in_dim3A_469] : memref<512x32xf32, #tpu.memory_space<vmem>>[vector<16xi32>, vector<16xi32>], vector<16xf32>,
      %gather3A_471 = tpu.vector_load_idx %arg12[%add3A_303, %broadcast_in_dim3A_469] : memref<512x32xf32, #tpu.memory_space<vmem>>[vector<16xi32>, vector<16xi32>], vector<16xf32>,
      %gather3A_472 = tpu.vector_load_idx %arg13[%add3A_303, %broadcast_in_dim3A_469] : memref<512x32xf32, #tpu.memory_space<vmem>>[vector<16xi32>, vector<16xi32>], vector<16xf32>,
      %mul3A_473 = arith.mulf %gather3A_470, %gather3A_471 : vector<16xf32>
      %add3A_474 = arith.addf %add3A_459, %mul3A_473 : vector<16xf32>
      %mul3A_475 = arith.mulf %gather3A_470, %gather3A_472 : vector<16xf32>
      %add3A_476 = arith.addf %add3A_461, %mul3A_475 : vector<16xf32>
      %mul3A_477 = arith.mulf %gather3A_470, %gather3A_470 : vector<16xf32>
      %add3A_478 = arith.addf %add3A_463, %mul3A_477 : vector<16xf32>
      %mul3A_479 = arith.mulf %gather3A_471, %gather3A_471 : vector<16xf32>
      %add3A_480 = arith.addf %add3A_465, %mul3A_479 : vector<16xf32>
      %mul3A_481 = arith.mulf %gather3A_472, %gather3A_472 : vector<16xf32>
      %add3A_482 = arith.addf %add3A_467, %mul3A_481 : vector<16xf32>
      %broadcast_in_dim3A_483 = arith.constant 12 : i32
      %broadcast_in_dim3A_484 = vector.broadcast %broadcast_in_dim3A_483 : i32 to vector<16xi32>
      %gather3A_485 = tpu.vector_load_idx %arg11[%add3A_303, %broadcast_in_dim3A_484] : memref<512x32xf32, #tpu.memory_space<vmem>>[vector<16xi32>, vector<16xi32>], vector<16xf32>,
      %gather3A_486 = tpu.vector_load_idx %arg12[%add3A_303, %broadcast_in_dim3A_484] : memref<512x32xf32, #tpu.memory_space<vmem>>[vector<16xi32>, vector<16xi32>], vector<16xf32>,
      %gather3A_487 = tpu.vector_load_idx %arg13[%add3A_303, %broadcast_in_dim3A_484] : memref<512x32xf32, #tpu.memory_space<vmem>>[vector<16xi32>, vector<16xi32>], vector<16xf32>,
      %mul3A_488 = arith.mulf %gather3A_485, %gather3A_486 : vector<16xf32>
      %add3A_489 = arith.addf %add3A_474, %mul3A_488 : vector<16xf32>
      %mul3A_490 = arith.mulf %gather3A_485, %gather3A_487 : vector<16xf32>
      %add3A_491 = arith.addf %add3A_476, %mul3A_490 : vector<16xf32>
      %mul3A_492 = arith.mulf %gather3A_485, %gather3A_485 : vector<16xf32>
      %add3A_493 = arith.addf %add3A_478, %mul3A_492 : vector<16xf32>
      %mul3A_494 = arith.mulf %gather3A_486, %gather3A_486 : vector<16xf32>
      %add3A_495 = arith.addf %add3A_480, %mul3A_494 : vector<16xf32>
      %mul3A_496 = arith.mulf %gather3A_487, %gather3A_487 : vector<16xf32>
      %add3A_497 = arith.addf %add3A_482, %mul3A_496 : vector<16xf32>
      %broadcast_in_dim3A_498 = arith.constant 13 : i32
      %broadcast_in_dim3A_499 = vector.broadcast %broadcast_in_dim3A_498 : i32 to vector<16xi32>
      %gather3A_500 = tpu.vector_load_idx %arg11[%add3A_303, %broadcast_in_dim3A_499] : memref<512x32xf32, #tpu.memory_space<vmem>>[vector<16xi32>, vector<16xi32>], vector<16xf32>,
      %gather3A_501 = tpu.vector_load_idx %arg12[%add3A_303, %broadcast_in_dim3A_499] : memref<512x32xf32, #tpu.memory_space<vmem>>[vector<16xi32>, vector<16xi32>], vector<16xf32>,
      %gather3A_502 = tpu.vector_load_idx %arg13[%add3A_303, %broadcast_in_dim3A_499] : memref<512x32xf32, #tpu.memory_space<vmem>>[vector<16xi32>, vector<16xi32>], vector<16xf32>,
      %mul3A_503 = arith.mulf %gather3A_500, %gather3A_501 : vector<16xf32>
      %add3A_504 = arith.addf %add3A_489, %mul3A_503 : vector<16xf32>
      %mul3A_505 = arith.mulf %gather3A_500, %gather3A_502 : vector<16xf32>
      %add3A_506 = arith.addf %add3A_491, %mul3A_505 : vector<16xf32>
      %mul3A_507 = arith.mulf %gather3A_500, %gather3A_500 : vector<16xf32>
      %add3A_508 = arith.addf %add3A_493, %mul3A_507 : vector<16xf32>
      %mul3A_509 = arith.mulf %gather3A_501, %gather3A_501 : vector<16xf32>
      %add3A_510 = arith.addf %add3A_495, %mul3A_509 : vector<16xf32>
      %mul3A_511 = arith.mulf %gather3A_502, %gather3A_502 : vector<16xf32>
      %add3A_512 = arith.addf %add3A_497, %mul3A_511 : vector<16xf32>
      %broadcast_in_dim3A_513 = arith.constant 14 : i32
      %broadcast_in_dim3A_514 = vector.broadcast %broadcast_in_dim3A_513 : i32 to vector<16xi32>
      %gather3A_515 = tpu.vector_load_idx %arg11[%add3A_303, %broadcast_in_dim3A_514] : memref<512x32xf32, #tpu.memory_space<vmem>>[vector<16xi32>, vector<16xi32>], vector<16xf32>,
      %gather3A_516 = tpu.vector_load_idx %arg12[%add3A_303, %broadcast_in_dim3A_514] : memref<512x32xf32, #tpu.memory_space<vmem>>[vector<16xi32>, vector<16xi32>], vector<16xf32>,
      %gather3A_517 = tpu.vector_load_idx %arg13[%add3A_303, %broadcast_in_dim3A_514] : memref<512x32xf32, #tpu.memory_space<vmem>>[vector<16xi32>, vector<16xi32>], vector<16xf32>,
      %mul3A_518 = arith.mulf %gather3A_515, %gather3A_516 : vector<16xf32>
      %add3A_519 = arith.addf %add3A_504, %mul3A_518 : vector<16xf32>
      %mul3A_520 = arith.mulf %gather3A_515, %gather3A_517 : vector<16xf32>
      %add3A_521 = arith.addf %add3A_506, %mul3A_520 : vector<16xf32>
      %mul3A_522 = arith.mulf %gather3A_515, %gather3A_515 : vector<16xf32>
      %add3A_523 = arith.addf %add3A_508, %mul3A_522 : vector<16xf32>
      %mul3A_524 = arith.mulf %gather3A_516, %gather3A_516 : vector<16xf32>
      %add3A_525 = arith.addf %add3A_510, %mul3A_524 : vector<16xf32>
      %mul3A_526 = arith.mulf %gather3A_517, %gather3A_517 : vector<16xf32>
      %add3A_527 = arith.addf %add3A_512, %mul3A_526 : vector<16xf32>
      %broadcast_in_dim3A_528 = arith.constant 15 : i32
      %broadcast_in_dim3A_529 = vector.broadcast %broadcast_in_dim3A_528 : i32 to vector<16xi32>
      %gather3A_530 = tpu.vector_load_idx %arg11[%add3A_303, %broadcast_in_dim3A_529] : memref<512x32xf32, #tpu.memory_space<vmem>>[vector<16xi32>, vector<16xi32>], vector<16xf32>,
      %gather3A_531 = tpu.vector_load_idx %arg12[%add3A_303, %broadcast_in_dim3A_529] : memref<512x32xf32, #tpu.memory_space<vmem>>[vector<16xi32>, vector<16xi32>], vector<16xf32>,
      %gather3A_532 = tpu.vector_load_idx %arg13[%add3A_303, %broadcast_in_dim3A_529] : memref<512x32xf32, #tpu.memory_space<vmem>>[vector<16xi32>, vector<16xi32>], vector<16xf32>,
      %mul3A_533 = arith.mulf %gather3A_530, %gather3A_531 : vector<16xf32>
      %add3A_534 = arith.addf %add3A_519, %mul3A_533 : vector<16xf32>
      %mul3A_535 = arith.mulf %gather3A_530, %gather3A_532 : vector<16xf32>
      %add3A_536 = arith.addf %add3A_521, %mul3A_535 : vector<16xf32>
      %mul3A_537 = arith.mulf %gather3A_530, %gather3A_530 : vector<16xf32>
      %add3A_538 = arith.addf %add3A_523, %mul3A_537 : vector<16xf32>
      %mul3A_539 = arith.mulf %gather3A_531, %gather3A_531 : vector<16xf32>
      %add3A_540 = arith.addf %add3A_525, %mul3A_539 : vector<16xf32>
      %mul3A_541 = arith.mulf %gather3A_532, %gather3A_532 : vector<16xf32>
      %add3A_542 = arith.addf %add3A_527, %mul3A_541 : vector<16xf32>
      %broadcast_in_dim3A_543 = arith.constant 16 : i32
      %broadcast_in_dim3A_544 = vector.broadcast %broadcast_in_dim3A_543 : i32 to vector<16xi32>
      %gather3A_545 = tpu.vector_load_idx %arg11[%add3A_303, %broadcast_in_dim3A_544] : memref<512x32xf32, #tpu.memory_space<vmem>>[vector<16xi32>, vector<16xi32>], vector<16xf32>,
      %gather3A_546 = tpu.vector_load_idx %arg12[%add3A_303, %broadcast_in_dim3A_544] : memref<512x32xf32, #tpu.memory_space<vmem>>[vector<16xi32>, vector<16xi32>], vector<16xf32>,
      %gather3A_547 = tpu.vector_load_idx %arg13[%add3A_303, %broadcast_in_dim3A_544] : memref<512x32xf32, #tpu.memory_space<vmem>>[vector<16xi32>, vector<16xi32>], vector<16xf32>,
      %mul3A_548 = arith.mulf %gather3A_545, %gather3A_546 : vector<16xf32>
      %add3A_549 = arith.addf %add3A_534, %mul3A_548 : vector<16xf32>
      %mul3A_550 = arith.mulf %gather3A_545, %gather3A_547 : vector<16xf32>
      %add3A_551 = arith.addf %add3A_536, %mul3A_550 : vector<16xf32>
      %mul3A_552 = arith.mulf %gather3A_545, %gather3A_545 : vector<16xf32>
      %add3A_553 = arith.addf %add3A_538, %mul3A_552 : vector<16xf32>
      %mul3A_554 = arith.mulf %gather3A_546, %gather3A_546 : vector<16xf32>
      %add3A_555 = arith.addf %add3A_540, %mul3A_554 : vector<16xf32>
      %mul3A_556 = arith.mulf %gather3A_547, %gather3A_547 : vector<16xf32>
      %add3A_557 = arith.addf %add3A_542, %mul3A_556 : vector<16xf32>
      %broadcast_in_dim3A_558 = arith.constant 17 : i32
      %broadcast_in_dim3A_559 = vector.broadcast %broadcast_in_dim3A_558 : i32 to vector<16xi32>
      %gather3A_560 = tpu.vector_load_idx %arg11[%add3A_303, %broadcast_in_dim3A_559] : memref<512x32xf32, #tpu.memory_space<vmem>>[vector<16xi32>, vector<16xi32>], vector<16xf32>,
      %gather3A_561 = tpu.vector_load_idx %arg12[%add3A_303, %broadcast_in_dim3A_559] : memref<512x32xf32, #tpu.memory_space<vmem>>[vector<16xi32>, vector<16xi32>], vector<16xf32>,
      %gather3A_562 = tpu.vector_load_idx %arg13[%add3A_303, %broadcast_in_dim3A_559] : memref<512x32xf32, #tpu.memory_space<vmem>>[vector<16xi32>, vector<16xi32>], vector<16xf32>,
      %mul3A_563 = arith.mulf %gather3A_560, %gather3A_561 : vector<16xf32>
      %add3A_564 = arith.addf %add3A_549, %mul3A_563 : vector<16xf32>
      %mul3A_565 = arith.mulf %gather3A_560, %gather3A_562 : vector<16xf32>
      %add3A_566 = arith.addf %add3A_551, %mul3A_565 : vector<16xf32>
      %mul3A_567 = arith.mulf %gather3A_560, %gather3A_560 : vector<16xf32>
      %add3A_568 = arith.addf %add3A_553, %mul3A_567 : vector<16xf32>
      %mul3A_569 = arith.mulf %gather3A_561, %gather3A_561 : vector<16xf32>
      %add3A_570 = arith.addf %add3A_555, %mul3A_569 : vector<16xf32>
      %mul3A_571 = arith.mulf %gather3A_562, %gather3A_562 : vector<16xf32>
      %add3A_572 = arith.addf %add3A_557, %mul3A_571 : vector<16xf32>
      %broadcast_in_dim3A_573 = arith.constant 18 : i32
      %broadcast_in_dim3A_574 = vector.broadcast %broadcast_in_dim3A_573 : i32 to vector<16xi32>
      %gather3A_575 = tpu.vector_load_idx %arg11[%add3A_303, %broadcast_in_dim3A_574] : memref<512x32xf32, #tpu.memory_space<vmem>>[vector<16xi32>, vector<16xi32>], vector<16xf32>,
      %gather3A_576 = tpu.vector_load_idx %arg12[%add3A_303, %broadcast_in_dim3A_574] : memref<512x32xf32, #tpu.memory_space<vmem>>[vector<16xi32>, vector<16xi32>], vector<16xf32>,
      %gather3A_577 = tpu.vector_load_idx %arg13[%add3A_303, %broadcast_in_dim3A_574] : memref<512x32xf32, #tpu.memory_space<vmem>>[vector<16xi32>, vector<16xi32>], vector<16xf32>,
      %mul3A_578 = arith.mulf %gather3A_575, %gather3A_576 : vector<16xf32>
      %add3A_579 = arith.addf %add3A_564, %mul3A_578 : vector<16xf32>
      %mul3A_580 = arith.mulf %gather3A_575, %gather3A_577 : vector<16xf32>
      %add3A_581 = arith.addf %add3A_566, %mul3A_580 : vector<16xf32>
      %mul3A_582 = arith.mulf %gather3A_575, %gather3A_575 : vector<16xf32>
      %add3A_583 = arith.addf %add3A_568, %mul3A_582 : vector<16xf32>
      %mul3A_584 = arith.mulf %gather3A_576, %gather3A_576 : vector<16xf32>
      %add3A_585 = arith.addf %add3A_570, %mul3A_584 : vector<16xf32>
      %mul3A_586 = arith.mulf %gather3A_577, %gather3A_577 : vector<16xf32>
      %add3A_587 = arith.addf %add3A_572, %mul3A_586 : vector<16xf32>
      %broadcast_in_dim3A_588 = arith.constant 19 : i32
      %broadcast_in_dim3A_589 = vector.broadcast %broadcast_in_dim3A_588 : i32 to vector<16xi32>
      %gather3A_590 = tpu.vector_load_idx %arg11[%add3A_303, %broadcast_in_dim3A_589] : memref<512x32xf32, #tpu.memory_space<vmem>>[vector<16xi32>, vector<16xi32>], vector<16xf32>,
      %gather3A_591 = tpu.vector_load_idx %arg12[%add3A_303, %broadcast_in_dim3A_589] : memref<512x32xf32, #tpu.memory_space<vmem>>[vector<16xi32>, vector<16xi32>], vector<16xf32>,
      %gather3A_592 = tpu.vector_load_idx %arg13[%add3A_303, %broadcast_in_dim3A_589] : memref<512x32xf32, #tpu.memory_space<vmem>>[vector<16xi32>, vector<16xi32>], vector<16xf32>,
      %mul3A_593 = arith.mulf %gather3A_590, %gather3A_591 : vector<16xf32>
      %add3A_594 = arith.addf %add3A_579, %mul3A_593 : vector<16xf32>
      %mul3A_595 = arith.mulf %gather3A_590, %gather3A_592 : vector<16xf32>
      %add3A_596 = arith.addf %add3A_581, %mul3A_595 : vector<16xf32>
      %mul3A_597 = arith.mulf %gather3A_590, %gather3A_590 : vector<16xf32>
      %add3A_598 = arith.addf %add3A_583, %mul3A_597 : vector<16xf32>
      %mul3A_599 = arith.mulf %gather3A_591, %gather3A_591 : vector<16xf32>
      %add3A_600 = arith.addf %add3A_585, %mul3A_599 : vector<16xf32>
      %mul3A_601 = arith.mulf %gather3A_592, %gather3A_592 : vector<16xf32>
      %add3A_602 = arith.addf %add3A_587, %mul3A_601 : vector<16xf32>
      %broadcast_in_dim3A_603 = arith.constant 20 : i32
      %broadcast_in_dim3A_604 = vector.broadcast %broadcast_in_dim3A_603 : i32 to vector<16xi32>
      %gather3A_605 = tpu.vector_load_idx %arg11[%add3A_303, %broadcast_in_dim3A_604] : memref<512x32xf32, #tpu.memory_space<vmem>>[vector<16xi32>, vector<16xi32>], vector<16xf32>,
      %gather3A_606 = tpu.vector_load_idx %arg12[%add3A_303, %broadcast_in_dim3A_604] : memref<512x32xf32, #tpu.memory_space<vmem>>[vector<16xi32>, vector<16xi32>], vector<16xf32>,
      %gather3A_607 = tpu.vector_load_idx %arg13[%add3A_303, %broadcast_in_dim3A_604] : memref<512x32xf32, #tpu.memory_space<vmem>>[vector<16xi32>, vector<16xi32>], vector<16xf32>,
      %mul3A_608 = arith.mulf %gather3A_605, %gather3A_606 : vector<16xf32>
      %add3A_609 = arith.addf %add3A_594, %mul3A_608 : vector<16xf32>
      %mul3A_610 = arith.mulf %gather3A_605, %gather3A_607 : vector<16xf32>
      %add3A_611 = arith.addf %add3A_596, %mul3A_610 : vector<16xf32>
      %mul3A_612 = arith.mulf %gather3A_605, %gather3A_605 : vector<16xf32>
      %add3A_613 = arith.addf %add3A_598, %mul3A_612 : vector<16xf32>
      %mul3A_614 = arith.mulf %gather3A_606, %gather3A_606 : vector<16xf32>
      %add3A_615 = arith.addf %add3A_600, %mul3A_614 : vector<16xf32>
      %mul3A_616 = arith.mulf %gather3A_607, %gather3A_607 : vector<16xf32>
      %add3A_617 = arith.addf %add3A_602, %mul3A_616 : vector<16xf32>
      %broadcast_in_dim3A_618 = arith.constant 21 : i32
      %broadcast_in_dim3A_619 = vector.broadcast %broadcast_in_dim3A_618 : i32 to vector<16xi32>
      %gather3A_620 = tpu.vector_load_idx %arg11[%add3A_303, %broadcast_in_dim3A_619] : memref<512x32xf32, #tpu.memory_space<vmem>>[vector<16xi32>, vector<16xi32>], vector<16xf32>,
      %gather3A_621 = tpu.vector_load_idx %arg12[%add3A_303, %broadcast_in_dim3A_619] : memref<512x32xf32, #tpu.memory_space<vmem>>[vector<16xi32>, vector<16xi32>], vector<16xf32>,
      %gather3A_622 = tpu.vector_load_idx %arg13[%add3A_303, %broadcast_in_dim3A_619] : memref<512x32xf32, #tpu.memory_space<vmem>>[vector<16xi32>, vector<16xi32>], vector<16xf32>,
      %mul3A_623 = arith.mulf %gather3A_620, %gather3A_621 : vector<16xf32>
      %add3A_624 = arith.addf %add3A_609, %mul3A_623 : vector<16xf32>
      %mul3A_625 = arith.mulf %gather3A_620, %gather3A_622 : vector<16xf32>
      %add3A_626 = arith.addf %add3A_611, %mul3A_625 : vector<16xf32>
      %mul3A_627 = arith.mulf %gather3A_620, %gather3A_620 : vector<16xf32>
      %add3A_628 = arith.addf %add3A_613, %mul3A_627 : vector<16xf32>
      %mul3A_629 = arith.mulf %gather3A_621, %gather3A_621 : vector<16xf32>
      %add3A_630 = arith.addf %add3A_615, %mul3A_629 : vector<16xf32>
      %mul3A_631 = arith.mulf %gather3A_622, %gather3A_622 : vector<16xf32>
      %add3A_632 = arith.addf %add3A_617, %mul3A_631 : vector<16xf32>
      %broadcast_in_dim3A_633 = arith.constant 22 : i32
      %broadcast_in_dim3A_634 = vector.broadcast %broadcast_in_dim3A_633 : i32 to vector<16xi32>
      %gather3A_635 = tpu.vector_load_idx %arg11[%add3A_303, %broadcast_in_dim3A_634] : memref<512x32xf32, #tpu.memory_space<vmem>>[vector<16xi32>, vector<16xi32>], vector<16xf32>,
      %gather3A_636 = tpu.vector_load_idx %arg12[%add3A_303, %broadcast_in_dim3A_634] : memref<512x32xf32, #tpu.memory_space<vmem>>[vector<16xi32>, vector<16xi32>], vector<16xf32>,
      %gather3A_637 = tpu.vector_load_idx %arg13[%add3A_303, %broadcast_in_dim3A_634] : memref<512x32xf32, #tpu.memory_space<vmem>>[vector<16xi32>, vector<16xi32>], vector<16xf32>,
      %mul3A_638 = arith.mulf %gather3A_635, %gather3A_636 : vector<16xf32>
      %add3A_639 = arith.addf %add3A_624, %mul3A_638 : vector<16xf32>
      %mul3A_640 = arith.mulf %gather3A_635, %gather3A_637 : vector<16xf32>
      %add3A_641 = arith.addf %add3A_626, %mul3A_640 : vector<16xf32>
      %mul3A_642 = arith.mulf %gather3A_635, %gather3A_635 : vector<16xf32>
      %add3A_643 = arith.addf %add3A_628, %mul3A_642 : vector<16xf32>
      %mul3A_644 = arith.mulf %gather3A_636, %gather3A_636 : vector<16xf32>
      %add3A_645 = arith.addf %add3A_630, %mul3A_644 : vector<16xf32>
      %mul3A_646 = arith.mulf %gather3A_637, %gather3A_637 : vector<16xf32>
      %add3A_647 = arith.addf %add3A_632, %mul3A_646 : vector<16xf32>
      %broadcast_in_dim3A_648 = arith.constant 23 : i32
      %broadcast_in_dim3A_649 = vector.broadcast %broadcast_in_dim3A_648 : i32 to vector<16xi32>
      %gather3A_650 = tpu.vector_load_idx %arg11[%add3A_303, %broadcast_in_dim3A_649] : memref<512x32xf32, #tpu.memory_space<vmem>>[vector<16xi32>, vector<16xi32>], vector<16xf32>,
      %gather3A_651 = tpu.vector_load_idx %arg12[%add3A_303, %broadcast_in_dim3A_649] : memref<512x32xf32, #tpu.memory_space<vmem>>[vector<16xi32>, vector<16xi32>], vector<16xf32>,
      %gather3A_652 = tpu.vector_load_idx %arg13[%add3A_303, %broadcast_in_dim3A_649] : memref<512x32xf32, #tpu.memory_space<vmem>>[vector<16xi32>, vector<16xi32>], vector<16xf32>,
      %mul3A_653 = arith.mulf %gather3A_650, %gather3A_651 : vector<16xf32>
      %add3A_654 = arith.addf %add3A_639, %mul3A_653 : vector<16xf32>
      %mul3A_655 = arith.mulf %gather3A_650, %gather3A_652 : vector<16xf32>
      %add3A_656 = arith.addf %add3A_641, %mul3A_655 : vector<16xf32>
      %mul3A_657 = arith.mulf %gather3A_650, %gather3A_650 : vector<16xf32>
      %add3A_658 = arith.addf %add3A_643, %mul3A_657 : vector<16xf32>
      %mul3A_659 = arith.mulf %gather3A_651, %gather3A_651 : vector<16xf32>
      %add3A_660 = arith.addf %add3A_645, %mul3A_659 : vector<16xf32>
      %mul3A_661 = arith.mulf %gather3A_652, %gather3A_652 : vector<16xf32>
      %add3A_662 = arith.addf %add3A_647, %mul3A_661 : vector<16xf32>
      %broadcast_in_dim3A_663 = arith.constant 24 : i32
      %broadcast_in_dim3A_664 = vector.broadcast %broadcast_in_dim3A_663 : i32 to vector<16xi32>
      %gather3A_665 = tpu.vector_load_idx %arg11[%add3A_303, %broadcast_in_dim3A_664] : memref<512x32xf32, #tpu.memory_space<vmem>>[vector<16xi32>, vector<16xi32>], vector<16xf32>,
      %gather3A_666 = tpu.vector_load_idx %arg12[%add3A_303, %broadcast_in_dim3A_664] : memref<512x32xf32, #tpu.memory_space<vmem>>[vector<16xi32>, vector<16xi32>], vector<16xf32>,
      %gather3A_667 = tpu.vector_load_idx %arg13[%add3A_303, %broadcast_in_dim3A_664] : memref<512x32xf32, #tpu.memory_space<vmem>>[vector<16xi32>, vector<16xi32>], vector<16xf32>,
      %mul3A_668 = arith.mulf %gather3A_665, %gather3A_666 : vector<16xf32>
      %add3A_669 = arith.addf %add3A_654, %mul3A_668 : vector<16xf32>
      %mul3A_670 = arith.mulf %gather3A_665, %gather3A_667 : vector<16xf32>
      %add3A_671 = arith.addf %add3A_656, %mul3A_670 : vector<16xf32>
      %mul3A_672 = arith.mulf %gather3A_665, %gather3A_665 : vector<16xf32>
      %add3A_673 = arith.addf %add3A_658, %mul3A_672 : vector<16xf32>
      %mul3A_674 = arith.mulf %gather3A_666, %gather3A_666 : vector<16xf32>
      %add3A_675 = arith.addf %add3A_660, %mul3A_674 : vector<16xf32>
      %mul3A_676 = arith.mulf %gather3A_667, %gather3A_667 : vector<16xf32>
      %add3A_677 = arith.addf %add3A_662, %mul3A_676 : vector<16xf32>
      %broadcast_in_dim3A_678 = arith.constant 25 : i32
      %broadcast_in_dim3A_679 = vector.broadcast %broadcast_in_dim3A_678 : i32 to vector<16xi32>
      %gather3A_680 = tpu.vector_load_idx %arg11[%add3A_303, %broadcast_in_dim3A_679] : memref<512x32xf32, #tpu.memory_space<vmem>>[vector<16xi32>, vector<16xi32>], vector<16xf32>,
      %gather3A_681 = tpu.vector_load_idx %arg12[%add3A_303, %broadcast_in_dim3A_679] : memref<512x32xf32, #tpu.memory_space<vmem>>[vector<16xi32>, vector<16xi32>], vector<16xf32>,
      %gather3A_682 = tpu.vector_load_idx %arg13[%add3A_303, %broadcast_in_dim3A_679] : memref<512x32xf32, #tpu.memory_space<vmem>>[vector<16xi32>, vector<16xi32>], vector<16xf32>,
      %mul3A_683 = arith.mulf %gather3A_680, %gather3A_681 : vector<16xf32>
      %add3A_684 = arith.addf %add3A_669, %mul3A_683 : vector<16xf32>
      %mul3A_685 = arith.mulf %gather3A_680, %gather3A_682 : vector<16xf32>
      %add3A_686 = arith.addf %add3A_671, %mul3A_685 : vector<16xf32>
      %mul3A_687 = arith.mulf %gather3A_680, %gather3A_680 : vector<16xf32>
      %add3A_688 = arith.addf %add3A_673, %mul3A_687 : vector<16xf32>
      %mul3A_689 = arith.mulf %gather3A_681, %gather3A_681 : vector<16xf32>
      %add3A_690 = arith.addf %add3A_675, %mul3A_689 : vector<16xf32>
      %mul3A_691 = arith.mulf %gather3A_682, %gather3A_682 : vector<16xf32>
      %add3A_692 = arith.addf %add3A_677, %mul3A_691 : vector<16xf32>
      %broadcast_in_dim3A_693 = arith.constant 26 : i32
      %broadcast_in_dim3A_694 = vector.broadcast %broadcast_in_dim3A_693 : i32 to vector<16xi32>
      %gather3A_695 = tpu.vector_load_idx %arg11[%add3A_303, %broadcast_in_dim3A_694] : memref<512x32xf32, #tpu.memory_space<vmem>>[vector<16xi32>, vector<16xi32>], vector<16xf32>,
      %gather3A_696 = tpu.vector_load_idx %arg12[%add3A_303, %broadcast_in_dim3A_694] : memref<512x32xf32, #tpu.memory_space<vmem>>[vector<16xi32>, vector<16xi32>], vector<16xf32>,
      %gather3A_697 = tpu.vector_load_idx %arg13[%add3A_303, %broadcast_in_dim3A_694] : memref<512x32xf32, #tpu.memory_space<vmem>>[vector<16xi32>, vector<16xi32>], vector<16xf32>,
      %mul3A_698 = arith.mulf %gather3A_695, %gather3A_696 : vector<16xf32>
      %add3A_699 = arith.addf %add3A_684, %mul3A_698 : vector<16xf32>
      %mul3A_700 = arith.mulf %gather3A_695, %gather3A_697 : vector<16xf32>
      %add3A_701 = arith.addf %add3A_686, %mul3A_700 : vector<16xf32>
      %mul3A_702 = arith.mulf %gather3A_695, %gather3A_695 : vector<16xf32>
      %add3A_703 = arith.addf %add3A_688, %mul3A_702 : vector<16xf32>
      %mul3A_704 = arith.mulf %gather3A_696, %gather3A_696 : vector<16xf32>
      %add3A_705 = arith.addf %add3A_690, %mul3A_704 : vector<16xf32>
      %mul3A_706 = arith.mulf %gather3A_697, %gather3A_697 : vector<16xf32>
      %add3A_707 = arith.addf %add3A_692, %mul3A_706 : vector<16xf32>
      %broadcast_in_dim3A_708 = arith.constant 27 : i32
      %broadcast_in_dim3A_709 = vector.broadcast %broadcast_in_dim3A_708 : i32 to vector<16xi32>
      %gather3A_710 = tpu.vector_load_idx %arg11[%add3A_303, %broadcast_in_dim3A_709] : memref<512x32xf32, #tpu.memory_space<vmem>>[vector<16xi32>, vector<16xi32>], vector<16xf32>,
      %gather3A_711 = tpu.vector_load_idx %arg12[%add3A_303, %broadcast_in_dim3A_709] : memref<512x32xf32, #tpu.memory_space<vmem>>[vector<16xi32>, vector<16xi32>], vector<16xf32>,
      %gather3A_712 = tpu.vector_load_idx %arg13[%add3A_303, %broadcast_in_dim3A_709] : memref<512x32xf32, #tpu.memory_space<vmem>>[vector<16xi32>, vector<16xi32>], vector<16xf32>,
      %mul3A_713 = arith.mulf %gather3A_710, %gather3A_711 : vector<16xf32>
      %add3A_714 = arith.addf %add3A_699, %mul3A_713 : vector<16xf32>
      %mul3A_715 = arith.mulf %gather3A_710, %gather3A_712 : vector<16xf32>
      %add3A_716 = arith.addf %add3A_701, %mul3A_715 : vector<16xf32>
      %mul3A_717 = arith.mulf %gather3A_710, %gather3A_710 : vector<16xf32>
      %add3A_718 = arith.addf %add3A_703, %mul3A_717 : vector<16xf32>
      %mul3A_719 = arith.mulf %gather3A_711, %gather3A_711 : vector<16xf32>
      %add3A_720 = arith.addf %add3A_705, %mul3A_719 : vector<16xf32>
      %mul3A_721 = arith.mulf %gather3A_712, %gather3A_712 : vector<16xf32>
      %add3A_722 = arith.addf %add3A_707, %mul3A_721 : vector<16xf32>
      %broadcast_in_dim3A_723 = arith.constant 28 : i32
      %broadcast_in_dim3A_724 = vector.broadcast %broadcast_in_dim3A_723 : i32 to vector<16xi32>
      %gather3A_725 = tpu.vector_load_idx %arg11[%add3A_303, %broadcast_in_dim3A_724] : memref<512x32xf32, #tpu.memory_space<vmem>>[vector<16xi32>, vector<16xi32>], vector<16xf32>,
      %gather3A_726 = tpu.vector_load_idx %arg12[%add3A_303, %broadcast_in_dim3A_724] : memref<512x32xf32, #tpu.memory_space<vmem>>[vector<16xi32>, vector<16xi32>], vector<16xf32>,
      %gather3A_727 = tpu.vector_load_idx %arg13[%add3A_303, %broadcast_in_dim3A_724] : memref<512x32xf32, #tpu.memory_space<vmem>>[vector<16xi32>, vector<16xi32>], vector<16xf32>,
      %mul3A_728 = arith.mulf %gather3A_725, %gather3A_726 : vector<16xf32>
      %add3A_729 = arith.addf %add3A_714, %mul3A_728 : vector<16xf32>
      %mul3A_730 = arith.mulf %gather3A_725, %gather3A_727 : vector<16xf32>
      %add3A_731 = arith.addf %add3A_716, %mul3A_730 : vector<16xf32>
      %mul3A_732 = arith.mulf %gather3A_725, %gather3A_725 : vector<16xf32>
      %add3A_733 = arith.addf %add3A_718, %mul3A_732 : vector<16xf32>
      %mul3A_734 = arith.mulf %gather3A_726, %gather3A_726 : vector<16xf32>
      %add3A_735 = arith.addf %add3A_720, %mul3A_734 : vector<16xf32>
      %mul3A_736 = arith.mulf %gather3A_727, %gather3A_727 : vector<16xf32>
      %add3A_737 = arith.addf %add3A_722, %mul3A_736 : vector<16xf32>
      %broadcast_in_dim3A_738 = arith.constant 29 : i32
      %broadcast_in_dim3A_739 = vector.broadcast %broadcast_in_dim3A_738 : i32 to vector<16xi32>
      %gather3A_740 = tpu.vector_load_idx %arg11[%add3A_303, %broadcast_in_dim3A_739] : memref<512x32xf32, #tpu.memory_space<vmem>>[vector<16xi32>, vector<16xi32>], vector<16xf32>,
      %gather3A_741 = tpu.vector_load_idx %arg12[%add3A_303, %broadcast_in_dim3A_739] : memref<512x32xf32, #tpu.memory_space<vmem>>[vector<16xi32>, vector<16xi32>], vector<16xf32>,
      %gather3A_742 = tpu.vector_load_idx %arg13[%add3A_303, %broadcast_in_dim3A_739] : memref<512x32xf32, #tpu.memory_space<vmem>>[vector<16xi32>, vector<16xi32>], vector<16xf32>,
      %mul3A_743 = arith.mulf %gather3A_740, %gather3A_741 : vector<16xf32>
      %add3A_744 = arith.addf %add3A_729, %mul3A_743 : vector<16xf32>
      %mul3A_745 = arith.mulf %gather3A_740, %gather3A_742 : vector<16xf32>
      %add3A_746 = arith.addf %add3A_731, %mul3A_745 : vector<16xf32>
      %mul3A_747 = arith.mulf %gather3A_740, %gather3A_740 : vector<16xf32>
      %add3A_748 = arith.addf %add3A_733, %mul3A_747 : vector<16xf32>
      %mul3A_749 = arith.mulf %gather3A_741, %gather3A_741 : vector<16xf32>
      %add3A_750 = arith.addf %add3A_735, %mul3A_749 : vector<16xf32>
      %mul3A_751 = arith.mulf %gather3A_742, %gather3A_742 : vector<16xf32>
      %add3A_752 = arith.addf %add3A_737, %mul3A_751 : vector<16xf32>
      %broadcast_in_dim3A_753 = arith.constant 30 : i32
      %broadcast_in_dim3A_754 = vector.broadcast %broadcast_in_dim3A_753 : i32 to vector<16xi32>
      %gather3A_755 = tpu.vector_load_idx %arg11[%add3A_303, %broadcast_in_dim3A_754] : memref<512x32xf32, #tpu.memory_space<vmem>>[vector<16xi32>, vector<16xi32>], vector<16xf32>,
      %gather3A_756 = tpu.vector_load_idx %arg12[%add3A_303, %broadcast_in_dim3A_754] : memref<512x32xf32, #tpu.memory_space<vmem>>[vector<16xi32>, vector<16xi32>], vector<16xf32>,
      %gather3A_757 = tpu.vector_load_idx %arg13[%add3A_303, %broadcast_in_dim3A_754] : memref<512x32xf32, #tpu.memory_space<vmem>>[vector<16xi32>, vector<16xi32>], vector<16xf32>,
      %mul3A_758 = arith.mulf %gather3A_755, %gather3A_756 : vector<16xf32>
      %add3A_759 = arith.addf %add3A_744, %mul3A_758 : vector<16xf32>
      %mul3A_760 = arith.mulf %gather3A_755, %gather3A_757 : vector<16xf32>
      %add3A_761 = arith.addf %add3A_746, %mul3A_760 : vector<16xf32>
      %mul3A_762 = arith.mulf %gather3A_755, %gather3A_755 : vector<16xf32>
      %add3A_763 = arith.addf %add3A_748, %mul3A_762 : vector<16xf32>
      %mul3A_764 = arith.mulf %gather3A_756, %gather3A_756 : vector<16xf32>
      %add3A_765 = arith.addf %add3A_750, %mul3A_764 : vector<16xf32>
      %mul3A_766 = arith.mulf %gather3A_757, %gather3A_757 : vector<16xf32>
      %add3A_767 = arith.addf %add3A_752, %mul3A_766 : vector<16xf32>
      %broadcast_in_dim3A_768 = arith.constant 31 : i32
      %broadcast_in_dim3A_769 = vector.broadcast %broadcast_in_dim3A_768 : i32 to vector<16xi32>
      %gather3A_770 = tpu.vector_load_idx %arg11[%add3A_303, %broadcast_in_dim3A_769] : memref<512x32xf32, #tpu.memory_space<vmem>>[vector<16xi32>, vector<16xi32>], vector<16xf32>,
      %gather3A_771 = tpu.vector_load_idx %arg12[%add3A_303, %broadcast_in_dim3A_769] : memref<512x32xf32, #tpu.memory_space<vmem>>[vector<16xi32>, vector<16xi32>], vector<16xf32>,
      %gather3A_772 = tpu.vector_load_idx %arg13[%add3A_303, %broadcast_in_dim3A_769] : memref<512x32xf32, #tpu.memory_space<vmem>>[vector<16xi32>, vector<16xi32>], vector<16xf32>,
      %mul3A_773 = arith.mulf %gather3A_770, %gather3A_771 : vector<16xf32>
      %add3A_774 = arith.addf %add3A_759, %mul3A_773 : vector<16xf32>
      %mul3A_775 = arith.mulf %gather3A_770, %gather3A_772 : vector<16xf32>
      %add3A_776 = arith.addf %add3A_761, %mul3A_775 : vector<16xf32>
      %mul3A_777 = arith.mulf %gather3A_770, %gather3A_770 : vector<16xf32>
      %add3A_778 = arith.addf %add3A_763, %mul3A_777 : vector<16xf32>
      %mul3A_779 = arith.mulf %gather3A_771, %gather3A_771 : vector<16xf32>
      %add3A_780 = arith.addf %add3A_765, %mul3A_779 : vector<16xf32>
      %mul3A_781 = arith.mulf %gather3A_772, %gather3A_772 : vector<16xf32>
      %add3A_782 = arith.addf %add3A_767, %mul3A_781 : vector<16xf32>
      %sub3A = arith.subf %add3A_774, %add3A_776 : vector<16xf32>
      %neg3A = arith.constant 0.000000e+00 : f32
      %neg3A_783 = vector.broadcast %neg3A : f32 to vector<16xf32>
      %neg3A_784 = arith.subf %neg3A_783, %sub3A : vector<16xf32>
      %max3A = arith.constant 0.000000e+00 : f32
      %max3A_785 = vector.broadcast %max3A : f32 to vector<16xf32>
      %max3A_786 = arith.maximumf %neg3A_784, %max3A_785 : vector<16xf32>
      %abs3A = math.absf %neg3A_784 : vector<16xf32>
      %neg3A_787 = arith.constant 0.000000e+00 : f32
      %neg3A_788 = vector.broadcast %neg3A_787 : f32 to vector<16xf32>
      %neg3A_789 = arith.subf %neg3A_788, %abs3A : vector<16xf32>
      %exp3A = math.exp %neg3A_789 : vector<16xf32>
      %add3A_790 = arith.constant 2.000000e+00 : f32
      %add3A_791 = vector.broadcast %add3A_790 : f32 to vector<16xf32>
      %add3A_792 = arith.addf %exp3A, %add3A_791 : vector<16xf32>
      %div3A = arith.divf %exp3A, %add3A_792 : vector<16xf32>
      %mul3A_793 = arith.mulf %div3A, %div3A : vector<16xf32>
      %mul3A_794 = arith.constant 0.142857149 : f32
      %mul3A_795 = vector.broadcast %mul3A_794 : f32 to vector<16xf32>
      %mul3A_796 = arith.mulf %mul3A_793, %mul3A_795 : vector<16xf32>
      %add3A_797 = arith.constant 2.000000e-01 : f32
      %add3A_798 = vector.broadcast %add3A_797 : f32 to vector<16xf32>
      %add3A_799 = arith.addf %add3A_798, %mul3A_796 : vector<16xf32>
      %mul3A_800 = arith.mulf %mul3A_793, %add3A_799 : vector<16xf32>
      %add3A_801 = arith.constant 0.333333343 : f32
      %add3A_802 = vector.broadcast %add3A_801 : f32 to vector<16xf32>
      %add3A_803 = arith.addf %add3A_802, %mul3A_800 : vector<16xf32>
      %mul3A_804 = arith.mulf %mul3A_793, %add3A_803 : vector<16xf32>
      %add3A_805 = arith.constant 1.000000e+00 : f32
      %add3A_806 = vector.broadcast %add3A_805 : f32 to vector<16xf32>
      %add3A_807 = arith.addf %add3A_806, %mul3A_804 : vector<16xf32>
      %mul3A_808 = arith.constant 2.000000e+00 : f32
      %mul3A_809 = vector.broadcast %mul3A_808 : f32 to vector<16xf32>
      %mul3A_810 = arith.mulf %mul3A_809, %div3A : vector<16xf32>
      %mul3A_811 = arith.mulf %mul3A_810, %add3A_807 : vector<16xf32>
      %add3A_812 = arith.addf %max3A_786, %mul3A_811 : vector<16xf32>
      %add3A_813 = arith.addf %scan3A_299, %add3A_812 : vector<16xf32>
      scf.yield %add3A_778, %add3A_780, %add3A_782, %add3A_813 : vector<16xf32>, vector<16xf32>, vector<16xf32>, vector<16xf32>
    }
    %scan3A_281 = arith.constant 32 : i32
    %mul3A_282 = arith.constant 2.500000e-03 : f32
    %mul3A_283 = vector.broadcast %mul3A_282 : f32 to vector<16xf32>
    %mul3A_284 = arith.mulf %mul3A_283, %scan3A_280#0 : vector<16xf32>
    %mul3A_285 = arith.constant 2.500000e-03 : f32
    %mul3A_286 = vector.broadcast %mul3A_285 : f32 to vector<16xf32>
    %mul3A_287 = arith.mulf %mul3A_286, %scan3A_280#1 : vector<16xf32>
    %add3A_288 = arith.addf %mul3A_284, %mul3A_287 : vector<16xf32>
    %mul3A_289 = arith.constant 2.500000e-04 : f32
    %mul3A_290 = vector.broadcast %mul3A_289 : f32 to vector<16xf32>
    %mul3A_291 = arith.mulf %mul3A_290, %scan3A_280#2 : vector<16xf32>
    %add3A_292 = arith.addf %add3A_288, %mul3A_291 : vector<16xf32>
    %add3A_293 = arith.addf %add3A_292, %scan3A_280#3 : vector<16xf32>
    %swap3A = arith.constant 0 : index
    %swap3A_294 = tpu.vector_load %arg14[%swap3A] {strides = array<i32>} : memref<16xf32, #tpu.memory_space<vmem>>, vector<16xf32>,
    tpu.vector_store %arg14[%swap3A], %add3A_293 {strides = array<i32>} : memref<16xf32, #tpu.memory_space<vmem>>, vector<16xf32>,
    "tpu.region"() ({
      %run_scoped3A_295 = tpu.sem_alloc : memref<!tpu.dma_semaphore, #tpu.memory_space<semaphore_mem>>
      %dma_start3A_296 = arith.constant 0 : i32
      %dma_start3A_297 = tpu.memref_slice %arg7[%add3A, %dma_start3A_296] : memref<32x16xf32, #tpu.memory_space<hbm>> -> memref<1x16xf32, #tpu.memory_space<hbm>>
      %dma_start3A_298 = tpu.memref_squeeze %dma_start3A_297 : memref<1x16xf32, #tpu.memory_space<hbm>> -> memref<16xf32, #tpu.memory_space<hbm>>
      %dma_start3A_299 = arith.constant 0 : i32
      %dma_start3A_300 = tpu.memref_slice %arg7[%add3A, %dma_start3A_299] : memref<32x16xf32, #tpu.memory_space<hbm>> -> memref<1x16xf32, #tpu.memory_space<hbm>>
      %dma_start3A_301 = tpu.memref_squeeze %dma_start3A_300 : memref<1x16xf32, #tpu.memory_space<hbm>> -> memref<16xf32, #tpu.memory_space<hbm>>
      tpu.enqueue_dma source(%arg14 : memref<16xf32, #tpu.memory_space<vmem>>) target(%dma_start3A_301 : memref<16xf32, #tpu.memory_space<hbm>>) target_semaphore(%run_scoped3A_295 : memref<!tpu.dma_semaphore, #tpu.memory_space<semaphore_mem>>)
      %dma_wait3A_302 = arith.constant 0 : i32
      %dma_wait3A_303 = tpu.memref_slice %arg7[%add3A, %dma_wait3A_302] : memref<32x16xf32, #tpu.memory_space<hbm>> -> memref<1x16xf32, #tpu.memory_space<hbm>>
      %dma_wait3A_304 = tpu.memref_squeeze %dma_wait3A_303 : memref<1x16xf32, #tpu.memory_space<hbm>> -> memref<16xf32, #tpu.memory_space<hbm>>
      %dma_wait3A_305 = arith.constant 0 : i32
      %dma_wait3A_306 = tpu.memref_slice %arg7[%add3A, %dma_wait3A_305] : memref<32x16xf32, #tpu.memory_space<hbm>> -> memref<1x16xf32, #tpu.memory_space<hbm>>
      %dma_wait3A_307 = tpu.memref_squeeze %dma_wait3A_306 : memref<1x16xf32, #tpu.memory_space<hbm>> -> memref<16xf32, #tpu.memory_space<hbm>>
      tpu.wait_dma2 semaphore(%run_scoped3A_295 : memref<!tpu.dma_semaphore, #tpu.memory_space<semaphore_mem>>) src(%arg14 : memref<16xf32, #tpu.memory_space<vmem>>) dst(%dma_wait3A_307 : memref<16xf32, #tpu.memory_space<hbm>>)
      tpu.yield
    }) : () -> ()
    return
  }
}

</mosaic_0001>

<sc_bundles>
// kernel: kernel.3.cloned.1.call-start
scs
__scs_entry_jumppad:
0x0: {  	(pc) =	sbr.rel $0x88, $3  }
0x1: {  	(tag) =	ssettag $0x0;
	lr =	simm.s32 $0x1  }
0x2: {  	[smem:$0x3F9C] =	sst lr;
	_ =	strace $0xD0000000  }
0x3: {  	_ = 	snop  }
0x4: {  	_ = 	snop  }
0x5: {  	_ = 	snop  }
0x6: {  	_ = 	snop  }
0x7: {  	_ = 	snop  }
__scs_overlays_trampoline_lowered:
0x8: {  	[smem:$0x3FAB] =	sst s0  }
0x9: {  	[smem:$0x3FAC] =	sst s1  }
0xa: {  	[smem:$0x3FAD] =	sst s2  }
0xb: {  	[smem:$0x3FAE] =	sst s3  }
0xc: {  	[smem:$0x3FAF] =	sst s4  }
0xd: {  	[smem:$0x3FB0] =	sst s5  }
0xe: {  	[smem:$0x3FB1] =	sst s6  }
0xf: {  	[smem:$0x3FB2] =	sst s7  }
0x10: {  	[smem:$0x3FB3] =	sst s8  }
0x11: {  	[smem:$0x3FB4] =	sst s9;
	s0 =	simm.s32 @!p0 $0x0  }
0x12: {  	s1 =	sld [smem:$0x3F9A];
	s0 =	simm.s32 @p0 $0x1  }
0x13: {  	[smem:$0x3FB5] =	sst s0;
	s0 =	simm.s32 @!p1 $0x0  }
0x14: {  	s2 =	sld [smem:$0x3F99];
	s0 =	simm.s32 @p1 $0x1  }
0x15: {  	[smem:$0x3FB6] =	sst s0;
	s0 =	simm.s32 @!p2 $0x0  }
0x16: {  	s3 =	sld [smem:$0x3FDB];
	s0 =	simm.s32 @p2 $0x1  }
0x17: {  	s4 =	simm.s32 $0x1BF5;
	[smem:$0x3FB8] =	sst s0  }
0x18: {  	s0 =	sld [smem:$0x3F9B];
	_ =	swait.ge [sflag:s4], $0x0  }
0x19: {  	s7 =	sld [smem:$0x3F9C]  }
0x1a: {  	s8 =	sadd.s32 $0xFFFFE003, lr  }
0x1b: {  	s9 =	sadd.s32 $0xFFFFFEF7, lr;
	s5 =	simm.s32 $0xFFFFFFFF;
	p2 =	slt.u32 s8, $0xFFFFF086  }
0x1c: {  	p1 =	slt.u32 s9, $0xF7A;
	s5 =	simm.s32 @!p2 $0x0  }
0x1d: {  	s5 =	simm.s32 @p1 $0x1;
	p0 =	seq.s32 s7, s2  }
0x1e: {  	s7 =	smul.u32 @!p0 $0xF7A, s2;
	p2 =	seq.s32 @!p0 s5, $0x0  }
0x1f: {  	s9 =	smul.u32 $0xF7A, s1;
	s8 =	simm.s32 @!p0 $0x1BF5;
	p2 =	por !p2, p0  }
0x20: {  	[sflag:s8] =	ssyncset.s32 @!p0 $0xFFFFF086;
	s6 =	sadd.s32 @!p0 s3, s7;
	s7 =	simm.s32 @!p0 $0x108  }
0x21: {  	s3 =	sadd.s32 s3, s9;
	s6 =	sadd.s32 @!p0 $0x88, s6;
	s7 =	simm.s32 @p2 $0x1082  }
0x22: {  	[simem:s7], [sflag:s8] =	dma.local @!p0 [hbm:s6], $0xF7A  }
0x23: {  	s9 =	sor.u32 $0xD0000000, s2;
	s6 =	simm.s32 $0x108;
	_ =	swait.ge @!p0 [sflag:s8], $0x0  }
0x24: {  	s3 =	sadd.s32 $0x88, s3;
	s6 =	simm.s32 @!p1 $0x1082;
	[sflag:s4] =	ssyncset.s32 $0xFFFFF086  }
0x25: {  	[simem:s6], [sflag:s4] =	dma.local [hbm:s3], $0xF7A  }
0x26: {  	[smem:$0x3F9C] =	sst s1;
	(tag) =	ssettag s2;
	_ =	strace s9  }
0x27: {  	s1 =	sld [smem:$0x3FAC]  }
0x28: {  	s2 =	sld [smem:$0x3FAD]  }
0x29: {  	s4 =	sld [smem:$0x3FAF]  }
0x2a: {  	p0 =	seq.s32 s5, $0x0;
	s5 =	sld [smem:$0x3FB0]  }
0x2b: {  	s6 =	sld [smem:$0x3FB1]  }
0x2c: {  	s7 =	sld [smem:$0x3FB2]  }
0x2d: {  	s3 =	simm.s32 $0x108;
	s8 =	sld [smem:$0x3FB3]  }
0x2e: {  	s3 =	simm.s32 @!p0 $0x1082;
	s9 =	sld [smem:$0x3FB4]  }
0x2f: {  	lr =	sadd.s32 s0, s3;
	s0 =	sld [smem:$0x3FAB]  }
0x30: {  	s3 =	sld [smem:$0x3FAE]  }
0x31: {  	[smem:$0x3FB7] =	sst s10  }
0x32: {  	s10 =	sld [smem:$0x3FB5];
	_ =	sdelay $0x3  }
0x33: {  	p0 =	seq.s32 s10, $0x1;
	s10 =	sld [smem:$0x3FB7];
	_ =	sdelay $0x3  }
0x34: {  	[smem:$0x3FB7] =	sst s10  }
0x35: {  	s10 =	sld [smem:$0x3FB6];
	_ =	sdelay $0x3  }
0x36: {  	p1 =	seq.s32 s10, $0x1;
	s10 =	sld [smem:$0x3FB7];
	_ =	sdelay $0x3  }
0x37: {  	[smem:$0x3FB7] =	sst s10  }
0x38: {  	s10 =	sld [smem:$0x3FB8]  }
0x39: {  	_ = 	snop;
	(pc) =	sbr.ind lr, $3  }
0x3a: {  	_ = 	snop  }
0x3b: {  	_ = 	snop  }
0x3c: {  	p2 =	seq.s32 s10, $0x1;
	s10 =	sld [smem:$0x3FB7]  }
0x3d: {  	_ =	shalt  }
0x3e: {  	_ =	shalt  }
0x3f: {  	_ =	shalt  }
0x40: {  	_ =	shalt  }
0x41: {  	_ =	shalt  }
0x42: {  	_ =	shalt  }
0x43: {  	_ =	shalt  }
0x44: {  	_ =	shalt  }
0x45: {  	_ =	shalt  }
0x46: {  	_ =	shalt  }
0x47: {  	_ =	shalt  }
0x48: {  	_ =	shalt  }
0x49: {  	_ =	shalt  }
0x4a: {  	_ =	shalt  }
0x4b: {  	_ =	shalt  }
0x4c: {  	_ =	shalt  }
0x4d: {  	_ =	shalt  }
0x4e: {  	_ =	shalt  }
0x4f: {  	_ =	shalt  }
0x50: {  	_ =	shalt  }
0x51: {  	_ =	shalt  }
0x52: {  	_ =	shalt  }
0x53: {  	_ =	shalt  }
0x54: {  	_ =	shalt  }
0x55: {  	_ =	shalt  }
0x56: {  	_ =	shalt  }
0x57: {  	_ =	shalt  }
0x58: {  	_ =	shalt  }
0x59: {  	_ =	shalt  }
0x5a: {  	_ =	shalt  }
0x5b: {  	_ =	shalt  }
0x5c: {  	_ =	shalt  }
0x5d: {  	_ =	shalt  }
0x5e: {  	_ =	shalt  }
0x5f: {  	_ =	shalt  }
0x60: {  	_ =	shalt  }
0x61: {  	_ =	shalt  }
0x62: {  	_ =	shalt  }
0x63: {  	_ =	shalt  }
0x64: {  	_ =	shalt  }
0x65: {  	_ =	shalt  }
0x66: {  	_ =	shalt  }
0x67: {  	_ =	shalt  }
0x68: {  	_ =	shalt  }
0x69: {  	_ =	shalt  }
0x6a: {  	_ =	shalt  }
0x6b: {  	_ =	shalt  }
0x6c: {  	_ =	shalt  }
0x6d: {  	_ =	shalt  }
0x6e: {  	_ =	shalt  }
0x6f: {  	_ =	shalt  }
0x70: {  	_ =	shalt  }
0x71: {  	_ =	shalt  }
0x72: {  	_ =	shalt  }
0x73: {  	_ =	shalt  }
0x74: {  	_ =	shalt  }
0x75: {  	_ =	shalt  }
0x76: {  	_ =	shalt  }
0x77: {  	_ =	shalt  }
0x78: {  	_ =	shalt  }
0x79: {  	_ =	shalt  }
0x7a: {  	_ =	shalt  }
0x7b: {  	_ =	shalt  }
0x7c: {  	_ =	shalt  }
0x7d: {  	_ =	shalt  }
0x7e: {  	_ =	shalt  }
0x7f: {  	_ =	shalt  }
0x80: {  	_ =	shalt  }
0x81: {  	_ =	shalt  }
0x82: {  	_ =	shalt  }
0x83: {  	_ =	shalt  }
0x84: {  	_ =	shalt  }
0x85: {  	_ =	shalt  }
0x86: {  	_ =	shalt  }
0x87: {  	_ =	shalt  }
.Lfunc_end0:
.L_simem_size_0:
called_computation_lowered:
.L_overlay_start_0:
0x88: {  	s2 =	sld [smem:$0x3FD9]  }
0x89: {  	s3 =	sld [smem:$0x3FFE];
	_ =	sdelay $0x1  }
0x8a: {  	s1 =	srdreg.scid  }
0x8b: {  	s0 =	sand.u32 $0x1, s1  }
0x8c: {  	s17 =	sshll.u32 s0, $0xA;
	s2 =	sadd.s32 s3, s2  }
0x8d: {  	s2 =	sadd.s32 s2, s17  }
0x8e: {  	[smem:$0x3FC3] =	sst s2  }
0x8f: {  	_ = 	snop  }
0x90: {  	s2 =	sld [smem:$0x3FC9]  }
0x91: {  	s18 =	sld [smem:$0x3FC8]  }
0x92: {  	s4 =	sld [smem:$0x3FC7];
	(tm) =	ssettm $0x1  }
0x93: {  	s5 =	sld [smem:$0x3FFB];
	_ =	sdelay $0x3  }
0x94: {  	_ =	strace s5  }
0x95: {  	s5 =	sld [smem:$0x3FFC];
	_ =	sdelay $0x3  }
0x96: {  	_ =	strace s5  }
0x97: {  	s5 =	sld [smem:$0x3FFD];
	_ =	sdelay $0x3  }
0x98: {  	_ =	strace s5  }
0x99: {  	_ =	strace $0x8FFFFFFF  }
0x9a: {  	s19 =	sld [smem:$0x3FDB];
	_ =	sdelay $0x1  }
0x9b: {  	s6 =	simm.s32 $_scs_section_size  }
0x9c: {  	s7 =	simm.s32 $_size__tile_overlayer_lowered;
	s8 =	simm.s32 $_tile_overlayer_lowered  }
0x9d: {  	s22 =	simm.s32 $0x1BFF;
	s21 =	sshll.u32 s8, $0x1;
	s5 =	sadd.s32 s6, s19  }
0x9e: {  	s9 =	simm.s32 $0x0;
	s20 =	sshll.u32 s7, $0x1;
	s7 =	sadd.s32 s21, s5  }
0x9f: {  	[timem:s9], [sflag:s22] =	dma.local [hbm:s7], s20  }
0xa0: {  	_ =	swait.ge [sflag:s22], s20  }
0xa1: {  	s6 =	ssub.s32 $0x0, s20;
	[sflag:s22] =	ssyncset.done $0x0  }
0xa2: {  	[sflag:s22] =	ssyncadd.s32 s6;
	_ =	sdelay $0x1  }
0xa3: {  	s23 =	simm.s32 $0x1B8B  }
0xa4: {  	_ =	swait.ge [sflag:s23], $0x1  }
0xa5: {  	[sflag:s23] =	ssyncset.done $0x0  }
0xa6: {  	s25 =	simm.s32 $0x1B8E;
	s24 =	sld [smem:$0x3FFE];
	[sflag:s23] =	ssyncadd.s32 $0xFFFFFFFF  }
0xa7: {  	s26 =	simm.s32 $execute0_lowered;
	[smem:$0x3FD2] =	sst s25  }
0xa8: {  	s7 =	sshll.u32 s26, $0x1;
	_ =	strace $0x80000046;
	[dreg:$0x1] =	wrdreg $0xFFFFFFFF  }
0xa9: {  	s28 =	simm.s32 $_size_execute0_lowered;
	s5 =	sadd.s32 s5, s7;
	[dreg:$0x0] =	wrdreg $0x0  }
0xaa: {  	s7 =	sshll.u32 s28, $0x1;
	[dreg:$0x2] =	wrdreg s5  }
0xab: {  	[dreg:$0x3] =	wrdreg s7  }
0xac: {  	[dreg:$0x4] =	wrdreg $0xC0  }
0xad: {  	_ =	task [dreg:s9], $0x5FFFF  }
0xae: {  	[dreg:$0x1] =	wrdreg $0xFFFFFFFF  }
0xaf: {  	[dreg:$0x0] =	wrdreg $0x60  }
0xb0: {  	[dreg:$0x2] =	wrdreg s2  }
0xb1: {  	[dreg:$0x3] =	wrdreg s18  }
0xb2: {  	[dreg:$0x4] =	wrdreg s4  }
0xb3: {  	[dreg:$0x5] =	wrdreg s24  }
0xb4: {  	[dreg:$0x6] =	wrdreg $0x9  }
0xb5: {  	_ =	task.clear_ibuf [dreg:s9], $0x7FFFF;
	_ =	strace $0x90000046  }
0xb6: {  	s29 =	simm.s32 $0x9;
	_ =	strace $0x80000048  }
0xb7: {  	_ =	swait.ge [sflag:s29], $0x1  }
0xb8: {  	[sflag:s29] =	ssyncadd.s32 $0xFFFFFFFF  }
0xb9: {  	_ =	strace $0x90000048  }
0xba: {  	_ =	sfence  }
0xbb: {  	s30 =	sld [smem:$0x0];
	_ =	sdelay $0x2  }
0xbc: {  	s31 =	sshll.u32 s1, $0xD;
	s1 =	sshrl.u32 s1, $0x2  }
0xbd: {  	s3 =	sand.u32 $0x4000, s31;
	s1 =	sadd.s32 s1, s30  }
0xbe: {  	s0 =	sor.u32 s3, s0;
	s1 =	sshll.u32 s1, $0x11  }
0xbf: {  	s0 =	sor.u32 s1, s0  }
0xc0: {  	s0 =	sadd.s32 $0x8F2B, s0  }
0xc1: {  	[sflag:s0] =	ssyncadd.remote.s32 $0x1  }
0xc2: {  	_ =	sfence.sel $0xFFFF  }
0xc3: {  	[dreg:$0x0] =	wrdreg $0xFFFFFFFF;
	(pc) =	sbr.abs _section_cstart, $3  }
0xc4: {  	[dreg:$0x1] =	wrdreg $0xFFFFFFFF  }
0xc5: {  	_ =	task.clear_ibuf [dreg:s9], $0x2FFFF;
	_ =	strace $0x9FFFFFFF  }
0xc6: {  	(tm) =	ssettm $0x7FFFFFFF  }
0xc7: {  	_ =	shalt  }
tec
execute0_lowered:
.L_overlay_start_1:
0x0: {  	(tag) =	ssettag $0x1  }
0x1: {  	s0 =	rddreg [dreg:$0x0]  }
0x2: {  	s1 =	rddreg [dreg:$0x1]  }
0x3: {  	s16 =	rddreg [dreg:$0x2]  }
0x4: {  	s17 =	rddreg [dreg:$0x3];
	s2 =	simm.s32 $0x0  }
0x5: {  	s3 =	srdreg.scid;
	s6 =	stileid.u32;
	s22 =	simm.s32 $0x80  }
0x6: {  	s21 =	simm.s32 $0x1;
	s28 =	simm.s32 $0x480;
	s29 =	simm.s32 $0x100  }
0x7: {  	s30 =	simm.s32 $0x300;
	s31 =	simm.s32 $0x500;
	[smem:$0x7FF] =	sst s2  }
0x8: {  	s4 =	sand.u32 $0x1, s3;
	s6 =	sshll.u32 s6, $0x1;
	s3 =	sadd.s32 $0xF42400, s17  }
0x9: {  	_ =	strace $0x80000047;
	s5 =	ssub.s32 $0x2, s4;
	s18 =	sor.u32 s4, s6  }
0xa: {  	s4 =	sadd.s32 $0x1312E00, s17;
	s6 =	simm.s32 $0x380;
	s7 =	sshrl.u32 s5, $0x1  }
0xb: {  	s14 =	sshll.u32 s18, $0x6;
	s26 =	sshll.u32 s18, $0x1;
	s19 =	ssub.s32 s5, s7  }
0xc: {  	s23 =	sadd.s32 s0, s14;
	s24 =	sadd.s32 s1, s14;
	s10 =	sor.u32 $0x10, s14  }
0xd: {  	s25 =	sadd.s32 s16, s14;
	s13 =	sor.u32 $0x20, s14;
	[dreg:$0x5] =	wrdreg s23  }
0xe: {  	s20 =	sor.u32 $0x30, s14;
	s17 =	sadd.s32 s17, s26;
	[dreg:$0x6] =	wrdreg s24  }
0xf: {  	s26 =	simm.s32 $0x280;
	s7 =	simm.s32 $0x580;
	[dreg:$0x7] =	wrdreg s25  }
0x10: {  	s8 =	sadd.s32 s0, s10;
	s9 =	sadd.s32 s1, s10;
	s10 =	sadd.s32 s16, s10  }
0x11: {  	v0 =	vlaneseq.u32;
	s11 =	sadd.s32 s0, s13;
	s12 =	sadd.s32 s1, s13;
	s13 =	sadd.s32 s16, s13  }
0x12: {  	v0 =	vmul.u32 $0x20, v0;
	s14 =	sadd.s32 s0, s20;
	s15 =	sadd.s32 s1, s20;
	s16 =	sadd.s32 s16, s20  }
0x13: {  	s18 =	smax.u32 s19, $0x1;
	s19 =	simm.s32 $0x2;
	s0 =	simm.s32 $0x600  }
0x14: {  	[tilespmem:$0x1FFF0] =	vst v0;
	s1 =	simm.s32 $0x4600;
	s20 =	simm.s32 $0x8600;
	s23 =	simm.s32 $0x0  }
.LBB2_1:
0x15: {  	s5 =	rddreg [dreg:$0x5]  }
0x16: {  	[tilespmem:s2], [sflag:$0x2] =	stream.linear.gather [hbm4b:s5+s2], $0x80, $0x38;
	[tilespmem:$0xC610] =	vst v63  }
0x17: {  	_ =	swait.ge [sflag:s19], $0x80  }
0x18: {  	[sflag:s19] =	ssyncset.done $0x0  }
0x19: {  	s24 =	simm.s32 $0x200;
	s25 =	rddreg [dreg:$0x6];
	[sflag:s19] =	ssyncadd.s32 $0xFFFFFF80  }
0x1a: {  	[tilespmem:s24], [sflag:$0x2] =	stream.linear.gather [hbm4b:s25+s2], $0x80, $0x38;
	[tilespmem:$0xC610] =	vst v63  }
0x1b: {  	_ =	swait.ge [sflag:s19], $0x80  }
0x1c: {  	[sflag:s19] =	ssyncset.done $0x0  }
0x1d: {  	s25 =	simm.s32 $0x400;
	s5 =	rddreg [dreg:$0x7];
	[sflag:s19] =	ssyncadd.s32 $0xFFFFFF80  }
0x1e: {  	[tilespmem:s25], [sflag:$0x2] =	stream.linear.gather [hbm4b:s5+s2], $0x80, $0x38;
	[tilespmem:$0xC610] =	vst v63  }
0x1f: {  	_ =	swait.ge [sflag:s19], $0x80  }
0x20: {  	[sflag:s19] =	ssyncset.done $0x0  }
0x21: {  	[sflag:s19] =	ssyncadd.s32 $0xFFFFFF80  }
0x22: {  	[tilespmem:s22], [sflag:$0x2] =	stream.linear.gather [hbm4b:s8+s2], $0x80, $0x38;
	[tilespmem:$0xC610] =	vst v63  }
0x23: {  	_ =	swait.ge [sflag:s19], $0x80  }
0x24: {  	[sflag:s19] =	ssyncset.done $0x0  }
0x25: {  	[sflag:s19] =	ssyncadd.s32 $0xFFFFFF80  }
0x26: {  	[tilespmem:s26], [sflag:$0x2] =	stream.linear.gather [hbm4b:s9+s2], $0x80, $0x38;
	[tilespmem:$0xC610] =	vst v63  }
0x27: {  	_ =	swait.ge [sflag:s19], $0x80  }
0x28: {  	[sflag:s19] =	ssyncset.done $0x0  }
0x29: {  	[sflag:s19] =	ssyncadd.s32 $0xFFFFFF80  }
0x2a: {  	[tilespmem:s28], [sflag:$0x2] =	stream.linear.gather [hbm4b:s10+s2], $0x80, $0x38;
	[tilespmem:$0xC610] =	vst v63  }
0x2b: {  	_ =	swait.ge [sflag:s19], $0x80  }
0x2c: {  	[sflag:s19] =	ssyncset.done $0x0  }
0x2d: {  	[sflag:s19] =	ssyncadd.s32 $0xFFFFFF80  }
0x2e: {  	[tilespmem:s29], [sflag:$0x2] =	stream.linear.gather [hbm4b:s11+s2], $0x80, $0x38;
	[tilespmem:$0xC610] =	vst v63  }
0x2f: {  	_ =	swait.ge [sflag:s19], $0x80  }
0x30: {  	[sflag:s19] =	ssyncset.done $0x0  }
0x31: {  	[sflag:s19] =	ssyncadd.s32 $0xFFFFFF80  }
0x32: {  	[tilespmem:s30], [sflag:$0x2] =	stream.linear.gather [hbm4b:s12+s2], $0x80, $0x38;
	[tilespmem:$0xC610] =	vst v63  }
0x33: {  	_ =	swait.ge [sflag:s19], $0x80  }
0x34: {  	[sflag:s19] =	ssyncset.done $0x0  }
0x35: {  	[sflag:s19] =	ssyncadd.s32 $0xFFFFFF80  }
0x36: {  	[tilespmem:s31], [sflag:$0x2] =	stream.linear.gather [hbm4b:s13+s2], $0x80, $0x38;
	[tilespmem:$0xC610] =	vst v63  }
0x37: {  	_ =	swait.ge [sflag:s19], $0x80  }
0x38: {  	[sflag:s19] =	ssyncset.done $0x0  }
0x39: {  	s5 =	simm.s32 $0x180;
	[sflag:s19] =	ssyncadd.s32 $0xFFFFFF80  }
0x3a: {  	[tilespmem:s5], [sflag:$0x2] =	stream.linear.gather [hbm4b:s14+s2], $0x80, $0x38;
	[tilespmem:$0xC610] =	vst v63  }
0x3b: {  	_ =	swait.ge [sflag:s19], $0x80  }
0x3c: {  	[sflag:s19] =	ssyncset.done $0x0  }
0x3d: {  	[sflag:s19] =	ssyncadd.s32 $0xFFFFFF80  }
0x3e: {  	[tilespmem:s6], [sflag:$0x2] =	stream.linear.gather [hbm4b:s15+s2], $0x80, $0x38;
	[tilespmem:$0xC610] =	vst v63  }
0x3f: {  	_ =	swait.ge [sflag:s19], $0x80  }
0x40: {  	[sflag:s19] =	ssyncset.done $0x0  }
0x41: {  	[sflag:s19] =	ssyncadd.s32 $0xFFFFFF80  }
0x42: {  	[tilespmem:s7], [sflag:$0x2] =	stream.linear.gather [hbm4b:s16+s2], $0x80, $0x38;
	[tilespmem:$0xC610] =	vst v63  }
0x43: {  	_ =	swait.ge [sflag:s19], $0x80  }
0x44: {  	[sflag:s19] =	ssyncset.done $0x0  }
0x45: {  	[sflag:s19] =	ssyncadd.s32 $0xFFFFFF80  }
0x46: {  	[tilespmem:s0], [sflag:$0x1] =	stream.indirect.gather [hbm4b:s3+s22], $0x20, s2, s22, $0xb8;
	[tilespmem:$0xC610] =	vst v63  }
0x47: {  	_ = 	snop  }
0x48: {  	[tilespmem:s1], [sflag:$0x1] =	stream.indirect.gather [hbm4b:s4+s22], $0x20, s24, s22, $0xb8;
	[tilespmem:$0xC610] =	vst v63  }
0x49: {  	_ = 	snop  }
0x4a: {  	[tilespmem:s20], [sflag:$0x1] =	stream.indirect.gather [hbm4b:s4+s22], $0x20, s25, s22, $0xb8;
	[tilespmem:$0xC610] =	vst v63  }
0x4b: {  	s25 =	simm.s32 $0x1600  }
0x4c: {  	[tilespmem:s25], [sflag:$0x1] =	stream.indirect.gather [hbm4b:s3+s22], $0x20, s22, s22, $0xb8;
	[tilespmem:$0xC610] =	vst v63  }
0x4d: {  	s25 =	simm.s32 $0x5600  }
0x4e: {  	[tilespmem:s25], [sflag:$0x1] =	stream.indirect.gather [hbm4b:s4+s22], $0x20, s26, s22, $0xb8;
	[tilespmem:$0xC610] =	vst v63  }
0x4f: {  	s25 =	simm.s32 $0x9600  }
0x50: {  	[tilespmem:s25], [sflag:$0x1] =	stream.indirect.gather [hbm4b:s4+s22], $0x20, s28, s22, $0xb8;
	[tilespmem:$0xC610] =	vst v63  }
0x51: {  	s25 =	simm.s32 $0x2600  }
0x52: {  	[tilespmem:s25], [sflag:$0x1] =	stream.indirect.gather [hbm4b:s3+s22], $0x20, s29, s22, $0xb8;
	[tilespmem:$0xC610] =	vst v63  }
0x53: {  	s25 =	simm.s32 $0x6600  }
0x54: {  	[tilespmem:s25], [sflag:$0x1] =	stream.indirect.gather [hbm4b:s4+s22], $0x20, s30, s22, $0xb8;
	[tilespmem:$0xC610] =	vst v63  }
0x55: {  	s25 =	simm.s32 $0xA600  }
0x56: {  	[tilespmem:s25], [sflag:$0x1] =	stream.indirect.gather [hbm4b:s4+s22], $0x20, s31, s22, $0xb8;
	[tilespmem:$0xC610] =	vst v63  }
0x57: {  	s25 =	simm.s32 $0x3600  }
0x58: {  	[tilespmem:s25], [sflag:$0x1] =	stream.indirect.gather [hbm4b:s3+s22], $0x20, s5, s22, $0xb8;
	[tilespmem:$0xC610] =	vst v63  }
0x59: {  	s24 =	simm.s32 $0x7600  }
0x5a: {  	[tilespmem:s24], [sflag:$0x1] =	stream.indirect.gather [hbm4b:s4+s22], $0x20, s6, s22, $0xb8;
	[tilespmem:$0xC610] =	vst v63  }
0x5b: {  	s25 =	simm.s32 $0xB600  }
0x5c: {  	[tilespmem:s25], [sflag:$0x1] =	stream.indirect.gather [hbm4b:s4+s22], $0x20, s7, s22, $0xb8;
	[tilespmem:$0xC610] =	vst v63  }
0x5d: {  	_ =	swait.ge [sflag:s21], $0x1000  }
0x5e: {  	[sflag:s21] =	ssyncset.done $0x0  }
0x5f: {  	[sflag:s21] =	ssyncadd.s32 $0xFFFFF000  }
0x60: {  	_ =	swait.ge [sflag:s21], $0x1000  }
0x61: {  	[sflag:s21] =	ssyncset.done $0x0  }
0x62: {  	[sflag:s21] =	ssyncadd.s32 $0xFFFFF000  }
0x63: {  	_ =	swait.ge [sflag:s21], $0x1000  }
0x64: {  	[sflag:s21] =	ssyncset.done $0x0  }
0x65: {  	[sflag:s21] =	ssyncadd.s32 $0xFFFFF000  }
0x66: {  	_ =	swait.ge [sflag:s21], $0x1000  }
0x67: {  	[sflag:s21] =	ssyncset.done $0x0  }
0x68: {  	[sflag:s21] =	ssyncadd.s32 $0xFFFFF000  }
0x69: {  	_ =	swait.ge [sflag:s21], $0x1000  }
0x6a: {  	[sflag:s21] =	ssyncset.done $0x0  }
0x6b: {  	[sflag:s21] =	ssyncadd.s32 $0xFFFFF000  }
0x6c: {  	_ =	swait.ge [sflag:s21], $0x1000  }
0x6d: {  	[sflag:s21] =	ssyncset.done $0x0  }
0x6e: {  	[sflag:s21] =	ssyncadd.s32 $0xFFFFF000  }
0x6f: {  	_ =	swait.ge [sflag:s21], $0x1000  }
0x70: {  	[sflag:s21] =	ssyncset.done $0x0  }
0x71: {  	[sflag:s21] =	ssyncadd.s32 $0xFFFFF000  }
0x72: {  	_ =	swait.ge [sflag:s21], $0x1000  }
0x73: {  	[sflag:s21] =	ssyncset.done $0x0  }
0x74: {  	[sflag:s21] =	ssyncadd.s32 $0xFFFFF000  }
0x75: {  	_ =	swait.ge [sflag:s21], $0x1000  }
0x76: {  	[sflag:s21] =	ssyncset.done $0x0  }
0x77: {  	[sflag:s21] =	ssyncadd.s32 $0xFFFFF000  }
0x78: {  	_ =	swait.ge [sflag:s21], $0x1000  }
0x79: {  	[sflag:s21] =	ssyncset.done $0x0  }
0x7a: {  	[sflag:s21] =	ssyncadd.s32 $0xFFFFF000  }
0x7b: {  	_ =	swait.ge [sflag:s21], $0x1000  }
0x7c: {  	v1 =	vld [tilespmem:$0x1FFF0];
	_ =	sdelay $0x2  }
0x7d: {  	v0 =	vmov s2  }
0x7e: {  	v0 =	vshll.u32 v0, $0x5  }
0x7f: {  	[sflag:s21] =	ssyncset.done $0x0;
	v0 =	vor.u32 v1, v0  }
0x80: {  	[sflag:s21] =	ssyncadd.s32 $0xFFFFF000  }
0x81: {  	_ =	swait.ge [sflag:s21], $0x1000  }
0x82: {  	[sflag:s21] =	ssyncset.done $0x0;
	v1 =	vor.u32 $0x12, v0  }
0x83: {  	[sflag:s21] =	ssyncadd.s32 $0xFFFFF000;
	v2 =	vor.u32 $0x11, v0  }
0x84: {  	v3 =	vor.u32 $0x10, v0;
	v14 =	vld.idx.msk [tilespmem:v0+s0+$0x0], $0xffff  }
0x85: {  	v4 =	vor.u32 $0xE, v0;
	v27 =	vld.idx.msk [tilespmem:v0+s1+$0x0], $0xffff  }
0x86: {  	v7 =	vor.u32 $0xD, v0;
	v54 =	vld.idx.msk [tilespmem:v0+s20+$0x0], $0xffff  }
0x87: {  	v8 =	vor.u32 $0xC, v0;
	v11 =	vld.idx.msk [tilespmem:v1+s0+$0x0], $0xffff  }
0x88: {  	v9 =	vor.u32 $0xA, v0;
	v12 =	vld.idx.msk [tilespmem:v2+s0+$0x0], $0xffff  }
0x89: {  	v10 =	vor.u32 $0x9, v0;
	v13 =	vld.idx.msk [tilespmem:v3+s0+$0x0], $0xffff  }
0x8a: {  	v15 =	vor.u32 $0x8, v0;
	v35 =	vld.idx.msk [tilespmem:v4+s0+$0x0], $0xffff  }
0x8b: {  	v17 =	vor.u32 $0x7, v0;
	v38 =	vld.idx.msk [tilespmem:v7+s0+$0x0], $0xffff  }
0x8c: {  	v19 =	vor.u32 $0x6, v0;
	v39 =	vld.idx.msk [tilespmem:v8+s0+$0x0], $0xffff  }
0x8d: {  	v20 =	vor.u32 $0x5, v0;
	v40 =	vld.idx.msk [tilespmem:v9+s0+$0x0], $0xffff  }
0x8e: {  	v21 =	vor.u32 $0x4, v0;
	v45 =	vld.idx.msk [tilespmem:v10+s0+$0x0], $0xffff  }
0x8f: {  	v22 =	vor.u32 $0x3, v0;
	v31 =	vld.idx.msk [tilespmem:v15+s0+$0x0], $0xffff  }
0x90: {  	v24 =	vor.u32 $0x2, v0;
	v36 =	vld.idx.msk [tilespmem:v17+s0+$0x0], $0xffff  }
0x91: {  	v5 =	vor.u32 $0x1, v0;
	v30 =	vld.idx.msk [tilespmem:v19+s0+$0x0], $0xffff  }
0x92: {  	v28 =	vld.idx.msk [tilespmem:v20+s0+$0x0], $0xffff  }
0x93: {  	v23 =	vld.idx.msk [tilespmem:v21+s0+$0x0], $0xffff  }
0x94: {  	v16 =	vld.idx.msk [tilespmem:v22+s0+$0x0], $0xffff  }
0x95: {  	v18 =	vld.idx.msk [tilespmem:v24+s0+$0x0], $0xffff  }
0x96: {  	v32 =	vld.idx.msk [tilespmem:v5+s0+$0x0], $0xffff  }
0x97: {  	v42 =	vld.idx.msk [tilespmem:v5+s1+$0x0], $0xffff  }
0x98: {  	v34 =	vld.idx.msk [tilespmem:v5+s20+$0x0], $0xffff  }
0x99: {  	v43 =	vld.idx.msk [tilespmem:v24+s1+$0x0], $0xffff  }
0x9a: {  	v41 =	vld.idx.msk [tilespmem:v24+s20+$0x0], $0xffff  }
0x9b: {  	v44 =	vld.idx.msk [tilespmem:v22+s1+$0x0], $0xffff  }
0x9c: {  	v46 =	vld.idx.msk [tilespmem:v22+s20+$0x0], $0xffff  }
0x9d: {  	v37 =	vld.idx.msk [tilespmem:v21+s1+$0x0], $0xffff  }
0x9e: {  	v26 =	vor.u32 $0xB, v0;
	v49 =	vld.idx.msk [tilespmem:v20+s20+$0x0], $0xffff  }
0x9f: {  	v50 =	vld.idx.msk [tilespmem:v19+s1+$0x0], $0xffff  }
0xa0: {  	v51 =	vld.idx.msk [tilespmem:v19+s20+$0x0], $0xffff  }
0xa1: {  	v52 =	vld.idx.msk [tilespmem:v17+s1+$0x0], $0xffff  }
0xa2: {  	v53 =	vld.idx.msk [tilespmem:v10+s20+$0x0], $0xffff  }
0xa3: {  	v5 =	vimm.f32 $0.0e+00;
	v47 =	vld.idx.msk [tilespmem:v26+s20+$0x0], $0xffff  }
0xa4: {  	v6 =	vimm.f32 $0.0e+00;
	v56 =	vld.idx.msk [tilespmem:v8+s20+$0x0], $0xffff;
	[tilespmem:$0x1EDB0] =	vst v5;
	v24 =	vmul.f32 v14, v14  }
0xa5: {  	v25 =	vor.u32 $0xF, v0;
	v57 =	vld.idx.msk [tilespmem:v7+s1+$0x0], $0xffff;
	[tilespmem:$0x1EDC0] =	vst v27;
	v27 =	vmul.f32 v27, v27;
	v29 =	vmul.f32 v54, v54  }
0xa6: {  	v5 =	vld.idx.msk [tilespmem:v20+s1+$0x0], $0xffff;
	v33 =	vmul.f32 v42, v42;
	v22 =	vadd.f32 v24, v6;
	v24 =	vmul.f32 v32, v32  }
0xa7: {  	[tilespmem:$0x1EDD0] =	vst v34;
	v34 =	vmul.f32 v34, v34;
	v27 =	vadd.f32 v27, v6;
	v29 =	vadd.f32 v29, v6  }
0xa8: {  	v48 =	vmul.f32 v41, v41;
	v6 =	vld.idx.msk [tilespmem:v21+s20+$0x0], $0xffff;
	v21 =	vadd.f32 v24, v22;
	v22 =	vmul.f32 v18, v18  }
0xa9: {  	v60 =	vld.idx.msk [tilespmem:v7+s20+$0x0], $0xffff;
	v24 =	vmul.f32 v43, v43;
	v27 =	vadd.f32 v33, v27;
	v29 =	vadd.f32 v34, v29  }
0xaa: {  	v58 =	vld.idx.msk [tilespmem:v25+s20+$0x0], $0xffff;
	v20 =	vadd.f32 v22, v21;
	v21 =	vmul.f32 v16, v16;
	v22 =	vmul.f32 v44, v44  }
0xab: {  	[tilespmem:$0x1EF80] =	vst v11;
	v24 =	vadd.f32 v24, v27;
	v27 =	vadd.f32 v48, v29;
	v29 =	vmul.f32 v46, v46  }
0xac: {  	[tilespmem:$0x1EE40] =	vst v5;
	v19 =	vadd.f32 v21, v20;
	v20 =	vmul.f32 v23, v23;
	v21 =	vmul.f32 v37, v37  }
0xad: {  	[tilespmem:$0x1EE30] =	vst v6;
	v22 =	vadd.f32 v22, v24;
	v24 =	vadd.f32 v29, v27;
	v27 =	vmul.f32 v6, v6  }
0xae: {  	v6 =	vld.idx.msk [tilespmem:v17+s20+$0x0], $0xffff;
	v17 =	vadd.f32 v20, v19;
	v19 =	vmul.f32 v28, v28;
	v20 =	vmul.f32 v5, v5  }
0xaf: {  	v5 =	vld.idx.msk [tilespmem:v15+s1+$0x0], $0xffff;
	v21 =	vadd.f32 v21, v22;
	v22 =	vadd.f32 v27, v24;
	v24 =	vmul.f32 v49, v49  }
0xb0: {  	[tilespmem:$0x1EEE0] =	vst v40;
	v27 =	vld.idx.msk [tilespmem:v15+s20+$0x0], $0xffff;
	v15 =	vadd.f32 v19, v17;
	v17 =	vmul.f32 v30, v30  }
0xb1: {  	v29 =	vld.idx.msk [tilespmem:v10+s1+$0x0], $0xffff;
	v19 =	vmul.f32 v50, v50;
	v20 =	vadd.f32 v20, v21;
	v21 =	vadd.f32 v24, v22  }
0xb2: {  	[tilespmem:$0x1EE20] =	vst v37;
	v22 =	vmul.f32 v51, v51;
	v10 =	vadd.f32 v17, v15;
	v15 =	vmul.f32 v36, v36  }
0xb3: {  	v24 =	vld.idx.msk [tilespmem:v9+s1+$0x0], $0xffff;
	[tilespmem:$0x1EE90] =	vst v6;
	v17 =	vmul.f32 v52, v52;
	v19 =	vadd.f32 v19, v20  }
0xb4: {  	v20 =	vadd.f32 v22, v21;
	v21 =	vmul.f32 v6, v6;
	v6 =	vld.idx.msk [tilespmem:v9+s20+$0x0], $0xffff;
	v9 =	vadd.f32 v15, v10  }
0xb5: {  	[tilespmem:$0x1EEA0] =	vst v5;
	v10 =	vmul.f32 v31, v31;
	v15 =	vmul.f32 v5, v5;
	v17 =	vadd.f32 v17, v19  }
0xb6: {  	v19 =	vadd.f32 v21, v20;
	v20 =	vmul.f32 v27, v27;
	v5 =	vld.idx.msk [tilespmem:v26+s1+$0x0], $0xffff;
	v21 =	vmul.f32 v29, v29  }
0xb7: {  	v37 =	vld.idx.msk [tilespmem:v26+s0+$0x0], $0xffff;
	v9 =	vadd.f32 v10, v9;
	v10 =	vmul.f32 v45, v45;
	v15 =	vadd.f32 v15, v17  }
0xb8: {  	v48 =	vld.idx.msk [tilespmem:v8+s1+$0x0], $0xffff;
	v17 =	vadd.f32 v20, v19;
	v19 =	vmul.f32 v53, v53;
	v20 =	vmul.f32 v24, v24  }
0xb9: {  	[tilespmem:$0x1EDF0] =	vst v41;
	v9 =	vadd.f32 v10, v9;
	v10 =	vmul.f32 v40, v40;
	v8 =	vadd.f32 v21, v15  }
0xba: {  	v61 =	vld.idx.msk [tilespmem:v2+s1+$0x0], $0xffff;
	[tilespmem:$0x1EE70] =	vst v51;
	v15 =	vadd.f32 v19, v17;
	v17 =	vmul.f32 v6, v6  }
0xbb: {  	[tilespmem:$0x1EEC0] =	vst v29;
	v7 =	vmul.f32 v5, v5;
	v9 =	vadd.f32 v10, v9;
	v8 =	vadd.f32 v20, v8  }
0xbc: {  	v29 =	vld.idx.msk [tilespmem:v4+s1+$0x0], $0xffff;
	v10 =	vmul.f32 v37, v37;
	v15 =	vadd.f32 v17, v15;
	v17 =	vmul.f32 v47, v47  }
0xbd: {  	[tilespmem:$0x1EF10] =	vst v5;
	v5 =	vld.idx.msk [tilespmem:v4+s20+$0x0], $0xffff;
	v4 =	vmul.f32 v48, v48;
	v7 =	vadd.f32 v7, v8  }
0xbe: {  	v41 =	vld.idx.msk [tilespmem:v25+s0+$0x0], $0xffff;
	v9 =	vadd.f32 v10, v9;
	v8 =	vadd.f32 v17, v15;
	v15 =	vmul.f32 v56, v56  }
0xbf: {  	v51 =	vld.idx.msk [tilespmem:v25+s1+$0x0], $0xffff;
	v10 =	vmul.f32 v39, v39;
	v17 =	vmul.f32 v57, v57;
	v4 =	vadd.f32 v4, v7  }
0xc0: {  	[tilespmem:$0x1EED0] =	vst v53;
	v53 =	vld.idx.msk [tilespmem:v3+s20+$0x0], $0xffff;
	v7 =	vor.u32 $0x13, v0;
	v8 =	vadd.f32 v15, v8;
	v15 =	vmul.f32 v60, v60  }
0xc1: {  	v40 =	vld.idx.msk [tilespmem:v3+s1+$0x0], $0xffff;
	v3 =	vmul.f32 v29, v29;
	v9 =	vadd.f32 v10, v9;
	v10 =	vmul.f32 v38, v38  }
0xc2: {  	[tilespmem:$0x1EF70] =	vst v12;
	v4 =	vadd.f32 v17, v4;
	v8 =	vadd.f32 v15, v8;
	v15 =	vmul.f32 v5, v5  }
0xc3: {  	v59 =	vld.idx.msk [tilespmem:v1+s1+$0x0], $0xffff;
	[tilespmem:$0x1EF30] =	vst v38;
	v9 =	vadd.f32 v10, v9;
	v10 =	vmul.f32 v35, v35  }
0xc4: {  	[tilespmem:$0x1EE50] =	vst v49;
	v49 =	vld.idx.msk [tilespmem:v2+s20+$0x0], $0xffff;
	v2 =	vadd.f32 v3, v4;
	v4 =	vadd.f32 v15, v8;
	v8 =	vor.u32 $0x14, v0  }
0xc5: {  	[tilespmem:$0x1EDE0] =	vst v43;
	v43 =	vld.idx.msk [tilespmem:v7+s0+$0x0], $0xffff  }
0xc6: {  	v9 =	vadd.f32 v10, v9;
	v3 =	vmul.f32 v41, v41;
	v10 =	vmul.f32 v51, v51;
	v63 =	vld.idx.msk [tilespmem:v7+s1+$0x0], $0xffff  }
0xc7: {  	[tilespmem:$0x1EF20] =	vst v39;
	v15 =	vmul.f32 v58, v58;
	v62 =	vld.idx.msk [tilespmem:v7+s20+$0x0], $0xffff;
	v7 =	vor.u32 $0x16, v0  }
0xc8: {  	v55 =	vld.idx.msk [tilespmem:v1+s20+$0x0], $0xffff;
	[tilespmem:$0x1EE10] =	vst v46;
	v3 =	vadd.f32 v3, v9;
	v1 =	vadd.f32 v10, v2  }
0xc9: {  	v2 =	vadd.f32 v15, v4;
	v4 =	vmul.f32 v13, v13;
	v10 =	vmul.f32 v40, v40;
	v46 =	vld.idx.msk [tilespmem:v8+s0+$0x0], $0xffff  }
0xca: {  	[tilespmem:$0x1EE80] =	vst v52;
	v9 =	vor.u32 $0x15, v0;
	v15 =	vmul.f32 v53, v53;
	v38 =	vld.idx.msk [tilespmem:v8+s1+$0x0], $0xffff  }
0xcb: {  	v3 =	vadd.f32 v4, v3;
	v1 =	vadd.f32 v10, v1;
	v4 =	vmul.f32 v12, v12;
	v39 =	vld.idx.msk [tilespmem:v8+s20+$0x0], $0xffff  }
0xcc: {  	v2 =	vadd.f32 v15, v2;
	v10 =	vmul.f32 v61, v61;
	v15 =	vmul.f32 v49, v49;
	v52 =	vld.idx.msk [tilespmem:v7+s0+$0x0], $0xffff  }
0xcd: {  	[tilespmem:$0x1EF40] =	vst v35;
	v8 =	vor.u32 $0x17, v0;
	v3 =	vadd.f32 v4, v3;
	v4 =	vmul.f32 v11, v11;
	v33 =	vld.idx.msk [tilespmem:v7+s1+$0x0], $0xffff  }
0xce: {  	[tilespmem:$0x1EE60] =	vst v50;
	v1 =	vadd.f32 v10, v1;
	v10 =	vmul.f32 v59, v59;
	v35 =	vld.idx.msk [tilespmem:v7+s20+$0x0], $0xffff  }
0xcf: {  	v2 =	vadd.f32 v15, v2;
	v15 =	vmul.f32 v55, v55;
	v50 =	vld.idx.msk [tilespmem:v9+s0+$0x0], $0xffff;
	v3 =	vadd.f32 v4, v3  }
0xd0: {  	v34 =	vld.idx.msk [tilespmem:v9+s1+$0x0], $0xffff;
	v1 =	vadd.f32 v10, v1;
	v4 =	vmul.f32 v43, v43;
	v10 =	vmul.f32 v63, v63  }
0xd1: {  	[tilespmem:$0x1EE00] =	vst v44;
	v44 =	vld.idx.msk [tilespmem:v9+s20+$0x0], $0xffff;
	v9 =	vor.u32 $0x18, v0;
	v2 =	vadd.f32 v15, v2;
	v15 =	vmul.f32 v62, v62  }
0xd2: {  	v3 =	vadd.f32 v4, v3;
	v7 =	vmul.f32 v46, v46;
	v1 =	vadd.f32 v10, v1;
	v17 =	vld.idx.msk [tilespmem:v8+s0+$0x0], $0xffff  }
0xd3: {  	[tilespmem:$0x1EEB0] =	vst v27;
	v2 =	vadd.f32 v15, v2;
	v10 =	vmul.f32 v38, v38;
	v15 =	vor.u32 $0x19, v0;
	v26 =	vld.idx.msk [tilespmem:v8+s1+$0x0], $0xffff  }
0xd4: {  	v27 =	vld.idx.msk [tilespmem:v8+s20+$0x0], $0xffff;
	v7 =	vadd.f32 v7, v3;
	v3 =	vmul.f32 v39, v39;
	v8 =	vmul.f32 v50, v50  }
0xd5: {  	[tilespmem:$0x1EF60] =	vst v13;
	v1 =	vadd.f32 v10, v1;
	v10 =	vmul.f32 v34, v34  }
0xd6: {  	v13 =	vld.idx.msk [tilespmem:v9+s0+$0x0], $0xffff;
	v19 =	vmul.f32 v44, v44;
	v2 =	vadd.f32 v3, v2;
	v7 =	vadd.f32 v8, v7  }
0xd7: {  	[tilespmem:$0x1EEF0] =	vst v24;
	v24 =	vld.idx.msk [tilespmem:v9+s1+$0x0], $0xffff;
	v10 =	vadd.f32 v10, v1;
	v8 =	vmul.f32 v52, v52;
	v1 =	vor.u32 $0x1A, v0  }
0xd8: {  	[tilespmem:$0x1EF00] =	vst v6;
	v25 =	vld.idx.msk [tilespmem:v9+s20+$0x0], $0xffff;
	v3 =	vmul.f32 v33, v33  }
0xd9: {  	v12 =	vld.idx.msk [tilespmem:v15+s0+$0x0], $0xffff;
	v4 =	vadd.f32 v19, v2;
	v7 =	vadd.f32 v8, v7;
	v2 =	vmul.f32 v17, v17  }
0xda: {  	[tilespmem:$0x1EF50] =	vst v5;
	v21 =	vld.idx.msk [tilespmem:v15+s1+$0x0], $0xffff;
	v8 =	vmul.f32 v35, v35  }
0xdb: {  	v22 =	vld.idx.msk [tilespmem:v15+s20+$0x0], $0xffff;
	v5 =	vadd.f32 v3, v10;
	v10 =	vadd.f32 v2, v7;
	v7 =	vmul.f32 v26, v26  }
0xdc: {  	v3 =	vmul.f32 v27, v27;
	v6 =	vadd.f32 v8, v4;
	v4 =	vmul.f32 v13, v13;
	v11 =	vld.idx.msk [tilespmem:v1+s0+$0x0], $0xffff  }
0xdd: {  	v5 =	vadd.f32 v7, v5;
	v7 =	vmul.f32 v24, v24  }
0xde: {  	v20 =	vld.idx.msk [tilespmem:v1+s1+$0x0], $0xffff;
	v3 =	vadd.f32 v3, v6;
	v8 =	vadd.f32 v4, v10;
	v6 =	vmul.f32 v25, v25  }
0xdf: {  	v19 =	vld.idx.msk [tilespmem:v1+s20+$0x0], $0xffff;
	v4 =	vmul.f32 v21, v21;
	v5 =	vadd.f32 v7, v5;
	v7 =	vmul.f32 v12, v12  }
0xe0: {  	v2 =	vor.u32 $0x1B, v0;
	v1 =	vmul.f32 v22, v22;
	v3 =	vadd.f32 v6, v3;
	v6 =	vld [tilespmem:$0x1EDC0]  }
0xe1: {  	v7 =	vadd.f32 v7, v8;
	v4 =	vadd.f32 v4, v5;
	v5 =	vmul.f32 v11, v11;
	_ =	sdelay $0x1  }
0xe2: {  	v10 =	vadd.f32 v1, v3;
	v1 =	vadd.f32 v5, v7;
	v5 =	vld [tilespmem:$0x1EDD0]  }
0xe3: {  	v9 =	vmul.f32 v54, v14  }
0xe4: {  	v54 =	vmul.f32 v20, v20;
	v6 =	vmul.f32 v6, v14  }
0xe5: {  	v14 =	vld.idx.msk [tilespmem:v2+s0+$0x0], $0xffff  }
0xe6: {  	v3 =	vadd.f32 $0.0e+00, v6;
	v6 =	vmul.f32 v42, v32;
	v42 =	vadd.f32 v54, v4;
	v54 =	vld.idx.msk [tilespmem:v2+s20+$0x0], $0xffff  }
0xe7: {  	v7 =	vmul.f32 v5, v32;
	v32 =	vld.idx.msk [tilespmem:v2+s1+$0x0], $0xffff  }
0xe8: {  	v2 =	vld [tilespmem:$0x1EDE0];
	_ =	sdelay $0x4  }
0xe9: {  	v3 =	vadd.f32 v6, v3;
	v5 =	vld [tilespmem:$0x1EDF0];
	v2 =	vmul.f32 v2, v18  }
0xea: {  	v9 =	vadd.f32 $0.0e+00, v9  }
0xeb: {  	v2 =	vadd.f32 v2, v3;
	v3 =	vld [tilespmem:$0x1EE00]  }
0xec: {  	v4 =	vadd.f32 v7, v9;
	v7 =	vmul.f32 v19, v19;
	v9 =	vmul.f32 v14, v14;
	_ =	sdelay $0x1  }
0xed: {  	v18 =	vmul.f32 v5, v18;
	v5 =	vadd.f32 v7, v10;
	v10 =	vadd.f32 v9, v1;
	v1 =	vld [tilespmem:$0x1EE10];
	_ =	sdelay $0x1  }
0xee: {  	v3 =	vmul.f32 v3, v16;
	_ =	sdelay $0x1  }
0xef: {  	v9 =	vadd.f32 v18, v4;
	v4 =	vadd.f32 v3, v2;
	v3 =	vmul.f32 v32, v32  }
0xf0: {  	v7 =	vmul.f32 v1, v16;
	v1 =	vld [tilespmem:$0x1EE20]  }
0xf1: {  	v42 =	vadd.f32 v3, v42;
	v3 =	vld [tilespmem:$0x1EE30];
	_ =	sdelay $0x4  }
0xf2: {  	v18 =	vmul.f32 v1, v23;
	v23 =	vmul.f32 v3, v23;
	v3 =	vld [tilespmem:$0x1EE40];
	_ =	sdelay $0x1  }
0xf3: {  	v8 =	vor.u32 $0x1C, v0  }
0xf4: {  	v1 =	vmul.f32 v54, v54;
	_ =	sdelay $0x1  }
0xf5: {  	v1 =	vadd.f32 v1, v5;
	v5 =	vmul.f32 v3, v28;
	v3 =	vld [tilespmem:$0x1EE50];
	_ =	sdelay $0x1  }
0xf6: {  	v15 =	vld.idx.msk [tilespmem:v8+s20+$0x0], $0xffff  }
0xf7: {  	v6 =	vld.idx.msk [tilespmem:v8+s1+$0x0], $0xffff  }
0xf8: {  	v16 =	vld.idx.msk [tilespmem:v8+s0+$0x0], $0xffff  }
0xf9: {  	v8 =	vmul.f32 v3, v28;
	v3 =	vld [tilespmem:$0x1EE60];
	_ =	sdelay $0x2  }
0xfa: {  	v4 =	vadd.f32 v18, v4;
	_ =	sdelay $0x1  }
0xfb: {  	v4 =	vadd.f32 v5, v4;
	v5 =	vmul.f32 v3, v30;
	v3 =	vld [tilespmem:$0x1EE70];
	_ =	sdelay $0x2  }
0xfc: {  	v7 =	vadd.f32 v7, v9;
	v9 =	vmul.f32 v16, v16;
	_ =	sdelay $0x1  }
0xfd: {  	v9 =	vadd.f32 v9, v10;
	v10 =	vmul.f32 v3, v30;
	v3 =	vld [tilespmem:$0x1EE80];
	_ =	sdelay $0x4  }
0xfe: {  	v4 =	vadd.f32 v5, v4;
	v5 =	vmul.f32 v3, v36  }
0xff: {  	v2 =	vor.u32 $0x1D, v0;
	v7 =	vadd.f32 v23, v7  }
0x100: {  	v23 =	vmul.f32 v6, v6;
	v4 =	vadd.f32 v5, v4;
	v5 =	vld [tilespmem:$0x1EEA0]  }
0x101: {  	v7 =	vadd.f32 v8, v7  }
0x102: {  	v8 =	vadd.f32 v23, v42;
	v23 =	vld [tilespmem:$0x1EE90]  }
0x103: {  	v7 =	vadd.f32 v10, v7;
	v10 =	vmul.f32 v15, v15  }
0x104: {  	v18 =	vld.idx.msk [tilespmem:v2+s0+$0x0], $0xffff  }
0x105: {  	v1 =	vadd.f32 v10, v1;
	v10 =	vld [tilespmem:$0x1EEB0];
	v5 =	vmul.f32 v5, v31  }
0x106: {  	v3 =	vld.idx.msk [tilespmem:v2+s1+$0x0], $0xffff  }
0x107: {  	v23 =	vmul.f32 v23, v36;
	v4 =	vadd.f32 v5, v4;
	v5 =	vld [tilespmem:$0x1EEC0];
	_ =	sdelay $0x1  }
0x108: {  	v7 =	vadd.f32 v23, v7;
	v23 =	vmul.f32 v18, v18  }
0x109: {  	v30 =	vld [tilespmem:$0x1EED0];
	v10 =	vmul.f32 v10, v31  }
0x10a: {  	v23 =	vadd.f32 v23, v9;
	v9 =	vld [tilespmem:$0x1EF00];
	[tilespmem:$0x1EF90] =	vst v3  }
0x10b: {  	v7 =	vadd.f32 v10, v7;
	v10 =	vmul.f32 v3, v3;
	v3 =	vld.idx.msk [tilespmem:v2+s20+$0x0], $0xffff;
	v5 =	vmul.f32 v5, v45  }
0x10c: {  	v2 =	vld [tilespmem:$0x1EEE0]  }
0x10d: {  	v4 =	vadd.f32 v5, v4;
	v5 =	vld [tilespmem:$0x1EEF0];
	_ =	sdelay $0x3  }
0x10e: {  	v30 =	vmul.f32 v30, v45  }
0x10f: {  	v8 =	vadd.f32 v10, v8;
	v10 =	vmul.f32 v9, v2;
	v5 =	vmul.f32 v5, v2;
	v2 =	vld [tilespmem:$0x1EF10];
	_ =	sdelay $0x1  }
0x110: {  	v7 =	vadd.f32 v30, v7;
	_ =	sdelay $0x1  }
0x111: {  	v28 =	vor.u32 $0x1E, v0;
	v7 =	vadd.f32 v10, v7;
	v10 =	vor.u32 $0x1F, v0;
	v0 =	vld [tilespmem:$0x1EF30]  }
0x112: {  	v30 =	vmul.f32 v2, v37;
	v2 =	vld [tilespmem:$0x1EF20];
	_ =	sdelay $0x1  }
0x113: {  	v31 =	vmul.f32 v47, v37;
	v47 =	vmul.f32 v3, v3  }
0x114: {  	v4 =	vadd.f32 v5, v4  }
0x115: {  	v47 =	vadd.f32 v47, v1  }
0x116: {  	v60 =	vmul.f32 v60, v0;
	v4 =	vadd.f32 v30, v4;
	v5 =	vmul.f32 v48, v2  }
0x117: {  	s5 =	simm.s32 $0x10;
	v1 =	vld [tilespmem:$0x1EF50];
	v30 =	vmul.f32 v57, v0;
	v0 =	vadd.f32 v31, v7;
	v56 =	vmul.f32 v56, v2  }
0x118: {  	v2 =	vld [tilespmem:$0x1EF40];
	v4 =	vadd.f32 v5, v4;
	v5 =	vmov s5  }
0x119: {  	v31 =	vadd.f32 v56, v0;
	v0 =	vshll.u32 v5, $0x5;
	v5 =	vld [tilespmem:$0x1FFF0];
	_ =	sdelay $0x3  }
0x11a: {  	v9 =	vld.idx.msk [tilespmem:v28+s1+$0x0], $0xffff  }
0x11b: {  	v1 =	vmul.f32 v1, v2;
	v0 =	vor.u32 v5, v0;
	v5 =	vmul.f32 v29, v2;
	v2 =	vld [tilespmem:$0x1EF60]  }
0x11c: {  	v38 =	vmul.f32 v38, v46;
	v39 =	vmul.f32 v39, v46;
	v45 =	vld.idx.msk [tilespmem:v28+s0+$0x0], $0xffff  }
0x11d: {  	v34 =	vmul.f32 v34, v50;
	[tilespmem:$0x1EFA0] =	vst v3;
	v3 =	vld.idx.msk [tilespmem:v10+s0+$0x0], $0xffff;
	v29 =	vadd.f32 v30, v4  }
0x11e: {  	v50 =	vmul.f32 v44, v50;
	v33 =	vmul.f32 v33, v52;
	v57 =	vld.idx.msk [tilespmem:v10+s1+$0x0], $0xffff  }
0x11f: {  	v26 =	vmul.f32 v26, v17;
	v5 =	vadd.f32 v5, v29;
	v29 =	vmul.f32 v58, v41;
	v58 =	vld.idx.msk [tilespmem:v10+s20+$0x0], $0xffff  }
0x120: {  	v30 =	vadd.f32 v60, v31;
	v10 =	vmul.f32 v40, v2;
	v31 =	vmul.f32 v53, v2;
	v2 =	vld [tilespmem:$0x1EF70]  }
0x121: {  	v7 =	vmul.f32 v45, v45;
	v4 =	vld.idx.msk [tilespmem:v28+s20+$0x0], $0xffff;
	v28 =	vmul.f32 v51, v41  }
0x122: {  	v17 =	vmul.f32 v27, v17;
	v24 =	vmul.f32 v24, v13  }
0x123: {  	v36 =	vmul.f32 v9, v9;
	v7 =	vadd.f32 v7, v23;
	v5 =	vadd.f32 v28, v5  }
0x124: {  	v23 =	vor.u32 $0xE, v0;
	v46 =	vor.u32 $0x4, v0;
	v1 =	vadd.f32 v1, v30  }
0x125: {  	v5 =	vadd.f32 v10, v5;
	v48 =	vmul.f32 v61, v2;
	v10 =	vmul.f32 v49, v2;
	v2 =	vld [tilespmem:$0x1EF80]  }
0x126: {  	v27 =	vmul.f32 v3, v3;
	v51 =	vor.u32 $0x1, v0;
	v1 =	vadd.f32 v29, v1;
	v37 =	vld.idx.msk [tilespmem:v0+s0+$0x0], $0xffff  }
0x127: {  	v36 =	vadd.f32 v36, v8;
	v8 =	vmul.f32 v35, v52;
	v29 =	vor.u32 $0xC, v0;
	v53 =	vld.idx.msk [tilespmem:v0+s1+$0x0], $0xffff  }
0x128: {  	v7 =	vadd.f32 v27, v7;
	v28 =	vor.u32 $0xD, v0;
	v40 =	vld.idx.msk [tilespmem:v0+s20+$0x0], $0xffff;
	v1 =	vadd.f32 v31, v1  }
0x129: {  	[tilespmem:$0x1EFB0] =	vst v45;
	v30 =	vor.u32 $0xB, v0;
	v60 =	vld.idx.msk [tilespmem:v23+s0+$0x0], $0xffff;
	v49 =	vor.u32 $0x7, v0;
	v5 =	vadd.f32 v48, v5  }
0x12a: {  	v52 =	vld.idx.msk [tilespmem:v46+s0+$0x0], $0xffff;
	v1 =	vadd.f32 v10, v1;
	v42 =	vmul.f32 v59, v2;
	v56 =	vmul.f32 v55, v2  }
0x12b: {  	[tilespmem:$0x1EFD0] =	vst v3;
	v45 =	vor.u32 $0x9, v0;
	v27 =	vld.idx.msk [tilespmem:v51+s20+$0x0], $0xffff;
	v10 =	vor.u32 $0x8, v0;
	v59 =	vmul.f32 v63, v43  }
0x12c: {  	v61 =	vld.idx.msk [tilespmem:v29+s0+$0x0], $0xffff;
	v63 =	vmul.f32 v62, v43;
	v5 =	vadd.f32 v42, v5;
	v1 =	vadd.f32 v56, v1  }
0x12d: {  	v13 =	vmul.f32 v25, v13;
	v21 =	vmul.f32 v21, v12;
	[tilespmem:$0x1EFE0] =	vst v57;
	v31 =	vor.u32 $0xA, v0;
	v2 =	vld.idx.msk [tilespmem:v28+s0+$0x0], $0xffff  }
0x12e: {  	[tilespmem:$0x1F000] =	vst v58;
	v43 =	vor.u32 $0x6, v0;
	v55 =	vld.idx.msk [tilespmem:v30+s0+$0x0], $0xffff;
	v5 =	vadd.f32 v59, v5;
	v1 =	vadd.f32 v63, v1  }
0x12f: {  	v12 =	vmul.f32 v22, v12;
	v6 =	vmul.f32 v6, v16;
	[tilespmem:$0x1EFC0] =	vst v53;
	v48 =	vor.u32 $0x5, v0;
	v44 =	vld.idx.msk [tilespmem:v49+s0+$0x0], $0xffff  }
0x130: {  	[tilespmem:$0x1EFF0] =	vst v40;
	v42 =	vld.idx.msk [tilespmem:v45+s0+$0x0], $0xffff;
	v5 =	vadd.f32 v38, v5;
	v1 =	vadd.f32 v39, v1  }
0x131: {  	v3 =	vmul.f32 v15, v16;
	[tilespmem:$0x1F1F0] =	vst v60;
	v56 =	vld.idx.msk [tilespmem:v10+s0+$0x0], $0xffff;
	v63 =	vmul.f32 v4, v4  }
0x132: {  	[tilespmem:$0x1F020] =	vst v27;
	v59 =	vld.idx.msk [tilespmem:v31+s0+$0x0], $0xffff;
	v5 =	vadd.f32 v34, v5;
	v41 =	vadd.f32 v50, v1  }
0x133: {  	v25 =	vmul.f32 v58, v58;
	[tilespmem:$0x1F1C0] =	vst v61;
	v62 =	vld.idx.msk [tilespmem:v43+s0+$0x0], $0xffff;
	v38 =	vor.u32 $0x3, v0;
	v35 =	vadd.f32 v63, v47  }
0x134: {  	[tilespmem:$0x1F1E0] =	vst v2;
	v39 =	vor.u32 $0x2, v0;
	v1 =	vld.idx.msk [tilespmem:v48+s0+$0x0], $0xffff;
	v5 =	vadd.f32 v33, v5;
	v33 =	vadd.f32 v8, v41  }
0x135: {  	v16 =	vmul.f32 v40, v40;
	[tilespmem:$0x1F1A0] =	vst v55;
	v22 =	vadd.f32 v25, v35;
	v25 =	vld.idx.msk [tilespmem:v46+s1+$0x0], $0xffff  }
0x136: {  	[tilespmem:$0x1F0E0] =	vst v44;
	v46 =	vld.idx.msk [tilespmem:v46+s20+$0x0], $0xffff;
	v17 =	vadd.f32 v17, v33  }
0x137: {  	[tilespmem:$0x1F140] =	vst v42;
	v16 =	vadd.f32 v16, v22;
	v22 =	vld.idx.msk [tilespmem:v48+s20+$0x0], $0xffff;
	v47 =	vadd.f32 v26, v5  }
0x138: {  	v20 =	vmul.f32 v20, v11;
	[tilespmem:$0x1F110] =	vst v56;
	v41 =	vld.idx.msk [tilespmem:v38+s0+$0x0], $0xffff;
	v13 =	vadd.f32 v13, v17  }
0x139: {  	v11 =	vmul.f32 v19, v11;
	[tilespmem:$0x1F170] =	vst v59;
	v34 =	vld.idx.msk [tilespmem:v39+s0+$0x0], $0xffff;
	v24 =	vadd.f32 v24, v47  }
0x13a: {  	v19 =	vmul.f32 v32, v14;
	[tilespmem:$0x1F0C0] =	vst v62;
	v5 =	vld.idx.msk [tilespmem:v51+s1+$0x0], $0xffff;
	v12 =	vadd.f32 v12, v13  }
0x13b: {  	v63 =	vmul.f32 v57, v57;
	v8 =	vld.idx.msk [tilespmem:v39+s1+$0x0], $0xffff;
	[tilespmem:$0x1F090] =	vst v1;
	v21 =	vadd.f32 v21, v24  }
0x13c: {  	v14 =	vmul.f32 v54, v14;
	v26 =	vld.idx.msk [tilespmem:v51+s0+$0x0], $0xffff;
	[tilespmem:$0x1F070] =	vst v25;
	v11 =	vadd.f32 v11, v12  }
0x13d: {  	[tilespmem:$0x1F080] =	vst v46;
	v17 =	vadd.f32 v63, v36;
	v24 =	vld.idx.msk [tilespmem:v39+s20+$0x0], $0xffff;
	v20 =	vadd.f32 v20, v21  }
0x13e: {  	[tilespmem:$0x1F0B0] =	vst v22;
	v21 =	vld.idx.msk [tilespmem:v38+s1+$0x0], $0xffff;
	v11 =	vadd.f32 v14, v11;
	v14 =	vmul.f32 v53, v53  }
0x13f: {  	[tilespmem:$0x1F010] =	vst v5;
	v38 =	vld.idx.msk [tilespmem:v38+s20+$0x0], $0xffff;
	v12 =	vadd.f32 v19, v20  }
0x140: {  	v19 =	vmul.f32 v5, v5;
	v5 =	vld.idx.msk [tilespmem:v48+s1+$0x0], $0xffff;
	v14 =	vadd.f32 v14, v17;
	v17 =	vmul.f32 v27, v27  }
0x141: {  	v15 =	vmul.f32 v37, v37;
	[tilespmem:$0x1F030] =	vst v8;
	v20 =	vmul.f32 v8, v8;
	v8 =	vld.idx.msk [tilespmem:v49+s1+$0x0], $0xffff  }
0x142: {  	[tilespmem:$0x1F040] =	vst v24;
	v16 =	vadd.f32 v17, v16;
	v17 =	vmul.f32 v24, v24;
	v24 =	vld.idx.msk [tilespmem:v43+s20+$0x0], $0xffff  }
0x143: {  	[tilespmem:$0x1F050] =	vst v21;
	v14 =	vadd.f32 v19, v14;
	v19 =	vmul.f32 v21, v21;
	v21 =	vld.idx.msk [tilespmem:v49+s20+$0x0], $0xffff  }
0x144: {  	v7 =	vadd.f32 v15, v7;
	v15 =	vmul.f32 v26, v26;
	[tilespmem:$0x1F060] =	vst v38  }
0x145: {  	[tilespmem:$0x1F0A0] =	vst v5  }
0x146: {  	v7 =	vadd.f32 v15, v7;
	v15 =	vmul.f32 v34, v34;
	[tilespmem:$0x1F0F0] =	vst v8  }
0x147: {  	v40 =	vld.idx.msk [tilespmem:v43+s1+$0x0], $0xffff;
	[tilespmem:$0x1F0D0] =	vst v24  }
0x148: {  	v7 =	vadd.f32 v15, v7;
	v15 =	vmul.f32 v41, v41;
	v14 =	vadd.f32 v20, v14;
	[tilespmem:$0x1F100] =	vst v21  }
0x149: {  	v16 =	vadd.f32 v17, v16;
	v17 =	vmul.f32 v38, v38;
	v20 =	vmul.f32 v25, v25;
	v25 =	vld.idx.msk [tilespmem:v10+s1+$0x0], $0xffff  }
0x14a: {  	v7 =	vadd.f32 v15, v7;
	v15 =	vmul.f32 v52, v52;
	v14 =	vadd.f32 v19, v14;
	v27 =	vld.idx.msk [tilespmem:v10+s20+$0x0], $0xffff  }
0x14b: {  	v13 =	vor.u32 $0xF, v0;
	v16 =	vadd.f32 v17, v16;
	v17 =	vmul.f32 v46, v46;
	v47 =	vld.idx.msk [tilespmem:v45+s1+$0x0], $0xffff  }
0x14c: {  	v7 =	vadd.f32 v15, v7;
	v10 =	vmul.f32 v1, v1;
	v14 =	vadd.f32 v20, v14;
	v20 =	vld.idx.msk [tilespmem:v45+s20+$0x0], $0xffff  }
0x14d: {  	v15 =	vmul.f32 v5, v5;
	v16 =	vadd.f32 v17, v16;
	v17 =	vmul.f32 v22, v22;
	v1 =	vld.idx.msk [tilespmem:v31+s1+$0x0], $0xffff  }
0x14e: {  	v19 =	vmul.f32 v40, v40;
	v5 =	vld.idx.msk [tilespmem:v30+s1+$0x0], $0xffff;
	v7 =	vadd.f32 v10, v7;
	v10 =	vmul.f32 v62, v62  }
0x14f: {  	v54 =	vld.idx.msk [tilespmem:v30+s20+$0x0], $0xffff;
	v14 =	vadd.f32 v15, v14;
	v15 =	vadd.f32 v17, v16;
	v16 =	vmul.f32 v24, v24  }
0x150: {  	v12 =	vadd.f32 v6, v12;
	v51 =	vld.idx.msk [tilespmem:v29+s20+$0x0], $0xffff;
	v6 =	vadd.f32 v10, v7;
	v7 =	vmul.f32 v44, v44  }
0x151: {  	v49 =	vld.idx.msk [tilespmem:v23+s1+$0x0], $0xffff;
	v10 =	vmul.f32 v8, v8;
	v14 =	vadd.f32 v19, v14;
	v15 =	vadd.f32 v16, v15  }
0x152: {  	v48 =	vld.idx.msk [tilespmem:v23+s20+$0x0], $0xffff;
	v16 =	vmul.f32 v21, v21;
	v6 =	vadd.f32 v7, v6;
	v7 =	vmul.f32 v56, v56  }
0x153: {  	v3 =	vadd.f32 v3, v11;
	v17 =	vld.idx.msk [tilespmem:v31+s20+$0x0], $0xffff;
	v11 =	vmul.f32 v25, v25;
	v10 =	vadd.f32 v10, v14  }
0x154: {  	v50 =	vld.idx.msk [tilespmem:v13+s0+$0x0], $0xffff;
	v14 =	vadd.f32 v16, v15;
	v15 =	vmul.f32 v27, v27;
	v6 =	vadd.f32 v7, v6  }
0x155: {  	v57 =	vld.idx.msk [tilespmem:v13+s1+$0x0], $0xffff;
	v7 =	vmul.f32 v42, v42;
	v10 =	vadd.f32 v11, v10;
	v11 =	vmul.f32 v47, v47  }
0x156: {  	v24 =	vld.idx.msk [tilespmem:v28+s1+$0x0], $0xffff;
	v16 =	vmul.f32 v20, v20;
	v14 =	vadd.f32 v15, v14;
	v15 =	vor.u32 $0x10, v0  }
0x157: {  	v19 =	vld.idx.msk [tilespmem:v29+s1+$0x0], $0xffff;
	v6 =	vadd.f32 v7, v6;
	v7 =	vadd.f32 v11, v10;
	v10 =	vmul.f32 v59, v59  }
0x158: {  	v56 =	vld.idx.msk [tilespmem:v28+s20+$0x0], $0xffff;
	v11 =	vadd.f32 v16, v14;
	v14 =	vmul.f32 v1, v1;
	v16 =	vmul.f32 v17, v17  }
0x159: {  	[tilespmem:$0x1F190] =	vst v17;
	v17 =	vmul.f32 v55, v55;
	v59 =	vld.idx.msk [tilespmem:v13+s20+$0x0], $0xffff;
	v6 =	vadd.f32 v10, v6;
	v10 =	vor.u32 $0x11, v0  }
0x15a: {  	[tilespmem:$0x1F180] =	vst v1;
	v13 =	vmul.f32 v5, v5;
	v1 =	vld [tilespmem:$0x1EF90];
	v7 =	vadd.f32 v14, v7;
	v11 =	vadd.f32 v16, v11  }
0x15b: {  	v14 =	vmul.f32 v54, v54;
	v16 =	vmul.f32 v61, v61;
	v55 =	vld.idx.msk [tilespmem:v15+s0+$0x0], $0xffff;
	v6 =	vadd.f32 v17, v6  }
0x15c: {  	v62 =	vld.idx.msk [tilespmem:v15+s1+$0x0], $0xffff;
	v7 =	vadd.f32 v13, v7;
	v13 =	vor.u32 $0x12, v0;
	v17 =	vmul.f32 v19, v19  }
0x15d: {  	v61 =	vld.idx.msk [tilespmem:v15+s20+$0x0], $0xffff;
	v15 =	vmul.f32 v2, v2;
	v11 =	vadd.f32 v14, v11;
	v14 =	vmul.f32 v51, v51  }
0x15e: {  	v6 =	vadd.f32 v16, v6;
	v7 =	vadd.f32 v17, v7;
	v16 =	vmul.f32 v24, v24;
	v58 =	vld.idx.msk [tilespmem:v10+s0+$0x0], $0xffff  }
0x15f: {  	v11 =	vadd.f32 v14, v11;
	v14 =	vor.u32 $0x13, v0;
	v17 =	vmul.f32 v56, v56;
	v46 =	vld.idx.msk [tilespmem:v10+s1+$0x0], $0xffff  }
0x160: {  	[tilespmem:$0x1F150] =	vst v47;
	v47 =	vld.idx.msk [tilespmem:v10+s20+$0x0], $0xffff;
	v10 =	vmul.f32 v60, v60;
	v6 =	vadd.f32 v15, v6  }
0x161: {  	v7 =	vadd.f32 v16, v7;
	v11 =	vadd.f32 v17, v11;
	v15 =	vmul.f32 v49, v49;
	v60 =	vld.idx.msk [tilespmem:v13+s0+$0x0], $0xffff  }
0x162: {  	v16 =	vmul.f32 v48, v48;
	v45 =	vld.idx.msk [tilespmem:v13+s1+$0x0], $0xffff;
	v6 =	vadd.f32 v10, v6;
	v10 =	vor.u32 $0x14, v0  }
0x163: {  	v33 =	vld.idx.msk [tilespmem:v13+s20+$0x0], $0xffff  }
0x164: {  	v7 =	vadd.f32 v15, v7;
	v11 =	vadd.f32 v16, v11;
	v15 =	vmul.f32 v59, v59;
	v63 =	vld.idx.msk [tilespmem:v14+s0+$0x0], $0xffff  }
0x165: {  	v13 =	vmul.f32 v57, v57;
	v42 =	vld.idx.msk [tilespmem:v14+s1+$0x0], $0xffff  }
0x166: {  	v43 =	vld.idx.msk [tilespmem:v14+s20+$0x0], $0xffff;
	v14 =	vmul.f32 v61, v61;
	v11 =	vadd.f32 v15, v11  }
0x167: {  	v17 =	vmul.f32 v50, v50;
	v7 =	vadd.f32 v13, v7;
	v13 =	vor.u32 $0x15, v0;
	v21 =	vld.idx.msk [tilespmem:v10+s0+$0x0], $0xffff  }
0x168: {  	[tilespmem:$0x1F1D0] =	vst v19;
	v19 =	vmul.f32 v47, v47;
	v11 =	vadd.f32 v14, v11;
	v31 =	vld.idx.msk [tilespmem:v10+s1+$0x0], $0xffff  }
0x169: {  	v16 =	vmul.f32 v55, v55;
	v6 =	vadd.f32 v17, v6;
	v30 =	vld.idx.msk [tilespmem:v10+s20+$0x0], $0xffff  }
0x16a: {  	v17 =	vmul.f32 v62, v62;
	v10 =	vadd.f32 v19, v11;
	v19 =	vmul.f32 v1, v18;
	v1 =	vld [tilespmem:$0x1EFA0]  }
0x16b: {  	v15 =	vadd.f32 v16, v6;
	v16 =	vmul.f32 v58, v58;
	v14 =	vor.u32 $0x16, v0  }
0x16c: {  	v7 =	vadd.f32 v17, v7;
	v17 =	vmul.f32 v46, v46;
	v22 =	vld.idx.msk [tilespmem:v13+s0+$0x0], $0xffff  }
0x16d: {  	v15 =	vadd.f32 v16, v15;
	v11 =	vmul.f32 v60, v60;
	v38 =	vld.idx.msk [tilespmem:v13+s1+$0x0], $0xffff  }
0x16e: {  	[tilespmem:$0x1F120] =	vst v25;
	v16 =	vadd.f32 v17, v7;
	v17 =	vmul.f32 v45, v45;
	v36 =	vld.idx.msk [tilespmem:v13+s20+$0x0], $0xffff  }
0x16f: {  	[tilespmem:$0x1F130] =	vst v27;
	v13 =	vmul.f32 v63, v63;
	v11 =	vadd.f32 v11, v15;
	v27 =	vmul.f32 v1, v18;
	v1 =	vld [tilespmem:$0x1EFB0]  }
0x170: {  	[tilespmem:$0x1F160] =	vst v20;
	v25 =	vor.u32 $0x17, v0;
	v20 =	vmul.f32 v33, v33;
	v15 =	vadd.f32 v17, v16;
	v35 =	vld.idx.msk [tilespmem:v14+s1+$0x0], $0xffff  }
0x171: {  	v16 =	vmul.f32 v42, v42;
	v32 =	vld.idx.msk [tilespmem:v14+s20+$0x0], $0xffff;
	v11 =	vadd.f32 v13, v11;
	v13 =	vmul.f32 v21, v21  }
0x172: {  	v53 =	vor.u32 $0x18, v0;
	v17 =	vmul.f32 v43, v43;
	v18 =	vld.idx.msk [tilespmem:v14+s0+$0x0], $0xffff;
	v14 =	vmul.f32 v31, v31  }
0x173: {  	v27 =	vadd.f32 v27, v3;
	v3 =	vadd.f32 v13, v11;
	v11 =	vmul.f32 v22, v22  }
0x174: {  	v10 =	vadd.f32 v20, v10;
	v9 =	vmul.f32 v9, v1;
	v8 =	vmul.f32 v4, v1  }
0x175: {  	v29 =	vld.idx.msk [tilespmem:v25+s1+$0x0], $0xffff;
	v4 =	vadd.f32 v19, v12;
	v12 =	vadd.f32 v16, v15;
	v1 =	vor.u32 $0x19, v0  }
0x176: {  	v20 =	vld.idx.msk [tilespmem:v25+s0+$0x0], $0xffff;
	v10 =	vadd.f32 v17, v10;
	v13 =	vmul.f32 v38, v38;
	v15 =	vmul.f32 v30, v30  }
0x177: {  	v28 =	vld.idx.msk [tilespmem:v25+s20+$0x0], $0xffff;
	v3 =	vadd.f32 v11, v3;
	v11 =	vor.u32 $0x1A, v0;
	v12 =	vadd.f32 v14, v12  }
0x178: {  	v25 =	vld.idx.msk [tilespmem:v53+s0+$0x0], $0xffff;
	v2 =	vmul.f32 v36, v36;
	v10 =	vadd.f32 v15, v10  }
0x179: {  	v23 =	vld.idx.msk [tilespmem:v53+s20+$0x0], $0xffff;
	v44 =	vmul.f32 v35, v35;
	v12 =	vadd.f32 v13, v12;
	v13 =	vmul.f32 v18, v18  }
0x17a: {  	v14 =	vadd.f32 v9, v4;
	v9 =	vmul.f32 v32, v32;
	v2 =	vadd.f32 v2, v10;
	v15 =	vld.idx.msk [tilespmem:v1+s0+$0x0], $0xffff  }
0x17b: {  	v19 =	vld.idx.msk [tilespmem:v53+s1+$0x0], $0xffff;
	v53 =	vmul.f32 v20, v20;
	v7 =	vadd.f32 v13, v3  }
0x17c: {  	v10 =	vadd.f32 v44, v12;
	v4 =	vadd.f32 v9, v2;
	v12 =	vld.idx.msk [tilespmem:v11+s0+$0x0], $0xffff  }
0x17d: {  	v3 =	vmul.f32 v29, v29;
	v2 =	vmul.f32 v25, v25;
	v39 =	vadd.f32 v53, v7  }
0x17e: {  	v6 =	vadd.f32 v8, v27;
	v9 =	vmul.f32 v28, v28  }
0x17f: {  	[tilespmem:$0x1F1B0] =	vst v5;
	v5 =	vadd.f32 v3, v10;
	v3 =	vadd.f32 v2, v39;
	v2 =	vmul.f32 v15, v15  }
0x180: {  	v16 =	vld.idx.msk [tilespmem:v1+s1+$0x0], $0xffff;
	v44 =	vmul.f32 v23, v23;
	v4 =	vadd.f32 v9, v4  }
0x181: {  	[tilespmem:$0x1F200] =	vst v6;
	v17 =	vld.idx.msk [tilespmem:v1+s20+$0x0], $0xffff;
	v6 =	vadd.f32 v2, v3;
	v3 =	vmul.f32 v12, v12  }
0x182: {  	v1 =	vor.u32 $0x1B, v0;
	v4 =	vadd.f32 v44, v4;
	v44 =	vld [tilespmem:$0x1EFD0]  }
0x183: {  	v6 =	vadd.f32 v3, v6;
	v3 =	vld [tilespmem:$0x1F000];
	_ =	sdelay $0x1  }
0x184: {  	v13 =	vld.idx.msk [tilespmem:v11+s1+$0x0], $0xffff;
	v9 =	vmul.f32 v19, v19  }
0x185: {  	v11 =	vld.idx.msk [tilespmem:v11+s20+$0x0], $0xffff  }
0x186: {  	v5 =	vadd.f32 v9, v5;
	v9 =	vld.idx.msk [tilespmem:v1+s0+$0x0], $0xffff  }
0x187: {  	v10 =	vld.idx.msk [tilespmem:v1+s1+$0x0], $0xffff;
	v3 =	vmul.f32 v3, v44  }
0x188: {  	v2 =	vld [tilespmem:$0x1EFC0]  }
0x189: {  	[tilespmem:$0x1F210] =	vst v3;
	v3 =	vld.idx.msk [tilespmem:v1+s20+$0x0], $0xffff  }
0x18a: {  	v8 =	vmul.f32 v16, v16;
	v1 =	vld [tilespmem:$0x1F010]  }
0x18b: {  	v27 =	vmul.f32 v17, v17  }
0x18c: {  	v7 =	vadd.f32 v8, v5  }
0x18d: {  	v5 =	vadd.f32 v27, v4;
	v4 =	vmul.f32 v11, v11;
	v8 =	vmul.f32 v2, v37;
	v2 =	vld [tilespmem:$0x1EFE0];
	_ =	sdelay $0x1  }
0x18e: {  	v5 =	vadd.f32 v4, v5;
	v4 =	vadd.f32 $0.0e+00, v8;
	v1 =	vmul.f32 v1, v26;
	_ =	sdelay $0x1  }
0x18f: {  	v1 =	vadd.f32 v1, v4;
	v4 =	vld [tilespmem:$0x1F030]  }
0x190: {  	v39 =	vmul.f32 v2, v44;
	_ =	sdelay $0x1  }
0x191: {  	v53 =	vld [tilespmem:$0x1EFF0];
	v14 =	vadd.f32 v39, v14;
	_ =	sdelay $0x1  }
0x192: {  	v2 =	vor.u32 $0x1C, v0;
	[tilespmem:$0x1F220] =	vst v14;
	v14 =	vld [tilespmem:$0x1F020];
	v4 =	vmul.f32 v4, v34;
	_ =	sdelay $0x1  }
0x193: {  	v27 =	vmul.f32 v13, v13;
	v1 =	vadd.f32 v4, v1;
	v4 =	vld [tilespmem:$0x1F050]  }
0x194: {  	v37 =	vmul.f32 v53, v37  }
0x195: {  	v7 =	vadd.f32 v27, v7  }
0x196: {  	v8 =	vmul.f32 v9, v9;
	v27 =	vadd.f32 $0.0e+00, v37;
	v39 =	vld.idx.msk [tilespmem:v2+s1+$0x0], $0xffff;
	v14 =	vmul.f32 v14, v26  }
0x197: {  	v26 =	vld.idx.msk [tilespmem:v2+s0+$0x0], $0xffff  }
0x198: {  	v6 =	vadd.f32 v8, v6;
	v8 =	vadd.f32 v14, v27;
	v14 =	vld [tilespmem:$0x1F040];
	v4 =	vmul.f32 v4, v41  }
0x199: {  	v27 =	vld [tilespmem:$0x1F060]  }
0x19a: {  	v1 =	vadd.f32 v4, v1;
	v4 =	vld.idx.msk [tilespmem:v2+s20+$0x0], $0xffff  }
0x19b: {  	v2 =	vld [tilespmem:$0x1F070];
	_ =	sdelay $0x1  }
0x19c: {  	v14 =	vmul.f32 v14, v34;
	_ =	sdelay $0x1  }
0x19d: {  	v27 =	vmul.f32 v27, v41;
	v8 =	vadd.f32 v14, v8  }
0x19e: {  	v2 =	vmul.f32 v2, v52  }
0x19f: {  	v8 =	vadd.f32 v27, v8;
	v27 =	vld [tilespmem:$0x1F090]  }
0x1a0: {  	v41 =	vmul.f32 v26, v26;
	v1 =	vadd.f32 v2, v1;
	v2 =	vld [tilespmem:$0x1F0A0];
	_ =	sdelay $0x1  }
0x1a1: {  	v6 =	vadd.f32 v41, v6;
	v41 =	vld [tilespmem:$0x1F0C0]  }
0x1a2: {  	v14 =	vmul.f32 v3, v3;
	_ =	sdelay $0x1  }
0x1a3: {  	v53 =	vmul.f32 v10, v10;
	v14 =	vadd.f32 v14, v5;
	v5 =	vld [tilespmem:$0x1F080];
	v2 =	vmul.f32 v2, v27;
	_ =	sdelay $0x1  }
0x1a4: {  	v7 =	vadd.f32 v53, v7;
	v53 =	vld [tilespmem:$0x1F0E0];
	v1 =	vadd.f32 v2, v1;
	v2 =	vmul.f32 v40, v41  }
0x1a5: {  	v44 =	vld [tilespmem:$0x1F0B0]  }
0x1a6: {  	v34 =	vor.u32 $0x1D, v0;
	v1 =	vadd.f32 v2, v1;
	v2 =	vld [tilespmem:$0x1F0F0]  }
0x1a7: {  	v5 =	vmul.f32 v5, v52;
	v52 =	vld [tilespmem:$0x1F0D0];
	_ =	sdelay $0x2  }
0x1a8: {  	v40 =	vmul.f32 v39, v39  }
0x1a9: {  	v37 =	vmul.f32 v44, v27;
	v8 =	vadd.f32 v5, v8;
	v27 =	vld.idx.msk [tilespmem:v34+s0+$0x0], $0xffff;
	v2 =	vmul.f32 v2, v53  }
0x1aa: {  	v41 =	vmul.f32 v52, v41;
	v52 =	vmul.f32 v4, v4;
	v7 =	vadd.f32 v40, v7;
	v40 =	vld [tilespmem:$0x1F110]  }
0x1ab: {  	v1 =	vadd.f32 v2, v1;
	v2 =	vld [tilespmem:$0x1F120]  }
0x1ac: {  	v8 =	vadd.f32 v37, v8;
	v14 =	vadd.f32 v52, v14;
	v52 =	vld [tilespmem:$0x1F100]  }
0x1ad: {  	v5 =	vld.idx.msk [tilespmem:v34+s1+$0x0], $0xffff  }
0x1ae: {  	v8 =	vadd.f32 v41, v8;
	v41 =	vld.idx.msk [tilespmem:v34+s20+$0x0], $0xffff;
	v34 =	vmul.f32 v27, v27;
	_ =	sdelay $0x1  }
0x1af: {  	v6 =	vadd.f32 v34, v6;
	v34 =	vld [tilespmem:$0x1F140];
	v2 =	vmul.f32 v2, v40  }
0x1b0: {  	v37 =	vmul.f32 v52, v53;
	v53 =	vld [tilespmem:$0x1F130]  }
0x1b1: {  	v1 =	vadd.f32 v2, v1;
	v2 =	vld [tilespmem:$0x1F150];
	_ =	sdelay $0x3  }
0x1b2: {  	v8 =	vadd.f32 v37, v8;
	v40 =	vmul.f32 v53, v40  }
0x1b3: {  	v2 =	vmul.f32 v2, v34  }
0x1b4: {  	v53 =	vmul.f32 v5, v5;
	v8 =	vadd.f32 v40, v8;
	v40 =	vld [tilespmem:$0x1F170]  }
0x1b5: {  	v1 =	vadd.f32 v2, v1;
	v2 =	vld [tilespmem:$0x1F180]  }
0x1b6: {  	v7 =	vadd.f32 v53, v7;
	v53 =	vld [tilespmem:$0x1F160];
	_ =	sdelay $0x1  }
0x1b7: {  	v37 =	vmul.f32 v41, v41;
	_ =	sdelay $0x1  }
0x1b8: {  	v14 =	vadd.f32 v37, v14;
	v37 =	vld [tilespmem:$0x1F1A0];
	v2 =	vmul.f32 v2, v40  }
0x1b9: {  	v34 =	vmul.f32 v53, v34;
	v53 =	vld [tilespmem:$0x1F190]  }
0x1ba: {  	v1 =	vadd.f32 v2, v1;
	v2 =	vld [tilespmem:$0x1F1B0];
	_ =	sdelay $0x2  }
0x1bb: {  	v44 =	vor.u32 $0x1E, v0  }
0x1bc: {  	v8 =	vadd.f32 v34, v8;
	v40 =	vmul.f32 v53, v40  }
0x1bd: {  	v2 =	vmul.f32 v2, v37  }
0x1be: {  	v8 =	vadd.f32 v40, v8;
	v40 =	vld [tilespmem:$0x1F1C0]  }
0x1bf: {  	v1 =	vadd.f32 v2, v1;
	v2 =	vor.u32 $0x1F, v0;
	v0 =	vld [tilespmem:$0x1F1D0]  }
0x1c0: {  	v52 =	vld.idx.msk [tilespmem:v44+s0+$0x0], $0xffff  }
0x1c1: {  	v53 =	vld [tilespmem:$0x1F1E0];
	_ =	sdelay $0x2  }
0x1c2: {  	v0 =	vmul.f32 v0, v40  }
0x1c3: {  	v34 =	vmul.f32 v52, v52  }
0x1c4: {  	[tilespmem:$0x1F230] =	vst v52;
	v52 =	vld.idx.msk [tilespmem:v44+s1+$0x0], $0xffff;
	v24 =	vmul.f32 v24, v53;
	v0 =	vadd.f32 v0, v1  }
0x1c5: {  	v54 =	vmul.f32 v54, v37;
	v6 =	vadd.f32 v34, v6;
	v34 =	vmul.f32 v56, v53;
	v56 =	vld [tilespmem:$0x1F1F0]  }
0x1c6: {  	v0 =	vadd.f32 v24, v0;
	v24 =	vld [tilespmem:$0x1FFF0]  }
0x1c7: {  	v8 =	vadd.f32 v54, v8;
	v37 =	vmul.f32 v51, v40  }
0x1c8: {  	s25 =	simm.s32 $0x20  }
0x1c9: {  	v8 =	vadd.f32 v37, v8;
	v1 =	vmov s25  }
0x1ca: {  	v57 =	vmul.f32 v57, v50;
	v54 =	vmul.f32 v52, v52;
	v1 =	vshll.u32 v1, $0x5  }
0x1cb: {  	v37 =	vmul.f32 v48, v56;
	v8 =	vadd.f32 v34, v8;
	v1 =	vor.u32 v24, v1  }
0x1cc: {  	v46 =	vmul.f32 v46, v58;
	v45 =	vmul.f32 v45, v60;
	v7 =	vadd.f32 v54, v7;
	v54 =	vld.idx.msk [tilespmem:v44+s20+$0x0], $0xffff  }
0x1cd: {  	[tilespmem:$0x1F240] =	vst v52;
	v8 =	vadd.f32 v37, v8;
	v52 =	vld.idx.msk [tilespmem:v2+s0+$0x0], $0xffff;
	v24 =	vmul.f32 v49, v56  }
0x1ce: {  	v40 =	vmul.f32 v59, v50;
	v53 =	vld.idx.msk [tilespmem:v2+s1+$0x0], $0xffff;
	v59 =	vmul.f32 v47, v58;
	v34 =	vor.u32 $0xD, v1  }
0x1cf: {  	v56 =	vmul.f32 v62, v55;
	v62 =	vld.idx.msk [tilespmem:v2+s20+$0x0], $0xffff;
	v47 =	vor.u32 $0xC, v1;
	v24 =	vadd.f32 v24, v0  }
0x1d0: {  	v8 =	vadd.f32 v40, v8;
	v2 =	vmul.f32 v61, v55;
	v44 =	vor.u32 $0xB, v1;
	v49 =	vld.idx.msk [tilespmem:v1+s0+$0x0], $0xffff  }
0x1d1: {  	v42 =	vmul.f32 v42, v63;
	v51 =	vor.u32 $0x4, v1;
	v57 =	vadd.f32 v57, v24;
	v50 =	vld.idx.msk [tilespmem:v1+s1+$0x0], $0xffff  }
0x1d2: {  	v43 =	vmul.f32 v43, v63;
	v23 =	vmul.f32 v23, v25;
	v2 =	vadd.f32 v2, v8;
	v48 =	vld.idx.msk [tilespmem:v1+s20+$0x0], $0xffff  }
0x1d3: {  	v19 =	vmul.f32 v19, v25;
	v0 =	vor.u32 $0xF, v1;
	v37 =	vadd.f32 v56, v57;
	v57 =	vld.idx.msk [tilespmem:v34+s0+$0x0], $0xffff  }
0x1d4: {  	v8 =	vmul.f32 v33, v60;
	v33 =	vor.u32 $0xA, v1;
	v2 =	vadd.f32 v59, v2;
	v63 =	vld.idx.msk [tilespmem:v47+s0+$0x0], $0xffff  }
0x1d5: {  	v10 =	vmul.f32 v10, v9;
	v3 =	vmul.f32 v3, v9;
	v24 =	vor.u32 $0xE, v1;
	v55 =	vld.idx.msk [tilespmem:v44+s0+$0x0], $0xffff  }
0x1d6: {  	v9 =	vmul.f32 v39, v26;
	v2 =	vadd.f32 v8, v2;
	v8 =	vor.u32 $0x7, v1;
	v25 =	vld.idx.msk [tilespmem:v51+s1+$0x0], $0xffff  }
0x1d7: {  	v4 =	vmul.f32 v4, v26;
	v26 =	vld.idx.msk [tilespmem:v51+s20+$0x0], $0xffff;
	v37 =	vadd.f32 v46, v37;
	v46 =	vor.u32 $0x9, v1  }
0x1d8: {  	v60 =	vmul.f32 v54, v54;
	v40 =	vld.idx.msk [tilespmem:v0+s0+$0x0], $0xffff  }
0x1d9: {  	v31 =	vmul.f32 v31, v21;
	v58 =	vld.idx.msk [tilespmem:v33+s0+$0x0], $0xffff;
	v37 =	vadd.f32 v45, v37  }
0x1da: {  	v21 =	vmul.f32 v30, v21;
	v14 =	vadd.f32 v60, v14;
	v61 =	vld.idx.msk [tilespmem:v24+s0+$0x0], $0xffff;
	v45 =	vor.u32 $0x8, v1  }
0x1db: {  	v2 =	vadd.f32 v43, v2;
	v43 =	vor.u32 $0x5, v1;
	v60 =	vld.idx.msk [tilespmem:v8+s0+$0x0], $0xffff;
	v30 =	vadd.f32 v42, v37  }
0x1dc: {  	v37 =	vor.u32 $0x6, v1;
	v42 =	vor.u32 $0x3, v1;
	v56 =	vld.idx.msk [tilespmem:v46+s0+$0x0], $0xffff  }
0x1dd: {  	v30 =	vadd.f32 v31, v30;
	v31 =	vmul.f32 v38, v22;
	v22 =	vmul.f32 v36, v22;
	v36 =	vld.idx.msk [tilespmem:v51+s0+$0x0], $0xffff  }
0x1de: {  	v16 =	vmul.f32 v16, v15;
	v2 =	vadd.f32 v21, v2;
	v51 =	vld.idx.msk [tilespmem:v0+s1+$0x0], $0xffff  }
0x1df: {  	v15 =	vmul.f32 v17, v15;
	[tilespmem:$0x1F250] =	vst v54;
	v17 =	vmul.f32 v50, v49;
	v59 =	vld.idx.msk [tilespmem:v45+s0+$0x0], $0xffff  }
0x1e0: {  	[tilespmem:$0x1F270] =	vst v53;
	v2 =	vadd.f32 v22, v2;
	v22 =	vmul.f32 v53, v53;
	v53 =	vld.idx.msk [tilespmem:v43+s0+$0x0], $0xffff  }
0x1e1: {  	[tilespmem:$0x1F290] =	vst v17;
	v17 =	vmul.f32 v48, v49;
	v54 =	vld.idx.msk [tilespmem:v37+s0+$0x0], $0xffff  }
0x1e2: {  	v21 =	vadd.f32 v31, v30;
	v31 =	vmul.f32 v35, v18;
	v18 =	vmul.f32 v32, v18;
	v32 =	vld.idx.msk [tilespmem:v42+s0+$0x0], $0xffff  }
0x1e3: {  	[tilespmem:$0x1F2C0] =	vst v17;
	v30 =	vor.u32 $0x2, v1;
	v17 =	vld.idx.msk [tilespmem:v42+s1+$0x0], $0xffff  }
0x1e4: {  	v29 =	vmul.f32 v29, v20;
	[tilespmem:$0x1F260] =	vst v52;
	v35 =	vmul.f32 v52, v52;
	v52 =	vor.u32 $0x1, v1;
	v39 =	vld.idx.msk [tilespmem:v37+s20+$0x0], $0xffff  }
0x1e5: {  	v21 =	vadd.f32 v31, v21;
	v7 =	vadd.f32 v22, v7;
	v22 =	vmul.f32 v28, v20;
	v20 =	vld [tilespmem:$0x1F200]  }
0x1e6: {  	[tilespmem:$0x1F280] =	vst v62;
	v28 =	vmul.f32 v62, v62;
	v62 =	vld.idx.msk [tilespmem:v44+s1+$0x0], $0xffff  }
0x1e7: {  	v2 =	vadd.f32 v18, v2;
	v18 =	vadd.f32 v29, v21;
	v21 =	vld [tilespmem:$0x1F210]  }
0x1e8: {  	v13 =	vmul.f32 v13, v12;
	v31 =	vld.idx.msk [tilespmem:v30+s0+$0x0], $0xffff  }
0x1e9: {  	v11 =	vmul.f32 v11, v12;
	v12 =	vor.u32 $0x10, v1;
	v2 =	vadd.f32 v22, v2;
	v22 =	vld.idx.msk [tilespmem:v52+s0+$0x0], $0xffff  }
0x1ea: {  	v18 =	vadd.f32 v19, v18;
	v19 =	vld [tilespmem:$0x1F220]  }
0x1eb: {  	v2 =	vadd.f32 v23, v2;
	v23 =	vld.idx.msk [tilespmem:v42+s20+$0x0], $0xffff  }
0x1ec: {  	v42 =	vld.idx.msk [tilespmem:v45+s20+$0x0], $0xffff  }
0x1ed: {  	v16 =	vadd.f32 v16, v18;
	v18 =	vld.idx.msk [tilespmem:v30+s1+$0x0], $0xffff;
	v29 =	vadd.f32 v21, v20  }
0x1ee: {  	v2 =	vadd.f32 v15, v2;
	v15 =	vmul.f32 v48, v48;
	v48 =	vld.idx.msk [tilespmem:v12+s0+$0x0], $0xffff  }
0x1ef: {  	[tilespmem:$0x1F430] =	vst v57;
	v20 =	vld.idx.msk [tilespmem:v52+s1+$0x0], $0xffff;
	v13 =	vadd.f32 v13, v16;
	v19 =	vsub.f32 v29, v19  }
0x1f0: {  	v6 =	vadd.f32 v35, v6;
	[tilespmem:$0x1F2F0] =	vst v17;
	v21 =	vld.idx.msk [tilespmem:v30+s20+$0x0], $0xffff;
	v2 =	vadd.f32 v11, v2  }
0x1f1: {  	v14 =	vadd.f32 v28, v14;
	v10 =	vadd.f32 v10, v13;
	[tilespmem:$0x1F490] =	vst v19;
	v19 =	vld.idx.msk [tilespmem:v52+s20+$0x0], $0xffff  }
0x1f2: {  	v11 =	vmul.f32 v5, v27;
	v5 =	vld.idx.msk [tilespmem:v43+s1+$0x0], $0xffff;
	v2 =	vadd.f32 v3, v2;
	v3 =	vmul.f32 v49, v49  }
0x1f3: {  	[tilespmem:$0x1F300] =	vst v23;
	v13 =	vmul.f32 v41, v27;
	v9 =	vadd.f32 v9, v10;
	v10 =	vmul.f32 v50, v50  }
0x1f4: {  	[tilespmem:$0x1F2D0] =	vst v18;
	v3 =	vadd.f32 v3, v6;
	v6 =	vmul.f32 v22, v22;
	v4 =	vadd.f32 v4, v2  }
0x1f5: {  	[tilespmem:$0x1F2A0] =	vst v20;
	v16 =	vmul.f32 v20, v20;
	v7 =	vadd.f32 v10, v7;
	v10 =	vadd.f32 v15, v14  }
0x1f6: {  	v20 =	vld.idx.msk [tilespmem:v43+s20+$0x0], $0xffff;
	v3 =	vadd.f32 v6, v3;
	v6 =	vmul.f32 v31, v31;
	v14 =	vmul.f32 v19, v19  }
0x1f7: {  	v15 =	vmul.f32 v18, v18;
	v18 =	vld.idx.msk [tilespmem:v8+s1+$0x0], $0xffff;
	v38 =	vadd.f32 v11, v9;
	v7 =	vadd.f32 v16, v7  }
0x1f8: {  	[tilespmem:$0x1F2B0] =	vst v19;
	v3 =	vadd.f32 v6, v3;
	v10 =	vadd.f32 v14, v10;
	v14 =	vmul.f32 v21, v21  }
0x1f9: {  	v19 =	vld.idx.msk [tilespmem:v37+s1+$0x0], $0xffff;
	v6 =	vmul.f32 v32, v32;
	v16 =	vmul.f32 v17, v17;
	v37 =	vadd.f32 v13, v4  }
0x1fa: {  	v17 =	vld.idx.msk [tilespmem:v8+s20+$0x0], $0xffff;
	v7 =	vadd.f32 v15, v7;
	v8 =	vadd.f32 v14, v10;
	v10 =	vmul.f32 v23, v23  }
0x1fb: {  	v49 =	vld.idx.msk [tilespmem:v44+s20+$0x0], $0xffff;
	v3 =	vadd.f32 v6, v3;
	v6 =	vmul.f32 v36, v36;
	v14 =	vmul.f32 v25, v25  }
0x1fc: {  	v52 =	vld.idx.msk [tilespmem:v0+s20+$0x0], $0xffff;
	v7 =	vadd.f32 v16, v7;
	v8 =	vadd.f32 v10, v8;
	v10 =	vmul.f32 v26, v26  }
0x1fd: {  	[tilespmem:$0x1F2E0] =	vst v21;
	v15 =	vmul.f32 v5, v5;
	v3 =	vadd.f32 v6, v3;
	v6 =	vmul.f32 v53, v53  }
0x1fe: {  	v21 =	vld.idx.msk [tilespmem:v45+s1+$0x0], $0xffff;
	v7 =	vadd.f32 v14, v7;
	v8 =	vadd.f32 v10, v8;
	v10 =	vmul.f32 v20, v20  }
0x1ff: {  	v50 =	vld.idx.msk [tilespmem:v34+s1+$0x0], $0xffff;
	v2 =	vadd.f32 v6, v3;
	v3 =	vmul.f32 v54, v54;
	v6 =	vmul.f32 v19, v19  }
0x200: {  	[tilespmem:$0x1F330] =	vst v5;
	v7 =	vadd.f32 v15, v7;
	v8 =	vadd.f32 v10, v8;
	v10 =	vmul.f32 v39, v39  }
0x201: {  	v9 =	vmul.f32 v18, v18;
	v16 =	vld.idx.msk [tilespmem:v46+s1+$0x0], $0xffff;
	v14 =	vmul.f32 v60, v60;
	v3 =	vadd.f32 v3, v2  }
0x202: {  	v23 =	vld.idx.msk [tilespmem:v46+s20+$0x0], $0xffff;
	v6 =	vadd.f32 v6, v7;
	v7 =	vadd.f32 v10, v8;
	v8 =	vmul.f32 v17, v17  }
0x203: {  	v5 =	vld.idx.msk [tilespmem:v33+s1+$0x0], $0xffff;
	v11 =	vmul.f32 v21, v21;
	v3 =	vadd.f32 v14, v3;
	v10 =	vmul.f32 v59, v59  }
0x204: {  	v45 =	vld.idx.msk [tilespmem:v34+s20+$0x0], $0xffff;
	v6 =	vadd.f32 v9, v6;
	v4 =	vadd.f32 v8, v7;
	v7 =	vmul.f32 v42, v42  }
0x205: {  	[tilespmem:$0x1F340] =	vst v20;
	v20 =	vld.idx.msk [tilespmem:v33+s20+$0x0], $0xffff;
	v3 =	vadd.f32 v10, v3;
	v8 =	vmul.f32 v56, v56  }
0x206: {  	v2 =	vld.idx.msk [tilespmem:v47+s1+$0x0], $0xffff;
	v6 =	vadd.f32 v11, v6;
	v10 =	vmul.f32 v16, v16;
	v4 =	vadd.f32 v7, v4  }
0x207: {  	[tilespmem:$0x1F410] =	vst v63;
	v47 =	vld.idx.msk [tilespmem:v47+s20+$0x0], $0xffff;
	v7 =	vmul.f32 v23, v23;
	v3 =	vadd.f32 v8, v3;
	v8 =	vor.u32 $0x11, v1  }
0x208: {  	[tilespmem:$0x1F400] =	vst v55;
	v46 =	vld.idx.msk [tilespmem:v24+s1+$0x0], $0xffff;
	v0 =	vmul.f32 v5, v5;
	v6 =	vadd.f32 v10, v6  }
0x209: {  	[tilespmem:$0x1F380] =	vst v59;
	v59 =	vld.idx.msk [tilespmem:v12+s20+$0x0], $0xffff;
	v11 =	vmul.f32 v58, v58;
	v4 =	vadd.f32 v7, v4  }
0x20a: {  	[tilespmem:$0x1F3A0] =	vst v56;
	v56 =	vld.idx.msk [tilespmem:v24+s20+$0x0], $0xffff;
	v7 =	vmul.f32 v20, v20;
	v0 =	vadd.f32 v0, v6;
	v6 =	vor.u32 $0x12, v1  }
0x20b: {  	[tilespmem:$0x1F3D0] =	vst v58;
	v58 =	vld.idx.msk [tilespmem:v12+s1+$0x0], $0xffff;
	v10 =	vmul.f32 v55, v55;
	v3 =	vadd.f32 v11, v3  }
0x20c: {  	v12 =	vmul.f32 v47, v47;
	v11 =	vmul.f32 v62, v62;
	v4 =	vadd.f32 v7, v4;
	v55 =	vld.idx.msk [tilespmem:v8+s0+$0x0], $0xffff  }
0x20d: {  	v3 =	vadd.f32 v10, v3;
	v7 =	vmul.f32 v49, v49;
	v10 =	vmul.f32 v63, v63;
	v43 =	vld.idx.msk [tilespmem:v8+s1+$0x0], $0xffff  }
0x20e: {  	v0 =	vadd.f32 v11, v0;
	v11 =	vmul.f32 v2, v2;
	v63 =	vld.idx.msk [tilespmem:v8+s20+$0x0], $0xffff;
	v8 =	vmul.f32 v57, v57  }
0x20f: {  	[tilespmem:$0x1F310] =	vst v25;
	v4 =	vadd.f32 v7, v4;
	v7 =	vor.u32 $0x13, v1;
	v3 =	vadd.f32 v10, v3;
	v57 =	vld.idx.msk [tilespmem:v6+s0+$0x0], $0xffff  }
0x210: {  	v0 =	vadd.f32 v11, v0;
	v10 =	vmul.f32 v50, v50;
	v11 =	vmul.f32 v45, v45;
	v25 =	vld.idx.msk [tilespmem:v6+s1+$0x0], $0xffff  }
0x211: {  	v44 =	vld.idx.msk [tilespmem:v6+s20+$0x0], $0xffff;
	v6 =	vmul.f32 v46, v46;
	v3 =	vadd.f32 v8, v3;
	v8 =	vmul.f32 v61, v61  }
0x212: {  	v4 =	vadd.f32 v12, v4;
	v12 =	vor.u32 $0x14, v1;
	v0 =	vadd.f32 v10, v0  }
0x213: {  	[tilespmem:$0x1F440] =	vst v61;
	v10 =	vmul.f32 v40, v40;
	v3 =	vadd.f32 v8, v3  }
0x214: {  	v4 =	vadd.f32 v11, v4;
	v0 =	vadd.f32 v6, v0;
	v6 =	vmul.f32 v51, v51;
	v61 =	vld.idx.msk [tilespmem:v7+s0+$0x0], $0xffff  }
0x215: {  	[tilespmem:$0x1F450] =	vst v40;
	v8 =	vmul.f32 v56, v56;
	v11 =	vor.u32 $0x15, v1;
	v40 =	vld.idx.msk [tilespmem:v7+s1+$0x0], $0xffff;
	v3 =	vadd.f32 v10, v3  }
0x216: {  	v41 =	vld.idx.msk [tilespmem:v7+s20+$0x0], $0xffff;
	v0 =	vadd.f32 v6, v0;
	v6 =	vmul.f32 v48, v48;
	v10 =	vmul.f32 v58, v58  }
0x217: {  	[tilespmem:$0x1F390] =	vst v21;
	v7 =	vmul.f32 v52, v52;
	v4 =	vadd.f32 v8, v4;
	v21 =	vld.idx.msk [tilespmem:v12+s0+$0x0], $0xffff  }
0x218: {  	v34 =	vld.idx.msk [tilespmem:v12+s1+$0x0], $0xffff;
	v3 =	vadd.f32 v6, v3;
	v0 =	vadd.f32 v10, v0;
	v10 =	vmul.f32 v55, v55  }
0x219: {  	v35 =	vld.idx.msk [tilespmem:v12+s20+$0x0], $0xffff;
	v4 =	vadd.f32 v7, v4;
	v7 =	vor.u32 $0x16, v1  }
0x21a: {  	[tilespmem:$0x1F3F0] =	vst v20;
	v12 =	vmul.f32 v43, v43;
	v20 =	vld.idx.msk [tilespmem:v11+s0+$0x0], $0xffff;
	v3 =	vadd.f32 v10, v3;
	v10 =	vor.u32 $0x17, v1  }
0x21b: {  	v14 =	vmul.f32 v57, v57;
	v30 =	vld.idx.msk [tilespmem:v11+s1+$0x0], $0xffff  }
0x21c: {  	[tilespmem:$0x1F320] =	vst v26;
	v33 =	vld.idx.msk [tilespmem:v11+s20+$0x0], $0xffff;
	v11 =	vmul.f32 v25, v25;
	v0 =	vadd.f32 v12, v0  }
0x21d: {  	[tilespmem:$0x1F350] =	vst v19;
	v3 =	vadd.f32 v14, v3;
	v14 =	vmul.f32 v61, v61  }
0x21e: {  	v13 =	vmul.f32 v59, v59;
	v15 =	vmul.f32 v40, v40;
	v0 =	vadd.f32 v11, v0;
	v19 =	vld.idx.msk [tilespmem:v7+s0+$0x0], $0xffff  }
0x21f: {  	[tilespmem:$0x1F360] =	vst v18;
	v3 =	vadd.f32 v14, v3;
	v14 =	vmul.f32 v21, v21;
	v18 =	vld.idx.msk [tilespmem:v10+s0+$0x0], $0xffff  }
0x220: {  	v4 =	vadd.f32 v13, v4;
	v13 =	vmul.f32 v63, v63;
	v0 =	vadd.f32 v15, v0;
	v26 =	vld.idx.msk [tilespmem:v10+s1+$0x0], $0xffff  }
0x221: {  	v15 =	vmul.f32 v34, v34;
	v27 =	vld.idx.msk [tilespmem:v10+s20+$0x0], $0xffff;
	v10 =	vmul.f32 v20, v20;
	v3 =	vadd.f32 v14, v3  }
0x222: {  	[tilespmem:$0x1F420] =	vst v2;
	v6 =	vld [tilespmem:$0x1F230];
	v4 =	vadd.f32 v13, v4;
	v13 =	vmul.f32 v44, v44;
	v11 =	vor.u32 $0x18, v1  }
0x223: {  	v28 =	vld.idx.msk [tilespmem:v7+s1+$0x0], $0xffff;
	v2 =	vadd.f32 v15, v0;
	v3 =	vadd.f32 v10, v3;
	v0 =	vmul.f32 v19, v19  }
0x224: {  	v29 =	vld.idx.msk [tilespmem:v7+s20+$0x0], $0xffff;
	v4 =	vadd.f32 v13, v4;
	v13 =	vmul.f32 v41, v41  }
0x225: {  	[tilespmem:$0x1F3E0] =	vst v5;
	v5 =	vadd.f32 v0, v3;
	v0 =	vld [tilespmem:$0x1F240]  }
0x226: {  	[tilespmem:$0x1F3B0] =	vst v16;
	v16 =	vmul.f32 v35, v35;
	v7 =	vld [tilespmem:$0x1F250];
	v4 =	vadd.f32 v13, v4  }
0x227: {  	[tilespmem:$0x1F3C0] =	vst v23;
	v15 =	vmul.f32 v30, v30;
	v23 =	vld.idx.msk [tilespmem:v11+s1+$0x0], $0xffff  }
0x228: {  	[tilespmem:$0x1F370] =	vst v17;
	v17 =	vmul.f32 v33, v33;
	v24 =	vld.idx.msk [tilespmem:v11+s20+$0x0], $0xffff;
	v14 =	vadd.f32 v16, v4  }
0x229: {  	v13 =	vor.u32 $0x19, v1;
	v16 =	vld.idx.msk [tilespmem:v11+s0+$0x0], $0xffff;
	v15 =	vadd.f32 v15, v2;
	v11 =	vmul.f32 v28, v28  }
0x22a: {  	v2 =	vmul.f32 v29, v29;
	v14 =	vadd.f32 v17, v14;
	v3 =	vmul.f32 v0, v6  }
0x22b: {  	v4 =	vadd.f32 v11, v15;
	v0 =	vmul.f32 v26, v26;
	v6 =	vmul.f32 v7, v6  }
0x22c: {  	v11 =	vmul.f32 v18, v18;
	v7 =	vadd.f32 v3, v38;
	v38 =	vadd.f32 v2, v14  }
0x22d: {  	v3 =	vadd.f32 v0, v4;
	v4 =	vmul.f32 v27, v27;
	v6 =	vadd.f32 v6, v37  }
0x22e: {  	v5 =	vadd.f32 v11, v5;
	v0 =	vmul.f32 v16, v16  }
0x22f: {  	v12 =	vld.idx.msk [tilespmem:v13+s0+$0x0], $0xffff;
	[tilespmem:$0x1F460] =	vst v6;
	v4 =	vadd.f32 v4, v38;
	v6 =	vmul.f32 v24, v24  }
0x230: {  	v0 =	vadd.f32 v0, v5;
	v5 =	vld [tilespmem:$0x1F260]  }
0x231: {  	v4 =	vadd.f32 v6, v4;
	v6 =	vld [tilespmem:$0x1F270];
	_ =	sdelay $0x2  }
0x232: {  	v2 =	vmul.f32 v23, v23;
	_ =	sdelay $0x1  }
0x233: {  	v2 =	vadd.f32 v2, v3;
	v3 =	vmul.f32 v12, v12;
	v6 =	vmul.f32 v6, v5;
	_ =	sdelay $0x1  }
0x234: {  	v3 =	vadd.f32 v3, v0;
	v0 =	vadd.f32 v6, v7;
	_ =	sdelay $0x1  }
0x235: {  	v10 =	vor.u32 $0x1A, v1;
	[tilespmem:$0x1F480] =	vst v0;
	v0 =	vld [tilespmem:$0x1F280];
	_ =	sdelay $0x2  }
0x236: {  	v17 =	vld.idx.msk [tilespmem:v13+s1+$0x0], $0xffff;
	_ =	sdelay $0x1  }
0x237: {  	v14 =	vld.idx.msk [tilespmem:v10+s1+$0x0], $0xffff;
	v0 =	vmul.f32 v0, v5;
	_ =	sdelay $0x1  }
0x238: {  	[tilespmem:$0x1F470] =	vst v0;
	v0 =	vld [tilespmem:$0x1F290]  }
0x239: {  	v37 =	vmul.f32 v17, v17;
	_ =	sdelay $0x1  }
0x23a: {  	v2 =	vadd.f32 v37, v2;
	v6 =	vmul.f32 v14, v14;
	_ =	sdelay $0x1  }
0x23b: {  	v5 =	vadd.f32 v6, v2;
	v6 =	vadd.f32 $0.0e+00, v0;
	v0 =	vld [tilespmem:$0x1F2A0];
	_ =	sdelay $0x2  }
0x23c: {  	v15 =	vld.idx.msk [tilespmem:v13+s20+$0x0], $0xffff;
	_ =	sdelay $0x1  }
0x23d: {  	v7 =	vmul.f32 v0, v22;
	v0 =	vld [tilespmem:$0x1F2B0];
	_ =	sdelay $0x1  }
0x23e: {  	v9 =	vld.idx.msk [tilespmem:v10+s0+$0x0], $0xffff  }
0x23f: {  	v13 =	vld.idx.msk [tilespmem:v10+s20+$0x0], $0xffff;
	v10 =	vmul.f32 v15, v15;
	_ =	sdelay $0x1  }
0x240: {  	v4 =	vadd.f32 v10, v4;
	v10 =	vmul.f32 v0, v22;
	v0 =	vld [tilespmem:$0x1F2C0];
	_ =	sdelay $0x4  }
0x241: {  	v37 =	vadd.f32 $0.0e+00, v0;
	v0 =	vld [tilespmem:$0x1F2D0];
	_ =	sdelay $0x1  }
0x242: {  	v2 =	vld [tilespmem:$0x1F2E0];
	_ =	sdelay $0x1  }
0x243: {  	v11 =	vor.u32 $0x1B, v1  }
0x244: {  	v6 =	vadd.f32 v7, v6;
	v7 =	vmul.f32 v0, v31;
	v0 =	vmul.f32 v13, v13;
	_ =	sdelay $0x1  }
0x245: {  	v31 =	vmul.f32 v2, v31;
	v2 =	vadd.f32 v0, v4;
	v0 =	vld [tilespmem:$0x1F2F0];
	_ =	sdelay $0x2  }
0x246: {  	v8 =	vld.idx.msk [tilespmem:v11+s0+$0x0], $0xffff;
	_ =	sdelay $0x1  }
0x247: {  	v4 =	vadd.f32 v7, v6;
	v6 =	vmul.f32 v0, v32;
	v0 =	vld [tilespmem:$0x1F300]  }
0x248: {  	v38 =	vmul.f32 v9, v9  }
0x249: {  	v22 =	vld.idx.msk [tilespmem:v11+s1+$0x0], $0xffff  }
0x24a: {  	v3 =	vadd.f32 v38, v3;
	v37 =	vadd.f32 v10, v37;
	v10 =	vld.idx.msk [tilespmem:v11+s20+$0x0], $0xffff;
	v11 =	vmul.f32 v8, v8;
	_ =	sdelay $0x1  }
0x24b: {  	v7 =	vadd.f32 v11, v3;
	v3 =	vmul.f32 v0, v32;
	v0 =	vld [tilespmem:$0x1F310];
	_ =	sdelay $0x4  }
0x24c: {  	v11 =	vadd.f32 v31, v37;
	v31 =	vmul.f32 v0, v36;
	v0 =	vld [tilespmem:$0x1F320];
	_ =	sdelay $0x4  }
0x24d: {  	v32 =	vmul.f32 v0, v36;
	v0 =	vld [tilespmem:$0x1F330];
	_ =	sdelay $0x2  }
0x24e: {  	v6 =	vadd.f32 v6, v4;
	_ =	sdelay $0x1  }
0x24f: {  	v6 =	vadd.f32 v31, v6;
	v31 =	vmul.f32 v0, v53;
	v0 =	vmul.f32 v10, v10;
	_ =	sdelay $0x1  }
0x250: {  	v0 =	vadd.f32 v0, v2;
	v2 =	vadd.f32 v31, v6;
	v6 =	vld [tilespmem:$0x1F350];
	_ =	sdelay $0x2  }
0x251: {  	v37 =	vmul.f32 v22, v22;
	_ =	sdelay $0x1  }
0x252: {  	v38 =	vor.u32 $0x1C, v1;
	v5 =	vadd.f32 v37, v5;
	v37 =	vld [tilespmem:$0x1F340];
	v6 =	vmul.f32 v6, v54;
	_ =	sdelay $0x1  }
0x253: {  	v2 =	vadd.f32 v6, v2;
	v6 =	vld [tilespmem:$0x1F360]  }
0x254: {  	v3 =	vadd.f32 v3, v11;
	_ =	sdelay $0x1  }
0x255: {  	v4 =	vld.idx.msk [tilespmem:v38+s1+$0x0], $0xffff;
	v37 =	vmul.f32 v37, v53;
	v3 =	vadd.f32 v32, v3  }
0x256: {  	v36 =	vld.idx.msk [tilespmem:v38+s0+$0x0], $0xffff  }
0x257: {  	v32 =	vadd.f32 v37, v3;
	v3 =	vld.idx.msk [tilespmem:v38+s20+$0x0], $0xffff;
	v6 =	vmul.f32 v6, v60  }
0x258: {  	v38 =	vld [tilespmem:$0x1F380]  }
0x259: {  	v2 =	vadd.f32 v6, v2;
	v6 =	vld [tilespmem:$0x1F390];
	_ =	sdelay $0x2  }
0x25a: {  	v11 =	vor.u32 $0x1D, v1;
	v31 =	vmul.f32 v39, v54;
	v54 =	vmul.f32 v36, v36;
	_ =	sdelay $0x1  }
0x25b: {  	v7 =	vadd.f32 v54, v7;
	v54 =	vld [tilespmem:$0x1F370];
	v6 =	vmul.f32 v6, v38  }
0x25c: {  	v31 =	vadd.f32 v31, v32;
	v32 =	vmul.f32 v42, v38;
	v38 =	vld [tilespmem:$0x1F3A0]  }
0x25d: {  	v53 =	vmul.f32 v4, v4;
	v2 =	vadd.f32 v6, v2;
	v6 =	vld [tilespmem:$0x1F3B0]  }
0x25e: {  	v39 =	vld.idx.msk [tilespmem:v11+s0+$0x0], $0xffff  }
0x25f: {  	v5 =	vadd.f32 v53, v5;
	v53 =	vld [tilespmem:$0x1F3C0]  }
0x260: {  	v42 =	vld.idx.msk [tilespmem:v11+s20+$0x0], $0xffff  }
0x261: {  	v37 =	vmul.f32 v54, v60;
	v60 =	vld.idx.msk [tilespmem:v11+s1+$0x0], $0xffff;
	v11 =	vmul.f32 v3, v3  }
0x262: {  	v6 =	vmul.f32 v6, v38  }
0x263: {  	v0 =	vadd.f32 v11, v0;
	v11 =	vld [tilespmem:$0x1F3D0]  }
0x264: {  	v38 =	vmul.f32 v53, v38;
	v53 =	vmul.f32 v39, v39;
	v2 =	vadd.f32 v6, v2;
	v6 =	vld [tilespmem:$0x1F3E0];
	_ =	sdelay $0x1  }
0x265: {  	v31 =	vadd.f32 v37, v31;
	v37 =	vor.u32 $0x1E, v1;
	v7 =	vadd.f32 v53, v7;
	v53 =	vld [tilespmem:$0x1F400]  }
0x266: {  	v54 =	vld [tilespmem:$0x1F3F0]  }
0x267: {  	v31 =	vadd.f32 v32, v31  }
0x268: {  	v6 =	vmul.f32 v6, v11  }
0x269: {  	v31 =	vadd.f32 v38, v31  }
0x26a: {  	v38 =	vld.idx.msk [tilespmem:v37+s0+$0x0], $0xffff;
	v2 =	vadd.f32 v6, v2;
	v6 =	vmul.f32 v62, v53;
	v62 =	vmul.f32 v60, v60  }
0x26b: {  	v11 =	vmul.f32 v54, v11;
	v54 =	vld.idx.msk [tilespmem:v37+s1+$0x0], $0xffff  }
0x26c: {  	v5 =	vadd.f32 v62, v5;
	v62 =	vld.idx.msk [tilespmem:v37+s20+$0x0], $0xffff  }
0x26d: {  	v37 =	vld [tilespmem:$0x1F410]  }
0x26e: {  	v2 =	vadd.f32 v6, v2;
	v6 =	vld [tilespmem:$0x1F420];
	_ =	sdelay $0x1  }
0x26f: {  	v11 =	vadd.f32 v11, v31;
	v31 =	vmul.f32 v42, v42  }
0x270: {  	v49 =	vmul.f32 v49, v53  }
0x271: {  	v0 =	vadd.f32 v31, v0  }
0x272: {  	v11 =	vadd.f32 v49, v11;
	v6 =	vmul.f32 v6, v37;
	v31 =	vmul.f32 v47, v37  }
0x273: {  	v49 =	vld [tilespmem:$0x1F430]  }
0x274: {  	v2 =	vadd.f32 v6, v2;
	v6 =	vadd.f32 v31, v11;
	v31 =	vld [tilespmem:$0x1F440];
	_ =	sdelay $0x3  }
0x275: {  	v37 =	vmul.f32 v45, v49  }
0x276: {  	v11 =	vor.u32 $0x1F, v1;
	v1 =	vmul.f32 v46, v31;
	v31 =	vmul.f32 v56, v31;
	v56 =	vld [tilespmem:$0x1F450]  }
0x277: {  	v50 =	vmul.f32 v50, v49;
	v6 =	vadd.f32 v37, v6;
	_ =	sdelay $0x1  }
0x278: {  	v2 =	vadd.f32 v50, v2;
	v6 =	vadd.f32 v31, v6;
	v31 =	vld [tilespmem:$0x1FFF0]  }
0x279: {  	v53 =	vmul.f32 v58, v48;
	v37 =	vmul.f32 v62, v62  }
0x27a: {  	s5 =	simm.s32 $0x30;
	[tilespmem:$0x1F4B0] =	vst v62;
	v2 =	vadd.f32 v1, v2;
	v62 =	vmul.f32 v51, v56;
	v47 =	vmul.f32 v52, v56  }
0x27b: {  	[tilespmem:$0x1F4A0] =	vst v54;
	v32 =	vmul.f32 v54, v54;
	v54 =	vmul.f32 v59, v48;
	v1 =	vmov s5  }
0x27c: {  	v1 =	vshll.u32 v1, $0x5;
	v2 =	vadd.f32 v62, v2;
	v6 =	vadd.f32 v47, v6  }
0x27d: {  	v63 =	vmul.f32 v63, v55;
	v1 =	vor.u32 v31, v1  }
0x27e: {  	v58 =	vld.idx.msk [tilespmem:v11+s1+$0x0], $0xffff;
	v62 =	vmul.f32 v43, v55;
	v2 =	vadd.f32 v53, v2;
	v6 =	vadd.f32 v54, v6  }
0x27f: {  	v40 =	vmul.f32 v40, v61;
	v44 =	vmul.f32 v44, v57;
	v50 =	vld.idx.msk [tilespmem:v11+s20+$0x0], $0xffff  }
0x280: {  	v31 =	vld.idx.msk [tilespmem:v11+s0+$0x0], $0xffff;
	v11 =	vmul.f32 v25, v57;
	v2 =	vadd.f32 v62, v2;
	v6 =	vadd.f32 v63, v6  }
0x281: {  	v34 =	vmul.f32 v34, v21;
	v43 =	vor.u32 $0xF, v1;
	v48 =	vor.u32 $0xC, v1  }
0x282: {  	v2 =	vadd.f32 v11, v2;
	v11 =	vmul.f32 v41, v61;
	v6 =	vadd.f32 v44, v6  }
0x283: {  	v21 =	vmul.f32 v35, v21;
	v30 =	vmul.f32 v30, v20;
	v46 =	vor.u32 $0xB, v1;
	v25 =	vld.idx.msk [tilespmem:v1+s0+$0x0], $0xffff  }
0x284: {  	v20 =	vmul.f32 v33, v20;
	v35 =	vor.u32 $0x8, v1;
	v52 =	vld.idx.msk [tilespmem:v1+s1+$0x0], $0xffff;
	v6 =	vadd.f32 v11, v6  }
0x285: {  	v17 =	vmul.f32 v17, v12;
	v45 =	vmul.f32 v38, v38;
	v53 =	vld.idx.msk [tilespmem:v1+s20+$0x0], $0xffff  }
0x286: {  	v12 =	vmul.f32 v15, v12;
	v5 =	vadd.f32 v32, v5;
	v55 =	vld.idx.msk [tilespmem:v43+s0+$0x0], $0xffff;
	v6 =	vadd.f32 v21, v6  }
0x287: {  	v7 =	vadd.f32 v45, v7;
	v32 =	vor.u32 $0xD, v1;
	v54 =	vor.u32 $0xE, v1;
	v62 =	vld.idx.msk [tilespmem:v48+s0+$0x0], $0xffff  }
0x288: {  	v57 =	vld.idx.msk [tilespmem:v46+s0+$0x0], $0xffff;
	v21 =	vmul.f32 v28, v19;
	v19 =	vmul.f32 v29, v19;
	v6 =	vadd.f32 v20, v6  }
0x289: {  	v0 =	vadd.f32 v37, v0;
	v45 =	vor.u32 $0x6, v1;
	v41 =	vor.u32 $0xA, v1;
	v56 =	vld.idx.msk [tilespmem:v35+s0+$0x0], $0xffff  }
0x28a: {  	v37 =	vld.idx.msk [tilespmem:v48+s1+$0x0], $0xffff;
	v20 =	vmul.f32 v26, v18;
	v18 =	vmul.f32 v27, v18;
	v6 =	vadd.f32 v19, v6  }
0x28b: {  	[tilespmem:$0x1F4C0] =	vst v58;
	v15 =	vmul.f32 v58, v58;
	v58 =	vld.idx.msk [tilespmem:v43+s20+$0x0], $0xffff;
	v2 =	vadd.f32 v40, v2;
	v11 =	vor.u32 $0x9, v1  }
0x28c: {  	v59 =	vld.idx.msk [tilespmem:v54+s0+$0x0], $0xffff;
	v19 =	vmul.f32 v23, v16;
	v16 =	vmul.f32 v24, v16;
	v6 =	vadd.f32 v18, v6  }
0x28d: {  	v2 =	vadd.f32 v34, v2;
	v34 =	vld.idx.msk [tilespmem:v32+s0+$0x0], $0xffff  }
0x28e: {  	v40 =	vor.u32 $0x7, v1;
	v49 =	vld.idx.msk [tilespmem:v41+s0+$0x0], $0xffff;
	v6 =	vadd.f32 v16, v6  }
0x28f: {  	v14 =	vmul.f32 v14, v9;
	v29 =	vor.u32 $0x5, v1;
	v2 =	vadd.f32 v30, v2;
	v30 =	vld.idx.msk [tilespmem:v45+s0+$0x0], $0xffff  }
0x290: {  	v9 =	vmul.f32 v13, v9;
	v26 =	vor.u32 $0x4, v1;
	v51 =	vld.idx.msk [tilespmem:v11+s0+$0x0], $0xffff;
	v6 =	vadd.f32 v12, v6  }
0x291: {  	v2 =	vadd.f32 v21, v2;
	v12 =	vmul.f32 v22, v8;
	v8 =	vmul.f32 v10, v8;
	v10 =	vld [tilespmem:$0x1F470]  }
0x292: {  	v27 =	vor.u32 $0x3, v1;
	v6 =	vadd.f32 v9, v6;
	v9 =	vld [tilespmem:$0x1F460]  }
0x293: {  	v47 =	vld.idx.msk [tilespmem:v40+s0+$0x0], $0xffff;
	v2 =	vadd.f32 v20, v2  }
0x294: {  	v61 =	vld.idx.msk [tilespmem:v29+s0+$0x0], $0xffff  }
0x295: {  	v5 =	vadd.f32 v15, v5;
	v15 =	vld.idx.msk [tilespmem:v29+s1+$0x0], $0xffff;
	v2 =	vadd.f32 v19, v2  }
0x296: {  	v18 =	vor.u32 $0x1, v1;
	v28 =	vld.idx.msk [tilespmem:v26+s0+$0x0], $0xffff;
	v16 =	vmul.f32 v50, v50  }
0x297: {  	v23 =	vor.u32 $0x2, v1;
	v20 =	vld.idx.msk [tilespmem:v27+s0+$0x0], $0xffff;
	v2 =	vadd.f32 v17, v2;
	v9 =	vadd.f32 v10, v9  }
0x298: {  	v10 =	vadd.f32 v16, v0;
	v0 =	vmul.f32 v3, v36;
	v3 =	vadd.f32 v8, v6;
	v6 =	vld [tilespmem:$0x1F480]  }
0x299: {  	v33 =	vld.idx.msk [tilespmem:v27+s1+$0x0], $0xffff  }
0x29a: {  	v13 =	vld.idx.msk [tilespmem:v26+s1+$0x0], $0xffff;
	v2 =	vadd.f32 v14, v2  }
0x29b: {  	[tilespmem:$0x1F4D0] =	vst v50;
	v24 =	vmul.f32 v31, v31;
	v22 =	vld.idx.msk [tilespmem:v18+s0+$0x0], $0xffff  }
0x29c: {  	v4 =	vmul.f32 v4, v36;
	[tilespmem:$0x1F590] =	vst v56;
	v21 =	vld.idx.msk [tilespmem:v23+s0+$0x0], $0xffff;
	v2 =	vadd.f32 v12, v2  }
0x29d: {  	[tilespmem:$0x1F5E0] =	vst v49;
	v7 =	vadd.f32 v24, v7;
	v17 =	vld.idx.msk [tilespmem:v45+s20+$0x0], $0xffff;
	v6 =	vsub.f32 v9, v6  }
0x29e: {  	[tilespmem:$0x1F5C0] =	vst v51;
	v50 =	vld.idx.msk [tilespmem:v18+s1+$0x0], $0xffff;
	v2 =	vadd.f32 v4, v2;
	v4 =	vmul.f32 v25, v25  }
0x29f: {  	v44 =	vld.idx.msk [tilespmem:v18+s20+$0x0], $0xffff;
	[tilespmem:$0x1F4E0] =	vst v6;
	v6 =	vmul.f32 v60, v39  }
0x2a0: {  	[tilespmem:$0x1F530] =	vst v15;
	v12 =	vld.idx.msk [tilespmem:v23+s1+$0x0], $0xffff;
	v4 =	vadd.f32 v4, v7;
	v7 =	vmul.f32 v22, v22  }
0x2a1: {  	[tilespmem:$0x1F510] =	vst v13;
	v16 =	vld.idx.msk [tilespmem:v23+s20+$0x0], $0xffff;
	v24 =	vadd.f32 v6, v2;
	v2 =	vmul.f32 v52, v52  }
0x2a2: {  	v14 =	vld.idx.msk [tilespmem:v26+s20+$0x0], $0xffff;
	v4 =	vadd.f32 v7, v4;
	v7 =	vmul.f32 v21, v21;
	v6 =	vmul.f32 v53, v53  }
0x2a3: {  	v8 =	vmul.f32 v42, v39;
	v42 =	vld.idx.msk [tilespmem:v27+s20+$0x0], $0xffff;
	v9 =	vmul.f32 v50, v50;
	v2 =	vadd.f32 v2, v5  }
0x2a4: {  	[tilespmem:$0x1F560] =	vst v17;
	v4 =	vadd.f32 v7, v4;
	v5 =	vadd.f32 v6, v10;
	v6 =	vmul.f32 v44, v44  }
0x2a5: {  	v36 =	vld.idx.msk [tilespmem:v11+s20+$0x0], $0xffff;
	v7 =	vmul.f32 v20, v20;
	v10 =	vmul.f32 v12, v12;
	v2 =	vadd.f32 v9, v2  }
0x2a6: {  	v3 =	vadd.f32 v0, v3;
	v0 =	vld.idx.msk [tilespmem:v45+s1+$0x0], $0xffff;
	v5 =	vadd.f32 v6, v5;
	v6 =	vmul.f32 v16, v16  }
0x2a7: {  	[tilespmem:$0x1F500] =	vst v16;
	v7 =	vadd.f32 v7, v4;
	v9 =	vmul.f32 v33, v33;
	v2 =	vadd.f32 v10, v2  }
0x2a8: {  	v16 =	vld.idx.msk [tilespmem:v29+s20+$0x0], $0xffff;
	v5 =	vadd.f32 v6, v5;
	v6 =	vmul.f32 v42, v42;
	v10 =	vmul.f32 v28, v28  }
0x2a9: {  	[tilespmem:$0x1F4F0] =	vst v12;
	v12 =	vmul.f32 v13, v13;
	v13 =	vld.idx.msk [tilespmem:v35+s1+$0x0], $0xffff;
	v2 =	vadd.f32 v9, v2  }
0x2aa: {  	v4 =	vld.idx.msk [tilespmem:v40+s1+$0x0], $0xffff;
	v5 =	vadd.f32 v6, v5;
	v6 =	vmul.f32 v14, v14;
	v7 =	vadd.f32 v10, v7  }
0x2ab: {  	v9 =	vmul.f32 v61, v61;
	v10 =	vmul.f32 v15, v15;
	v15 =	vld.idx.msk [tilespmem:v35+s20+$0x0], $0xffff;
	v35 =	vadd.f32 v8, v3  }
0x2ac: {  	[tilespmem:$0x1F520] =	vst v14;
	v14 =	vld.idx.msk [tilespmem:v40+s20+$0x0], $0xffff;
	v2 =	vadd.f32 v12, v2;
	v5 =	vadd.f32 v6, v5  }
0x2ad: {  	[tilespmem:$0x1F550] =	vst v0;
	v6 =	vmul.f32 v16, v16;
	v7 =	vadd.f32 v9, v7;
	v9 =	vmul.f32 v30, v30  }
0x2ae: {  	[tilespmem:$0x1F540] =	vst v16;
	v12 =	vmul.f32 v0, v0;
	v16 =	vld.idx.msk [tilespmem:v11+s1+$0x0], $0xffff;
	v11 =	vmul.f32 v13, v13  }
0x2af: {  	v39 =	vld.idx.msk [tilespmem:v46+s20+$0x0], $0xffff;
	v2 =	vadd.f32 v10, v2;
	v5 =	vadd.f32 v6, v5;
	v6 =	vmul.f32 v17, v17  }
0x2b0: {  	v0 =	vld.idx.msk [tilespmem:v41+s1+$0x0], $0xffff;
	v7 =	vadd.f32 v9, v7;
	v9 =	vmul.f32 v47, v47;
	v10 =	vmul.f32 v4, v4  }
0x2b1: {  	v8 =	vld.idx.msk [tilespmem:v48+s20+$0x0], $0xffff;
	v2 =	vadd.f32 v12, v2;
	v5 =	vadd.f32 v6, v5;
	v6 =	vmul.f32 v14, v14  }
0x2b2: {  	[tilespmem:$0x1F570] =	vst v4;
	v48 =	vld.idx.msk [tilespmem:v54+s1+$0x0], $0xffff;
	v17 =	vor.u32 $0x16, v1;
	v7 =	vadd.f32 v9, v7;
	v9 =	vmul.f32 v56, v56  }
0x2b3: {  	v4 =	vld.idx.msk [tilespmem:v41+s20+$0x0], $0xffff;
	[tilespmem:$0x1F580] =	vst v14;
	v14 =	vor.u32 $0x15, v1;
	v2 =	vadd.f32 v10, v2;
	v5 =	vadd.f32 v6, v5  }
0x2b4: {  	v12 =	vld.idx.msk [tilespmem:v46+s1+$0x0], $0xffff;
	v6 =	vmul.f32 v15, v15;
	v3 =	vadd.f32 v9, v7;
	v7 =	vmul.f32 v51, v51  }
0x2b5: {  	v56 =	vld.idx.msk [tilespmem:v54+s20+$0x0], $0xffff;
	v9 =	vmul.f32 v16, v16;
	v10 =	vmul.f32 v0, v0;
	v2 =	vadd.f32 v11, v2  }
0x2b6: {  	v51 =	vld.idx.msk [tilespmem:v32+s20+$0x0], $0xffff;
	v5 =	vadd.f32 v6, v5;
	v6 =	vmul.f32 v36, v36;
	v3 =	vadd.f32 v7, v3  }
0x2b7: {  	[tilespmem:$0x1F5F0] =	vst v0;
	v0 =	vld [tilespmem:$0x1F490];
	v7 =	vmul.f32 v49, v49;
	v2 =	vadd.f32 v9, v2;
	v9 =	vor.u32 $0x10, v1  }
0x2b8: {  	v27 =	vld.idx.msk [tilespmem:v17+s1+$0x0], $0xffff;
	v11 =	vmul.f32 v39, v39;
	v5 =	vadd.f32 v6, v5;
	v6 =	vmul.f32 v4, v4  }
0x2b9: {  	v49 =	vld.idx.msk [tilespmem:v32+s1+$0x0], $0xffff;
	v3 =	vadd.f32 v7, v3;
	v7 =	vmul.f32 v57, v57;
	v2 =	vadd.f32 v10, v2  }
0x2ba: {  	v40 =	vld.idx.msk [tilespmem:v14+s1+$0x0], $0xffff;
	v10 =	vmul.f32 v12, v12;
	v5 =	vadd.f32 v6, v5;
	v6 =	vor.u32 $0x11, v1  }
0x2bb: {  	[tilespmem:$0x1F610] =	vst v57;
	v57 =	vld.idx.msk [tilespmem:v43+s1+$0x0], $0xffff;
	v3 =	vadd.f32 v7, v3;
	v7 =	vmul.f32 v62, v62  }
0x2bc: {  	v2 =	vadd.f32 v10, v2;
	v5 =	vadd.f32 v11, v5;
	v10 =	vmul.f32 v37, v37;
	v43 =	vld.idx.msk [tilespmem:v9+s0+$0x0], $0xffff  }
0x2bd: {  	v11 =	vmul.f32 v8, v8;
	v3 =	vadd.f32 v7, v3;
	v7 =	vor.u32 $0x12, v1;
	v60 =	vld.idx.msk [tilespmem:v9+s1+$0x0], $0xffff  }
0x2be: {  	[tilespmem:$0x1F670] =	vst v55;
	v23 =	vld.idx.msk [tilespmem:v9+s20+$0x0], $0xffff;
	v9 =	vmul.f32 v49, v49;
	v2 =	vadd.f32 v10, v2  }
0x2bf: {  	[tilespmem:$0x1F620] =	vst v12;
	v12 =	vmul.f32 v34, v34;
	v5 =	vadd.f32 v11, v5;
	v54 =	vld.idx.msk [tilespmem:v6+s0+$0x0], $0xffff  }
0x2c0: {  	[tilespmem:$0x1F630] =	vst v62;
	v10 =	vmul.f32 v51, v51;
	v62 =	vld.idx.msk [tilespmem:v6+s1+$0x0], $0xffff;
	v2 =	vadd.f32 v9, v2;
	v9 =	vor.u32 $0x13, v1  }
0x2c1: {  	[tilespmem:$0x1F660] =	vst v59;
	v0 =	vadd.f32 $0.0e+00, v0;
	v3 =	vadd.f32 v12, v3;
	v11 =	vmul.f32 v59, v59;
	v63 =	vld.idx.msk [tilespmem:v6+s20+$0x0], $0xffff  }
0x2c2: {  	v12 =	vmul.f32 v48, v48;
	v6 =	vmul.f32 v56, v56;
	v5 =	vadd.f32 v10, v5;
	v59 =	vld.idx.msk [tilespmem:v7+s0+$0x0], $0xffff  }
0x2c3: {  	[tilespmem:$0x1F650] =	vst v34;
	v32 =	vor.u32 $0x18, v1;
	v3 =	vadd.f32 v11, v3;
	v10 =	vmul.f32 v55, v55;
	v26 =	vld.idx.msk [tilespmem:v7+s1+$0x0], $0xffff  }
0x2c4: {  	[tilespmem:$0x1F5B0] =	vst v15;
	v46 =	vld.idx.msk [tilespmem:v7+s20+$0x0], $0xffff;
	v7 =	vand.u32 $0x7FFFFFFF, v0;
	v2 =	vadd.f32 v12, v2;
	v5 =	vadd.f32 v6, v5  }
0x2c5: {  	v6 =	vmul.f32 v57, v57;
	v3 =	vadd.f32 v10, v3;
	v10 =	vmul.f32 v58, v58;
	v15 =	vld.idx.msk [tilespmem:v9+s0+$0x0], $0xffff  }
0x2c6: {  	[tilespmem:$0x1F5D0] =	vst v16;
	v11 =	vor.u32 $0x14, v1;
	v7 =	vsub.f32 $0.0e+00, v7;
	v12 =	vmul.f32 v43, v43;
	v16 =	vld.idx.msk [tilespmem:v9+s1+$0x0], $0xffff  }
0x2c7: {  	v2 =	vadd.f32 v6, v2;
	v10 =	vadd.f32 v10, v5;
	v55 =	vld.idx.msk [tilespmem:v9+s20+$0x0], $0xffff;
	v9 =	vmul.f32 v23, v23  }
0x2c8: {  	[tilespmem:$0x1F5A0] =	vst v13;
	v29 =	vld.idx.msk [tilespmem:v14+s20+$0x0], $0xffff;
	v5 =	vmul.f32 v60, v60;
	v3 =	vadd.f32 v12, v3;
	v7 =	vmul.f32 $1.442695020e+00, v7  }
0x2c9: {  	[tilespmem:$0x1FE40] =	vst v0;
	v0 =	vld [tilespmem:$0x1F4A0];
	v12 =	vmul.f32 v54, v54;
	v9 =	vadd.f32 v9, v10;
	v10 =	vmul.f32 v63, v63  }
0x2ca: {  	[tilespmem:$0x1F600] =	vst v4;
	v4 =	vld [tilespmem:$0x1F4B0];
	v13 =	vmul.f32 v62, v62;
	v2 =	vadd.f32 v5, v2;
	(erf) = vpow2.f32 v7  }
0x2cb: {  	v45 =	vld.idx.msk [tilespmem:v11+s20+$0x0], $0xffff;
	v7 =	vadd.f32 v12, v3;
	v9 =	vadd.f32 v10, v9;
	v10 =	vmul.f32 v59, v59  }
0x2cc: {  	[tilespmem:$0x1F640] =	vst v8;
	v8 =	vmul.f32 v52, v25;
	v18 =	vld.idx.msk [tilespmem:v11+s0+$0x0], $0xffff;
	v3 =	vor.u32 $0x17, v1;
	v52 =	vmul.f32 v46, v46  }
0x2cd: {  	v41 =	vld.idx.msk [tilespmem:v11+s1+$0x0], $0xffff;
	v11 =	vmul.f32 v26, v26;
	v2 =	vadd.f32 v13, v2;
	v7 =	vadd.f32 v10, v7  }
0x2ce: {  	v12 =	vld.idx.msk [tilespmem:v14+s0+$0x0], $0xffff;
	v9 =	vadd.f32 v52, v9;
	v10 =	vmul.f32 v0, v38;
	v0 =	vmul.f32 v55, v55  }
0x2cf: {  	v6 =	vmul.f32 v53, v25;
	v53 =	vld.idx.msk [tilespmem:v17+s0+$0x0], $0xffff;
	v2 =	vadd.f32 v11, v2;
	v14 =	vmul.f32 v15, v15  }
0x2d0: {  	v25 =	vld.idx.msk [tilespmem:v17+s20+$0x0], $0xffff;
	v38 =	vmul.f32 v4, v38;
	v4 =	vadd.f32 v0, v9;
	v0 =	vmul.f32 v45, v45  }
0x2d1: {  	v34 =	vmul.f32 v16, v16;
	v7 =	vadd.f32 v14, v7;
	v14 =	vld.idx.msk [tilespmem:v3+s0+$0x0], $0xffff;
	v9 =	vmul.f32 v18, v18  }
0x2d2: {  	v17 =	vor.u32 $0x19, v1;
	v4 =	vadd.f32 v0, v4;
	v0 =	vld [tilespmem:$0x1F4C0]  }
0x2d3: {  	v13 =	vld.idx.msk [tilespmem:v32+s20+$0x0], $0xffff;
	v5 =	vadd.f32 v34, v2;
	v7 =	vadd.f32 v9, v7;
	v9 =	vmul.f32 v12, v12  }
0x2d4: {  	v11 =	vld.idx.msk [tilespmem:v32+s1+$0x0], $0xffff;
	v2 =	vmul.f32 v41, v41;
	v24 =	vadd.f32 v10, v24;
	v10 =	vadd.f32 v38, v35  }
0x2d5: {  	v19 =	vld.idx.msk [tilespmem:v3+s1+$0x0], $0xffff;
	v38 =	vmul.f32 v53, v53;
	v7 =	vadd.f32 v9, v7  }
0x2d6: {  	v35 =	vmul.f32 v29, v29;
	v2 =	vadd.f32 v2, v5;
	v5 =	vmul.f32 v40, v40;
	[tilespmem:$0x1F680] =	vst v10  }
0x2d7: {  	v10 =	vld.idx.msk [tilespmem:v32+s0+$0x0], $0xffff;
	v7 =	vadd.f32 v38, v7;
	v38 =	vmul.f32 v0, v31;
	v0 =	vmul.f32 v14, v14  }
0x2d8: {  	v32 =	vmul.f32 v27, v27;
	v5 =	vadd.f32 v5, v2;
	v9 =	vld.idx.msk [tilespmem:v17+s0+$0x0], $0xffff  }
0x2d9: {  	v4 =	vadd.f32 v35, v4;
	v35 =	vmul.f32 v25, v25;
	v0 =	vadd.f32 v0, v7;
	v7 =	vld [tilespmem:$0x1F4D0]  }
0x2da: {  	v52 =	vld.idx.msk [tilespmem:v3+s20+$0x0], $0xffff  }
0x2db: {  	v34 =	vld.idx.msk [tilespmem:v17+s20+$0x0], $0xffff;
	v5 =	vadd.f32 v32, v5;
	v4 =	vadd.f32 v35, v4;
	v35 =	vmul.f32 v19, v19  }
0x2dc: {  	v32 =	vld.idx.msk [tilespmem:v17+s1+$0x0], $0xffff;
	v17 =	vmul.f32 v10, v10  }
0x2dd: {  	v5 =	vadd.f32 v35, v5  }
0x2de: {  	v35 =	vmul.f32 v9, v9;
	v0 =	vadd.f32 v17, v0;
	v7 =	vmul.f32 v7, v31;
	_ =	sdelay $0x1  }
0x2df: {  	[tilespmem:$0x1F690] =	vst v7;
	v7 =	vadd.f32 v35, v0;
	v0 =	vld [tilespmem:$0x1F4E0]  }
0x2e0: {  	v2 =	vmul.f32 v52, v52;
	_ =	sdelay $0x1  }
0x2e1: {  	v2 =	vadd.f32 v2, v4;
	v17 =	vmul.f32 v13, v13  }
0x2e2: {  	v8 =	vadd.f32 $0.0e+00, v8  }
0x2e3: {  	v2 =	vadd.f32 v17, v2;
	v17 =	vmul.f32 v50, v22;
	v0 =	vadd.f32 $0.0e+00, v0;
	_ =	sdelay $0x1  }
0x2e4: {  	v8 =	vadd.f32 v17, v8;
	[tilespmem:$0x1FED0] =	vst v0;
	v17 =	vand.u32 $0x7FFFFFFF, v0;
	v0 =	vld [tilespmem:$0x1F4F0]  }
0x2e5: {  	v3 =	vor.u32 $0x1A, v1;
	v4 =	vmul.f32 v11, v11  }
0x2e6: {  	v31 =	vpop (erf)  }
0x2e7: {  	v4 =	vadd.f32 v4, v5;
	v5 =	vor.u32 $0x1B, v1;
	[tilespmem:$0x1F6D0] =	vst v31;
	v31 =	vadd.f32 $2.000000000e+00, v31  }
0x2e8: {  	v24 =	vadd.f32 v38, v24  }
0x2e9: {  	(erf) = vrcp.f32 v31;
	v31 =	vmul.f32 v0, v21;
	v0 =	vld [tilespmem:$0x1F500]  }
0x2ea: {  	[tilespmem:$0x1F6A0] =	vst v24;
	v24 =	vld.idx.msk [tilespmem:v3+s0+$0x0], $0xffff;
	_ =	sdelay $0x1  }
0x2eb: {  	v44 =	vmul.f32 v44, v22;
	v6 =	vadd.f32 $0.0e+00, v6;
	v22 =	vld.idx.msk [tilespmem:v5+s0+$0x0], $0xffff  }
0x2ec: {  	v35 =	vld.idx.msk [tilespmem:v3+s1+$0x0], $0xffff  }
0x2ed: {  	v6 =	vadd.f32 v44, v6;
	v38 =	vmul.f32 v32, v32;
	v44 =	vmul.f32 v0, v21;
	v0 =	vld [tilespmem:$0x1F510]  }
0x2ee: {  	v50 =	vmul.f32 v24, v24  }
0x2ef: {  	v4 =	vadd.f32 v38, v4;
	v38 =	vmul.f32 v34, v34;
	v3 =	vld.idx.msk [tilespmem:v3+s20+$0x0], $0xffff  }
0x2f0: {  	v7 =	vadd.f32 v50, v7;
	v8 =	vadd.f32 v31, v8;
	v31 =	vmul.f32 v22, v22  }
0x2f1: {  	v2 =	vadd.f32 v38, v2;
	v38 =	vmul.f32 v35, v35  }
0x2f2: {  	v6 =	vadd.f32 v44, v6;
	v44 =	vmul.f32 v0, v28;
	v0 =	vadd.f32 v31, v7;
	v7 =	vld [tilespmem:$0x1F530]  }
0x2f3: {  	v4 =	vadd.f32 v38, v4;
	v38 =	vld.idx.msk [tilespmem:v5+s20+$0x0], $0xffff;
	v17 =	vsub.f32 $0.0e+00, v17  }
0x2f4: {  	v21 =	vld.idx.msk [tilespmem:v5+s1+$0x0], $0xffff;
	v5 =	vmul.f32 v3, v3  }
0x2f5: {  	v17 =	vmul.f32 $1.442695020e+00, v17  }
0x2f6: {  	v2 =	vadd.f32 v5, v2;
	v5 =	vld [tilespmem:$0x1F520]  }
0x2f7: {  	(erf) = vpow2.f32 v17;
	v17 =	vmul.f32 v7, v61;
	v7 =	vld [tilespmem:$0x1F540];
	_ =	sdelay $0x2  }
0x2f8: {  	v33 =	vmul.f32 v33, v20;
	v20 =	vmul.f32 v42, v20;
	_ =	sdelay $0x1  }
0x2f9: {  	v6 =	vadd.f32 v20, v6;
	v5 =	vmul.f32 v5, v28;
	v31 =	vmul.f32 v7, v61;
	v7 =	vld [tilespmem:$0x1F550]  }
0x2fa: {  	v50 =	vor.u32 $0x1C, v1;
	v8 =	vadd.f32 v33, v8  }
0x2fb: {  	v5 =	vadd.f32 v5, v6;
	v6 =	vmul.f32 v38, v38  }
0x2fc: {  	v8 =	vadd.f32 v44, v8  }
0x2fd: {  	v2 =	vadd.f32 v6, v2;
	v6 =	vld [tilespmem:$0x1F560]  }
0x2fe: {  	v8 =	vadd.f32 v17, v8;
	v17 =	vmul.f32 v7, v30;
	v7 =	vld [tilespmem:$0x1F570]  }
0x2ff: {  	v33 =	vld.idx.msk [tilespmem:v50+s1+$0x0], $0xffff;
	_ =	sdelay $0x2  }
0x300: {  	v28 =	vmul.f32 v21, v21;
	v6 =	vmul.f32 v6, v30;
	v5 =	vadd.f32 v31, v5  }
0x301: {  	v8 =	vadd.f32 v17, v8;
	v17 =	vmul.f32 v7, v47;
	v7 =	vld [tilespmem:$0x1F580]  }
0x302: {  	v4 =	vadd.f32 v28, v4;
	v5 =	vadd.f32 v6, v5;
	v6 =	vmul.f32 v33, v33  }
0x303: {  	v42 =	vld.idx.msk [tilespmem:v50+s0+$0x0], $0xffff  }
0x304: {  	v4 =	vadd.f32 v6, v4;
	v6 =	vld [tilespmem:$0x1F5B0]  }
0x305: {  	v8 =	vadd.f32 v17, v8;
	v17 =	vld [tilespmem:$0x1F5A0]  }
0x306: {  	v31 =	vmul.f32 v7, v47;
	v7 =	vld [tilespmem:$0x1F590];
	_ =	sdelay $0x2  }
0x307: {  	v20 =	vor.u32 $0x1D, v1  }
0x308: {  	v50 =	vld.idx.msk [tilespmem:v50+s20+$0x0], $0xffff;
	v28 =	vmul.f32 v42, v42  }
0x309: {  	v17 =	vmul.f32 v17, v7;
	v6 =	vmul.f32 v6, v7;
	v7 =	vld [tilespmem:$0x1F5C0]  }
0x30a: {  	v0 =	vadd.f32 v28, v0;
	v28 =	vld [tilespmem:$0x1F5D0];
	_ =	sdelay $0x1  }
0x30b: {  	v30 =	vld.idx.msk [tilespmem:v20+s0+$0x0], $0xffff  }
0x30c: {  	v5 =	vadd.f32 v31, v5;
	v31 =	vld.idx.msk [tilespmem:v20+s20+$0x0], $0xffff  }
0x30d: {  	v61 =	vmul.f32 v36, v7;
	v36 =	vld.idx.msk [tilespmem:v20+s1+$0x0], $0xffff  }
0x30e: {  	v8 =	vadd.f32 v17, v8;
	v17 =	vmul.f32 v50, v50;
	v28 =	vmul.f32 v28, v7;
	v7 =	vld [tilespmem:$0x1F5E0]  }
0x30f: {  	v20 =	vld [tilespmem:$0x1F5F0]  }
0x310: {  	v2 =	vadd.f32 v17, v2;
	v17 =	vld [tilespmem:$0x1F600];
	_ =	sdelay $0x3  }
0x311: {  	v5 =	vadd.f32 v6, v5;
	v8 =	vadd.f32 v28, v8;
	v20 =	vmul.f32 v20, v7  }
0x312: {  	v17 =	vmul.f32 v17, v7;
	v7 =	vld [tilespmem:$0x1F610]  }
0x313: {  	v5 =	vadd.f32 v61, v5;
	v8 =	vadd.f32 v20, v8;
	v20 =	vld [tilespmem:$0x1F620];
	_ =	sdelay $0x1  }
0x314: {  	v5 =	vadd.f32 v17, v5;
	v17 =	vmul.f32 v36, v36  }
0x315: {  	v28 =	vmul.f32 v30, v30  }
0x316: {  	v17 =	vadd.f32 v17, v4;
	v4 =	vld [tilespmem:$0x1F640]  }
0x317: {  	v0 =	vadd.f32 v28, v0;
	v28 =	vmul.f32 v39, v7;
	v20 =	vmul.f32 v20, v7;
	v7 =	vld [tilespmem:$0x1F630];
	_ =	sdelay $0x4  }
0x318: {  	v8 =	vadd.f32 v20, v8;
	v20 =	vmul.f32 v37, v7;
	v4 =	vmul.f32 v4, v7;
	v7 =	vld [tilespmem:$0x1F650];
	_ =	sdelay $0x2  }
0x319: {  	v6 =	vor.u32 $0x1E, v1;
	v5 =	vadd.f32 v28, v5  }
0x31a: {  	v8 =	vadd.f32 v20, v8  }
0x31b: {  	v4 =	vadd.f32 v4, v5;
	v20 =	vmul.f32 v49, v7;
	v28 =	vmul.f32 v51, v7;
	v7 =	vld [tilespmem:$0x1F660];
	_ =	sdelay $0x1  }
0x31c: {  	v8 =	vadd.f32 v20, v8;
	v20 =	vor.u32 $0x1F, v1;
	v1 =	vadd.f32 v28, v4;
	v4 =	vld [tilespmem:$0x1F670]  }
0x31d: {  	v37 =	vld.idx.msk [tilespmem:v6+s0+$0x0], $0xffff;
	_ =	sdelay $0x1  }
0x31e: {  	v39 =	vld.idx.msk [tilespmem:v6+s1+$0x0], $0xffff;
	v5 =	vmul.f32 v48, v7  }
0x31f: {  	v47 =	vmul.f32 v31, v31  }
0x320: {  	v61 =	vmul.f32 v56, v7;
	v56 =	vmul.f32 v57, v4;
	v5 =	vadd.f32 v5, v8  }
0x321: {  	v2 =	vadd.f32 v47, v2;
	v28 =	vmul.f32 v37, v37;
	v57 =	vmul.f32 v58, v4  }
0x322: {  	v1 =	vadd.f32 v61, v1;
	v58 =	vld [tilespmem:$0x1FFF0];
	v61 =	vmul.f32 v60, v43;
	v5 =	vadd.f32 v56, v5  }
0x323: {  	v49 =	vadd.f32 v28, v0;
	v0 =	vmul.f32 v23, v43;
	v8 =	vmul.f32 v39, v39;
	v47 =	vld.idx.msk [tilespmem:v20+s0+$0x0], $0xffff  }
0x324: {  	s25 =	simm.s32 $0x40;
	v43 =	vld.idx.msk [tilespmem:v6+s20+$0x0], $0xffff;
	v6 =	vmul.f32 v62, v54;
	v1 =	vadd.f32 v57, v1;
	v5 =	vadd.f32 v61, v5  }
0x325: {  	v28 =	vmul.f32 v63, v54;
	v4 =	vmov s25;
	v44 =	vld.idx.msk [tilespmem:v20+s20+$0x0], $0xffff;
	v8 =	vadd.f32 v8, v17  }
0x326: {  	v17 =	vld.idx.msk [tilespmem:v20+s1+$0x0], $0xffff;
	v20 =	vmul.f32 v26, v59;
	v0 =	vadd.f32 v0, v1;
	v5 =	vadd.f32 v6, v5  }
0x327: {  	v4 =	vshll.u32 v4, $0x5;
	v6 =	vmul.f32 v46, v59  }
0x328: {  	v0 =	vadd.f32 v28, v0;
	v28 =	vmul.f32 v16, v15;
	v5 =	vadd.f32 v20, v5  }
0x329: {  	v41 =	vmul.f32 v41, v18;
	v4 =	vor.u32 v58, v4  }
0x32a: {  	v20 =	vmul.f32 v55, v15;
	v0 =	vadd.f32 v6, v0;
	v28 =	vadd.f32 v28, v5  }
0x32b: {  	v18 =	vmul.f32 v45, v18  }
0x32c: {  	v0 =	vadd.f32 v20, v0;
	v20 =	vmul.f32 v40, v12;
	v28 =	vadd.f32 v41, v28  }
0x32d: {  	v27 =	vmul.f32 v27, v53;
	v1 =	vor.u32 $0x10, v4;
	v23 =	vor.u32 $0xF, v4  }
0x32e: {  	v12 =	vmul.f32 v29, v12;
	v0 =	vadd.f32 v18, v0;
	v20 =	vadd.f32 v20, v28  }
0x32f: {  	v25 =	vmul.f32 v25, v53;
	v19 =	vmul.f32 v19, v14;
	v26 =	vor.u32 $0xE, v4;
	v48 =	vld.idx.msk [tilespmem:v4+s0+$0x0], $0xffff  }
0x330: {  	v16 =	vor.u32 $0xD, v4;
	v46 =	vld.idx.msk [tilespmem:v4+s1+$0x0], $0xffff;
	v0 =	vadd.f32 v12, v0;
	v20 =	vadd.f32 v27, v20  }
0x331: {  	v14 =	vmul.f32 v52, v14;
	v11 =	vmul.f32 v11, v10;
	v6 =	vor.u32 $0xC, v4;
	v51 =	vld.idx.msk [tilespmem:v4+s20+$0x0], $0xffff  }
0x332: {  	v15 =	vor.u32 $0xB, v4;
	v5 =	vld.idx.msk [tilespmem:v1+s0+$0x0], $0xffff;
	v0 =	vadd.f32 v25, v0;
	v19 =	vadd.f32 v19, v20  }
0x333: {  	v55 =	vor.u32 $0x1, v4;
	v56 =	vld.idx.msk [tilespmem:v23+s0+$0x0], $0xffff  }
0x334: {  	v58 =	vld.idx.msk [tilespmem:v26+s0+$0x0], $0xffff;
	v0 =	vadd.f32 v14, v0;
	v14 =	vmul.f32 v32, v9;
	v11 =	vadd.f32 v11, v19  }
0x335: {  	v63 =	vld.idx.msk [tilespmem:v16+s0+$0x0], $0xffff  }
0x336: {  	v40 =	vor.u32 $0x9, v4;
	v60 =	vld.idx.msk [tilespmem:v6+s0+$0x0], $0xffff;
	v11 =	vadd.f32 v14, v11;
	v14 =	vmul.f32 v35, v24  }
0x337: {  	v10 =	vmul.f32 v13, v10;
	v29 =	vor.u32 $0x7, v4;
	v54 =	vld.idx.msk [tilespmem:v15+s0+$0x0], $0xffff  }
0x338: {  	v18 =	vor.u32 $0x8, v4;
	v61 =	vld.idx.msk [tilespmem:v55+s1+$0x0], $0xffff;
	v11 =	vadd.f32 v14, v11;
	v14 =	vmul.f32 v17, v17  }
0x339: {  	v7 =	vmul.f32 v34, v9;
	v41 =	vor.u32 $0x3, v4;
	v9 =	vadd.f32 v10, v0;
	v0 =	vld [tilespmem:$0x1F680]  }
0x33a: {  	v8 =	vadd.f32 v14, v8;
	v14 =	vld [tilespmem:$0x1F690]  }
0x33b: {  	v52 =	vld.idx.msk [tilespmem:v40+s0+$0x0], $0xffff  }
0x33c: {  	v57 =	vld.idx.msk [tilespmem:v29+s0+$0x0], $0xffff;
	[tilespmem:$0x1F6B0] =	vst v5;
	v5 =	vor.u32 $0xA, v4  }
0x33d: {  	v3 =	vmul.f32 v3, v24;
	v13 =	vor.u32 $0x2, v4;
	[tilespmem:$0x1F880] =	vst v56;
	v53 =	vld.idx.msk [tilespmem:v18+s0+$0x0], $0xffff;
	v7 =	vadd.f32 v7, v9  }
0x33e: {  	v12 =	vor.u32 $0x6, v4;
	[tilespmem:$0x1F870] =	vst v58;
	v20 =	vld.idx.msk [tilespmem:v41+s0+$0x0], $0xffff;
	v10 =	vmul.f32 v43, v43  }
0x33f: {  	[tilespmem:$0x1F860] =	vst v63;
	v24 =	vmul.f32 v38, v22;
	v3 =	vadd.f32 v3, v7;
	v14 =	vadd.f32 v14, v0;
	v0 =	vld [tilespmem:$0x1F6A0]  }
0x340: {  	v27 =	vor.u32 $0x5, v4;
	[tilespmem:$0x1F830] =	vst v60;
	v32 =	vld.idx.msk [tilespmem:v55+s20+$0x0], $0xffff;
	v2 =	vadd.f32 v10, v2;
	v7 =	vmul.f32 v44, v44  }
0x341: {  	v25 =	vor.u32 $0x4, v4;
	[tilespmem:$0x1F800] =	vst v54;
	v59 =	vld.idx.msk [tilespmem:v5+s0+$0x0], $0xffff;
	v3 =	vadd.f32 v24, v3  }
0x342: {  	v24 =	vmul.f32 v36, v30;
	v2 =	vadd.f32 v7, v2;
	v7 =	vmul.f32 v31, v30;
	v30 =	vld.idx.msk [tilespmem:v13+s20+$0x0], $0xffff  }
0x343: {  	v45 =	vld.idx.msk [tilespmem:v12+s0+$0x0], $0xffff;
	[tilespmem:$0x1F7A0] =	vst v52  }
0x344: {  	[tilespmem:$0x1F770] =	vst v53;
	v10 =	vmul.f32 v21, v22;
	v0 =	vsub.f32 v14, v0;
	v14 =	vld.idx.msk [tilespmem:v41+s1+$0x0], $0xffff  }
0x345: {  	v28 =	vld.idx.msk [tilespmem:v27+s0+$0x0], $0xffff;
	[tilespmem:$0x1F6F0] =	vst v32  }
0x346: {  	v33 =	vmul.f32 v33, v42;
	v19 =	vld.idx.msk [tilespmem:v25+s0+$0x0], $0xffff;
	[tilespmem:$0x1F7D0] =	vst v59;
	v10 =	vadd.f32 v10, v11  }
0x347: {  	v21 =	vld.idx.msk [tilespmem:v13+s0+$0x0], $0xffff;
	v11 =	vmul.f32 v50, v42;
	[tilespmem:$0x1F710] =	vst v30  }
0x348: {  	v22 =	vld.idx.msk [tilespmem:v55+s0+$0x0], $0xffff;
	v10 =	vadd.f32 v33, v10;
	[tilespmem:$0x1F6C0] =	vst v0  }
0x349: {  	v55 =	vld.idx.msk [tilespmem:v13+s1+$0x0], $0xffff;
	v3 =	vadd.f32 v11, v3;
	[tilespmem:$0x1F720] =	vst v14  }
0x34a: {  	v10 =	vadd.f32 v24, v10;
	v24 =	vld.idx.msk [tilespmem:v41+s20+$0x0], $0xffff  }
0x34b: {  	v13 =	vmul.f32 v43, v37;
	v3 =	vadd.f32 v7, v3;
	v7 =	vmul.f32 v17, v47;
	v17 =	vld.idx.msk [tilespmem:v25+s1+$0x0], $0xffff  }
0x34c: {  	v11 =	vmul.f32 v39, v37;
	v0 =	vmul.f32 v46, v48;
	v37 =	vld.idx.msk [tilespmem:v25+s20+$0x0], $0xffff  }
0x34d: {  	v31 =	vld.idx.msk [tilespmem:v27+s1+$0x0], $0xffff  }
0x34e: {  	[tilespmem:$0x1F6E0] =	vst v0;
	v0 =	vmul.f32 v51, v48;
	v38 =	vld.idx.msk [tilespmem:v27+s20+$0x0], $0xffff  }
0x34f: {  	v27 =	vld.idx.msk [tilespmem:v12+s1+$0x0], $0xffff  }
0x350: {  	v39 =	vld.idx.msk [tilespmem:v12+s20+$0x0], $0xffff;
	[tilespmem:$0x1F700] =	vst v0;
	v0 =	vmul.f32 v44, v47  }
0x351: {  	v62 =	vmul.f32 v47, v47;
	v43 =	vld.idx.msk [tilespmem:v29+s1+$0x0], $0xffff  }
0x352: {  	v10 =	vadd.f32 v11, v10;
	v36 =	vld.idx.msk [tilespmem:v29+s20+$0x0], $0xffff;
	[tilespmem:$0x1F8A0] =	vst v0;
	v0 =	vadd.f32 v13, v3  }
0x353: {  	v9 =	vadd.f32 v62, v49;
	v11 =	vmul.f32 v48, v48;
	v25 =	vmov v55;
	v12 =	vld.idx.msk [tilespmem:v40+s20+$0x0], $0xffff  }
0x354: {  	v3 =	vmul.f32 v46, v46;
	v13 =	vmul.f32 v51, v51;
	[tilespmem:$0x1F8B0] =	vst v0;
	v0 =	vadd.f32 v7, v10  }
0x355: {  	v42 =	vld.idx.msk [tilespmem:v16+s1+$0x0], $0xffff;
	v7 =	vadd.f32 v11, v9;
	v9 =	vmul.f32 v22, v22;
	v10 =	vmul.f32 v61, v61  }
0x356: {  	v35 =	vld.idx.msk [tilespmem:v1+s20+$0x0], $0xffff;
	v3 =	vadd.f32 v3, v8;
	v2 =	vadd.f32 v13, v2;
	v8 =	vmul.f32 v32, v32  }
0x357: {  	[tilespmem:$0x1F730] =	vst v24;
	v11 =	vmul.f32 v55, v55;
	v7 =	vadd.f32 v9, v7;
	v9 =	vmul.f32 v21, v21  }
0x358: {  	[tilespmem:$0x1F740] =	vst v17;
	v3 =	vadd.f32 v10, v3;
	v2 =	vadd.f32 v8, v2;
	v8 =	vmul.f32 v30, v30  }
0x359: {  	[tilespmem:$0x1F750] =	vst v31;
	v10 =	vmul.f32 v14, v14;
	v7 =	vadd.f32 v9, v7;
	v9 =	vmul.f32 v20, v20  }
0x35a: {  	v13 =	vld.idx.msk [tilespmem:v18+s1+$0x0], $0xffff;
	v3 =	vadd.f32 v11, v3;
	v2 =	vadd.f32 v8, v2;
	v8 =	vmul.f32 v24, v24  }
0x35b: {  	v55 =	vld.idx.msk [tilespmem:v26+s1+$0x0], $0xffff;
	v11 =	vmul.f32 v17, v17;
	v7 =	vadd.f32 v9, v7;
	v9 =	vmul.f32 v19, v19  }
0x35c: {  	[tilespmem:$0x1F8C0] =	vst v0;
	v3 =	vadd.f32 v10, v3;
	v2 =	vadd.f32 v8, v2;
	v8 =	vmul.f32 v37, v37  }
0x35d: {  	v14 =	vld.idx.msk [tilespmem:v18+s20+$0x0], $0xffff;
	v10 =	vmul.f32 v31, v31;
	v7 =	vadd.f32 v9, v7;
	v9 =	vmul.f32 v28, v28  }
0x35e: {  	v24 =	vld.idx.msk [tilespmem:v5+s1+$0x0], $0xffff;
	v3 =	vadd.f32 v11, v3;
	v2 =	vadd.f32 v8, v2;
	v8 =	vmul.f32 v38, v38  }
0x35f: {  	v17 =	vld.idx.msk [tilespmem:v5+s20+$0x0], $0xffff;
	v5 =	vmul.f32 v39, v39;
	v7 =	vadd.f32 v9, v7;
	v9 =	vmul.f32 v45, v45  }
0x360: {  	v0 =	vld.idx.msk [tilespmem:v40+s1+$0x0], $0xffff;
	v11 =	vmul.f32 v27, v27;
	v3 =	vadd.f32 v10, v3;
	v2 =	vadd.f32 v8, v2  }
0x361: {  	v18 =	vld.idx.msk [tilespmem:v15+s1+$0x0], $0xffff;
	v8 =	vmul.f32 v57, v57;
	v7 =	vadd.f32 v9, v7;
	v9 =	vmul.f32 v43, v43  }
0x362: {  	v15 =	vld.idx.msk [tilespmem:v15+s20+$0x0], $0xffff;
	v3 =	vadd.f32 v11, v3;
	v2 =	vadd.f32 v5, v2;
	v5 =	vmul.f32 v36, v36  }
0x363: {  	[tilespmem:$0x1F780] =	vst v13;
	v10 =	vmul.f32 v13, v13;
	v7 =	vadd.f32 v8, v7;
	v8 =	vmul.f32 v53, v53  }
0x364: {  	v13 =	vld.idx.msk [tilespmem:v6+s20+$0x0], $0xffff;
	v3 =	vadd.f32 v9, v3;
	v2 =	vadd.f32 v5, v2;
	v5 =	vmul.f32 v14, v14  }
0x365: {  	v11 =	vld.idx.msk [tilespmem:v6+s1+$0x0], $0xffff;
	v6 =	vadd.f32 v8, v7;
	v7 =	vmul.f32 v52, v52;
	v8 =	vmul.f32 v0, v0  }
0x366: {  	v40 =	vld.idx.msk [tilespmem:v23+s20+$0x0], $0xffff;
	v3 =	vadd.f32 v10, v3;
	v2 =	vadd.f32 v5, v2;
	v5 =	vmul.f32 v12, v12  }
0x367: {  	[tilespmem:$0x1F7B0] =	vst v0;
	v53 =	vld.idx.msk [tilespmem:v16+s20+$0x0], $0xffff;
	v9 =	vor.u32 $0x11, v4;
	v6 =	vadd.f32 v7, v6;
	v7 =	vmul.f32 v59, v59  }
0x368: {  	v0 =	vld.idx.msk [tilespmem:v23+s1+$0x0], $0xffff;
	v3 =	vadd.f32 v8, v3;
	v8 =	vmul.f32 v24, v24;
	v2 =	vadd.f32 v5, v2  }
0x369: {  	v59 =	vld.idx.msk [tilespmem:v26+s20+$0x0], $0xffff;
	v5 =	vadd.f32 v7, v6;
	v6 =	vmul.f32 v17, v17;
	v7 =	vmul.f32 v54, v54  }
0x36a: {  	[tilespmem:$0x1F7C0] =	vst v12;
	v10 =	vmul.f32 v18, v18;
	v26 =	vld [tilespmem:$0x1F6B0];
	v3 =	vadd.f32 v8, v3;
	v8 =	vor.u32 $0x12, v4  }
0x36b: {  	v54 =	vld.idx.msk [tilespmem:v1+s1+$0x0], $0xffff;
	v1 =	vmul.f32 v15, v15;
	v2 =	vadd.f32 v6, v2;
	v5 =	vadd.f32 v7, v5  }
0x36c: {  	v47 =	vld.idx.msk [tilespmem:v9+s0+$0x0], $0xffff;
	v3 =	vadd.f32 v10, v3;
	v6 =	vmul.f32 v60, v60;
	v7 =	vmul.f32 v11, v11  }
0x36d: {  	[tilespmem:$0x1F820] =	vst v15;
	v62 =	vld.idx.msk [tilespmem:v9+s20+$0x0], $0xffff;
	v10 =	vmul.f32 v13, v13;
	v1 =	vadd.f32 v1, v2;
	v2 =	vor.u32 $0x13, v4  }
0x36e: {  	v15 =	vld.idx.msk [tilespmem:v9+s1+$0x0], $0xffff;
	v9 =	vmul.f32 v53, v53;
	v5 =	vadd.f32 v6, v5;
	v6 =	vmul.f32 v63, v63  }
0x36f: {  	v3 =	vadd.f32 v7, v3;
	v7 =	vmul.f32 v42, v42;
	v52 =	vld.idx.msk [tilespmem:v8+s0+$0x0], $0xffff;
	v1 =	vadd.f32 v10, v1  }
0x370: {  	[tilespmem:$0x1F810] =	vst v18;
	v50 =	vld.idx.msk [tilespmem:v8+s1+$0x0], $0xffff;
	v5 =	vadd.f32 v6, v5;
	v6 =	vor.u32 $0x14, v4;
	v10 =	vmul.f32 v58, v58  }
0x371: {  	v51 =	vld.idx.msk [tilespmem:v8+s20+$0x0], $0xffff;
	v8 =	vmul.f32 v59, v59;
	v3 =	vadd.f32 v7, v3;
	v7 =	vmul.f32 v55, v55  }
0x372: {  	v1 =	vadd.f32 v9, v1;
	v5 =	vadd.f32 v10, v5;
	v9 =	vmul.f32 v56, v56;
	v58 =	vld.idx.msk [tilespmem:v2+s0+$0x0], $0xffff  }
0x373: {  	[tilespmem:$0x1F7E0] =	vst v24;
	v3 =	vadd.f32 v7, v3;
	v7 =	vor.u32 $0x15, v4;
	v10 =	vmul.f32 v0, v0;
	v48 =	vld.idx.msk [tilespmem:v2+s1+$0x0], $0xffff  }
0x374: {  	v49 =	vld.idx.msk [tilespmem:v2+s20+$0x0], $0xffff;
	v2 =	vmul.f32 v40, v40;
	v1 =	vadd.f32 v8, v1;
	v5 =	vadd.f32 v9, v5  }
0x375: {  	v3 =	vadd.f32 v10, v3;
	v8 =	vmul.f32 v26, v26;
	v9 =	vmul.f32 v54, v54;
	v63 =	vld.idx.msk [tilespmem:v6+s0+$0x0], $0xffff  }
0x376: {  	[tilespmem:$0x1F7F0] =	vst v17;
	v10 =	vmul.f32 v35, v35;
	v46 =	vld.idx.msk [tilespmem:v6+s1+$0x0], $0xffff;
	v1 =	vadd.f32 v2, v1;
	v2 =	vor.u32 $0x16, v4  }
0x377: {  	v56 =	vld.idx.msk [tilespmem:v6+s20+$0x0], $0xffff;
	v6 =	vmul.f32 v47, v47;
	v5 =	vadd.f32 v8, v5;
	v3 =	vadd.f32 v9, v3  }
0x378: {  	v9 =	vmul.f32 v15, v15;
	v18 =	vld.idx.msk [tilespmem:v7+s0+$0x0], $0xffff;
	v1 =	vadd.f32 v10, v1;
	v10 =	vmul.f32 v62, v62  }
0x379: {  	[tilespmem:$0x1F840] =	vst v11;
	v11 =	vor.u32 $0x17, v4;
	v41 =	vld.idx.msk [tilespmem:v7+s1+$0x0], $0xffff;
	v5 =	vadd.f32 v6, v5;
	v6 =	vmul.f32 v52, v52  }
0x37a: {  	v60 =	vld.idx.msk [tilespmem:v7+s20+$0x0], $0xffff;
	v3 =	vadd.f32 v9, v3;
	v9 =	vmul.f32 v50, v50;
	v1 =	vadd.f32 v10, v1  }
0x37b: {  	v5 =	vadd.f32 v6, v5;
	v6 =	vmul.f32 v51, v51;
	v10 =	vmul.f32 v58, v58;
	v17 =	vld.idx.msk [tilespmem:v2+s0+$0x0], $0xffff  }
0x37c: {  	[tilespmem:$0x1F890] =	vst v0;
	v12 =	vmul.f32 v48, v48;
	v3 =	vadd.f32 v9, v3;
	v9 =	vor.u32 $0x18, v4;
	v33 =	vld.idx.msk [tilespmem:v2+s1+$0x0], $0xffff  }
0x37d: {  	v0 =	vld.idx.msk [tilespmem:v2+s20+$0x0], $0xffff;
	v2 =	vmul.f32 v49, v49;
	v1 =	vadd.f32 v6, v1;
	v5 =	vadd.f32 v10, v5  }
0x37e: {  	v24 =	vld.idx.msk [tilespmem:v11+s0+$0x0], $0xffff;
	v3 =	vadd.f32 v12, v3;
	v10 =	vmul.f32 v63, v63;
	v12 =	vmul.f32 v46, v46  }
0x37f: {  	[tilespmem:$0x1F850] =	vst v13;
	v31 =	vld.idx.msk [tilespmem:v11+s20+$0x0], $0xffff;
	v13 =	vmul.f32 v56, v56;
	v1 =	vadd.f32 v2, v1  }
0x380: {  	v6 =	vld.idx.msk [tilespmem:v11+s1+$0x0], $0xffff;
	v11 =	vmul.f32 v18, v18;
	v10 =	vadd.f32 v10, v5;
	v3 =	vadd.f32 v12, v3  }
0x381: {  	v12 =	vmul.f32 v41, v41;
	v23 =	vld.idx.msk [tilespmem:v9+s0+$0x0], $0xffff;
	v1 =	vadd.f32 v13, v1;
	v13 =	vmul.f32 v60, v60  }
0x382: {  	[tilespmem:$0x1F790] =	vst v14;
	v2 =	vor.u32 $0x19, v4;
	v30 =	vld.idx.msk [tilespmem:v9+s1+$0x0], $0xffff;
	v10 =	vadd.f32 v11, v10;
	v14 =	vmul.f32 v17, v17  }
0x383: {  	v29 =	vld.idx.msk [tilespmem:v9+s20+$0x0], $0xffff;
	v12 =	vadd.f32 v12, v3;
	v9 =	vmul.f32 v33, v33;
	v3 =	vadd.f32 v13, v1  }
0x384: {  	v10 =	vadd.f32 v14, v10;
	v13 =	vmul.f32 v0, v0;
	v1 =	vmul.f32 v24, v24  }
0x385: {  	[tilespmem:$0x1F8D0] =	vst v0;
	v12 =	vadd.f32 v9, v12;
	v0 =	vmul.f32 v6, v6  }
0x386: {  	v11 =	vor.u32 $0x1A, v4;
	[tilespmem:$0x1F8E0] =	vst v6;
	v3 =	vadd.f32 v13, v3;
	v6 =	vadd.f32 v1, v10  }
0x387: {  	v14 =	vld.idx.msk [tilespmem:v2+s0+$0x0], $0xffff;
	v10 =	vmul.f32 v31, v31;
	v5 =	vadd.f32 v0, v12;
	v0 =	vmul.f32 v23, v23  }
0x388: {  	v8 =	vld.idx.msk [tilespmem:v2+s1+$0x0], $0xffff  }
0x389: {  	v7 =	vpop (erf);
	v10 =	vadd.f32 v10, v3;
	v3 =	vadd.f32 v0, v6;
	v0 =	vld [tilespmem:$0x1F6C0]  }
0x38a: {  	v9 =	vor.u32 $0x1B, v4;
	v44 =	vld.idx.msk [tilespmem:v2+s20+$0x0], $0xffff;
	v1 =	vpop (erf)  }
0x38b: {  	v13 =	vld.idx.msk [tilespmem:v11+s0+$0x0], $0xffff;
	[tilespmem:$0x1F900] =	vst v1;
	v12 =	vadd.f32 $2.000000000e+00, v1;
	v1 =	vmul.f32 v30, v30  }
0x38c: {  	v34 =	vld.idx.msk [tilespmem:v11+s1+$0x0], $0xffff  }
0x38d: {  	v5 =	vadd.f32 v1, v5;
	v1 =	vld [tilespmem:$0x1F6D0]  }
0x38e: {  	v2 =	vmul.f32 v29, v29;
	v32 =	vld.idx.msk [tilespmem:v11+s20+$0x0], $0xffff;
	v0 =	vadd.f32 $0.0e+00, v0  }
0x38f: {  	v11 =	vld.idx.msk [tilespmem:v9+s0+$0x0], $0xffff;
	v6 =	vmul.f32 v14, v14  }
0x390: {  	v2 =	vadd.f32 v2, v10;
	[tilespmem:$0x1FEF0] =	vst v0;
	v10 =	vand.u32 $0x7FFFFFFF, v0;
	v0 =	vmul.f32 v44, v44  }
0x391: {  	(erf) = vrcp.f32 v12;
	v12 =	vmul.f32 v8, v8;
	v3 =	vadd.f32 v6, v3  }
0x392: {  	[tilespmem:$0x1F8F0] =	vst v8;
	v1 =	vmul.f32 v7, v1;
	v8 =	vadd.f32 v0, v2;
	v2 =	vmul.f32 v13, v13  }
0x393: {  	[tilespmem:$0x1F760] =	vst v27;
	v27 =	vld.idx.msk [tilespmem:v9+s1+$0x0], $0xffff  }
0x394: {  	v0 =	vld [tilespmem:$0x1F6E0];
	[tilespmem:$0x1FDE0] =	vst v1;
	v1 =	vmul.f32 v11, v11;
	v2 =	vadd.f32 v2, v3  }
0x395: {  	v6 =	vsub.f32 $0.0e+00, v10;
	v10 =	vld.idx.msk [tilespmem:v9+s20+$0x0], $0xffff  }
0x396: {  	v9 =	vadd.f32 v1, v2;
	v1 =	vld [tilespmem:$0x1F6F0]  }
0x397: {  	v5 =	vadd.f32 v12, v5;
	v12 =	vmul.f32 v34, v34;
	_ =	sdelay $0x1  }
0x398: {  	v5 =	vadd.f32 v12, v5;
	v12 =	vadd.f32 $0.0e+00, v0;
	v0 =	vmul.f32 v61, v22;
	_ =	sdelay $0x1  }
0x399: {  	v2 =	vmul.f32 v1, v22;
	v1 =	vadd.f32 v0, v12;
	v0 =	vld [tilespmem:$0x1F700];
	_ =	sdelay $0x2  }
0x39a: {  	v6 =	vmul.f32 $1.442695020e+00, v6;
	_ =	sdelay $0x1  }
0x39b: {  	(erf) = vpow2.f32 v6;
	v6 =	vadd.f32 $0.0e+00, v0;
	v0 =	vmul.f32 v27, v27;
	_ =	sdelay $0x1  }
0x39c: {  	v0 =	vadd.f32 v0, v5;
	v5 =	vld [tilespmem:$0x1F720]  }
0x39d: {  	v3 =	vmul.f32 v32, v32;
	_ =	sdelay $0x1  }
0x39e: {  	v3 =	vadd.f32 v3, v8;
	v8 =	vmul.f32 v25, v21;
	_ =	sdelay $0x1  }
0x39f: {  	v1 =	vadd.f32 v8, v1;
	v8 =	vmul.f32 v5, v20;
	v5 =	vld [tilespmem:$0x1F730];
	_ =	sdelay $0x2  }
0x3a0: {  	v2 =	vadd.f32 v2, v6;
	v6 =	vld [tilespmem:$0x1F710];
	_ =	sdelay $0x1  }
0x3a1: {  	v20 =	vmul.f32 v5, v20;
	v5 =	vld [tilespmem:$0x1F740];
	_ =	sdelay $0x2  }
0x3a2: {  	v7 =	vor.u32 $0x1C, v4;
	v6 =	vmul.f32 v6, v21;
	_ =	sdelay $0x1  }
0x3a3: {  	v2 =	vadd.f32 v6, v2;
	v6 =	vmul.f32 v5, v19;
	v5 =	vld [tilespmem:$0x1F750];
	_ =	sdelay $0x2  }
0x3a4: {  	v22 =	vld.idx.msk [tilespmem:v7+s0+$0x0], $0xffff;
	_ =	sdelay $0x1  }
0x3a5: {  	v2 =	vadd.f32 v20, v2;
	v20 =	vmul.f32 v5, v28;
	v5 =	vld [tilespmem:$0x1F760]  }
0x3a6: {  	v25 =	vld.idx.msk [tilespmem:v7+s1+$0x0], $0xffff  }
0x3a7: {  	v21 =	vmul.f32 v10, v10;
	v1 =	vadd.f32 v8, v1  }
0x3a8: {  	v12 =	vor.u32 $0x1D, v4;
	v8 =	vmul.f32 v22, v22  }
0x3a9: {  	v16 =	vld [tilespmem:$0x1F770];
	v3 =	vadd.f32 v21, v3;
	v1 =	vadd.f32 v6, v1  }
0x3aa: {  	v21 =	vmul.f32 v37, v19;
	v6 =	vadd.f32 v8, v9;
	v8 =	vmul.f32 v5, v45;
	v5 =	vld [tilespmem:$0x1F780]  }
0x3ab: {  	v9 =	vmul.f32 v25, v25;
	v1 =	vadd.f32 v20, v1  }
0x3ac: {  	v2 =	vadd.f32 v21, v2;
	v28 =	vmul.f32 v38, v28  }
0x3ad: {  	v19 =	vld.idx.msk [tilespmem:v12+s0+$0x0], $0xffff;
	v0 =	vadd.f32 v9, v0;
	v9 =	vmul.f32 v43, v57;
	v1 =	vadd.f32 v8, v1  }
0x3ae: {  	v2 =	vadd.f32 v28, v2  }
0x3af: {  	v45 =	vmul.f32 v39, v45;
	v1 =	vadd.f32 v9, v1;
	v9 =	vmul.f32 v5, v16;
	v5 =	vld [tilespmem:$0x1F790];
	_ =	sdelay $0x1  }
0x3b0: {  	v20 =	vmul.f32 v36, v57;
	v2 =	vadd.f32 v45, v2  }
0x3b1: {  	v37 =	vld.idx.msk [tilespmem:v7+s20+$0x0], $0xffff;
	v8 =	vmul.f32 v19, v19  }
0x3b2: {  	v7 =	vor.u32 $0x1E, v4;
	v2 =	vadd.f32 v20, v2;
	v20 =	vld [tilespmem:$0x1F7A0]  }
0x3b3: {  	v6 =	vadd.f32 v8, v6;
	v8 =	vmul.f32 v5, v16;
	v5 =	vld [tilespmem:$0x1F7B0];
	_ =	sdelay $0x2  }
0x3b4: {  	v39 =	vld.idx.msk [tilespmem:v12+s20+$0x0], $0xffff  }
0x3b5: {  	v43 =	vld.idx.msk [tilespmem:v7+s0+$0x0], $0xffff  }
0x3b6: {  	v1 =	vadd.f32 v9, v1;
	v9 =	vmul.f32 v5, v20;
	v5 =	vld [tilespmem:$0x1F7C0]  }
0x3b7: {  	v38 =	vld.idx.msk [tilespmem:v12+s1+$0x0], $0xffff;
	v12 =	vmul.f32 v37, v37  }
0x3b8: {  	v36 =	vld.idx.msk [tilespmem:v7+s1+$0x0], $0xffff  }
0x3b9: {  	v3 =	vadd.f32 v12, v3;
	v45 =	vld.idx.msk [tilespmem:v7+s20+$0x0], $0xffff;
	v7 =	vmul.f32 v39, v39  }
0x3ba: {  	v1 =	vadd.f32 v9, v1;
	v9 =	vld [tilespmem:$0x1F7D0]  }
0x3bb: {  	v3 =	vadd.f32 v7, v3;
	v7 =	vmul.f32 v5, v20;
	v5 =	vld [tilespmem:$0x1F7E0];
	_ =	sdelay $0x4  }
0x3bc: {  	v12 =	vmul.f32 v38, v38;
	v2 =	vadd.f32 v8, v2;
	v8 =	vmul.f32 v5, v9;
	v5 =	vld [tilespmem:$0x1F7F0];
	_ =	sdelay $0x1  }
0x3bd: {  	v0 =	vadd.f32 v12, v0;
	v2 =	vadd.f32 v7, v2;
	v7 =	vmul.f32 v36, v36  }
0x3be: {  	v20 =	vld [tilespmem:$0x1F800]  }
0x3bf: {  	v7 =	vadd.f32 v7, v0;
	v0 =	vld [tilespmem:$0x1F820]  }
0x3c0: {  	v9 =	vmul.f32 v5, v9;
	v5 =	vld [tilespmem:$0x1F810];
	_ =	sdelay $0x4  }
0x3c1: {  	v1 =	vadd.f32 v8, v1;
	v0 =	vmul.f32 v0, v20;
	v8 =	vmul.f32 v5, v20;
	v20 =	vld [tilespmem:$0x1F830]  }
0x3c2: {  	v5 =	vld [tilespmem:$0x1F840];
	_ =	sdelay $0x2  }
0x3c3: {  	v4 =	vor.u32 $0x1F, v4;
	_ =	sdelay $0x1  }
0x3c4: {  	v1 =	vadd.f32 v8, v1;
	v8 =	vmul.f32 v5, v20;
	v5 =	vld [tilespmem:$0x1F850]  }
0x3c5: {  	v21 =	vld [tilespmem:$0x1F860];
	_ =	sdelay $0x1  }
0x3c6: {  	v2 =	vadd.f32 v9, v2;
	v9 =	vld.idx.msk [tilespmem:v4+s0+$0x0], $0xffff;
	_ =	sdelay $0x1  }
0x3c7: {  	v12 =	vmul.f32 v43, v43;
	v0 =	vadd.f32 v0, v2;
	v20 =	vmul.f32 v5, v20  }
0x3c8: {  	s5 =	simm.s32 $0x50;
	v2 =	vmul.f32 v42, v21;
	v1 =	vadd.f32 v8, v1  }
0x3c9: {  	v6 =	vadd.f32 v12, v6;
	v0 =	vadd.f32 v20, v0;
	v20 =	vmov s5  }
0x3ca: {  	v28 =	vld [tilespmem:$0x1F870];
	v1 =	vadd.f32 v2, v1;
	v2 =	vshll.u32 v20, $0x5;
	v20 =	vmul.f32 v9, v9  }
0x3cb: {  	v5 =	vld [tilespmem:$0x1F890]  }
0x3cc: {  	v6 =	vadd.f32 v20, v6;
	v20 =	vld [tilespmem:$0x1F880];
	_ =	sdelay $0x2  }
0x3cd: {  	v8 =	vmul.f32 v55, v28  }
0x3ce: {  	v12 =	vmul.f32 v45, v45  }
0x3cf: {  	v21 =	vmul.f32 v53, v21;
	v1 =	vadd.f32 v8, v1;
	v8 =	vmul.f32 v5, v20  }
0x3d0: {  	v3 =	vadd.f32 v12, v3;
	v12 =	vld.idx.msk [tilespmem:v4+s1+$0x0], $0xffff  }
0x3d1: {  	v21 =	vadd.f32 v21, v0;
	v0 =	vld [tilespmem:$0x1FFF0];
	v1 =	vadd.f32 v8, v1;
	v8 =	vmul.f32 v54, v26;
	_ =	sdelay $0x1  }
0x3d2: {  	v53 =	vld.idx.msk [tilespmem:v4+s20+$0x0], $0xffff;
	v4 =	vmul.f32 v15, v47;
	v1 =	vadd.f32 v8, v1;
	_ =	sdelay $0x1  }
0x3d3: {  	v1 =	vadd.f32 v4, v1;
	v4 =	vmul.f32 v50, v52  }
0x3d4: {  	v28 =	vmul.f32 v59, v28;
	v0 =	vor.u32 v0, v2;
	v2 =	vmul.f32 v12, v12  }
0x3d5: {  	v49 =	vmul.f32 v49, v58;
	v1 =	vadd.f32 v4, v1;
	v4 =	vmul.f32 v48, v58  }
0x3d6: {  	v57 =	vld [tilespmem:$0x1F8A0];
	v21 =	vadd.f32 v28, v21;
	v28 =	vor.u32 $0xC, v0;
	v7 =	vadd.f32 v2, v7  }
0x3d7: {  	v2 =	vmul.f32 v40, v20;
	v58 =	vld [tilespmem:$0x1F8B0];
	v1 =	vadd.f32 v4, v1;
	v4 =	vmul.f32 v46, v63  }
0x3d8: {  	v61 =	vmul.f32 v35, v26;
	v35 =	vor.u32 $0xB, v0  }
0x3d9: {  	v2 =	vadd.f32 v2, v21;
	v4 =	vadd.f32 v4, v1;
	v1 =	vld [tilespmem:$0x1F8C0]  }
0x3da: {  	v20 =	vor.u32 $0xD, v0;
	v8 =	vld.idx.msk [tilespmem:v0+s0+$0x0], $0xffff  }
0x3db: {  	v21 =	vmul.f32 v62, v47;
	v47 =	vld.idx.msk [tilespmem:v0+s1+$0x0], $0xffff;
	v2 =	vadd.f32 v61, v2;
	v61 =	vmul.f32 v53, v53  }
0x3dc: {  	v41 =	vmul.f32 v41, v18;
	v40 =	vor.u32 $0xA, v0;
	v62 =	vld.idx.msk [tilespmem:v28+s0+$0x0], $0xffff;
	v55 =	vadd.f32 v57, v58  }
0x3dd: {  	v54 =	vor.u32 $0x9, v0;
	v26 =	vld.idx.msk [tilespmem:v35+s0+$0x0], $0xffff;
	v57 =	vadd.f32 v61, v3  }
0x3de: {  	v3 =	vadd.f32 v41, v4;
	v4 =	vsub.f32 v55, v1;
	v1 =	vld [tilespmem:$0x1F8D0]  }
0x3df: {  	v51 =	vmul.f32 v51, v52;
	v50 =	vld.idx.msk [tilespmem:v0+s20+$0x0], $0xffff;
	v52 =	vor.u32 $0x5, v0  }
0x3e0: {  	v59 =	vld.idx.msk [tilespmem:v20+s0+$0x0], $0xffff;
	v2 =	vadd.f32 v21, v2  }
0x3e1: {  	v18 =	vmul.f32 v60, v18;
	v33 =	vmul.f32 v33, v17;
	v16 =	vld.idx.msk [tilespmem:v40+s0+$0x0], $0xffff;
	v21 =	vor.u32 $0x8, v0  }
0x3e2: {  	v2 =	vadd.f32 v51, v2;
	v51 =	vor.u32 $0x6, v0;
	v46 =	vmul.f32 v56, v63;
	v63 =	vld.idx.msk [tilespmem:v54+s0+$0x0], $0xffff  }
0x3e3: {  	v29 =	vmul.f32 v29, v23;
	v17 =	vmul.f32 v1, v17;
	v1 =	vld [tilespmem:$0x1F8E0]  }
0x3e4: {  	v30 =	vmul.f32 v30, v23;
	v56 =	vor.u32 $0x4, v0;
	v2 =	vadd.f32 v49, v2;
	v60 =	vld.idx.msk [tilespmem:v52+s0+$0x0], $0xffff  }
0x3e5: {  	v23 =	vmul.f32 v27, v11;
	v27 =	vmul.f32 v25, v22;
	v48 =	vor.u32 $0x7, v0;
	v25 =	vld.idx.msk [tilespmem:v52+s20+$0x0], $0xffff  }
0x3e6: {  	v49 =	vor.u32 $0x3, v0;
	v15 =	vld.idx.msk [tilespmem:v21+s0+$0x0], $0xffff;
	v2 =	vadd.f32 v46, v2  }
0x3e7: {  	v58 =	vor.u32 $0x2, v0;
	v5 =	vld.idx.msk [tilespmem:v51+s0+$0x0], $0xffff  }
0x3e8: {  	v46 =	vor.u32 $0x1, v0;
	v2 =	vadd.f32 v18, v2;
	v18 =	vmul.f32 v1, v24;
	v1 =	vld [tilespmem:$0x1F8F0]  }
0x3e9: {  	v61 =	vld.idx.msk [tilespmem:v56+s0+$0x0], $0xffff  }
0x3ea: {  	v31 =	vmul.f32 v31, v24;
	[tilespmem:$0x1FAD0] =	vst v62;
	v42 =	vld.idx.msk [tilespmem:v48+s0+$0x0], $0xffff;
	v2 =	vadd.f32 v17, v2  }
0x3eb: {  	[tilespmem:$0x1FA80] =	vst v16;
	v55 =	vld.idx.msk [tilespmem:v49+s0+$0x0], $0xffff  }
0x3ec: {  	v11 =	vmul.f32 v10, v11;
	[tilespmem:$0x1FA30] =	vst v15;
	v41 =	vld.idx.msk [tilespmem:v58+s0+$0x0], $0xffff;
	v2 =	vadd.f32 v31, v2  }
0x3ed: {  	[tilespmem:$0x1F9D0] =	vst v5;
	v24 =	vld.idx.msk [tilespmem:v46+s0+$0x0], $0xffff;
	v17 =	vmul.f32 v1, v14;
	v1 =	vmul.f32 v47, v8  }
0x3ee: {  	v3 =	vadd.f32 v33, v3;
	[tilespmem:$0x1F9C0] =	vst v61;
	v31 =	vld.idx.msk [tilespmem:v58+s20+$0x0], $0xffff;
	v10 =	vadd.f32 v29, v2  }
0x3ef: {  	v29 =	vld.idx.msk [tilespmem:v58+s1+$0x0], $0xffff;
	v2 =	vmul.f32 v37, v22;
	[tilespmem:$0x1F950] =	vst v1;
	v1 =	vmul.f32 v50, v8  }
0x3f0: {  	v22 =	vld.idx.msk [tilespmem:v49+s1+$0x0], $0xffff;
	v3 =	vadd.f32 v18, v3;
	v18 =	vmul.f32 v34, v13;
	v8 =	vmul.f32 v8, v8  }
0x3f1: {  	v37 =	vld.idx.msk [tilespmem:v52+s1+$0x0], $0xffff;
	v13 =	vmul.f32 v32, v13;
	[tilespmem:$0x1F970] =	vst v1;
	v1 =	vmul.f32 v39, v19  }
0x3f2: {  	v58 =	vld.idx.msk [tilespmem:v54+s20+$0x0], $0xffff;
	v3 =	vadd.f32 v30, v3;
	v6 =	vadd.f32 v8, v6;
	v8 =	vmul.f32 v24, v24  }
0x3f3: {  	v32 =	vld.idx.msk [tilespmem:v46+s1+$0x0], $0xffff;
	v14 =	vmul.f32 v44, v14;
	[tilespmem:$0x1F910] =	vst v1;
	v1 =	vmul.f32 v36, v43  }
0x3f4: {  	[tilespmem:$0x1F990] =	vst v31;
	v3 =	vadd.f32 v17, v3;
	v6 =	vadd.f32 v8, v6;
	v8 =	vmul.f32 v41, v41  }
0x3f5: {  	v30 =	vld.idx.msk [tilespmem:v46+s20+$0x0], $0xffff;
	v17 =	vor.u32 $0xE, v0;
	v14 =	vadd.f32 v14, v10;
	[tilespmem:$0x1F920] =	vst v1;
	v1 =	vmul.f32 v45, v43  }
0x3f6: {  	[tilespmem:$0x1F980] =	vst v29;
	v10 =	vmul.f32 v38, v19;
	v6 =	vadd.f32 v8, v6;
	v8 =	vmul.f32 v55, v55  }
0x3f7: {  	v3 =	vadd.f32 v18, v3;
	v13 =	vadd.f32 v13, v14;
	[tilespmem:$0x1F930] =	vst v1;
	v1 =	vmul.f32 v12, v9  }
0x3f8: {  	[tilespmem:$0x1F9A0] =	vst v22;
	v14 =	vmul.f32 v29, v29;
	v6 =	vadd.f32 v8, v6;
	v8 =	vmul.f32 v61, v61  }
0x3f9: {  	v38 =	vld.idx.msk [tilespmem:v56+s20+$0x0], $0xffff;
	[tilespmem:$0x1F940] =	vst v1;
	v1 =	vmul.f32 v53, v9;
	v9 =	vmul.f32 v47, v47  }
0x3fa: {  	v18 =	vld.idx.msk [tilespmem:v49+s20+$0x0], $0xffff;
	v12 =	vadd.f32 v23, v3;
	v3 =	vadd.f32 v11, v13;
	v11 =	vmul.f32 v50, v50  }
0x3fb: {  	v19 =	vld.idx.msk [tilespmem:v56+s1+$0x0], $0xffff;
	v13 =	vmul.f32 v32, v32;
	v6 =	vadd.f32 v8, v6;
	v7 =	vadd.f32 v9, v7  }
0x3fc: {  	v29 =	vld.idx.msk [tilespmem:v51+s20+$0x0], $0xffff;
	v8 =	vmul.f32 v60, v60;
	v9 =	vadd.f32 v11, v57;
	v11 =	vmul.f32 v30, v30  }
0x3fd: {  	[tilespmem:$0x1F960] =	vst v30;
	v33 =	vld.idx.msk [tilespmem:v17+s0+$0x0], $0xffff;
	v7 =	vadd.f32 v13, v7  }
0x3fe: {  	v23 =	vld.idx.msk [tilespmem:v51+s1+$0x0], $0xffff;
	v6 =	vadd.f32 v8, v6;
	v9 =	vadd.f32 v11, v9;
	v11 =	vmul.f32 v31, v31  }
0x3ff: {  	v51 =	vld.idx.msk [tilespmem:v17+s1+$0x0], $0xffff;
	v8 =	vmul.f32 v5, v5;
	v13 =	vmul.f32 v22, v22;
	v7 =	vadd.f32 v14, v7  }
0x400: {  	[tilespmem:$0x1FB50] =	vst v1;
	v30 =	vld.idx.msk [tilespmem:v48+s1+$0x0], $0xffff;
	v9 =	vadd.f32 v11, v9;
	v11 =	vmul.f32 v18, v18  }
0x401: {  	v1 =	vld.idx.msk [tilespmem:v21+s1+$0x0], $0xffff;
	v5 =	vadd.f32 v8, v6;
	v14 =	vmul.f32 v19, v19;
	v7 =	vadd.f32 v13, v7  }
0x402: {  	v22 =	vld.idx.msk [tilespmem:v48+s20+$0x0], $0xffff;
	v6 =	vmul.f32 v42, v42;
	v9 =	vadd.f32 v11, v9;
	v11 =	vmul.f32 v38, v38  }
0x403: {  	[tilespmem:$0x1F9B0] =	vst v18;
	v31 =	vld.idx.msk [tilespmem:v35+s20+$0x0], $0xffff;
	v13 =	vmul.f32 v37, v37;
	v7 =	vadd.f32 v14, v7  }
0x404: {  	v48 =	vld.idx.msk [tilespmem:v20+s20+$0x0], $0xffff;
	v5 =	vadd.f32 v6, v5;
	v9 =	vadd.f32 v11, v9;
	v11 =	vmul.f32 v25, v25  }
0x405: {  	v18 =	vld.idx.msk [tilespmem:v21+s20+$0x0], $0xffff;
	v6 =	vmul.f32 v15, v15;
	v14 =	vmul.f32 v23, v23;
	v7 =	vadd.f32 v13, v7  }
0x406: {  	[tilespmem:$0x1F9F0] =	vst v29;
	v61 =	vmov v19;
	v19 =	vld.idx.msk [tilespmem:v54+s1+$0x0], $0xffff;
	v11 =	vadd.f32 v11, v9;
	v13 =	vmul.f32 v29, v29  }
0x407: {  	v21 =	vld.idx.msk [tilespmem:v40+s1+$0x0], $0xffff;
	v8 =	vmul.f32 v30, v30;
	v5 =	vadd.f32 v6, v5;
	v7 =	vadd.f32 v14, v7  }
0x408: {  	v15 =	vld.idx.msk [tilespmem:v28+s20+$0x0], $0xffff;
	v9 =	vadd.f32 v27, v12;
	v12 =	vmul.f32 v22, v22;
	v11 =	vadd.f32 v13, v11  }
0x409: {  	[tilespmem:$0x1F9E0] =	vst v23;
	v23 =	vld.idx.msk [tilespmem:v40+s20+$0x0], $0xffff;
	v13 =	vmul.f32 v1, v1;
	v7 =	vadd.f32 v8, v7;
	v8 =	vor.u32 $0xF, v0  }
0x40a: {  	[tilespmem:$0x1FA50] =	vst v18;
	v6 =	vmul.f32 v18, v18;
	v18 =	vld.idx.msk [tilespmem:v17+s20+$0x0], $0xffff;
	v11 =	vadd.f32 v12, v11  }
0x40b: {  	v29 =	vld.idx.msk [tilespmem:v35+s1+$0x0], $0xffff;
	v14 =	vmul.f32 v58, v58;
	v12 =	vmul.f32 v63, v63;
	v7 =	vadd.f32 v13, v7  }
0x40c: {  	[tilespmem:$0x1FA40] =	vst v1;
	v27 =	vld.idx.msk [tilespmem:v28+s1+$0x0], $0xffff;
	v13 =	vmul.f32 v19, v19;
	v6 =	vadd.f32 v6, v11;
	v11 =	vor.u32 $0x10, v0  }
0x40d: {  	v17 =	vmul.f32 v26, v26;
	v1 =	vld.idx.msk [tilespmem:v20+s1+$0x0], $0xffff;
	v5 =	vadd.f32 v12, v5;
	v12 =	vmul.f32 v16, v16  }
0x40e: {  	v7 =	vadd.f32 v13, v7;
	v6 =	vadd.f32 v14, v6;
	v13 =	vmul.f32 v21, v21;
	v47 =	vld.idx.msk [tilespmem:v8+s0+$0x0], $0xffff  }
0x40f: {  	[tilespmem:$0x1FA00] =	vst v42;
	v14 =	vmul.f32 v23, v23;
	v5 =	vadd.f32 v12, v5;
	v12 =	vor.u32 $0x11, v0;
	v16 =	vld.idx.msk [tilespmem:v8+s1+$0x0], $0xffff  }
0x410: {  	[tilespmem:$0x1FA10] =	vst v30;
	v50 =	vld.idx.msk [tilespmem:v8+s20+$0x0], $0xffff;
	v8 =	vmul.f32 v29, v29;
	v7 =	vadd.f32 v13, v7  }
0x411: {  	v6 =	vadd.f32 v14, v6;
	v5 =	vadd.f32 v17, v5;
	v13 =	vmul.f32 v31, v31;
	v49 =	vld.idx.msk [tilespmem:v11+s0+$0x0], $0xffff  }
0x412: {  	[tilespmem:$0x1FA70] =	vst v19;
	v14 =	vmul.f32 v62, v62;
	v19 =	vld.idx.msk [tilespmem:v11+s1+$0x0], $0xffff;
	v7 =	vadd.f32 v8, v7;
	v8 =	vor.u32 $0x12, v0  }
0x413: {  	v42 =	vmov v58;
	[tilespmem:$0x1FAF0] =	vst v15;
	v56 =	vld.idx.msk [tilespmem:v11+s20+$0x0], $0xffff;
	v11 =	vmul.f32 v15, v15;
	v6 =	vadd.f32 v13, v6  }
0x414: {  	v17 =	vmul.f32 v27, v27;
	v15 =	vadd.f32 v2, v3;
	v5 =	vadd.f32 v14, v5;
	v53 =	vld.idx.msk [tilespmem:v12+s0+$0x0], $0xffff  }
0x415: {  	[tilespmem:$0x1FAC0] =	vst v29;
	v13 =	vmul.f32 v59, v59;
	v58 =	vld.idx.msk [tilespmem:v12+s1+$0x0], $0xffff;
	v6 =	vadd.f32 v11, v6;
	v11 =	vor.u32 $0x13, v0  }
0x416: {  	v14 =	vmul.f32 v1, v1;
	v29 =	vld.idx.msk [tilespmem:v12+s20+$0x0], $0xffff;
	v7 =	vadd.f32 v17, v7;
	v17 =	vmul.f32 v48, v48  }
0x417: {  	v12 =	vmul.f32 v33, v33;
	v5 =	vadd.f32 v13, v5;
	v13 =	vmul.f32 v51, v51;
	v57 =	vld.idx.msk [tilespmem:v8+s0+$0x0], $0xffff  }
0x418: {  	v7 =	vadd.f32 v14, v7;
	v6 =	vadd.f32 v17, v6;
	v14 =	vmul.f32 v18, v18;
	v30 =	vld.idx.msk [tilespmem:v8+s1+$0x0], $0xffff  }
0x419: {  	[tilespmem:$0x1FB00] =	vst v59;
	v5 =	vadd.f32 v12, v5;
	v12 =	vor.u32 $0x14, v0;
	v17 =	vmul.f32 v47, v47;
	v62 =	vld.idx.msk [tilespmem:v8+s20+$0x0], $0xffff  }
0x41a: {  	v8 =	vmul.f32 v16, v16;
	v7 =	vadd.f32 v13, v7;
	v6 =	vadd.f32 v14, v6;
	v59 =	vld.idx.msk [tilespmem:v11+s0+$0x0], $0xffff  }
0x41b: {  	v5 =	vadd.f32 v17, v5;
	v13 =	vmul.f32 v50, v50;
	v14 =	vmul.f32 v49, v49;
	v46 =	vld.idx.msk [tilespmem:v11+s1+$0x0], $0xffff  }
0x41c: {  	[tilespmem:$0x1FB20] =	vst v18;
	v17 =	vor.u32 $0x15, v0;
	v18 =	vmul.f32 v29, v29;
	v52 =	vld.idx.msk [tilespmem:v11+s20+$0x0], $0xffff;
	v11 =	vmul.f32 v56, v56  }
0x41d: {  	[tilespmem:$0x1FA90] =	vst v21;
	v2 =	vld [tilespmem:$0x1F910];
	v7 =	vadd.f32 v8, v7;
	v8 =	vmul.f32 v19, v19;
	v6 =	vadd.f32 v13, v6  }
0x41e: {  	v5 =	vadd.f32 v14, v5;
	v13 =	vmul.f32 v53, v53;
	v14 =	vmul.f32 v58, v58;
	v21 =	vld.idx.msk [tilespmem:v12+s0+$0x0], $0xffff  }
0x41f: {  	v54 =	vld.idx.msk [tilespmem:v12+s1+$0x0], $0xffff;
	v7 =	vadd.f32 v8, v7;
	v6 =	vadd.f32 v11, v6;
	v11 =	vor.u32 $0x16, v0  }
0x420: {  	v45 =	vld.idx.msk [tilespmem:v12+s20+$0x0], $0xffff;
	v5 =	vadd.f32 v13, v5;
	v12 =	vmul.f32 v57, v57  }
0x421: {  	[tilespmem:$0x1FA60] =	vst v63;
	v63 =	vld.idx.msk [tilespmem:v17+s0+$0x0], $0xffff;
	v7 =	vadd.f32 v14, v7;
	v6 =	vadd.f32 v18, v6  }
0x422: {  	v40 =	vld.idx.msk [tilespmem:v17+s1+$0x0], $0xffff;
	v14 =	vmul.f32 v62, v62;
	v3 =	vadd.f32 v12, v5;
	v12 =	vor.u32 $0x17, v0  }
0x423: {  	v13 =	vmul.f32 v30, v30;
	v44 =	vld.idx.msk [tilespmem:v17+s20+$0x0], $0xffff  }
0x424: {  	[tilespmem:$0x1FB10] =	vst v1;
	v5 =	vpop (erf);
	v6 =	vadd.f32 v14, v6;
	v14 =	vmul.f32 v59, v59;
	v20 =	vld.idx.msk [tilespmem:v11+s0+$0x0], $0xffff  }
0x425: {  	v34 =	vor.u32 $0x19, v0;
	[tilespmem:$0x1FB40] =	vst v19;
	v19 =	vmul.f32 v52, v52;
	v13 =	vadd.f32 v13, v7;
	v1 =	vpop (erf);
	v28 =	vld.idx.msk [tilespmem:v11+s1+$0x0], $0xffff  }
0x426: {  	[tilespmem:$0x1FAE0] =	vst v27;
	v18 =	vmul.f32 v46, v46;
	v39 =	vld.idx.msk [tilespmem:v11+s20+$0x0], $0xffff;
	v17 =	vadd.f32 $2.000000000e+00, v1;
	v3 =	vadd.f32 v14, v3  }
0x427: {  	[tilespmem:$0x1FEB0] =	vst v1;
	v1 =	vadd.f32 $0.0e+00, v4;
	v14 =	vadd.f32 v19, v6;
	v19 =	vld.idx.msk [tilespmem:v12+s0+$0x0], $0xffff  }
0x428: {  	v36 =	vmul.f32 v45, v45;
	v13 =	vadd.f32 v18, v13;
	v18 =	vmul.f32 v54, v54;
	v43 =	vld.idx.msk [tilespmem:v12+s1+$0x0], $0xffff  }
0x429: {  	v4 =	vor.u32 $0x18, v0;
	[tilespmem:$0x1FF10] =	vst v1;
	v11 =	vand.u32 $0x7FFFFFFF, v1;
	v1 =	vld [tilespmem:$0x1F900]  }
0x42a: {  	v27 =	vld.idx.msk [tilespmem:v12+s20+$0x0], $0xffff;
	v13 =	vadd.f32 v18, v13;
	v12 =	vadd.f32 v36, v14;
	v36 =	vmul.f32 v40, v40  }
0x42b: {  	(erf) = vrcp.f32 v17;
	v17 =	vmul.f32 v21, v21;
	v18 =	vld.idx.msk [tilespmem:v34+s1+$0x0], $0xffff;
	v11 =	vsub.f32 $0.0e+00, v11  }
0x42c: {  	v35 =	vor.u32 $0x1A, v0;
	v9 =	vadd.f32 v10, v9;
	v10 =	vadd.f32 v36, v13;
	v13 =	vld.idx.msk [tilespmem:v34+s0+$0x0], $0xffff  }
0x42d: {  	v14 =	vmul.f32 v63, v63;
	v3 =	vadd.f32 v17, v3;
	v17 =	vld.idx.msk [tilespmem:v34+s20+$0x0], $0xffff;
	v11 =	vmul.f32 $1.442695020e+00, v11  }
0x42e: {  	[tilespmem:$0x1FB30] =	vst v16;
	v16 =	vld.idx.msk [tilespmem:v4+s0+$0x0], $0xffff;
	v1 =	vmul.f32 v5, v1  }
0x42f: {  	[tilespmem:$0x1FAA0] =	vst v23;
	v23 =	vld.idx.msk [tilespmem:v4+s1+$0x0], $0xffff;
	v3 =	vadd.f32 v14, v3;
	(erf) = vpow2.f32 v11;
	v11 =	vmul.f32 v20, v20  }
0x430: {  	[tilespmem:$0x1FA20] =	vst v22;
	v22 =	vld.idx.msk [tilespmem:v4+s20+$0x0], $0xffff;
	v4 =	vmul.f32 v28, v28  }
0x431: {  	[tilespmem:$0x1FE30] =	vst v1;
	v1 =	vmul.f32 v44, v44;
	v3 =	vadd.f32 v11, v3;
	v11 =	vmul.f32 v19, v19  }
0x432: {  	v34 =	vmul.f32 v43, v43;
	v14 =	vld.idx.msk [tilespmem:v35+s1+$0x0], $0xffff;
	v5 =	vor.u32 $0x1B, v0;
	v10 =	vadd.f32 v4, v10  }
0x433: {  	v36 =	vmul.f32 v39, v39;
	v1 =	vadd.f32 v1, v12;
	v4 =	vadd.f32 v11, v3;
	v3 =	vld [tilespmem:$0x1F920]  }
0x434: {  	v15 =	vadd.f32 v2, v15;
	v34 =	vadd.f32 v34, v10;
	v12 =	vld.idx.msk [tilespmem:v35+s0+$0x0], $0xffff  }
0x435: {  	v11 =	vld.idx.msk [tilespmem:v35+s20+$0x0], $0xffff;
	v35 =	vmul.f32 v23, v23;
	v2 =	vadd.f32 v36, v1;
	v1 =	vmul.f32 v16, v16  }
0x436: {  	v36 =	vmul.f32 v27, v27  }
0x437: {  	v8 =	vld.idx.msk [tilespmem:v5+s0+$0x0], $0xffff;
	v34 =	vadd.f32 v35, v34;
	v4 =	vadd.f32 v1, v4;
	v1 =	vmul.f32 v13, v13  }
0x438: {  	v9 =	vadd.f32 v3, v9;
	v3 =	vadd.f32 v36, v2;
	v2 =	vmul.f32 v18, v18;
	_ =	sdelay $0x1  }
0x439: {  	v6 =	vld [tilespmem:$0x1F930];
	v1 =	vadd.f32 v1, v4;
	v4 =	vadd.f32 v2, v34;
	v34 =	vmul.f32 v12, v12;
	_ =	sdelay $0x1  }
0x43a: {  	v1 =	vadd.f32 v34, v1;
	v34 =	vmul.f32 v8, v8  }
0x43b: {  	v36 =	vmul.f32 v22, v22  }
0x43c: {  	v7 =	vadd.f32 v34, v1;
	v1 =	vld [tilespmem:$0x1F950]  }
0x43d: {  	v35 =	vadd.f32 v6, v15;
	v15 =	vmul.f32 v17, v17;
	v3 =	vadd.f32 v36, v3;
	_ =	sdelay $0x1  }
0x43e: {  	v3 =	vadd.f32 v15, v3;
	v15 =	vmul.f32 v14, v14;
	_ =	sdelay $0x1  }
0x43f: {  	v6 =	vadd.f32 v15, v4;
	v15 =	vadd.f32 $0.0e+00, v1;
	v1 =	vld [tilespmem:$0x1F960];
	_ =	sdelay $0x1  }
0x440: {  	v2 =	vld [tilespmem:$0x1F940];
	_ =	sdelay $0x2  }
0x441: {  	[tilespmem:$0x1FAB0] =	vst v26;
	v26 =	vmul.f32 v1, v24;
	v1 =	vld [tilespmem:$0x1F970];
	_ =	sdelay $0x1  }
0x442: {  	v2 =	vadd.f32 v2, v9;
	v9 =	vld [tilespmem:$0x1F990];
	_ =	sdelay $0x2  }
0x443: {  	v10 =	vld.idx.msk [tilespmem:v5+s1+$0x0], $0xffff;
	[tilespmem:$0x1FB60] =	vst v2;
	v2 =	vadd.f32 $0.0e+00, v1  }
0x444: {  	v4 =	vld [tilespmem:$0x1F980]  }
0x445: {  	v2 =	vadd.f32 v26, v2;
	v26 =	vmul.f32 v9, v41;
	v9 =	vld.idx.msk [tilespmem:v5+s20+$0x0], $0xffff  }
0x446: {  	v5 =	vld [tilespmem:$0x1F9A0]  }
0x447: {  	v34 =	vmul.f32 v32, v24  }
0x448: {  	v1 =	vld [tilespmem:$0x1FDE0]  }
0x449: {  	v15 =	vadd.f32 v34, v15;
	v34 =	vmul.f32 v4, v41;
	v4 =	vmul.f32 v10, v10  }
0x44a: {  	v36 =	vmul.f32 v11, v11  }
0x44b: {  	v4 =	vadd.f32 v4, v6;
	v6 =	vadd.f32 v34, v15;
	v34 =	vmul.f32 v5, v55;
	v5 =	vld [tilespmem:$0x1F9B0];
	_ =	sdelay $0x1  }
0x44c: {  	v36 =	vadd.f32 v36, v3;
	v3 =	vor.u32 $0x1C, v0;
	v1 =	vmul.f32 v1, v1;
	_ =	sdelay $0x1  }
0x44d: {  	v32 =	vmul.f32 $1.428571490e-01, v1  }
0x44e: {  	v41 =	vmul.f32 v5, v55;
	v5 =	vld [tilespmem:$0x1F9C0]  }
0x44f: {  	v2 =	vadd.f32 v26, v2;
	v26 =	vadd.f32 $2.000000030e-01, v32  }
0x450: {  	v15 =	vld.idx.msk [tilespmem:v3+s0+$0x0], $0xffff  }
0x451: {  	v26 =	vmul.f32 v26, v1;
	_ =	sdelay $0x1  }
0x452: {  	v24 =	vld [tilespmem:$0x1F9E0];
	v6 =	vadd.f32 v34, v6;
	v26 =	vadd.f32 $3.333333430e-01, v26;
	v55 =	vmul.f32 v61, v5  }
0x453: {  	v2 =	vadd.f32 v41, v2;
	v41 =	vmul.f32 v37, v60;
	v60 =	vmul.f32 v25, v60;
	v37 =	vld.idx.msk [tilespmem:v3+s1+$0x0], $0xffff  }
0x454: {  	v25 =	vld.idx.msk [tilespmem:v3+s20+$0x0], $0xffff;
	v3 =	vmul.f32 v9, v9;
	v6 =	vadd.f32 v55, v6;
	v55 =	vmul.f32 v15, v15  }
0x455: {  	v38 =	vmul.f32 v38, v5;
	v5 =	vld [tilespmem:$0x1F9D0]  }
0x456: {  	v32 =	vmul.f32 v26, v1;
	v1 =	vadd.f32 v3, v36;
	v3 =	vadd.f32 v55, v7;
	v7 =	vld [tilespmem:$0x1F9F0];
	_ =	sdelay $0x3  }
0x457: {  	v6 =	vadd.f32 v41, v6;
	v41 =	vmul.f32 v24, v5;
	v24 =	vld [tilespmem:$0x1FA10]  }
0x458: {  	v7 =	vmul.f32 v7, v5;
	v5 =	vld [tilespmem:$0x1FA00];
	_ =	sdelay $0x2  }
0x459: {  	v2 =	vadd.f32 v38, v2;
	_ =	sdelay $0x1  }
0x45a: {  	v2 =	vadd.f32 v60, v2;
	v26 =	vmul.f32 v24, v5;
	v24 =	vld [tilespmem:$0x1FA20];
	_ =	sdelay $0x1  }
0x45b: {  	v2 =	vadd.f32 v7, v2;
	v7 =	vmul.f32 v25, v25  }
0x45c: {  	v34 =	vor.u32 $0x1D, v0  }
0x45d: {  	v7 =	vadd.f32 v7, v1;
	v1 =	vld [tilespmem:$0x1FA50]  }
0x45e: {  	v61 =	vmul.f32 v24, v5;
	v5 =	vld [tilespmem:$0x1FA30]  }
0x45f: {  	v24 =	vld [tilespmem:$0x1FA40];
	_ =	sdelay $0x1  }
0x460: {  	v60 =	vld.idx.msk [tilespmem:v34+s0+$0x0], $0xffff;
	v55 =	vmul.f32 v37, v37  }
0x461: {  	v6 =	vadd.f32 v41, v6  }
0x462: {  	v4 =	vadd.f32 v55, v4;
	v55 =	vmul.f32 v1, v5;
	v1 =	vld [tilespmem:$0x1FA60]  }
0x463: {  	v6 =	vadd.f32 v26, v6;
	v26 =	vmul.f32 v24, v5;
	v24 =	vld [tilespmem:$0x1FA70];
	_ =	sdelay $0x1  }
0x464: {  	v2 =	vadd.f32 v61, v2;
	v61 =	vmul.f32 v60, v60;
	_ =	sdelay $0x1  }
0x465: {  	v3 =	vadd.f32 v61, v3;
	v61 =	vld [tilespmem:$0x1FA80]  }
0x466: {  	v6 =	vadd.f32 v26, v6;
	v26 =	vmul.f32 v24, v1;
	v24 =	vld [tilespmem:$0x1FA90];
	_ =	sdelay $0x2  }
0x467: {  	v38 =	vld.idx.msk [tilespmem:v34+s1+$0x0], $0xffff;
	_ =	sdelay $0x1  }
0x468: {  	v6 =	vadd.f32 v26, v6;
	v26 =	vmul.f32 v24, v61;
	v24 =	vld [tilespmem:$0x1FAA0];
	_ =	sdelay $0x1  }
0x469: {  	v2 =	vadd.f32 v55, v2;
	v1 =	vmul.f32 v42, v1  }
0x46a: {  	v36 =	vor.u32 $0x1E, v0;
	v55 =	vmul.f32 v38, v38  }
0x46b: {  	v1 =	vadd.f32 v1, v2;
	v2 =	vadd.f32 v26, v6;
	v6 =	vor.u32 $0x1F, v0;
	v0 =	vld [tilespmem:$0x1FAC0]  }
0x46c: {  	v4 =	vadd.f32 v55, v4;
	v55 =	vmul.f32 v24, v61;
	v61 =	vld [tilespmem:$0x1FAB0]  }
0x46d: {  	v24 =	vld [tilespmem:$0x1FAE0]  }
0x46e: {  	v1 =	vadd.f32 v55, v1;
	v55 =	vld [tilespmem:$0x1FAD0];
	_ =	sdelay $0x2  }
0x46f: {  	v26 =	vmul.f32 v0, v61;
	_ =	sdelay $0x1  }
0x470: {  	v2 =	vadd.f32 v26, v2;
	v26 =	vmul.f32 v24, v55;
	v24 =	vld [tilespmem:$0x1FAF0];
	_ =	sdelay $0x1  }
0x471: {  	v31 =	vmul.f32 v31, v61;
	_ =	sdelay $0x1  }
0x472: {  	v1 =	vadd.f32 v31, v1;
	v31 =	vld [tilespmem:$0x1FB00]  }
0x473: {  	v55 =	vmul.f32 v24, v55;
	v24 =	vld [tilespmem:$0x1FB10];
	_ =	sdelay $0x4  }
0x474: {  	v2 =	vadd.f32 v26, v2;
	v26 =	vmul.f32 v24, v31;
	v24 =	vld [tilespmem:$0x1FB20];
	_ =	sdelay $0x1  }
0x475: {  	v5 =	vld.idx.msk [tilespmem:v34+s20+$0x0], $0xffff;
	_ =	sdelay $0x1  }
0x476: {  	v41 =	vld.idx.msk [tilespmem:v36+s20+$0x0], $0xffff  }
0x477: {  	v2 =	vadd.f32 v26, v2;
	v26 =	vmul.f32 v51, v33;
	v33 =	vmul.f32 v24, v33;
	v24 =	vld [tilespmem:$0x1FB30]  }
0x478: {  	v34 =	vld.idx.msk [tilespmem:v36+s0+$0x0], $0xffff;
	v1 =	vadd.f32 v55, v1;
	v31 =	vmul.f32 v48, v31  }
0x479: {  	v0 =	vld.idx.msk [tilespmem:v36+s1+$0x0], $0xffff;
	v36 =	vmul.f32 v5, v5  }
0x47a: {  	v1 =	vadd.f32 v31, v1;
	v31 =	vmul.f32 v50, v47;
	v50 =	vld [tilespmem:$0x1FFF0]  }
0x47b: {  	v46 =	vmul.f32 v46, v59;
	v23 =	vmul.f32 v23, v16;
	v7 =	vadd.f32 v36, v7  }
0x47c: {  	s25 =	simm.s32 $0x60;
	v55 =	vmul.f32 v41, v41;
	v2 =	vadd.f32 v26, v2;
	v26 =	vmul.f32 v24, v47  }
0x47d: {  	v61 =	vmul.f32 v34, v34;
	v36 =	vmov s25;
	v1 =	vadd.f32 v33, v1;
	v24 =	vld [tilespmem:$0x1FB40]  }
0x47e: {  	v7 =	vadd.f32 v55, v7;
	v48 =	vld.idx.msk [tilespmem:v6+s0+$0x0], $0xffff;
	v2 =	vadd.f32 v26, v2;
	v26 =	vshll.u32 v36, $0x5  }
0x47f: {  	v55 =	vmul.f32 v56, v49;
	v1 =	vadd.f32 v31, v1;
	v33 =	vor.u32 v50, v26  }
0x480: {  	v16 =	vmul.f32 v22, v16;
	v3 =	vadd.f32 v61, v3;
	v61 =	vld.idx.msk [tilespmem:v6+s1+$0x0], $0xffff;
	v42 =	vmul.f32 v0, v0  }
0x481: {  	v11 =	vmul.f32 v11, v12;
	v56 =	vmul.f32 v29, v53;
	v1 =	vadd.f32 v55, v1  }
0x482: {  	v4 =	vadd.f32 v42, v4;
	v29 =	vor.u32 $0xC, v33;
	v26 =	vmul.f32 v24, v49  }
0x483: {  	v6 =	vld.idx.msk [tilespmem:v6+s20+$0x0], $0xffff;
	v42 =	vmul.f32 v48, v48;
	v1 =	vadd.f32 v56, v1;
	v50 =	vor.u32 $0x9, v33  }
0x484: {  	v56 =	vor.u32 $0x3, v33;
	v2 =	vadd.f32 v26, v2;
	v26 =	vmul.f32 v58, v53;
	v49 =	vld.idx.msk [tilespmem:v33+s0+$0x0], $0xffff  }
0x485: {  	v51 =	vmul.f32 v61, v61;
	v3 =	vadd.f32 v42, v3;
	v31 =	vor.u32 $0xB, v33;
	v47 =	vld.idx.msk [tilespmem:v33+s1+$0x0], $0xffff  }
0x486: {  	v42 =	vmul.f32 v52, v59;
	v58 =	vmul.f32 v30, v57;
	v52 =	vld.idx.msk [tilespmem:v33+s20+$0x0], $0xffff;
	v2 =	vadd.f32 v26, v2  }
0x487: {  	v4 =	vadd.f32 v51, v4;
	v30 =	vor.u32 $0xA, v33;
	v26 =	vmul.f32 v62, v57;
	v57 =	vld.idx.msk [tilespmem:v29+s0+$0x0], $0xffff  }
0x488: {  	v51 =	vmul.f32 v44, v63;
	v53 =	vor.u32 $0x8, v33;
	v44 =	vld.idx.msk [tilespmem:v50+s0+$0x0], $0xffff;
	v2 =	vadd.f32 v58, v2  }
0x489: {  	v14 =	vmul.f32 v14, v12;
	v55 =	vor.u32 $0x5, v33;
	v22 =	vld.idx.msk [tilespmem:v56+s0+$0x0], $0xffff;
	v1 =	vadd.f32 v26, v1  }
0x48a: {  	v26 =	vmul.f32 v54, v21;
	v54 =	vor.u32 $0x6, v33;
	v58 =	vld.idx.msk [tilespmem:v31+s0+$0x0], $0xffff;
	v2 =	vadd.f32 v46, v2  }
0x48b: {  	v21 =	vmul.f32 v45, v21;
	v45 =	vld [tilespmem:$0x1FB50];
	v46 =	vor.u32 $0x7, v33;
	v1 =	vadd.f32 v42, v1  }
0x48c: {  	v59 =	vld.idx.msk [tilespmem:v30+s0+$0x0], $0xffff;
	v42 =	vor.u32 $0x4, v33;
	v2 =	vadd.f32 v26, v2;
	v26 =	vmul.f32 v40, v63  }
0x48d: {  	v62 =	vld.idx.msk [tilespmem:v53+s0+$0x0], $0xffff;
	v1 =	vadd.f32 v21, v1;
	v21 =	vmul.f32 v28, v20;
	v40 =	vor.u32 $0x2, v33  }
0x48e: {  	v28 =	vmul.f32 v39, v20;
	v39 =	vor.u32 $0x1, v33;
	v63 =	vld.idx.msk [tilespmem:v55+s0+$0x0], $0xffff;
	v2 =	vadd.f32 v26, v2  }
0x48f: {  	v12 =	vmul.f32 v10, v8;
	v8 =	vmul.f32 v9, v8;
	v36 =	vld.idx.msk [tilespmem:v54+s0+$0x0], $0xffff;
	v1 =	vadd.f32 v51, v1  }
0x490: {  	v35 =	vadd.f32 v45, v35;
	v45 =	vld.idx.msk [tilespmem:v46+s0+$0x0], $0xffff;
	v2 =	vadd.f32 v21, v2;
	v21 =	vmul.f32 v43, v19  }
0x491: {  	v9 =	vmul.f32 v47, v49;
	v24 =	vld.idx.msk [tilespmem:v42+s0+$0x0], $0xffff;
	v19 =	vmul.f32 v27, v19;
	v1 =	vadd.f32 v28, v1  }
0x492: {  	v18 =	vmul.f32 v18, v13;
	v13 =	vmul.f32 v17, v13;
	v17 =	vld.idx.msk [tilespmem:v40+s0+$0x0], $0xffff;
	v2 =	vadd.f32 v21, v2  }
0x493: {  	[tilespmem:$0x1FF50] =	vst v9;
	v1 =	vadd.f32 v19, v1;
	v19 =	vld.idx.msk [tilespmem:v39+s0+$0x0], $0xffff  }
0x494: {  	v9 =	vmul.f32 v37, v15;
	v21 =	vmul.f32 v25, v15;
	v15 =	vld.idx.msk [tilespmem:v40+s1+$0x0], $0xffff;
	v2 =	vadd.f32 v23, v2  }
0x495: {  	v25 =	vld.idx.msk [tilespmem:v40+s20+$0x0], $0xffff;
	v1 =	vadd.f32 v16, v1  }
0x496: {  	[tilespmem:$0x1FBE0] =	vst v22;
	v51 =	vpop (erf);
	v16 =	vld.idx.msk [tilespmem:v39+s1+$0x0], $0xffff;
	v2 =	vadd.f32 v18, v2  }
0x497: {  	v10 =	vpop (erf);
	v28 =	vmul.f32 v5, v60;
	v5 =	vmul.f32 v52, v49;
	v18 =	vld.idx.msk [tilespmem:v39+s20+$0x0], $0xffff;
	v1 =	vadd.f32 v13, v1  }
0x498: {  	v26 =	vmul.f32 v6, v6;
	[tilespmem:$0x1FB70] =	vst v10;
	v13 =	vadd.f32 $2.000000000e+00, v10;
	v2 =	vadd.f32 v14, v2;
	v14 =	vld.idx.msk [tilespmem:v56+s1+$0x0], $0xffff  }
0x499: {  	[tilespmem:$0x1FF60] =	vst v5;
	v10 =	vmul.f32 v0, v34;
	v0 =	vadd.f32 v11, v1;
	v11 =	vld.idx.msk [tilespmem:v56+s20+$0x0], $0xffff  }
0x49a: {  	v7 =	vadd.f32 v26, v7;
	[tilespmem:$0x1FC10] =	vst v24;
	(erf) = vrcp.f32 v13;
	v13 =	vld.idx.msk [tilespmem:v55+s1+$0x0], $0xffff  }
0x49b: {  	v40 =	vmul.f32 v61, v48;
	[tilespmem:$0x1FBC0] =	vst v17;
	v1 =	vmul.f32 v6, v48;
	v48 =	vld.idx.msk [tilespmem:v30+s1+$0x0], $0xffff  }
0x49c: {  	v5 =	vmul.f32 v52, v52;
	[tilespmem:$0x1FBA0] =	vst v16;
	v6 =	vmul.f32 v16, v16;
	v16 =	vld.idx.msk [tilespmem:v54+s1+$0x0], $0xffff  }
0x49d: {  	[tilespmem:$0x1FB80] =	vst v1;
	v1 =	vadd.f32 v12, v2;
	v2 =	vmul.f32 v49, v49;
	v12 =	vld.idx.msk [tilespmem:v42+s1+$0x0], $0xffff  }
0x49e: {  	[tilespmem:$0x1FB90] =	vst v19;
	v23 =	vadd.f32 v8, v0;
	v0 =	vmul.f32 v47, v47;
	v8 =	vld.idx.msk [tilespmem:v42+s20+$0x0], $0xffff  }
0x49f: {  	v42 =	vmov v15;
	v15 =	vld.idx.msk [tilespmem:v55+s20+$0x0], $0xffff;
	[tilespmem:$0x1FBB0] =	vst v18;
	v2 =	vadd.f32 v2, v3;
	v3 =	vmul.f32 v19, v19  }
0x4a0: {  	v0 =	vadd.f32 v0, v4;
	v4 =	vadd.f32 v5, v7;
	v5 =	vmul.f32 v18, v18;
	v18 =	vld.idx.msk [tilespmem:v46+s20+$0x0], $0xffff  }
0x4a1: {  	[tilespmem:$0x1FBD0] =	vst v25;
	v7 =	vmul.f32 v42, v42;
	v19 =	vld.idx.msk [tilespmem:v53+s1+$0x0], $0xffff;
	v27 =	vadd.f32 v9, v1  }
0x4a2: {  	[tilespmem:$0x1FBF0] =	vst v14;
	v2 =	vadd.f32 v3, v2;
	v3 =	vmul.f32 v17, v17;
	v0 =	vadd.f32 v6, v0  }
0x4a3: {  	[tilespmem:$0x1FC00] =	vst v11;
	v4 =	vadd.f32 v5, v4;
	v5 =	vmul.f32 v25, v25;
	v6 =	vmul.f32 v14, v14  }
0x4a4: {  	[tilespmem:$0x1FC50] =	vst v13;
	v2 =	vadd.f32 v3, v2;
	v3 =	vmul.f32 v22, v22;
	v0 =	vadd.f32 v7, v0  }
0x4a5: {  	v17 =	vld.idx.msk [tilespmem:v54+s20+$0x0], $0xffff;
	v4 =	vadd.f32 v5, v4;
	v5 =	vmul.f32 v11, v11;
	v7 =	vmul.f32 v12, v12  }
0x4a6: {  	v20 =	vld [tilespmem:$0x1FB60];
	[tilespmem:$0x1FC80] =	vst v16;
	v2 =	vadd.f32 v3, v2;
	v3 =	vmul.f32 v24, v24;
	v0 =	vadd.f32 v6, v0  }
0x4a7: {  	v14 =	vld.idx.msk [tilespmem:v46+s1+$0x0], $0xffff;
	[tilespmem:$0x1FC30] =	vst v8;
	v4 =	vadd.f32 v5, v4;
	v5 =	vmul.f32 v8, v8;
	v8 =	vor.u32 $0xD, v33  }
0x4a8: {  	v9 =	vmul.f32 v45, v45;
	v25 =	vld.idx.msk [tilespmem:v50+s20+$0x0], $0xffff;
	[tilespmem:$0x1FC20] =	vst v12;
	v1 =	vadd.f32 v3, v2  }
0x4a9: {  	v22 =	vld.idx.msk [tilespmem:v53+s20+$0x0], $0xffff;
	v2 =	vmul.f32 v63, v63;
	v3 =	vmul.f32 v13, v13;
	v6 =	vadd.f32 v7, v0  }
0x4aa: {  	[tilespmem:$0x1FC60] =	vst v15;
	v24 =	vld.idx.msk [tilespmem:v50+s1+$0x0], $0xffff;
	v4 =	vadd.f32 v5, v4;
	v5 =	vmul.f32 v15, v15;
	v15 =	vor.u32 $0xF, v33  }
0x4ab: {  	[tilespmem:$0x1FCC0] =	vst v18;
	v7 =	vmul.f32 v36, v36;
	v0 =	vld.idx.msk [tilespmem:v30+s20+$0x0], $0xffff;
	v2 =	vadd.f32 v2, v1  }
0x4ac: {  	[tilespmem:$0x1FC90] =	vst v17;
	v3 =	vadd.f32 v3, v6;
	v6 =	vmul.f32 v16, v16;
	v1 =	vld.idx.msk [tilespmem:v8+s0+$0x0], $0xffff  }
0x4ad: {  	v4 =	vadd.f32 v5, v4;
	v5 =	vadd.f32 v7, v2;
	v7 =	vmul.f32 v17, v17;
	v2 =	vld.idx.msk [tilespmem:v31+s1+$0x0], $0xffff  }
0x4ae: {  	v12 =	vor.u32 $0xE, v33;
	[tilespmem:$0x1FCB0] =	vst v14;
	v11 =	vmul.f32 v14, v14;
	v6 =	vadd.f32 v6, v3;
	v3 =	vld.idx.msk [tilespmem:v31+s20+$0x0], $0xffff  }
0x4af: {  	v13 =	vmul.f32 v18, v18;
	v18 =	vmul.f32 v48, v48;
	v61 =	vld.idx.msk [tilespmem:v15+s0+$0x0], $0xffff;
	v7 =	vadd.f32 v7, v4  }
0x4b0: {  	[tilespmem:$0x1FCF0] =	vst v22;
	v31 =	vld.idx.msk [tilespmem:v15+s20+$0x0], $0xffff;
	v9 =	vadd.f32 v9, v5;
	v11 =	vadd.f32 v11, v6  }
0x4b1: {  	v4 =	vld.idx.msk [tilespmem:v29+s1+$0x0], $0xffff;
	v6 =	vmul.f32 v62, v62;
	v7 =	vadd.f32 v13, v7;
	v13 =	vmul.f32 v19, v19  }
0x4b2: {  	v14 =	vmul.f32 v22, v22;
	v16 =	vmul.f32 v44, v44;
	[tilespmem:$0x1FD10] =	vst v24;
	v17 =	vor.u32 $0x10, v33;
	v5 =	vld.idx.msk [tilespmem:v29+s20+$0x0], $0xffff  }
0x4b3: {  	v9 =	vadd.f32 v6, v9;
	v6 =	vld.idx.msk [tilespmem:v8+s1+$0x0], $0xffff;
	v11 =	vadd.f32 v13, v11;
	v13 =	vmul.f32 v24, v24  }
0x4b4: {  	v22 =	vmul.f32 v3, v3;
	v7 =	vadd.f32 v14, v7;
	v24 =	vld.idx.msk [tilespmem:v12+s0+$0x0], $0xffff;
	v14 =	vmul.f32 v25, v25  }
0x4b5: {  	v9 =	vadd.f32 v16, v9;
	v16 =	vmul.f32 v59, v59;
	v13 =	vadd.f32 v13, v11;
	v11 =	vld.idx.msk [tilespmem:v12+s1+$0x0], $0xffff  }
0x4b6: {  	[tilespmem:$0x1FD20] =	vst v25;
	v25 =	vor.u32 $0x14, v33;
	v14 =	vadd.f32 v14, v7;
	v7 =	vld.idx.msk [tilespmem:v12+s20+$0x0], $0xffff;
	v12 =	vmul.f32 v0, v0  }
0x4b7: {  	v8 =	vld.idx.msk [tilespmem:v8+s20+$0x0], $0xffff;
	v9 =	vadd.f32 v16, v9;
	v16 =	vmul.f32 v58, v58;
	v13 =	vadd.f32 v18, v13  }
0x4b8: {  	[tilespmem:$0x1FCE0] =	vst v19;
	v19 =	vld.idx.msk [tilespmem:v15+s1+$0x0], $0xffff;
	v18 =	vmul.f32 v2, v2;
	v12 =	vadd.f32 v12, v14;
	v14 =	vor.u32 $0x11, v33  }
0x4b9: {  	v15 =	vmul.f32 v57, v57;
	v30 =	vld.idx.msk [tilespmem:v17+s0+$0x0], $0xffff;
	v9 =	vadd.f32 v16, v9;
	v16 =	vmul.f32 v4, v4  }
0x4ba: {  	v49 =	vld.idx.msk [tilespmem:v17+s20+$0x0], $0xffff;
	v13 =	vadd.f32 v18, v13;
	v12 =	vadd.f32 v22, v12;
	v18 =	vmul.f32 v5, v5  }
0x4bb: {  	[tilespmem:$0x1FD70] =	vst v1;
	v46 =	vld.idx.msk [tilespmem:v25+s1+$0x0], $0xffff;
	v9 =	vadd.f32 v15, v9;
	v15 =	vor.u32 $0x12, v33;
	v22 =	vmul.f32 v1, v1  }
0x4bc: {  	v1 =	vld.idx.msk [tilespmem:v17+s1+$0x0], $0xffff;
	v13 =	vadd.f32 v16, v13;
	v16 =	vadd.f32 v18, v12;
	v12 =	vmul.f32 v6, v6  }
0x4bd: {  	v17 =	vmul.f32 v8, v8;
	v9 =	vadd.f32 v22, v9;
	v18 =	vmul.f32 v24, v24;
	v50 =	vld.idx.msk [tilespmem:v14+s0+$0x0], $0xffff  }
0x4be: {  	[tilespmem:$0x1FD80] =	vst v24;
	v22 =	vor.u32 $0x13, v33;
	v24 =	vmul.f32 v11, v11;
	v13 =	vadd.f32 v12, v13;
	v12 =	vld.idx.msk [tilespmem:v14+s1+$0x0], $0xffff  }
0x4bf: {  	v16 =	vadd.f32 v17, v16;
	v17 =	vadd.f32 v18, v9;
	v9 =	vld.idx.msk [tilespmem:v14+s20+$0x0], $0xffff;
	v14 =	vmul.f32 v7, v7  }
0x4c0: {  	[tilespmem:$0x1FD60] =	vst v57;
	v37 =	vor.u32 $0x16, v33;
	v29 =	vmul.f32 v31, v31;
	v57 =	vld.idx.msk [tilespmem:v25+s20+$0x0], $0xffff;
	v18 =	vmul.f32 v61, v61  }
0x4c1: {  	v52 =	vld.idx.msk [tilespmem:v15+s0+$0x0], $0xffff;
	v13 =	vadd.f32 v24, v13;
	v24 =	vmul.f32 v19, v19;
	v14 =	vadd.f32 v14, v16  }
0x4c2: {  	v20 =	vsub.f32 v35, v20;
	v16 =	vld.idx.msk [tilespmem:v15+s1+$0x0], $0xffff;
	v17 =	vadd.f32 v18, v17;
	v18 =	vmul.f32 v30, v30  }
0x4c3: {  	v15 =	vld.idx.msk [tilespmem:v15+s20+$0x0], $0xffff;
	v13 =	vadd.f32 v24, v13;
	v14 =	vadd.f32 v29, v14;
	v29 =	vmul.f32 v1, v1  }
0x4c4: {  	v47 =	vor.u32 $0x18, v33;
	[tilespmem:$0x1FD90] =	vst v30;
	v30 =	vmul.f32 v49, v49;
	v53 =	vld.idx.msk [tilespmem:v22+s0+$0x0], $0xffff;
	v17 =	vadd.f32 v18, v17  }
0x4c5: {  	v18 =	vor.u32 $0x15, v33;
	v24 =	vld.idx.msk [tilespmem:v22+s1+$0x0], $0xffff;
	v35 =	vmul.f32 v50, v50;
	v54 =	vadd.f32 v29, v13  }
0x4c6: {  	v22 =	vld.idx.msk [tilespmem:v22+s20+$0x0], $0xffff;
	v14 =	vadd.f32 v30, v14;
	v29 =	vmul.f32 v12, v12;
	v30 =	vmul.f32 v9, v9  }
0x4c7: {  	v26 =	vmul.f32 v38, v60;
	v17 =	vadd.f32 v35, v17;
	v13 =	vld.idx.msk [tilespmem:v25+s0+$0x0], $0xffff;
	v55 =	vmul.f32 v52, v52  }
0x4c8: {  	[tilespmem:$0x1FCD0] =	vst v62;
	v29 =	vadd.f32 v29, v54;
	v14 =	vadd.f32 v30, v14;
	v54 =	vld.idx.msk [tilespmem:v37+s0+$0x0], $0xffff  }
0x4c9: {  	v25 =	vmul.f32 v15, v15;
	v17 =	vadd.f32 v55, v17;
	v55 =	vadd.f32 v26, v27;
	v26 =	vld.idx.msk [tilespmem:v47+s20+$0x0], $0xffff  }
0x4ca: {  	[tilespmem:$0x1FC40] =	vst v63;
	v63 =	vadd.f32 $0.0e+00, v20;
	v35 =	vor.u32 $0x17, v33;
	v20 =	vmul.f32 v53, v53;
	v62 =	vld.idx.msk [tilespmem:v18+s0+$0x0], $0xffff  }
0x4cb: {  	v56 =	vmul.f32 v16, v16;
	v25 =	vadd.f32 v25, v14;
	v14 =	vld.idx.msk [tilespmem:v18+s1+$0x0], $0xffff  }
0x4cc: {  	[tilespmem:$0x1FD50] =	vst v58;
	v20 =	vadd.f32 v20, v17;
	v17 =	vld.idx.msk [tilespmem:v18+s20+$0x0], $0xffff  }
0x4cd: {  	[tilespmem:$0x1FD30] =	vst v59;
	v30 =	vadd.f32 v56, v29;
	v18 =	vand.u32 $0x7FFFFFFF, v63;
	v29 =	vld [tilespmem:$0x1FE30]  }
0x4ce: {  	[tilespmem:$0x1FCA0] =	vst v45;
	v59 =	vmul.f32 v22, v22;
	v60 =	vsub.f32 $0.0e+00, v18;
	v18 =	vld.idx.msk [tilespmem:v37+s1+$0x0], $0xffff  }
0x4cf: {  	v45 =	vmul.f32 v57, v57;
	[tilespmem:$0x1FF80] =	vst v53;
	v53 =	vor.u32 $0x19, v33;
	v43 =	vmul.f32 v13, v13;
	v56 =	vld.idx.msk [tilespmem:v35+s0+$0x0], $0xffff  }
0x4d0: {  	[tilespmem:$0x1FDC0] =	vst v52;
	v52 =	vadd.f32 v21, v23;
	v21 =	vld.idx.msk [tilespmem:v35+s1+$0x0], $0xffff;
	v25 =	vadd.f32 v59, v25  }
0x4d1: {  	[tilespmem:$0x1FD40] =	vst v48;
	v58 =	vmul.f32 v24, v24;
	v48 =	vadd.f32 v43, v20;
	v20 =	vld.idx.msk [tilespmem:v37+s20+$0x0], $0xffff  }
0x4d2: {  	[tilespmem:$0x1FD00] =	vst v44;
	v34 =	vmul.f32 v41, v34;
	v37 =	vadd.f32 v45, v25;
	v25 =	vld [tilespmem:$0x1FDE0]  }
0x4d3: {  	[tilespmem:$0x1FDA0] =	vst v49;
	v44 =	vmul.f32 v46, v46;
	v49 =	vor.u32 $0x1A, v33;
	v23 =	vld.idx.msk [tilespmem:v35+s20+$0x0], $0xffff;
	v30 =	vadd.f32 v58, v30  }
0x4d4: {  	[tilespmem:$0x1FDD0] =	vst v57;
	v52 =	vadd.f32 v28, v52;
	v38 =	vmul.f32 $1.442695020e+00, v60;
	v57 =	vld.idx.msk [tilespmem:v53+s0+$0x0], $0xffff;
	v58 =	vmul.f32 v62, v62  }
0x4d5: {  	v41 =	vmul.f32 v54, v54;
	v27 =	vld.idx.msk [tilespmem:v53+s1+$0x0], $0xffff;
	v30 =	vadd.f32 v44, v30;
	v59 =	vmul.f32 v14, v14  }
0x4d6: {  	v44 =	vld.idx.msk [tilespmem:v47+s0+$0x0], $0xffff;
	v39 =	vmul.f32 v17, v17;
	v60 =	vadd.f32 v58, v48;
	v43 =	vmul.f32 v18, v18  }
0x4d7: {  	[tilespmem:$0x1FC70] =	vst v36;
	v48 =	vor.u32 $0x1B, v33;
	v30 =	vadd.f32 v59, v30;
	v36 =	vadd.f32 v25, v25;
	v25 =	vld.idx.msk [tilespmem:v47+s1+$0x0], $0xffff  }
0x4d8: {  	v58 =	vld.idx.msk [tilespmem:v49+s0+$0x0], $0xffff;
	v45 =	vadd.f32 v39, v37;
	v39 =	vmul.f32 v56, v56;
	v37 =	vadd.f32 v41, v60  }
0x4d9: {  	v60 =	vmul.f32 v20, v20;
	v41 =	vmul.f32 v21, v21;
	v30 =	vadd.f32 v43, v30;
	v47 =	vld.idx.msk [tilespmem:v53+s20+$0x0], $0xffff  }
0x4da: {  	v55 =	vadd.f32 v10, v55;
	v37 =	vadd.f32 v39, v37;
	v39 =	vld [tilespmem:$0x1FE40]  }
0x4db: {  	v43 =	vmul.f32 v23, v23;
	v28 =	vadd.f32 v60, v45;
	v45 =	vadd.f32 v41, v30;
	v30 =	vld.idx.msk [tilespmem:v49+s1+$0x0], $0xffff  }
0x4dc: {  	v32 =	vadd.f32 $1.000000000e+00, v32;
	[tilespmem:$0x1FE10] =	vst v44;
	v59 =	vmul.f32 v44, v44;
	v44 =	vld.idx.msk [tilespmem:v48+s0+$0x0], $0xffff;
	v60 =	vmul.f32 v25, v25  }
0x4dd: {  	(erf) = vpow2.f32 v38;
	v53 =	vor.u32 $0x1C, v33;
	v35 =	vadd.f32 v43, v28;
	v28 =	vld.idx.msk [tilespmem:v49+s20+$0x0], $0xffff  }
0x4de: {  	v41 =	vmul.f32 v26, v26;
	v49 =	vld.idx.msk [tilespmem:v48+s1+$0x0], $0xffff;
	v10 =	vadd.f32 v60, v45;
	v60 =	vmul.f32 v27, v27  }
0x4df: {  	v32 =	vmul.f32 v32, v36;
	v37 =	vadd.f32 v59, v37;
	v59 =	vmul.f32 v57, v57;
	v48 =	vld.idx.msk [tilespmem:v48+s20+$0x0], $0xffff  }
0x4e0: {  	[tilespmem:$0x1FDB0] =	vst v50;
	v35 =	vadd.f32 v41, v35;
	v38 =	vadd.f32 v60, v10;
	v10 =	vmul.f32 v47, v47  }
0x4e1: {  	[tilespmem:$0x1FE00] =	vst v56;
	v56 =	vmul.f32 v29, v29;
	v37 =	vadd.f32 v59, v37;
	v50 =	vmax.f32 v39, $0.0e+00  }
0x4e2: {  	v45 =	vld.idx.msk [tilespmem:v53+s0+$0x0], $0xffff;
	v32 =	vadd.f32 v32, v50;
	v60 =	vmul.f32 v28, v28;
	v59 =	vadd.f32 v10, v35  }
0x4e3: {  	v36 =	vmul.f32 $1.428571490e-01, v56;
	v50 =	vld.idx.msk [tilespmem:v53+s20+$0x0], $0xffff;
	[tilespmem:$0x1FE70] =	vst v44  }
0x4e4: {  	v39 =	vmul.f32 v44, v44;
	v44 =	vmul.f32 v48, v48;
	[tilespmem:$0x1FE60] =	vst v32;
	v32 =	vadd.f32 v60, v59  }
0x4e5: {  	v34 =	vadd.f32 v34, v52;
	[tilespmem:$0x1FDF0] =	vst v54;
	v54 =	vor.u32 $0x1D, v33;
	v10 =	vld.idx.msk [tilespmem:v53+s1+$0x0], $0xffff  }
0x4e6: {  	v41 =	vmul.f32 v58, v58;
	v53 =	vadd.f32 $2.000000030e-01, v36;
	v32 =	vadd.f32 v44, v32;
	v44 =	vld [tilespmem:$0x1FEB0]  }
0x4e7: {  	[tilespmem:$0x1FE90] =	vst v34  }
0x4e8: {  	[tilespmem:$0x1FE50] =	vst v58;
	v37 =	vadd.f32 v41, v37;
	v58 =	vmul.f32 v53, v56  }
0x4e9: {  	v34 =	vld [tilespmem:$0x1FED0];
	[tilespmem:$0x1FE20] =	vst v57;
	v57 =	vor.u32 $0x1F, v33;
	v33 =	vor.u32 $0x1E, v33;
	v43 =	vmul.f32 v30, v30  }
0x4ea: {  	v41 =	vld.idx.msk [tilespmem:v54+s0+$0x0], $0xffff;
	v37 =	vadd.f32 v39, v37;
	v52 =	vadd.f32 $3.333333430e-01, v58;
	v58 =	vmul.f32 v50, v50  }
0x4eb: {  	v39 =	vld.idx.msk [tilespmem:v54+s1+$0x0], $0xffff;
	v38 =	vadd.f32 v43, v38;
	v43 =	vmul.f32 v49, v49;
	v60 =	vmul.f32 v51, v44  }
0x4ec: {  	v36 =	vld.idx.msk [tilespmem:v54+s20+$0x0], $0xffff;
	[tilespmem:$0x1FE80] =	vst v45;
	v51 =	vadd.f32 v58, v32;
	v58 =	vadd.f32 v29, v29;
	v29 =	vmax.f32 v63, $0.0e+00  }
0x4ed: {  	v45 =	vmul.f32 v45, v45;
	[tilespmem:$0x1FF40] =	vst v29;
	v29 =	vld [tilespmem:$0x1FF50]  }
0x4ee: {  	v38 =	vadd.f32 v43, v38;
	v43 =	vld.idx.msk [tilespmem:v33+s0+$0x0], $0xffff  }
0x4ef: {  	[tilespmem:$0x1FEA0] =	vst v41;
	v53 =	vadd.f32 v45, v37;
	v37 =	vmul.f32 v41, v41;
	v41 =	vadd.f32 v40, v55;
	v55 =	vld [tilespmem:$0x1FF10]  }
0x4f0: {  	[tilespmem:$0x1FFB0] =	vst v39  }
0x4f1: {  	[tilespmem:$0x1FFC0] =	vst v36;
	v56 =	vmul.f32 v52, v56;
	v52 =	vmax.f32 v34, $0.0e+00  }
0x4f2: {  	[tilespmem:$0x1FEE0] =	vst v52;
	v44 =	vadd.f32 $0.0e+00, v29;
	v29 =	vld [tilespmem:$0x1FF60]  }
0x4f3: {  	v54 =	vmul.f32 v10, v10;
	[tilespmem:$0x1FFE0] =	vst v43;
	v32 =	vadd.f32 v37, v53;
	v37 =	vld [tilespmem:$0x1FEF0]  }
0x4f4: {  	v35 =	vld.idx.msk [tilespmem:v33+s1+$0x0], $0xffff;
	[tilespmem:$0x1FEC0] =	vst v56;
	v56 =	vmax.f32 v55, $0.0e+00  }
0x4f5: {  	v45 =	vld.idx.msk [tilespmem:v57+s0+$0x0], $0xffff;
	v40 =	vadd.f32 v54, v38;
	[tilespmem:$0x1FF20] =	vst v56;
	v63 =	vpop (erf);
	v38 =	vmul.f32 v60, v60  }
0x4f6: {  	v34 =	vld.idx.msk [tilespmem:v33+s20+$0x0], $0xffff;
	[tilespmem:$0x1FFA0] =	vst v63  }
0x4f7: {  	[tilespmem:$0x1FF30] =	vst v58;
	v59 =	vadd.f32 v60, v60;
	v55 =	vadd.f32 $0.0e+00, v29;
	v29 =	vmul.f32 $1.428571490e-01, v38  }
0x4f8: {  	[tilespmem:$0x1FF70] =	vst v38;
	v52 =	vmax.f32 v37, $0.0e+00  }
0x4f9: {  	v39 =	vmul.f32 v39, v39;
	v33 =	vld.idx.msk [tilespmem:v57+s20+$0x0], $0xffff;
	v54 =	vmul.f32 v36, v36;
	[tilespmem:$0x1FF90] =	vst v59;
	v29 =	vadd.f32 $2.000000030e-01, v29  }
0x4fa: {  	v36 =	vmul.f32 v35, v35;
	v53 =	vmov v50;
	v56 =	vmul.f32 v43, v43;
	v60 =	vld [tilespmem:$0x1FF80];
	[tilespmem:$0x1FF00] =	vst v52  }
0x4fb: {  	s24 =	simm.s32 $0x70;
	s25 =	simm.s32 $0x80;
	v50 =	vmov v45;
	v37 =	vld.idx.msk [tilespmem:v57+s1+$0x0], $0xffff;
	v59 =	vpop (erf);
	v52 =	vmov v45;
	v45 =	vmov v34;
	[tilespmem:$0x1FFD0] =	vst v29  }
.LBB2_2:
0x4fc: {  	v38 =	vld [tilespmem:$0x1FF70];
	_ =	sdelay $0x1  }
0x4fd: {  	[tilespmem:$0x1EBC0] =	vst v45;
	v63 =	vmul.f32 v45, v45;
	v45 =	vld [tilespmem:$0x1FB90]  }
0x4fe: {  	v58 =	vld [tilespmem:$0x1FBB0];
	v39 =	vadd.f32 v39, v40;
	v40 =	vadd.f32 v54, v51;
	_ =	sdelay $0x1  }
0x4ff: {  	v36 =	vadd.f32 v36, v39;
	v39 =	vadd.f32 v63, v40;
	v63 =	vld [tilespmem:$0x1FBC0];
	v29 =	vmov v38  }
0x500: {  	v32 =	vadd.f32 v56, v32;
	v43 =	vld [tilespmem:$0x1FB70];
	[tilespmem:$0x1EC00] =	vst v29;
	v29 =	vmul.f32 v52, v50  }
0x501: {  	v38 =	vld [tilespmem:$0x1FBA0]  }
0x502: {  	v57 =	vmovc v59;
	v54 =	vmul.f32 v37, v37;
	v51 =	vld [tilespmem:$0x1FE90];
	v59 =	vmul.f32 v58, v45;
	v29 =	vadd.f32 v29, v32  }
0x503: {  	v58 =	vld [tilespmem:$0x1FBE0]  }
0x504: {  	[tilespmem:$0x1EC20] =	vst v29;
	v29 =	vmul.f32 v42, v63;
	v42 =	vadd.f32 v54, v36;
	v54 =	vadd.f32 v59, v55;
	v55 =	vld [tilespmem:$0x1FBD0]  }
0x505: {  	v59 =	vld [tilespmem:$0x1FBF0]  }
0x506: {  	v56 =	vmul.f32 v38, v45;
	v45 =	vld [tilespmem:$0x1FB80];
	_ =	sdelay $0x1  }
0x507: {  	v52 =	vadd.f32 v56, v44;
	v44 =	vld [tilespmem:$0x1FC00]  }
0x508: {  	v56 =	vmul.f32 v55, v63;
	v55 =	vld [tilespmem:$0x1FC20]  }
0x509: {  	v34 =	vmov v43;
	v63 =	vmul.f32 v59, v58;
	v59 =	vld [tilespmem:$0x1FC50]  }
0x50a: {  	v40 =	vmul.f32 v33, v33;
	[tilespmem:$0x1EBF0] =	vst v34;
	v34 =	vadd.f32 v45, v51;
	v45 =	vld [tilespmem:$0x1FC70]  }
0x50b: {  	v29 =	vadd.f32 v29, v52;
	v52 =	vadd.f32 v56, v54;
	v54 =	vld [tilespmem:$0x1FC10]  }
0x50c: {  	v43 =	vadd.f32 v40, v39;
	v56 =	vld [tilespmem:$0x1FC30]  }
0x50d: {  	v51 =	vld [tilespmem:$0x1FC80]  }
0x50e: {  	[tilespmem:$0x1EC40] =	vst v43;
	v43 =	vmul.f32 v44, v58;
	v58 =	vld [tilespmem:$0x1FC40]  }
0x50f: {  	v29 =	vadd.f32 v63, v29;
	v63 =	vld [tilespmem:$0x1FC60]  }
0x510: {  	v32 =	vadd.f32 v43, v52;
	v52 =	vld [tilespmem:$0x1FC90]  }
0x511: {  	v36 =	vmul.f32 v55, v54;
	v39 =	vmul.f32 v56, v54;
	v54 =	vld [tilespmem:$0x1FCA0]  }
0x512: {  	v55 =	vld [tilespmem:$0x1FCB0]  }
0x513: {  	v56 =	vld [tilespmem:$0x1FCC0]  }
0x514: {  	v44 =	vmul.f32 v59, v58;
	v40 =	vmul.f32 v63, v58;
	v58 =	vld [tilespmem:$0x1FCD0];
	v32 =	vadd.f32 v39, v32  }
0x515: {  	v59 =	vld [tilespmem:$0x1FCE0]  }
0x516: {  	v32 =	vadd.f32 v40, v32;
	v40 =	vld [tilespmem:$0x1FCF0]  }
0x517: {  	v34 =	vsub.f32 v34, v41;
	v41 =	vld [tilespmem:$0x1FD00]  }
0x518: {  	v43 =	vmul.f32 v51, v45;
	v45 =	vmul.f32 v52, v45;
	v52 =	vld [tilespmem:$0x1FD10]  }
0x519: {  	v29 =	vadd.f32 v36, v29;
	v36 =	vmul.f32 v55, v54  }
0x51a: {  	v39 =	vmul.f32 v56, v54;
	v54 =	vmul.f32 v59, v58;
	v59 =	vld [tilespmem:$0x1FD40]  }
0x51b: {  	v40 =	vmul.f32 v40, v58;
	v58 =	vld [tilespmem:$0x1FD30]  }
0x51c: {  	v51 =	vadd.f32 $0.0e+00, v34;
	v29 =	vadd.f32 v44, v29  }
0x51d: {  	v44 =	vmul.f32 v52, v41;
	v52 =	vld [tilespmem:$0x1FD70]  }
0x51e: {  	v63 =	vand.u32 $0x7FFFFFFF, v51;
	v29 =	vadd.f32 v43, v29  }
0x51f: {  	v34 =	vsub.f32 $0.0e+00, v63;
	v56 =	vld [tilespmem:$0x1FD20];
	v32 =	vadd.f32 v45, v32  }
0x520: {  	v29 =	vadd.f32 v36, v29;
	v45 =	vmul.f32 v59, v58;
	v63 =	vmul.f32 v0, v58;
	v58 =	vld [tilespmem:$0x1FD90]  }
0x521: {  	v0 =	vld [tilespmem:$0x1FD50]  }
0x522: {  	v29 =	vadd.f32 v54, v29;
	v54 =	vmul.f32 v6, v52;
	v6 =	vld [tilespmem:$0x1FFF0]  }
0x523: {  	[tilespmem:$0x1EC30] =	vst v42;
	v42 =	vadd.f32 $2.000000000e+00, v57  }
0x524: {  	v43 =	vmov s24;
	v32 =	vadd.f32 v39, v32  }
0x525: {  	[tilespmem:$0x1EBE0] =	vst v42;
	v36 =	vshll.u32 v43, $0x5;
	v55 =	vmul.f32 v56, v41;
	v42 =	vmul.f32 v1, v58;
	v1 =	vld [tilespmem:$0x1FDA0]  }
0x526: {  	v32 =	vadd.f32 v40, v32;
	v2 =	vmul.f32 v2, v0;
	v3 =	vmul.f32 v3, v0;
	v0 =	vld [tilespmem:$0x1FD60]  }
0x527: {  	v43 =	vor.u32 v6, v36;
	v6 =	vadd.f32 v44, v29  }
0x528: {  	v29 =	vadd.f32 v55, v32  }
0x529: {  	v55 =	vld [tilespmem:$0x1FD80];
	v6 =	vadd.f32 v45, v6  }
0x52a: {  	v29 =	vadd.f32 v63, v29;
	v41 =	vmul.f32 v1, v58;
	v1 =	vld [tilespmem:$0x1FDB0]  }
0x52b: {  	v6 =	vadd.f32 v2, v6;
	v4 =	vmul.f32 v4, v0  }
0x52c: {  	v29 =	vadd.f32 v3, v29;
	v3 =	vld.idx.msk [tilespmem:v43+s0+$0x0], $0xffff;
	v5 =	vmul.f32 v5, v0  }
0x52d: {  	v36 =	vld.idx.msk [tilespmem:v43+s1+$0x0], $0xffff;
	v4 =	vadd.f32 v4, v6  }
0x52e: {  	v8 =	vmul.f32 v8, v52;
	v11 =	vmul.f32 v11, v55;
	v32 =	vld.idx.msk [tilespmem:v43+s20+$0x0], $0xffff;
	v5 =	vadd.f32 v5, v29  }
0x52f: {  	v4 =	vadd.f32 v54, v4;
	v12 =	vmul.f32 v12, v1;
	v44 =	vmul.f32 v9, v1;
	v1 =	vld [tilespmem:$0x1FDC0]  }
0x530: {  	v7 =	vmul.f32 v7, v55;
	v5 =	vadd.f32 v8, v5  }
0x531: {  	v19 =	vmul.f32 v19, v61;
	v4 =	vadd.f32 v11, v4  }
0x532: {  	v31 =	vmul.f32 v31, v61;
	v5 =	vadd.f32 v7, v5;
	v7 =	vmul.f32 v36, v3  }
0x533: {  	[tilespmem:$0x1FB70] =	vst v57;
	v57 =	vmax.f32 v51, $0.0e+00;
	v9 =	vmul.f32 v32, v3;
	v4 =	vadd.f32 v19, v4  }
0x534: {  	v16 =	vmul.f32 v16, v1;
	v8 =	vmul.f32 v15, v1;
	v1 =	vadd.f32 $0.0e+00, v7  }
0x535: {  	[tilespmem:$0x1EDA0] =	vst v57;
	v57 =	vor.u32 $0x18, v43;
	v5 =	vadd.f32 v31, v5  }
0x536: {  	v4 =	vadd.f32 v42, v4;
	[tilespmem:$0x1EC50] =	vst v1;
	v1 =	vadd.f32 $0.0e+00, v9  }
0x537: {  	v5 =	vadd.f32 v41, v5  }
0x538: {  	v54 =	vor.u32 $0x16, v43;
	v4 =	vadd.f32 v12, v4;
	[tilespmem:$0x1EC70] =	vst v1;
	v1 =	vld [tilespmem:$0x1FDD0]  }
0x539: {  	v63 =	vor.u32 $0x1C, v43;
	v5 =	vadd.f32 v44, v5  }
0x53a: {  	v24 =	vmul.f32 v24, v60;
	v42 =	vld.idx.msk [tilespmem:v57+s0+$0x0], $0xffff;
	v4 =	vadd.f32 v16, v4  }
0x53b: {  	v29 =	vor.u32 $0x19, v43;
	v31 =	vadd.f32 v8, v5;
	v8 =	vld [tilespmem:$0x1FDF0]  }
0x53c: {  	v6 =	vor.u32 $0x1B, v43;
	v4 =	vadd.f32 v24, v4;
	v24 =	vld [tilespmem:$0x1FE00]  }
0x53d: {  	v11 =	vmul.f32 v22, v60;
	v19 =	vmul.f32 v1, v13;
	v1 =	vld.idx.msk [tilespmem:v54+s0+$0x0], $0xffff  }
0x53e: {  	v51 =	vor.u32 $0x1A, v43;
	v52 =	vld.idx.msk [tilespmem:v63+s0+$0x0], $0xffff  }
0x53f: {  	v11 =	vadd.f32 v11, v31;
	v31 =	vld [tilespmem:$0x1FE10]  }
0x540: {  	v45 =	vmul.f32 v46, v13;
	[tilespmem:$0x1ED00] =	vst v63;
	v7 =	vld.idx.msk [tilespmem:v29+s0+$0x0], $0xffff;
	v16 =	vmul.f32 v17, v62  }
0x541: {  	[tilespmem:$0x1ECE0] =	vst v6;
	v63 =	vld.idx.msk [tilespmem:v6+s0+$0x0], $0xffff;
	v6 =	vmov v37;
	v17 =	vmul.f32 v18, v8;
	v18 =	vmul.f32 v20, v8  }
0x542: {  	v20 =	vmul.f32 v21, v24;
	v21 =	vadd.f32 v45, v4;
	[tilespmem:$0x1EC90] =	vst v1;
	v4 =	vmovc v1;
	v1 =	vmov v42  }
0x543: {  	v37 =	vmovc v35;
	v35 =	vmovc v10;
	v10 =	vmov v48;
	v48 =	vmov v28;
	v28 =	vld.idx.msk [tilespmem:v51+s0+$0x0], $0xffff;
	v23 =	vmul.f32 v23, v24  }
0x544: {  	v24 =	vmul.f32 v25, v31;
	v25 =	vmul.f32 v26, v31;
	v31 =	vld [tilespmem:$0x1FE20]  }
0x545: {  	[tilespmem:$0x1FE10] =	vst v1;
	v1 =	vmov v7  }
0x546: {  	v19 =	vadd.f32 v19, v11  }
0x547: {  	v0 =	vld [tilespmem:$0x1FEC0];
	[tilespmem:$0x1ED30] =	vst v63  }
0x548: {  	v44 =	vld [tilespmem:$0x1FE70];
	v19 =	vadd.f32 v16, v19;
	[tilespmem:$0x1FE20] =	vst v1;
	v1 =	vmov v28  }
0x549: {  	[tilespmem:$0x1FDF0] =	vst v4;
	v26 =	vmul.f32 v27, v31;
	v27 =	vmul.f32 v47, v31;
	v31 =	vld [tilespmem:$0x1FE50];
	v4 =	vmov v63  }
0x54a: {  	v14 =	vmul.f32 v14, v62;
	v63 =	vld [tilespmem:$0x1FE80];
	[tilespmem:$0x1FE70] =	vst v4  }
0x54b: {  	v18 =	vadd.f32 v18, v19;
	v4 =	vld [tilespmem:$0x1FFB0];
	[tilespmem:$0x1FE50] =	vst v1;
	v1 =	vmov v52  }
0x54c: {  	v21 =	vadd.f32 v14, v21;
	[tilespmem:$0x1FE80] =	vst v1;
	v1 =	vld [tilespmem:$0x1FEA0]  }
0x54d: {  	v18 =	vadd.f32 v23, v18  }
0x54e: {  	v21 =	vadd.f32 v17, v21  }
0x54f: {  	v18 =	vadd.f32 v25, v18  }
0x550: {  	v20 =	vadd.f32 v20, v21  }
0x551: {  	v0 =	vadd.f32 $1.000000000e+00, v0;
	v18 =	vadd.f32 v27, v18;
	v27 =	vmul.f32 v4, v1;
	v4 =	vld [tilespmem:$0x1FFC0]  }
0x552: {  	v20 =	vadd.f32 v24, v20  }
0x553: {  	[tilespmem:$0x1EC10] =	vst v0;
	v0 =	vor.u32 $0x1F, v43  }
0x554: {  	v19 =	vmul.f32 v30, v31;
	v20 =	vadd.f32 v26, v20;
	_ =	sdelay $0x1  }
0x555: {  	v19 =	vadd.f32 v19, v20;
	v20 =	vmul.f32 v4, v1;
	v1 =	vld [tilespmem:$0x1FFE0]  }
0x556: {  	v59 =	vor.u32 $0x1E, v43;
	v4 =	vld [tilespmem:$0x1EBC0]  }
0x557: {  	[tilespmem:$0x1ED70] =	vst v0;
	v0 =	vld.idx.msk [tilespmem:v0+s0+$0x0], $0xffff  }
0x558: {  	v61 =	vor.u32 $0x1D, v43  }
0x559: {  	v60 =	vor.u32 $0x15, v43;
	v24 =	vmul.f32 v10, v44;
	v21 =	vmul.f32 v48, v31  }
0x55a: {  	[tilespmem:$0x1EBD0] =	vst v34;
	v40 =	vmovc v33;
	v22 =	vor.u32 $0xF, v43;
	v10 =	vmul.f32 v35, v63;
	v35 =	vmul.f32 v37, v1  }
0x55b: {  	v2 =	vld.idx.msk [tilespmem:v59+s0+$0x0], $0xffff;
	v18 =	vadd.f32 v21, v18;
	v21 =	vmul.f32 v4, v1;
	v1 =	vmul.f32 v40, v50  }
0x55c: {  	[tilespmem:$0x1ED50] =	vst v0;
	v37 =	vmul.f32 v6, v50;
	v50 =	vmov v0;
	v0 =	vld [tilespmem:$0x1EBE0]  }
0x55d: {  	[tilespmem:$0x1FB80] =	vst v1;
	v1 =	vld [tilespmem:$0x1EBD0]  }
0x55e: {  	v33 =	vld.idx.msk [tilespmem:v61+s0+$0x0], $0xffff;
	v58 =	vor.u32 $0x17, v43  }
0x55f: {  	[tilespmem:$0x1ED40] =	vst v59;
	v59 =	vor.u32 $0x14, v43;
	v12 =	vld.idx.msk [tilespmem:v60+s0+$0x0], $0xffff  }
0x560: {  	v39 =	vor.u32 $0x12, v43;
	[tilespmem:$0x1ED20] =	vst v61;
	v61 =	vld.idx.msk [tilespmem:v22+s0+$0x0], $0xffff;
	v23 =	vmul.f32 v49, v44  }
0x561: {  	v15 =	vor.u32 $0xE, v43;
	(erf) = vrcp.f32 v0;
	v0 =	vld [tilespmem:$0x1EBF0]  }
0x562: {  	v19 =	vadd.f32 v23, v19;
	v23 =	vmul.f32 $1.442695020e+00, v1;
	v1 =	vld [tilespmem:$0x1FFA0]  }
0x563: {  	[tilespmem:$0x1ECC0] =	vst v51;
	v9 =	vld.idx.msk [tilespmem:v58+s0+$0x0], $0xffff  }
0x564: {  	v51 =	vor.u32 $0x13, v43;
	[tilespmem:$0x1EC60] =	vst v12;
	v12 =	vld.idx.msk [tilespmem:v59+s0+$0x0], $0xffff  }
0x565: {  	v13 =	vor.u32 $0xD, v43;
	v8 =	vld.idx.msk [tilespmem:v39+s0+$0x0], $0xffff  }
0x566: {  	v41 =	vor.u32 $0x3, v43;
	v45 =	vld.idx.msk [tilespmem:v15+s0+$0x0], $0xffff  }
0x567: {  	(erf) = vpow2.f32 v23;
	v23 =	vld [tilespmem:$0x1FF30];
	v1 =	vmul.f32 v1, v0;
	v0 =	vmov v2  }
0x568: {  	[tilespmem:$0x1FFE0] =	vst v0;
	v0 =	vld [tilespmem:$0x1EC10]  }
0x569: {  	[tilespmem:$0x1EC80] =	vst v12;
	v12 =	vld.idx.msk [tilespmem:v51+s0+$0x0], $0xffff  }
0x56a: {  	[tilespmem:$0x1ECB0] =	vst v9;
	v5 =	vmov v9;
	v9 =	vor.u32 $0xB, v43;
	v38 =	vld.idx.msk [tilespmem:v13+s0+$0x0], $0xffff  }
0x56b: {  	v11 =	vor.u32 $0xA, v43;
	[tilespmem:$0x1FDC0] =	vst v8;
	v8 =	vld.idx.msk [tilespmem:v41+s0+$0x0], $0xffff  }
0x56c: {  	v10 =	vadd.f32 v10, v19;
	v19 =	vld [tilespmem:$0x1FFD0]  }
0x56d: {  	v26 =	vmul.f32 v53, v63;
	v18 =	vadd.f32 v24, v18;
	v0 =	vmul.f32 v0, v23;
	v23 =	vld [tilespmem:$0x1FF90]  }
0x56e: {  	[tilespmem:$0x1ED90] =	vst v2;
	v14 =	vor.u32 $0x9, v43;
	v2 =	vld [tilespmem:$0x1EC00]  }
0x56f: {  	[tilespmem:$0x1ECD0] =	vst v42;
	v42 =	vor.u32 $0x1, v43;
	v47 =	vld.idx.msk [tilespmem:v9+s0+$0x0], $0xffff;
	v18 =	vadd.f32 v26, v18;
	v24 =	vmul.f32 v1, v1  }
0x570: {  	v17 =	vor.u32 $0x7, v43;
	v62 =	vld.idx.msk [tilespmem:v11+s0+$0x0], $0xffff  }
0x571: {  	v16 =	vor.u32 $0x8, v43;
	v18 =	vadd.f32 v20, v18;
	[tilespmem:$0x1FF70] =	vst v24;
	v20 =	vmul.f32 $1.428571490e-01, v24;
	v24 =	vld [tilespmem:$0x1FE60]  }
0x572: {  	v26 =	vmov v23;
	v23 =	vld [tilespmem:$0x1EDB0]  }
0x573: {  	[tilespmem:$0x1FF80] =	vst v12;
	v12 =	vor.u32 $0xC, v43;
	v49 =	vld.idx.msk [tilespmem:v14+s0+$0x0], $0xffff;
	v19 =	vmul.f32 v19, v2  }
0x574: {  	[tilespmem:$0x1FE00] =	vst v5;
	v5 =	vld.idx.msk [tilespmem:v42+s0+$0x0], $0xffff;
	v10 =	vadd.f32 v27, v10  }
0x575: {  	v25 =	vor.u32 $0x2, v43;
	v44 =	vld.idx.msk [tilespmem:v17+s0+$0x0], $0xffff;
	v1 =	vadd.f32 v1, v1;
	v19 =	vadd.f32 $3.333333430e-01, v19  }
0x576: {  	v48 =	vld.idx.msk [tilespmem:v16+s0+$0x0], $0xffff  }
0x577: {  	v6 =	vadd.f32 v24, v23;
	v23 =	vmovc v1;
	v1 =	vadd.f32 v35, v10;
	v10 =	vmul.f32 v19, v2  }
0x578: {  	[tilespmem:$0x1ED10] =	vst v28;
	v46 =	vld.idx.msk [tilespmem:v12+s0+$0x0], $0xffff  }
0x579: {  	v28 =	vor.u32 $0x5, v43;
	[tilespmem:$0x1FEC0] =	vst v10;
	v10 =	vld [tilespmem:$0x1FEE0]  }
0x57a: {  	[tilespmem:$0x1ECF0] =	vst v7;
	v7 =	vld.idx.msk [tilespmem:v25+s0+$0x0], $0xffff;
	v2 =	vadd.f32 v21, v18  }
0x57b: {  	v31 =	vor.u32 $0x4, v43;
	v19 =	vld.idx.msk [tilespmem:v41+s1+$0x0], $0xffff  }
0x57c: {  	[tilespmem:$0x1FE90] =	vst v2;
	v2 =	vadd.f32 $2.000000030e-01, v20;
	v20 =	vld.idx.msk [tilespmem:v41+s20+$0x0], $0xffff  }
0x57d: {  	[tilespmem:$0x1ECA0] =	vst v29;
	v41 =	vadd.f32 v37, v1;
	v1 =	vld [tilespmem:$0x1EC20]  }
0x57e: {  	[tilespmem:$0x1ED60] =	vst v52;
	v53 =	vld.idx.msk [tilespmem:v28+s0+$0x0], $0xffff;
	v0 =	vadd.f32 v0, v10  }
0x57f: {  	[tilespmem:$0x1FBE0] =	vst v8;
	v4 =	vld.idx.msk [tilespmem:v42+s1+$0x0], $0xffff  }
0x580: {  	v63 =	vld.idx.msk [tilespmem:v31+s0+$0x0], $0xffff;
	[tilespmem:$0x1FE60] =	vst v0;
	v0 =	vmul.f32 v3, v3  }
0x581: {  	[tilespmem:$0x1FB90] =	vst v5;
	v42 =	vld.idx.msk [tilespmem:v42+s20+$0x0], $0xffff  }
0x582: {  	[tilespmem:$0x1FBC0] =	vst v7;
	v0 =	vadd.f32 v0, v1;
	v1 =	vmul.f32 v5, v5;
	v5 =	vld [tilespmem:$0x1EC30]  }
0x583: {  	[tilespmem:$0x1FF30] =	vst v26;
	v26 =	vld.idx.msk [tilespmem:v25+s1+$0x0], $0xffff  }
0x584: {  	[tilespmem:$0x1FBA0] =	vst v4;
	v10 =	vld [tilespmem:$0x1FF00]  }
0x585: {  	v30 =	vor.u32 $0x6, v43;
	v21 =	vld.idx.msk [tilespmem:v28+s20+$0x0], $0xffff;
	[tilespmem:$0x1FFD0] =	vst v2;
	v2 =	vmul.f32 v36, v36  }
0x586: {  	v18 =	vpop (erf);
	[tilespmem:$0x1FF90] =	vst v23;
	v23 =	vld.idx.msk [tilespmem:v25+s20+$0x0], $0xffff  }
0x587: {  	[tilespmem:$0x1FFA0] =	vst v18;
	v2 =	vadd.f32 v2, v5;
	v5 =	vld [tilespmem:$0x1EC40]  }
0x588: {  	[tilespmem:$0x1EDB0] =	vst v6;
	v6 =	vmul.f32 v4, v4;
	v4 =	vld.idx.msk [tilespmem:v31+s1+$0x0], $0xffff  }
0x589: {  	[tilespmem:$0x1FBF0] =	vst v19;
	v3 =	vmov v10;
	v0 =	vadd.f32 v1, v0;
	v1 =	vmul.f32 v7, v7;
	v7 =	vld.idx.msk [tilespmem:v28+s1+$0x0], $0xffff  }
0x58a: {  	v52 =	vld.idx.msk [tilespmem:v30+s0+$0x0], $0xffff;
	[tilespmem:$0x1FEE0] =	vst v3;
	v3 =	vmul.f32 v32, v32  }
0x58b: {  	v18 =	vmul.f32 v26, v26;
	[tilespmem:$0x1FC60] =	vst v21;
	v0 =	vadd.f32 v1, v0;
	v1 =	vmul.f32 v8, v8  }
0x58c: {  	[tilespmem:$0x1FC00] =	vst v20;
	v10 =	vmul.f32 v42, v42;
	v8 =	vld.idx.msk [tilespmem:v30+s1+$0x0], $0xffff;
	v3 =	vadd.f32 v3, v5  }
0x58d: {  	[tilespmem:$0x1FC20] =	vst v4;
	v0 =	vadd.f32 v1, v0;
	v2 =	vadd.f32 v6, v2;
	v5 =	vld.idx.msk [tilespmem:v31+s20+$0x0], $0xffff  }
0x58e: {  	v1 =	vmul.f32 v63, v63;
	v6 =	vmul.f32 v23, v23;
	[tilespmem:$0x1FC50] =	vst v7;
	v3 =	vadd.f32 v10, v3  }
0x58f: {  	v2 =	vadd.f32 v18, v2;
	v18 =	vmul.f32 v4, v4;
	v4 =	vld.idx.msk [tilespmem:v17+s1+$0x0], $0xffff;
	v10 =	vmul.f32 v19, v19  }
0x590: {  	v0 =	vadd.f32 v1, v0;
	v19 =	vld.idx.msk [tilespmem:v30+s20+$0x0], $0xffff;
	v3 =	vadd.f32 v6, v3;
	v6 =	vmul.f32 v20, v20  }
0x591: {  	v1 =	vmul.f32 v53, v53;
	v2 =	vadd.f32 v10, v2;
	v10 =	vmul.f32 v7, v7;
	v7 =	vld.idx.msk [tilespmem:v16+s1+$0x0], $0xffff  }
0x592: {  	[tilespmem:$0x1FC30] =	vst v5;
	v3 =	vadd.f32 v6, v3;
	v6 =	vmul.f32 v5, v5;
	v5 =	vld.idx.msk [tilespmem:v17+s20+$0x0], $0xffff  }
0x593: {  	[tilespmem:$0x1FC80] =	vst v8;
	v0 =	vadd.f32 v1, v0;
	v2 =	vadd.f32 v18, v2;
	v18 =	vld.idx.msk [tilespmem:v16+s20+$0x0], $0xffff  }
0x594: {  	v1 =	vmul.f32 v52, v52;
	[tilespmem:$0x1FCB0] =	vst v4;
	v16 =	vmul.f32 v8, v8;
	v8 =	vld.idx.msk [tilespmem:v14+s1+$0x0], $0xffff  }
0x595: {  	v17 =	vmul.f32 v4, v4;
	v4 =	vld.idx.msk [tilespmem:v12+s1+$0x0], $0xffff;
	v3 =	vadd.f32 v6, v3;
	v6 =	vmul.f32 v21, v21  }
0x596: {  	[tilespmem:$0x1FC90] =	vst v19;
	v2 =	vadd.f32 v10, v2;
	v10 =	vadd.f32 v1, v0;
	v1 =	vld.idx.msk [tilespmem:v11+s1+$0x0], $0xffff  }
0x597: {  	v3 =	vadd.f32 v6, v3;
	v6 =	vmul.f32 v19, v19;
	v19 =	vld.idx.msk [tilespmem:v14+s20+$0x0], $0xffff;
	v14 =	vmul.f32 v44, v44  }
0x598: {  	v0 =	vld.idx.msk [tilespmem:v11+s20+$0x0], $0xffff;
	v11 =	vmul.f32 v48, v48;
	[tilespmem:$0x1FCE0] =	vst v7;
	v16 =	vadd.f32 v16, v2  }
0x599: {  	v2 =	vld.idx.msk [tilespmem:v9+s1+$0x0], $0xffff;
	v3 =	vadd.f32 v6, v3;
	v6 =	vmul.f32 v5, v5;
	v10 =	vadd.f32 v14, v10  }
0x59a: {  	[tilespmem:$0x1FCC0] =	vst v5;
	v14 =	vmul.f32 v7, v7;
	v16 =	vadd.f32 v17, v16;
	v17 =	vmul.f32 v18, v18  }
0x59b: {  	[tilespmem:$0x1FCF0] =	vst v18;
	v6 =	vadd.f32 v6, v3;
	v10 =	vadd.f32 v11, v10;
	v11 =	vmul.f32 v49, v49  }
0x59c: {  	v29 =	vor.u32 $0x10, v43;
	[tilespmem:$0x1FD10] =	vst v8;
	v18 =	vmul.f32 v8, v8;
	v3 =	vld.idx.msk [tilespmem:v9+s20+$0x0], $0xffff;
	v14 =	vadd.f32 v14, v16  }
0x59d: {  	v5 =	vld.idx.msk [tilespmem:v12+s20+$0x0], $0xffff;
	v16 =	vadd.f32 v17, v6;
	v17 =	vmul.f32 v19, v19;
	v10 =	vadd.f32 v11, v10  }
0x59e: {  	[tilespmem:$0x1FD20] =	vst v19;
	v11 =	vmul.f32 v62, v62;
	v19 =	vmul.f32 v1, v1;
	v14 =	vadd.f32 v18, v14  }
0x59f: {  	v20 =	vmul.f32 v2, v2;
	v6 =	vld.idx.msk [tilespmem:v13+s1+$0x0], $0xffff;
	v16 =	vadd.f32 v17, v16;
	v17 =	vmul.f32 v0, v0  }
0x5a0: {  	v18 =	vmul.f32 v47, v47;
	v10 =	vadd.f32 v11, v10;
	v11 =	vld.idx.msk [tilespmem:v15+s1+$0x0], $0xffff;
	v14 =	vadd.f32 v19, v14  }
0x5a1: {  	v21 =	vmul.f32 v4, v4;
	v8 =	vld.idx.msk [tilespmem:v13+s20+$0x0], $0xffff;
	v16 =	vadd.f32 v17, v16;
	v17 =	vmul.f32 v3, v3  }
0x5a2: {  	v19 =	vld.idx.msk [tilespmem:v22+s1+$0x0], $0xffff;
	v10 =	vadd.f32 v18, v10;
	v18 =	vmul.f32 v46, v46;
	v14 =	vadd.f32 v20, v14  }
0x5a3: {  	v34 =	vor.u32 $0x11, v43;
	v7 =	vld.idx.msk [tilespmem:v15+s20+$0x0], $0xffff;
	[tilespmem:$0x1FD40] =	vst v1;
	v16 =	vadd.f32 v17, v16;
	v17 =	vmul.f32 v5, v5  }
0x5a4: {  	v1 =	vld.idx.msk [tilespmem:v29+s1+$0x0], $0xffff;
	v10 =	vadd.f32 v18, v10;
	v18 =	vmul.f32 v6, v6;
	v14 =	vadd.f32 v21, v14  }
0x5a5: {  	v31 =	vld.idx.msk [tilespmem:v22+s20+$0x0], $0xffff;
	v20 =	vmul.f32 v11, v11  }
0x5a6: {  	v55 =	vld.idx.msk [tilespmem:v29+s0+$0x0], $0xffff;
	v16 =	vadd.f32 v17, v16;
	v17 =	vmul.f32 v8, v8;
	v14 =	vadd.f32 v18, v14  }
0x5a7: {  	v13 =	vmul.f32 v38, v38;
	v22 =	vld.idx.msk [tilespmem:v29+s20+$0x0], $0xffff;
	v21 =	vmul.f32 v19, v19  }
0x5a8: {  	v12 =	vld.idx.msk [tilespmem:v34+s1+$0x0], $0xffff;
	v18 =	vmul.f32 v7, v7;
	v17 =	vadd.f32 v17, v16;
	v14 =	vadd.f32 v20, v14  }
0x5a9: {  	v9 =	vld.idx.msk [tilespmem:v34+s20+$0x0], $0xffff;
	v10 =	vadd.f32 v13, v10;
	v13 =	vmul.f32 v45, v45;
	v20 =	vmul.f32 v1, v1  }
0x5aa: {  	v56 =	vld.idx.msk [tilespmem:v34+s0+$0x0], $0xffff;
	v17 =	vadd.f32 v18, v17;
	v18 =	vmul.f32 v31, v31;
	v14 =	vadd.f32 v21, v14  }
0x5ab: {  	v24 =	vld.idx.msk [tilespmem:v51+s1+$0x0], $0xffff;
	v10 =	vadd.f32 v13, v10;
	v13 =	vmul.f32 v61, v61  }
0x5ac: {  	[tilespmem:$0x1FD60] =	vst v46;
	v17 =	vadd.f32 v18, v17;
	v18 =	vmul.f32 v22, v22;
	v20 =	vadd.f32 v20, v14;
	v14 =	vld [tilespmem:$0x1FDC0]  }
0x5ad: {  	[tilespmem:$0x1FBD0] =	vst v23;
	v16 =	vld.idx.msk [tilespmem:v39+s1+$0x0], $0xffff;
	v10 =	vadd.f32 v13, v10;
	v13 =	vmul.f32 v55, v55  }
0x5ae: {  	v23 =	vmul.f32 v12, v12;
	v46 =	vld.idx.msk [tilespmem:v59+s1+$0x0], $0xffff;
	v17 =	vadd.f32 v18, v17;
	v18 =	vmul.f32 v9, v9  }
0x5af: {  	v21 =	vmul.f32 v56, v56;
	v10 =	vadd.f32 v13, v10;
	v13 =	vld.idx.msk [tilespmem:v59+s20+$0x0], $0xffff  }
0x5b0: {  	v20 =	vadd.f32 v23, v20;
	v23 =	vadd.f32 v18, v17;
	v17 =	vld.idx.msk [tilespmem:v60+s20+$0x0], $0xffff  }
0x5b1: {  	v25 =	vpop (erf);
	v10 =	vadd.f32 v21, v10;
	v21 =	vmul.f32 v14, v14;
	v14 =	vld.idx.msk [tilespmem:v60+s1+$0x0], $0xffff  }
0x5b2: {  	v59 =	vmov v25;
	v25 =	vmul.f32 v16, v16;
	v60 =	vld [tilespmem:$0x1FF80];
	_ =	sdelay $0x1  }
0x5b3: {  	v27 =	vmul.f32 v24, v24;
	v29 =	vld [tilespmem:$0x1EC80];
	v25 =	vadd.f32 v25, v20  }
0x5b4: {  	[tilespmem:$0x1FD30] =	vst v62  }
0x5b5: {  	[tilespmem:$0x1FD50] =	vst v47;
	v62 =	vld [tilespmem:$0x1EC60];
	v30 =	vmul.f32 v46, v46;
	v27 =	vadd.f32 v27, v25  }
0x5b6: {  	[tilespmem:$0x1FDD0] =	vst v13;
	v47 =	vmul.f32 v13, v13;
	v13 =	vld [tilespmem:$0x1FDF0];
	v10 =	vadd.f32 v21, v10;
	v21 =	vmul.f32 v60, v60  }
0x5b7: {  	v30 =	vadd.f32 v30, v27;
	v27 =	vld [tilespmem:$0x1EC90]  }
0x5b8: {  	v28 =	vmul.f32 v29, v29;
	v10 =	vadd.f32 v21, v10;
	_ =	sdelay $0x1  }
0x5b9: {  	v15 =	vld.idx.msk [tilespmem:v39+s20+$0x0], $0xffff;
	v10 =	vadd.f32 v28, v10;
	v28 =	vmul.f32 v62, v62  }
0x5ba: {  	[tilespmem:$0x1FDA0] =	vst v22;
	v22 =	vld.idx.msk [tilespmem:v51+s20+$0x0], $0xffff  }
0x5bb: {  	v10 =	vadd.f32 v28, v10;
	v28 =	vmul.f32 v27, v13;
	v13 =	vld [tilespmem:$0x1ECA0];
	_ =	sdelay $0x2  }
0x5bc: {  	[tilespmem:$0x1FBB0] =	vst v42;
	v42 =	vmov v26;
	v26 =	vmul.f32 v15, v15;
	_ =	sdelay $0x1  }
0x5bd: {  	v23 =	vadd.f32 v26, v23;
	v26 =	vmul.f32 v22, v22;
	_ =	sdelay $0x1  }
0x5be: {  	v26 =	vadd.f32 v26, v23;
	v10 =	vadd.f32 v28, v10;
	v28 =	vld [tilespmem:$0x1ECB0]  }
0x5bf: {  	v27 =	vld.idx.msk [tilespmem:v13+s1+$0x0], $0xffff  }
0x5c0: {  	[tilespmem:$0x1ED80] =	vst v33;
	v43 =	vmov v33;
	v33 =	vadd.f32 v47, v26;
	v47 =	vld.idx.msk [tilespmem:v13+s20+$0x0], $0xffff  }
0x5c1: {  	v13 =	vld [tilespmem:$0x1FE00];
	_ =	sdelay $0x1  }
0x5c2: {  	v25 =	vld.idx.msk [tilespmem:v57+s1+$0x0], $0xffff  }
0x5c3: {  	v26 =	vld.idx.msk [tilespmem:v57+s20+$0x0], $0xffff  }
0x5c4: {  	v57 =	vld [tilespmem:$0x1ECD0]  }
0x5c5: {  	[tilespmem:$0x1FC40] =	vst v53;
	v53 =	vmul.f32 v28, v13;
	v13 =	vmov v29;
	v29 =	vld [tilespmem:$0x1FE10];
	_ =	sdelay $0x2  }
0x5c6: {  	v23 =	vld.idx.msk [tilespmem:v58+s20+$0x0], $0xffff  }
0x5c7: {  	v21 =	vld.idx.msk [tilespmem:v58+s1+$0x0], $0xffff  }
0x5c8: {  	v58 =	vmul.f32 v57, v29;
	v29 =	vld [tilespmem:$0x1ECE0];
	_ =	sdelay $0x3  }
0x5c9: {  	v20 =	vld.idx.msk [tilespmem:v54+s20+$0x0], $0xffff  }
0x5ca: {  	v10 =	vadd.f32 v53, v10  }
0x5cb: {  	[tilespmem:$0x1FD00] =	vst v49;
	v18 =	vld.idx.msk [tilespmem:v54+s1+$0x0], $0xffff;
	v49 =	vmul.f32 v17, v17  }
0x5cc: {  	[tilespmem:$0x1FCD0] =	vst v48;
	v48 =	vmul.f32 v14, v14;
	v37 =	vadd.f32 v58, v10;
	v10 =	vld [tilespmem:$0x1FE20]  }
0x5cd: {  	v33 =	vadd.f32 v49, v33;
	v49 =	vld.idx.msk [tilespmem:v29+s1+$0x0], $0xffff  }
0x5ce: {  	[tilespmem:$0x1FC70] =	vst v52;
	v52 =	vmul.f32 v20, v20;
	v35 =	vadd.f32 v48, v30;
	v48 =	vld.idx.msk [tilespmem:v29+s20+$0x0], $0xffff  }
0x5cf: {  	v29 =	vld [tilespmem:$0x1ECF0]  }
0x5d0: {  	[tilespmem:$0x1FDB0] =	vst v56;
	v56 =	vmul.f32 v23, v23;
	v33 =	vadd.f32 v52, v33;
	_ =	sdelay $0x1  }
0x5d1: {  	v51 =	vmul.f32 v18, v18;
	v33 =	vadd.f32 v56, v33;
	v56 =	vld [tilespmem:$0x1FE50]  }
0x5d2: {  	v57 =	vld [tilespmem:$0x1ED10]  }
0x5d3: {  	[tilespmem:$0x1FD80] =	vst v45;
	v35 =	vadd.f32 v51, v35;
	v54 =	vmul.f32 v21, v21;
	v45 =	vmul.f32 v29, v10;
	v29 =	vld [tilespmem:$0x1ED00];
	_ =	sdelay $0x1  }
0x5d4: {  	[tilespmem:$0x1FC10] =	vst v63;
	v63 =	vmul.f32 v25, v25;
	v35 =	vadd.f32 v54, v35  }
0x5d5: {  	v28 =	vld [tilespmem:$0x1ECC0]  }
0x5d6: {  	[tilespmem:$0x1FD70] =	vst v38;
	v38 =	vadd.f32 v63, v35;
	v63 =	vld [tilespmem:$0x1ED20]  }
0x5d7: {  	v54 =	vld [tilespmem:$0x1FE70];
	v58 =	vmul.f32 v57, v56;
	v39 =	vadd.f32 v45, v37  }
0x5d8: {  	v56 =	vld [tilespmem:$0x1ED30]  }
0x5d9: {  	v32 =	vadd.f32 v58, v39;
	v58 =	vld [tilespmem:$0x1ED40]  }
0x5da: {  	v10 =	vld.idx.msk [tilespmem:v29+s1+$0x0], $0xffff  }
0x5db: {  	v29 =	vld.idx.msk [tilespmem:v29+s20+$0x0], $0xffff  }
0x5dc: {  	v34 =	vmul.f32 v26, v26  }
0x5dd: {  	v30 =	vld.idx.msk [tilespmem:v28+s1+$0x0], $0xffff;
	v57 =	vmul.f32 v56, v54  }
0x5de: {  	v33 =	vadd.f32 v34, v33;
	v34 =	vld.idx.msk [tilespmem:v63+s1+$0x0], $0xffff  }
0x5df: {  	v52 =	vmul.f32 v27, v27;
	v32 =	vadd.f32 v57, v32;
	v57 =	vld [tilespmem:$0x1ED60]  }
0x5e0: {  	v53 =	vmov v29;
	v29 =	vld [tilespmem:$0x1FE80]  }
0x5e1: {  	v52 =	vadd.f32 v52, v38;
	v38 =	vld.idx.msk [tilespmem:v63+s20+$0x0], $0xffff  }
0x5e2: {  	v28 =	vld.idx.msk [tilespmem:v28+s20+$0x0], $0xffff;
	v45 =	vmul.f32 v30, v30  }
0x5e3: {  	v35 =	vld.idx.msk [tilespmem:v58+s1+$0x0], $0xffff  }
0x5e4: {  	v63 =	vadd.f32 v45, v52;
	v45 =	vld.idx.msk [tilespmem:v58+s20+$0x0], $0xffff  }
0x5e5: {  	v58 =	vmul.f32 v57, v29;
	v29 =	vld [tilespmem:$0x1ED70];
	_ =	sdelay $0x2  }
0x5e6: {  	v36 =	vmul.f32 v47, v47;
	_ =	sdelay $0x1  }
0x5e7: {  	v33 =	vadd.f32 v36, v33;
	v36 =	vmul.f32 v28, v28;
	_ =	sdelay $0x1  }
0x5e8: {  	v33 =	vadd.f32 v36, v33;
	v56 =	vmul.f32 v48, v48  }
0x5e9: {  	v37 =	vld.idx.msk [tilespmem:v29+s1+$0x0], $0xffff  }
0x5ea: {  	v36 =	vadd.f32 v56, v33;
	v33 =	vld.idx.msk [tilespmem:v29+s20+$0x0], $0xffff  }
0x5eb: {  	v29 =	vld [tilespmem:$0x1ED80];
	_ =	sdelay $0x3  }
0x5ec: {  	v32 =	vadd.f32 v58, v32;
	v58 =	vld [tilespmem:$0x1ED90]  }
0x5ed: {  	v56 =	vmul.f32 v29, v43;
	v29 =	vld [tilespmem:$0x1FFE0]  }
0x5ee: {  	v40 =	vmul.f32 v49, v49;
	_ =	sdelay $0x1  }
0x5ef: {  	v40 =	vadd.f32 v40, v63;
	v63 =	vld [tilespmem:$0x1FF20]  }
0x5f0: {  	[tilespmem:$0x1FEA0] =	vst v43;
	v43 =	vld [tilespmem:$0x1FF40]  }
0x5f1: {  	[tilespmem:$0x1FD90] =	vst v55;
	v32 =	vadd.f32 v56, v32;
	v56 =	vmul.f32 v58, v29;
	v29 =	vld [tilespmem:$0x1EDA0]  }
0x5f2: {  	p0 =	sne.s32 s25, $0x1F0;
	[tilespmem:$0x1FCA0] =	vst v44  }
.Ltmp0:
0x5f3: {  	[tilespmem:$0x1FFB0] =	vst v34;
	(pc) =	sbr.rel @p0 .LBB2_2-.Ltmp0, $4  }
0x5f4: {  	[tilespmem:$0x1FFC0] =	vst v38;
	v39 =	vmul.f32 v34, v34;
	v34 =	vmov v63;
	v51 =	vmul.f32 v10, v10  }
0x5f5: {  	v44 =	vld [tilespmem:$0x1EC50];
	[tilespmem:$0x1FF00] =	vst v34;
	v54 =	vmul.f32 v53, v53;
	v57 =	vmov v43  }
0x5f6: {  	v55 =	vld [tilespmem:$0x1EC70];
	v40 =	vadd.f32 v51, v40;
	[tilespmem:$0x1FF20] =	vst v57;
	v63 =	vmov v29  }
0x5f7: {  	s24 =	smov.u32 s25;
	s25 =	sadd.s32 $0x10, s25;
	v52 =	vld [tilespmem:$0x1ED50];
	v51 =	vadd.f32 v54, v36;
	v54 =	vmul.f32 v38, v38;
	v36 =	vmul.f32 v35, v35;
	[tilespmem:$0x1FF40] =	vst v63  }
0x5f8: {  	v29 =	vld [tilespmem:$0x1FB90]  }
0x5f9: {  	v34 =	vld [tilespmem:$0x1FBA0]  }
0x5fa: {  	v58 =	vld [tilespmem:$0x1FBB0]  }
0x5fb: {  	v38 =	vld [tilespmem:$0x1FBC0]  }
0x5fc: {  	v43 =	vld [tilespmem:$0x1FBD0];
	_ =	sdelay $0x3  }
0x5fd: {  	v57 =	vmul.f32 v34, v29;
	v34 =	vmul.f32 v58, v29  }
0x5fe: {  	v58 =	vmul.f32 v42, v38;
	v29 =	vmul.f32 v43, v38;
	v38 =	vld [tilespmem:$0x1FBF0]  }
0x5ff: {  	v57 =	vadd.f32 v57, v44;
	v44 =	vld [tilespmem:$0x1FBE0]  }
0x600: {  	v63 =	vmov v45;
	v45 =	vadd.f32 v34, v55;
	v55 =	vld [tilespmem:$0x1FC00];
	_ =	sdelay $0x3  }
0x601: {  	v42 =	vld [tilespmem:$0x1FC10];
	v57 =	vadd.f32 v58, v57;
	v58 =	vmul.f32 v38, v44  }
0x602: {  	v43 =	vmul.f32 v55, v44;
	v44 =	vld [tilespmem:$0x1FC20]  }
0x603: {  	v29 =	vadd.f32 v29, v45;
	v45 =	vadd.f32 v58, v57;
	v58 =	vld [tilespmem:$0x1FC30];
	_ =	sdelay $0x3  }
0x604: {  	v55 =	vmul.f32 v44, v42  }
0x605: {  	v58 =	vmul.f32 v58, v42;
	v42 =	vld [tilespmem:$0x1FC40]  }
0x606: {  	v43 =	vadd.f32 v43, v29;
	v29 =	vadd.f32 v55, v45;
	v45 =	vld [tilespmem:$0x1FC50]  }
0x607: {  	v57 =	vld [tilespmem:$0x1FC60];
	_ =	sdelay $0x3  }
0x608: {  	v55 =	vmul.f32 v45, v42  }
0x609: {  	v57 =	vmul.f32 v57, v42;
	v42 =	vld [tilespmem:$0x1FC70]  }
0x60a: {  	v29 =	vadd.f32 v55, v29;
	v55 =	vld [tilespmem:$0x1FC80];
	_ =	sdelay $0x1  }
0x60b: {  	v43 =	vadd.f32 v58, v43  }
0x60c: {  	v44 =	vld [tilespmem:$0x1FC90]  }
0x60d: {  	v43 =	vadd.f32 v57, v43;
	v57 =	vld [tilespmem:$0x1FCB0]  }
0x60e: {  	v58 =	vmul.f32 v55, v42;
	v55 =	vld [tilespmem:$0x1FCA0]  }
0x60f: {  	v38 =	vld [tilespmem:$0x1FCC0];
	_ =	sdelay $0x2  }
0x610: {  	v39 =	vadd.f32 v39, v40  }
0x611: {  	v40 =	vmul.f32 v44, v42;
	v42 =	vld [tilespmem:$0x1FCD0];
	v29 =	vadd.f32 v58, v29;
	v58 =	vmul.f32 v57, v55  }
0x612: {  	v51 =	vadd.f32 v54, v51;
	v54 =	vmul.f32 v38, v55;
	v55 =	vld [tilespmem:$0x1FCE0]  }
0x613: {  	v40 =	vadd.f32 v40, v43;
	v43 =	vadd.f32 v58, v29;
	v58 =	vld [tilespmem:$0x1FCF0];
	_ =	sdelay $0x3  }
0x614: {  	v38 =	vld [tilespmem:$0x1FD00]  }
0x615: {  	v29 =	vmul.f32 v55, v42;
	v34 =	vmul.f32 v58, v42;
	v42 =	vld [tilespmem:$0x1FD10];
	_ =	sdelay $0x1  }
0x616: {  	v32 =	vadd.f32 v56, v32;
	v56 =	vld [tilespmem:$0x1FD20]  }
0x617: {  	v55 =	vld [tilespmem:$0x1FD50]  }
0x618: {  	v57 =	vmul.f32 v63, v63;
	v58 =	vld [tilespmem:$0x1FD30]  }
0x619: {  	v44 =	vmul.f32 v42, v38;
	v42 =	vld [tilespmem:$0x1FD40]  }
0x61a: {  	v39 =	vadd.f32 v36, v39;
	v45 =	vadd.f32 v57, v51;
	v57 =	vmul.f32 v52, v50  }
0x61b: {  	v40 =	vadd.f32 v54, v40;
	v51 =	vmul.f32 v56, v38;
	v56 =	vmovc v50;
	v50 =	vmul.f32 v37, v37  }
0x61c: {  	v36 =	vadd.f32 v57, v32;
	v43 =	vadd.f32 v29, v43  }
0x61d: {  	v32 =	vadd.f32 v50, v39;
	v50 =	vld [tilespmem:$0x1FD70];
	v40 =	vadd.f32 v34, v40  }
0x61e: {  	v2 =	vmul.f32 v2, v55;
	v43 =	vadd.f32 v44, v43;
	v44 =	vmul.f32 v42, v58;
	v42 =	vld [tilespmem:$0x1FD60]  }
0x61f: {  	v39 =	vmul.f32 v3, v55;
	v55 =	vld [tilespmem:$0x1FD80];
	v51 =	vadd.f32 v51, v40;
	v54 =	vmul.f32 v0, v58  }
0x620: {  	v57 =	vmul.f32 v33, v33  }
0x621: {  	v31 =	vmul.f32 v31, v61;
	v38 =	vld [tilespmem:$0x1FE90];
	v40 =	vadd.f32 v54, v51  }
0x622: {  	v14 =	vmul.f32 v14, v62;
	v17 =	vmul.f32 v17, v62;
	v3 =	vadd.f32 v57, v45;
	v58 =	vld [tilespmem:$0x1FB80]  }
0x623: {  	v45 =	vadd.f32 v39, v40;
	v52 =	vadd.f32 v44, v43;
	v44 =	vmul.f32 v5, v42  }
0x624: {  	v51 =	vmul.f32 v6, v50;
	v57 =	vmul.f32 v11, v55;
	v40 =	vld [tilespmem:$0x1FD90]  }
0x625: {  	v0 =	vadd.f32 v2, v52;
	v43 =	vmul.f32 v4, v42;
	v54 =	vadd.f32 v44, v45;
	v44 =	vld [tilespmem:$0x1FFF0]  }
0x626: {  	v7 =	vmul.f32 v7, v55;
	v52 =	vmul.f32 v8, v50;
	v42 =	vld [tilespmem:$0x1FDA0]  }
0x627: {  	v55 =	vmul.f32 v22, v60;
	v29 =	vadd.f32 v58, v38;
	v0 =	vadd.f32 v43, v0  }
0x628: {  	v58 =	vmul.f32 v19, v61;
	v38 =	vmov s24;
	v45 =	vld [tilespmem:$0x1FDB0];
	v34 =	vadd.f32 v52, v54  }
0x629: {  	v39 =	vshll.u32 v38, $0x5;
	v0 =	vadd.f32 v51, v0;
	v51 =	vld [tilespmem:$0x1FDC0];
	v54 =	vmul.f32 v24, v60  }
0x62a: {  	v60 =	vld [tilespmem:$0x1FDD0];
	v24 =	vadd.f32 $2.000000000e+00, v59;
	v43 =	vadd.f32 v7, v34;
	v19 =	vor.u32 v44, v39  }
0x62b: {  	v5 =	vsub.f32 v29, v41;
	v11 =	vmul.f32 v42, v40;
	v42 =	vld [tilespmem:$0x1FEC0];
	v0 =	vadd.f32 v57, v0  }
0x62c: {  	v41 =	vmul.f32 v1, v40;
	(erf) = vrcp.f32 v24;
	v24 =	vld [tilespmem:$0x1FF30];
	v1 =	vadd.f32 v31, v43  }
0x62d: {  	v50 =	vmul.f32 v12, v45;
	v7 =	vmul.f32 v9, v45;
	v44 =	vld [tilespmem:$0x1FE00];
	v2 =	vadd.f32 v58, v0  }
0x62e: {  	v0 =	vadd.f32 $0.0e+00, v5;
	v43 =	vld [tilespmem:$0x1FDF0];
	v1 =	vadd.f32 v11, v1;
	v11 =	vor.u32 $0xA, v19  }
0x62f: {  	v52 =	vmul.f32 v16, v51;
	v2 =	vadd.f32 v41, v2;
	v41 =	vor.u32 $0x4, v19;
	v16 =	vld.idx.msk [tilespmem:v19+s0+$0x0], $0xffff  }
0x630: {  	v58 =	vmul.f32 v46, v13;
	v8 =	vmul.f32 v15, v51;
	v1 =	vadd.f32 v7, v1;
	v31 =	vld.idx.msk [tilespmem:v19+s1+$0x0], $0xffff  }
0x631: {  	v34 =	vadd.f32 $1.000000000e+00, v42;
	v42 =	vor.u32 $0x2, v19;
	v2 =	vadd.f32 v50, v2;
	v50 =	vld [tilespmem:$0x1FE10]  }
0x632: {  	v5 =	vor.u32 $0x1F, v19;
	v6 =	vor.u32 $0x1E, v19;
	v39 =	vld.idx.msk [tilespmem:v19+s20+$0x0], $0xffff;
	v1 =	vadd.f32 v8, v1  }
0x633: {  	v61 =	vmul.f32 v60, v13;
	v45 =	vmul.f32 v21, v44;
	v2 =	vadd.f32 v52, v2;
	v21 =	vld.idx.msk [tilespmem:v11+s0+$0x0], $0xffff  }
0x634: {  	v46 =	vmul.f32 v23, v44;
	v44 =	vor.u32 $0x1, v19;
	v29 =	vld.idx.msk [tilespmem:v41+s0+$0x0], $0xffff;
	v1 =	vadd.f32 v55, v1  }
0x635: {  	v9 =	vor.u32 $0x1B, v19;
	v4 =	vmul.f32 v34, v24;
	v2 =	vadd.f32 v54, v2;
	v54 =	vld [tilespmem:$0x1FE20]  }
0x636: {  	v34 =	vld.idx.msk [tilespmem:v42+s1+$0x0], $0xffff;
	v52 =	vmul.f32 v26, v50;
	v26 =	vor.u32 $0x5, v19;
	v1 =	vadd.f32 v61, v1  }
0x637: {  	v40 =	vor.u32 $0x7, v19;
	v57 =	vand.u32 $0x7FFFFFFF, v0;
	v2 =	vadd.f32 v58, v2;
	v58 =	vld [tilespmem:$0x1FE50]  }
0x638: {  	v15 =	vsub.f32 $0.0e+00, v57;
	v20 =	vmul.f32 v20, v43;
	v61 =	vld [tilespmem:$0x1FE80];
	v1 =	vadd.f32 v17, v1  }
0x639: {  	v18 =	vmul.f32 v18, v43;
	v2 =	vadd.f32 v14, v2;
	v14 =	vmul.f32 v33, v56;
	v33 =	vld.idx.msk [tilespmem:v44+s1+$0x0], $0xffff  }
0x63a: {  	v55 =	vmul.f32 v27, v54;
	v57 =	vmul.f32 v47, v54;
	v54 =	vld [tilespmem:$0x1FFB0];
	v1 =	vadd.f32 v20, v1  }
0x63b: {  	v7 =	vor.u32 $0x1D, v19;
	v23 =	vor.u32 $0x9, v19;
	v2 =	vadd.f32 v18, v2;
	v27 =	vld.idx.msk [tilespmem:v26+s0+$0x0], $0xffff  }
0x63c: {  	v51 =	vmul.f32 v25, v50;
	v60 =	vmul.f32 v30, v58;
	v30 =	vld [tilespmem:$0x1FE70];
	v1 =	vadd.f32 v46, v1  }
0x63d: {  	v62 =	vmul.f32 v10, v61;
	v10 =	vmul.f32 v53, v61;
	v53 =	vld [tilespmem:$0x1FEA0];
	v2 =	vadd.f32 v45, v2  }
0x63e: {  	v15 =	vmul.f32 $1.442695020e+00, v15;
	v28 =	vmul.f32 v28, v58;
	v58 =	vld [tilespmem:$0x1FFE0];
	v1 =	vadd.f32 v52, v1  }
0x63f: {  	v12 =	vmul.f32 v31, v16;
	v13 =	vmul.f32 v39, v16;
	v61 =	vld [tilespmem:$0x1FB70];
	v2 =	vadd.f32 v51, v2  }
0x640: {  	v16 =	vmul.f32 v16, v16;
	v17 =	vor.u32 $0x3, v19;
	v1 =	vadd.f32 v57, v1;
	v57 =	vld [tilespmem:$0x1FFC0]  }
0x641: {  	v8 =	vor.u32 $0x1C, v19;
	v38 =	vmul.f32 v49, v30;
	v2 =	vadd.f32 v55, v2;
	v49 =	vld.idx.msk [tilespmem:v44+s0+$0x0], $0xffff  }
0x642: {  	(erf) = vpow2.f32 v15;
	v16 =	vadd.f32 v16, v36;
	v47 =	vor.u32 $0x8, v19;
	v44 =	vld.idx.msk [tilespmem:v44+s20+$0x0], $0xffff  }
0x643: {  	v45 =	vmul.f32 v48, v30;
	v48 =	vmul.f32 v37, v56;
	v37 =	vld [tilespmem:$0x1FE60];
	v2 =	vadd.f32 v60, v2  }
0x644: {  	v20 =	vor.u32 $0x6, v19;
	v1 =	vadd.f32 v28, v1;
	v60 =	vmul.f32 v35, v58;
	v35 =	vld [tilespmem:$0x1EDB0]  }
0x645: {  	v46 =	vor.u32 $0xB, v19;
	v51 =	vmul.f32 v33, v33;
	v30 =	vld.idx.msk [tilespmem:v17+s0+$0x0], $0xffff;
	v2 =	vadd.f32 v38, v2  }
0x646: {  	v55 =	vmul.f32 v54, v53;
	v43 =	vmul.f32 v63, v58;
	v38 =	vld.idx.msk [tilespmem:v42+s0+$0x0], $0xffff;
	v45 =	vadd.f32 v45, v1  }
0x647: {  	v54 =	vmul.f32 v34, v34;
	v28 =	vmul.f32 v57, v53;
	v2 =	vadd.f32 v62, v2;
	v62 =	vld [tilespmem:$0x1FFA0]  }
0x648: {  	v50 =	vmul.f32 v49, v49;
	v10 =	vadd.f32 v10, v45;
	v45 =	vmul.f32 v39, v39;
	v39 =	vld.idx.msk [tilespmem:v41+s1+$0x0], $0xffff  }
0x649: {  	v52 =	vmul.f32 v44, v44;
	v63 =	vadd.f32 v55, v2;
	v2 =	vadd.f32 v37, v35;
	v35 =	vld.idx.msk [tilespmem:v42+s20+$0x0], $0xffff  }
0x64a: {  	v56 =	vmul.f32 v30, v30;
	v16 =	vadd.f32 v50, v16;
	v10 =	vadd.f32 v28, v10;
	v37 =	vld.idx.msk [tilespmem:v17+s1+$0x0], $0xffff  }
0x64b: {  	v42 =	vmul.f32 v31, v31;
	v31 =	vld.idx.msk [tilespmem:v17+s20+$0x0], $0xffff;
	v3 =	vadd.f32 v45, v3;
	v17 =	vmul.f32 v44, v49  }
0x64c: {  	v36 =	vld.idx.msk [tilespmem:v26+s20+$0x0], $0xffff;
	v44 =	vadd.f32 $0.0e+00, v13;
	v53 =	vmul.f32 v38, v38;
	v34 =	vmul.f32 v34, v38  }
0x64d: {  	v25 =	vld.idx.msk [tilespmem:v20+s0+$0x0], $0xffff;
	v15 =	vadd.f32 v60, v63;
	v24 =	vadd.f32 v42, v32;
	v60 =	vmul.f32 v29, v29  }
0x64e: {  	v32 =	vld.idx.msk [tilespmem:v41+s20+$0x0], $0xffff;
	v3 =	vadd.f32 v52, v3;
	v63 =	vmul.f32 v27, v27;
	v1 =	vmul.f32 v62, v61  }
0x64f: {  	v42 =	vld.idx.msk [tilespmem:v26+s1+$0x0], $0xffff;
	v16 =	vadd.f32 v53, v16;
	v61 =	vmul.f32 v39, v39;
	v24 =	vadd.f32 v51, v24  }
0x650: {  	v45 =	vld.idx.msk [tilespmem:v20+s1+$0x0], $0xffff;
	v44 =	vadd.f32 v17, v44;
	v55 =	vmul.f32 v35, v35;
	v57 =	vmul.f32 v37, v37  }
0x651: {  	v50 =	vld.idx.msk [tilespmem:v40+s1+$0x0], $0xffff;
	v58 =	vmul.f32 v31, v31;
	v16 =	vadd.f32 v56, v16;
	v24 =	vadd.f32 v54, v24  }
0x652: {  	v41 =	vld.idx.msk [tilespmem:v20+s20+$0x0], $0xffff;
	v35 =	vmul.f32 v35, v38;
	v37 =	vmul.f32 v37, v30;
	v3 =	vadd.f32 v55, v3  }
0x653: {  	v18 =	vld.idx.msk [tilespmem:v40+s0+$0x0], $0xffff;
	v30 =	vmul.f32 v31, v30;
	v62 =	vmul.f32 v32, v32;
	v24 =	vadd.f32 v57, v24  }
0x654: {  	v40 =	vld.idx.msk [tilespmem:v40+s20+$0x0], $0xffff;
	v16 =	vadd.f32 v60, v16;
	v56 =	vmul.f32 v42, v42;
	v3 =	vadd.f32 v58, v3  }
0x655: {  	v52 =	vld.idx.msk [tilespmem:v47+s1+$0x0], $0xffff;
	v60 =	vmul.f32 v45, v45;
	v57 =	vmul.f32 v36, v36;
	v20 =	vadd.f32 v61, v24  }
0x656: {  	v51 =	vld.idx.msk [tilespmem:v47+s0+$0x0], $0xffff;
	v16 =	vadd.f32 v63, v16;
	v58 =	vmul.f32 v25, v25;
	v3 =	vadd.f32 v62, v3  }
0x657: {  	v47 =	vld.idx.msk [tilespmem:v47+s20+$0x0], $0xffff;
	v63 =	vmul.f32 v50, v50;
	v61 =	vmul.f32 v41, v41;
	v20 =	vadd.f32 v56, v20  }
0x658: {  	v22 =	vld.idx.msk [tilespmem:v23+s0+$0x0], $0xffff;
	v16 =	vadd.f32 v58, v16;
	v62 =	vmul.f32 v18, v18;
	v3 =	vadd.f32 v57, v3  }
0x659: {  	v58 =	vmul.f32 v40, v40;
	v56 =	vld.idx.msk [tilespmem:v11+s20+$0x0], $0xffff;
	v57 =	vadd.f32 v60, v20;
	v20 =	vadd.f32 v43, v10  }
0x65a: {  	v53 =	vld.idx.msk [tilespmem:v23+s1+$0x0], $0xffff;
	v40 =	vmul.f32 v40, v18;
	v60 =	vadd.f32 v62, v16;
	v24 =	vadd.f32 v61, v3  }
0x65b: {  	v54 =	vld.idx.msk [tilespmem:v23+s20+$0x0], $0xffff;
	v62 =	vmul.f32 v52, v52;
	v61 =	vmul.f32 v51, v51;
	v23 =	vadd.f32 v63, v57  }
0x65c: {  	v63 =	vmul.f32 v47, v47;
	v47 =	vmul.f32 v47, v51;
	v26 =	vadd.f32 v58, v24  }
0x65d: {  	v43 =	vld.idx.msk [tilespmem:v11+s1+$0x0], $0xffff;
	v10 =	vadd.f32 v61, v60;
	v60 =	vmul.f32 v22, v22;
	v58 =	vmul.f32 v21, v21  }
0x65e: {  	v24 =	vor.u32 $0x1A, v19;
	v38 =	vmul.f32 v56, v56;
	v56 =	vmul.f32 v56, v21  }
0x65f: {  	v13 =	vld.idx.msk [tilespmem:v9+s0+$0x0], $0xffff;
	v61 =	vadd.f32 v62, v23;
	v62 =	vmul.f32 v53, v53;
	v23 =	vadd.f32 v48, v15  }
0x660: {  	v55 =	vld.idx.msk [tilespmem:v46+s0+$0x0], $0xffff;
	v26 =	vadd.f32 v63, v26;
	v16 =	vadd.f32 v60, v10;
	v63 =	vmul.f32 v54, v54  }
0x661: {  	v3 =	vld.idx.msk [tilespmem:v5+s0+$0x0], $0xffff;
	v11 =	vadd.f32 v62, v61;
	v61 =	vmul.f32 v33, v49;
	v33 =	vor.u32 $0xE, v19  }
0x662: {  	v57 =	vld.idx.msk [tilespmem:v46+s1+$0x0], $0xffff;
	v28 =	vmul.f32 v43, v43;
	v60 =	vadd.f32 $0.0e+00, v12;
	v49 =	vor.u32 $0xD, v19  }
0x663: {  	v46 =	vld.idx.msk [tilespmem:v46+s20+$0x0], $0xffff;
	v43 =	vmul.f32 v43, v21;
	v48 =	vadd.f32 v63, v26;
	v26 =	vor.u32 $0x19, v19  }
0x664: {  	v10 =	vld.idx.msk [tilespmem:v6+s0+$0x0], $0xffff;
	v58 =	vadd.f32 v58, v16;
	v60 =	vadd.f32 v61, v60;
	v61 =	vor.u32 $0xC, v19  }
0x665: {  	v12 =	vld.idx.msk [tilespmem:v8+s0+$0x0], $0xffff;
	v63 =	vadd.f32 v35, v44;
	v62 =	vmovc v59;
	v59 =	vadd.f32 v28, v11;
	v28 =	vor.u32 $0x18, v19  }
0x666: {  	v38 =	vadd.f32 v38, v48;
	v34 =	vadd.f32 v34, v60;
	v60 =	vmul.f32 v55, v55;
	v35 =	vld.idx.msk [tilespmem:v33+s0+$0x0], $0xffff  }
0x667: {  	v48 =	vmul.f32 v39, v29;
	v29 =	vmul.f32 v32, v29;
	v30 =	vadd.f32 v30, v63;
	v39 =	vld.idx.msk [tilespmem:v49+s0+$0x0], $0xffff  }
0x668: {  	v44 =	vadd.f32 v60, v58;
	v34 =	vadd.f32 v37, v34;
	v58 =	vmul.f32 v42, v27;
	v42 =	vld.idx.msk [tilespmem:v49+s1+$0x0], $0xffff  }
0x669: {  	v29 =	vadd.f32 v29, v30;
	v27 =	vmul.f32 v36, v27;
	v60 =	vmul.f32 v45, v25;
	v32 =	vld.idx.msk [tilespmem:v61+s0+$0x0], $0xffff  }
0x66a: {  	v25 =	vmul.f32 v41, v25;
	v41 =	vor.u32 $0x17, v19;
	v37 =	vld.idx.msk [tilespmem:v61+s1+$0x0], $0xffff;
	v34 =	vadd.f32 v48, v34  }
0x66b: {  	v36 =	vor.u32 $0x10, v19;
	v30 =	vld.idx.msk [tilespmem:v61+s20+$0x0], $0xffff;
	v61 =	vmul.f32 v50, v18;
	v63 =	vadd.f32 v27, v29  }
0x66c: {  	v45 =	vld.idx.msk [tilespmem:v49+s20+$0x0], $0xffff;
	v50 =	vor.u32 $0x13, v19;
	v48 =	vor.u32 $0x16, v19;
	v31 =	vadd.f32 v58, v34  }
0x66d: {  	v49 =	vld.idx.msk [tilespmem:v33+s1+$0x0], $0xffff;
	v29 =	vor.u32 $0x15, v19;
	v25 =	vadd.f32 v25, v63;
	v34 =	vmul.f32 v53, v22  }
0x66e: {  	v11 =	vld.idx.msk [tilespmem:v7+s0+$0x0], $0xffff;
	v53 =	vor.u32 $0x11, v19;
	v63 =	vmul.f32 v57, v57;
	v58 =	vadd.f32 v60, v31  }
0x66f: {  	v15 =	vld.idx.msk [tilespmem:v24+s0+$0x0], $0xffff;
	v31 =	vor.u32 $0x14, v19;
	v60 =	vmul.f32 v52, v51;
	v40 =	vadd.f32 v40, v25  }
0x670: {  	v51 =	vld.idx.msk [tilespmem:v33+s20+$0x0], $0xffff;
	v33 =	vor.u32 $0x12, v19;
	v27 =	vadd.f32 v61, v58;
	v61 =	vmul.f32 v54, v22  }
0x671: {  	v16 =	vld.idx.msk [tilespmem:v26+s0+$0x0], $0xffff;
	v40 =	vadd.f32 v47, v40;
	v47 =	vor.u32 $0xF, v19;
	v54 =	vadd.f32 v63, v59  }
0x672: {  	v17 =	vld.idx.msk [tilespmem:v28+s0+$0x0], $0xffff;
	v63 =	vmul.f32 v32, v32;
	v59 =	vmul.f32 v49, v35;
	v27 =	vadd.f32 v60, v27  }
0x673: {  	v18 =	vld.idx.msk [tilespmem:v41+s0+$0x0], $0xffff;
	v60 =	vmul.f32 v46, v46;
	v40 =	vadd.f32 v61, v40;
	v61 =	vmul.f32 v57, v55  }
0x674: {  	v52 =	vld.idx.msk [tilespmem:v53+s0+$0x0], $0xffff;
	v46 =	vmul.f32 v46, v55;
	v44 =	vadd.f32 v63, v44;
	v34 =	vadd.f32 v34, v27  }
0x675: {  	v55 =	vld.idx.msk [tilespmem:v36+s0+$0x0], $0xffff;
	v38 =	vadd.f32 v60, v38;
	v60 =	vmul.f32 v37, v37;
	v37 =	vmul.f32 v37, v32  }
0x676: {  	v21 =	vld.idx.msk [tilespmem:v33+s0+$0x0], $0xffff;
	v40 =	vadd.f32 v56, v40;
	v32 =	vmul.f32 v30, v32;
	v30 =	vmul.f32 v30, v30  }
0x677: {  	v49 =	vmul.f32 v49, v49;
	v56 =	vld.idx.msk [tilespmem:v36+s20+$0x0], $0xffff;
	v34 =	vadd.f32 v43, v34;
	v43 =	vadd.f32 v60, v54  }
0x678: {  	v63 =	vmul.f32 v39, v39;
	v57 =	vld.idx.msk [tilespmem:v47+s0+$0x0], $0xffff;
	v40 =	vadd.f32 v46, v40;
	v30 =	vadd.f32 v30, v38  }
0x679: {  	v46 =	vld.idx.msk [tilespmem:v47+s1+$0x0], $0xffff;
	v60 =	vmul.f32 v51, v35;
	v35 =	vmul.f32 v35, v35;
	v34 =	vadd.f32 v61, v34  }
0x67a: {  	v47 =	vld.idx.msk [tilespmem:v47+s20+$0x0], $0xffff;
	v61 =	vmul.f32 v42, v39;
	v32 =	vadd.f32 v32, v40;
	v39 =	vmul.f32 v45, v39  }
0x67b: {  	v38 =	vld.idx.msk [tilespmem:v53+s1+$0x0], $0xffff;
	v51 =	vmul.f32 v51, v51;
	v42 =	vmul.f32 v42, v42;
	v34 =	vadd.f32 v37, v34  }
0x67c: {  	v40 =	vld.idx.msk [tilespmem:v33+s20+$0x0], $0xffff;
	v37 =	vadd.f32 v63, v44;
	v39 =	vadd.f32 v39, v32;
	v44 =	vmul.f32 v45, v45  }
0x67d: {  	v32 =	vld.idx.msk [tilespmem:v53+s20+$0x0], $0xffff;
	v58 =	vadd.f32 v42, v43;
	v53 =	vmul.f32 v56, v55;
	v56 =	vmul.f32 v56, v56  }
0x67e: {  	v54 =	vld.idx.msk [tilespmem:v36+s1+$0x0], $0xffff;
	v34 =	vadd.f32 v61, v34;
	v61 =	vmul.f32 v46, v57;
	v63 =	vadd.f32 v60, v39  }
0x67f: {  	v25 =	vld.idx.msk [tilespmem:v29+s0+$0x0], $0xffff;
	v60 =	vmul.f32 v47, v57;
	v30 =	vadd.f32 v44, v30;
	v37 =	vadd.f32 v35, v37  }
0x680: {  	v22 =	vld.idx.msk [tilespmem:v48+s0+$0x0], $0xffff;
	v49 =	vadd.f32 v49, v58;
	v46 =	vmul.f32 v46, v46;
	v47 =	vmul.f32 v47, v47  }
0x681: {  	v19 =	vld.idx.msk [tilespmem:v31+s0+$0x0], $0xffff;
	v58 =	vmul.f32 v40, v21;
	v40 =	vmul.f32 v40, v40;
	v34 =	vadd.f32 v59, v34  }
0x682: {  	v39 =	vld.idx.msk [tilespmem:v33+s1+$0x0], $0xffff;
	v63 =	vadd.f32 v60, v63;
	v59 =	vmul.f32 v38, v52;
	v51 =	vadd.f32 v51, v30  }
0x683: {  	v27 =	vld.idx.msk [tilespmem:v50+s0+$0x0], $0xffff;
	v38 =	vmul.f32 v38, v38;
	v34 =	vadd.f32 v61, v34;
	v61 =	vmul.f32 v54, v55  }
0x684: {  	v33 =	vld.idx.msk [tilespmem:v50+s1+$0x0], $0xffff;
	v49 =	vadd.f32 v46, v49;
	v60 =	vmul.f32 v32, v52;
	v52 =	vmul.f32 v52, v52  }
0x685: {  	v42 =	vld.idx.msk [tilespmem:v50+s20+$0x0], $0xffff;
	v32 =	vmul.f32 v32, v32;
	v44 =	vadd.f32 v53, v63;
	v34 =	vadd.f32 v61, v34  }
0x686: {  	v43 =	vld.idx.msk [tilespmem:v31+s1+$0x0], $0xffff;
	v53 =	vmul.f32 v57, v57;
	v50 =	vadd.f32 v47, v51;
	v54 =	vmul.f32 v54, v54  }
0x687: {  	v45 =	vld.idx.msk [tilespmem:v31+s20+$0x0], $0xffff;
	v63 =	vmul.f32 v39, v21;
	v21 =	vmul.f32 v21, v21;
	v61 =	vadd.f32 v59, v34  }
0x688: {  	v39 =	vmul.f32 v39, v39;
	v44 =	vadd.f32 v60, v44;
	v53 =	vadd.f32 v53, v37;
	v34 =	vld.idx.msk [tilespmem:v29+s1+$0x0], $0xffff  }
0x689: {  	v35 =	vld.idx.msk [tilespmem:v29+s20+$0x0], $0xffff;
	v54 =	vadd.f32 v54, v49;
	v59 =	vmul.f32 v33, v27;
	v31 =	vadd.f32 v63, v61  }
0x68a: {  	v60 =	vmul.f32 v42, v27;
	v50 =	vadd.f32 v56, v50;
	v44 =	vadd.f32 v58, v44;
	v29 =	vld.idx.msk [tilespmem:v48+s1+$0x0], $0xffff  }
0x68b: {  	v30 =	vld.idx.msk [tilespmem:v48+s20+$0x0], $0xffff;
	v42 =	vmul.f32 v42, v42;
	v63 =	vmul.f32 v43, v19;
	v61 =	vadd.f32 v59, v31  }
0x68c: {  	v58 =	vadd.f32 v14, v20;
	v31 =	vld.idx.msk [tilespmem:v41+s1+$0x0], $0xffff;
	v59 =	vadd.f32 v60, v44;
	v60 =	vmul.f32 v45, v19  }
0x68d: {  	v36 =	vld.idx.msk [tilespmem:v41+s20+$0x0], $0xffff;
	v38 =	vadd.f32 v38, v54;
	v48 =	vadd.f32 v63, v61;
	v61 =	vmul.f32 v34, v25  }
0x68e: {  	v37 =	vld.idx.msk [tilespmem:v28+s1+$0x0], $0xffff;
	v32 =	vadd.f32 v32, v50;
	v44 =	vadd.f32 v60, v59;
	v63 =	vmul.f32 v35, v25  }
0x68f: {  	v27 =	vmul.f32 v27, v27;
	v41 =	vld.idx.msk [tilespmem:v28+s20+$0x0], $0xffff;
	v60 =	vmul.f32 v29, v22;
	v59 =	vadd.f32 v61, v48  }
0x690: {  	v33 =	vmul.f32 v33, v33;
	v28 =	vld.idx.msk [tilespmem:v26+s1+$0x0], $0xffff;
	v44 =	vadd.f32 v63, v44;
	v61 =	vmul.f32 v30, v22  }
0x691: {  	v26 =	vld.idx.msk [tilespmem:v26+s20+$0x0], $0xffff;
	v63 =	vmul.f32 v55, v55;
	v48 =	vadd.f32 v60, v59;
	v60 =	vmul.f32 v31, v18  }
0x692: {  	v38 =	vadd.f32 v39, v38;
	v57 =	vadd.f32 v61, v44;
	v44 =	vld.idx.msk [tilespmem:v24+s1+$0x0], $0xffff;
	v61 =	vmul.f32 v36, v18  }
0x693: {  	v46 =	vld.idx.msk [tilespmem:v24+s20+$0x0], $0xffff;
	v51 =	vadd.f32 v63, v53;
	v63 =	vmul.f32 v37, v17;
	v24 =	vadd.f32 v60, v48  }
0x694: {  	v47 =	vld.idx.msk [tilespmem:v9+s1+$0x0], $0xffff;
	v32 =	vadd.f32 v40, v32;
	v60 =	vadd.f32 v61, v57;
	v61 =	vmul.f32 v41, v17  }
0x695: {  	v19 =	vmul.f32 v19, v19;
	v48 =	vld.idx.msk [tilespmem:v9+s20+$0x0], $0xffff;
	v57 =	vmul.f32 v28, v16;
	v63 =	vadd.f32 v63, v24  }
0x696: {  	v14 =	vld.idx.msk [tilespmem:v8+s1+$0x0], $0xffff;
	v50 =	vadd.f32 v33, v38;
	v59 =	vmul.f32 v26, v16;
	v49 =	vadd.f32 v61, v60  }
0x697: {  	v20 =	vld.idx.msk [tilespmem:v8+s20+$0x0], $0xffff;
	v38 =	vmul.f32 v37, v37;
	v9 =	vmul.f32 v44, v15;
	v8 =	vadd.f32 v57, v63  }
0x698: {  	v24 =	vsub.f32 v58, v23;
	v23 =	vld.idx.msk [tilespmem:v7+s1+$0x0], $0xffff;
	v61 =	vmul.f32 v46, v15;
	v60 =	vadd.f32 v59, v49  }
0x699: {  	v25 =	vmul.f32 v25, v25;
	v49 =	vld.idx.msk [tilespmem:v7+s20+$0x0], $0xffff;
	v63 =	vmul.f32 v47, v13;
	v8 =	vadd.f32 v9, v8  }
0x69a: {  	v7 =	vadd.f32 $0.0e+00, v24;
	v9 =	vld.idx.msk [tilespmem:v6+s1+$0x0], $0xffff;
	v53 =	vadd.f32 v61, v60;
	v60 =	vmul.f32 v48, v13  }
0x69b: {  	v51 =	vadd.f32 v52, v51;
	v24 =	vld.idx.msk [tilespmem:v6+s20+$0x0], $0xffff;
	v61 =	vmul.f32 v14, v12;
	v8 =	vadd.f32 v63, v8  }
0x69c: {  	v56 =	vpop (erf);
	v6 =	vld.idx.msk [tilespmem:v5+s1+$0x0], $0xffff;
	v53 =	vadd.f32 v60, v53;
	v63 =	vand.u32 $0x7FFFFFFF, v7;
	v60 =	vmul.f32 v20, v12  }
0x69d: {  	v55 =	vpop (erf);
	v5 =	vld.idx.msk [tilespmem:v5+s20+$0x0], $0xffff;
	v52 =	vsub.f32 $0.0e+00, v63;
	v8 =	vadd.f32 v61, v8;
	v61 =	vmul.f32 v23, v11  }
0x69e: {  	v63 =	vadd.f32 $2.000000000e+00, v55;
	v53 =	vadd.f32 v60, v53;
	v60 =	vmul.f32 v49, v11  }
0x69f: {  	v52 =	vmul.f32 $1.442695020e+00, v52;
	v8 =	vadd.f32 v61, v8;
	v61 =	vmul.f32 v9, v10  }
0x6a0: {  	(erf) = vrcp.f32 v63;
	v63 =	vmul.f32 v24, v10;
	v53 =	vadd.f32 v60, v53  }
0x6a1: {  	v21 =	vadd.f32 v21, v51;
	(erf) = vpow2.f32 v52;
	v8 =	vadd.f32 v61, v8  }
0x6a2: {  	v60 =	vadd.f32 v63, v53;
	v61 =	vmul.f32 v6, v3;
	v63 =	vmul.f32 v5, v3  }
0x6a3: {  	v34 =	vmul.f32 v34, v34;
	v29 =	vmul.f32 v29, v29;
	v21 =	vadd.f32 v27, v21  }
0x6a4: {  	v22 =	vmul.f32 v22, v22;
	v8 =	vadd.f32 v61, v8;
	v52 =	vadd.f32 v63, v60  }
0x6a5: {  	v32 =	vadd.f32 v42, v32;
	v42 =	vmul.f32 v26, v26;
	v18 =	vmul.f32 v18, v18  }
0x6a6: {  	v17 =	vmul.f32 v17, v17;
	v19 =	vadd.f32 v19, v21;
	v8 =	vsub.f32 v52, v8  }
0x6a7: {  	v16 =	vmul.f32 v16, v16;
	v51 =	vmul.f32 v43, v43  }
0x6a8: {  	v46 =	vmul.f32 v46, v46;
	v19 =	vadd.f32 v25, v19;
	v8 =	vadd.f32 $0.0e+00, v8  }
0x6a9: {  	v15 =	vmul.f32 v15, v15;
	v27 =	vadd.f32 v51, v50;
	v57 =	vmul.f32 v35, v35  }
0x6aa: {  	v43 =	vld [tilespmem:$0x1FEE0];
	v59 =	vmul.f32 v30, v30;
	v19 =	vadd.f32 v22, v19;
	v21 =	vpop (erf);
	v53 =	vand.u32 $0x7FFFFFFF, v8  }
0x6ab: {  	v51 =	vmul.f32 v47, v47;
	v27 =	vadd.f32 v34, v27;
	v33 =	vpop (erf);
	v39 =	vsub.f32 $0.0e+00, v53  }
0x6ac: {  	v34 =	vmul.f32 v36, v36;
	v18 =	vadd.f32 v18, v19;
	v54 =	vadd.f32 $2.000000000e+00, v33  }
0x6ad: {  	v0 =	vmax.f32 v0, $0.0e+00;
	v13 =	vmul.f32 v13, v13;
	v58 =	vmul.f32 $1.442695020e+00, v39  }
0x6ae: {  	v14 =	vmul.f32 v14, v14;
	v17 =	vadd.f32 v17, v18;
	(erf) = vrcp.f32 v54  }
0x6af: {  	v4 =	vadd.f32 v4, v43;
	v27 =	vadd.f32 v29, v27;
	v60 =	vld [tilespmem:$0x1FFD0];
	(erf) = vpow2.f32 v58  }
0x6b0: {  	v12 =	vmul.f32 v12, v12;
	v7 =	vmax.f32 v7, $0.0e+00;
	v61 =	vld [tilespmem:$0x1FF70];
	v16 =	vadd.f32 v16, v17  }
0x6b1: {  	v2 =	vadd.f32 v4, v2;
	v11 =	vmul.f32 v11, v11;
	v63 =	vmul.f32 v31, v31  }
0x6b2: {  	v10 =	vmul.f32 v10, v10;
	v52 =	vmul.f32 v45, v45;
	v15 =	vadd.f32 v15, v16  }
0x6b3: {  	v9 =	vmul.f32 v9, v9;
	v3 =	vmul.f32 v3, v3;
	v35 =	vadd.f32 v63, v27  }
0x6b4: {  	v45 =	vmul.f32 v44, v44;
	v32 =	vadd.f32 v52, v32;
	v13 =	vadd.f32 v13, v15  }
0x6b5: {  	v63 =	vmul.f32 v56, v62;
	v40 =	vadd.f32 v38, v35;
	v29 =	vmul.f32 v60, v61  }
0x6b6: {  	v60 =	vmul.f32 v23, v23;
	v25 =	vadd.f32 v57, v32;
	v12 =	vadd.f32 v12, v13  }
0x6b7: {  	v32 =	vmul.f32 v63, v63;
	v36 =	vadd.f32 $3.333333430e-01, v29;
	v53 =	vmul.f32 v48, v48;
	v50 =	vpop (erf)  }
0x6b8: {  	v29 =	vmul.f32 v21, v55;
	v22 =	vadd.f32 v59, v25;
	v59 =	vmul.f32 v1, v1;
	v52 =	vpop (erf)  }
0x6b9: {  	v39 =	vmul.f32 v41, v41;
	v41 =	vmul.f32 v28, v28;
	v54 =	vadd.f32 $2.000000000e+00, v52  }
0x6ba: {  	v11 =	vadd.f32 v11, v12;
	v1 =	vadd.f32 v1, v1;
	v27 =	vmul.f32 v36, v61  }
0x6bb: {  	v35 =	vmul.f32 v29, v29;
	v18 =	vadd.f32 v41, v40;
	(erf) = vrcp.f32 v54  }
0x6bc: {  	v37 =	vmul.f32 $1.428571490e-01, v32;
	v36 =	vld [tilespmem:$0x1FF90];
	v19 =	vadd.f32 v34, v22;
	v10 =	vadd.f32 v10, v11  }
0x6bd: {  	v31 =	vadd.f32 $1.000000000e+00, v27;
	v38 =	vmul.f32 $1.428571490e-01, v35;
	v18 =	vadd.f32 v45, v18  }
0x6be: {  	v61 =	vmul.f32 v49, v49;
	v19 =	vadd.f32 v39, v19;
	v3 =	vadd.f32 v3, v10  }
0x6bf: {  	v28 =	vmul.f32 $1.428571490e-01, v59;
	v40 =	vadd.f32 $2.000000030e-01, v38;
	v57 =	vadd.f32 v51, v18  }
0x6c0: {  	v58 =	vmul.f32 v20, v20;
	v17 =	vadd.f32 v42, v19;
	v19 =	vadd.f32 $2.000000030e-01, v37  }
0x6c1: {  	v45 =	vld [tilespmem:$0x1FF00];
	v11 =	vmul.f32 v31, v36;
	v18 =	vadd.f32 $2.000000030e-01, v28;
	v14 =	vadd.f32 v14, v57  }
0x6c2: {  	v15 =	vmul.f32 v40, v35;
	v17 =	vadd.f32 v46, v17;
	v16 =	vmul.f32 v50, v33  }
0x6c3: {  	v42 =	vmul.f32 v19, v32;
	v34 =	vmul.f32 v18, v59;
	v14 =	vadd.f32 v60, v14  }
0x6c4: {  	v47 =	vadd.f32 $3.333333430e-01, v15;
	v17 =	vadd.f32 v53, v17;
	v41 =	vmul.f32 v16, v16;
	v39 =	vpop (erf)  }
0x6c5: {  	v9 =	vadd.f32 v9, v14;
	v14 =	vadd.f32 $3.333333430e-01, v34;
	v22 =	vmul.f32 v39, v52  }
0x6c6: {  	v11 =	vadd.f32 v11, v45;
	v4 =	vadd.f32 $3.333333430e-01, v42;
	v44 =	vmul.f32 $1.428571490e-01, v41  }
0x6c7: {  	v13 =	vadd.f32 v58, v17;
	v14 =	vmul.f32 v14, v59;
	v43 =	vmul.f32 v22, v22  }
0x6c8: {  	v50 =	vld [tilespmem:$0x1FF20];
	v2 =	vadd.f32 v11, v2;
	v4 =	vmul.f32 v4, v32;
	v48 =	vadd.f32 $2.000000030e-01, v44  }
0x6c9: {  	v17 =	vadd.f32 v63, v63;
	v14 =	vadd.f32 $1.000000000e+00, v14;
	v46 =	vmul.f32 $1.428571490e-01, v43  }
0x6ca: {  	v12 =	vadd.f32 v61, v13;
	v4 =	vadd.f32 $1.000000000e+00, v4;
	v15 =	vmul.f32 v48, v41  }
0x6cb: {  	v1 =	vmul.f32 v14, v1;
	v14 =	vmul.f32 v47, v35;
	v52 =	vld [tilespmem:$0x1FF40];
	v49 =	vadd.f32 $2.000000030e-01, v46  }
0x6cc: {  	v30 =	vmul.f32 v24, v24;
	v13 =	vadd.f32 v29, v29;
	v15 =	vadd.f32 $3.333333430e-01, v15  }
0x6cd: {  	v1 =	vadd.f32 v1, v50;
	v14 =	vadd.f32 $1.000000000e+00, v14;
	v11 =	vmul.f32 v49, v43  }
0x6ce: {  	v54 =	vadd.f32 v16, v16;
	v4 =	vmul.f32 v4, v17;
	v51 =	vmul.f32 v15, v41  }
0x6cf: {  	v1 =	vadd.f32 v1, v2;
	v53 =	vmul.f32 v14, v13;
	v11 =	vadd.f32 $3.333333430e-01, v11  }
0x6d0: {  	v55 =	vmul.f32 v6, v6;
	v2 =	vadd.f32 $1.000000000e+00, v51;
	v4 =	vadd.f32 v4, v52  }
0x6d1: {  	v12 =	vadd.f32 v30, v12;
	v0 =	vadd.f32 v53, v0;
	v11 =	vmul.f32 v11, v43  }
0x6d2: {  	v2 =	vmul.f32 v2, v54;
	v56 =	vadd.f32 v22, v22;
	v1 =	vadd.f32 v4, v1  }
0x6d3: {  	v5 =	vmul.f32 v5, v5;
	v4 =	vadd.f32 v55, v9;
	v57 =	vadd.f32 $1.000000000e+00, v11  }
0x6d4: {  	v3 =	vmul.f32 $2.499999940e-03, v3;
	v58 =	vadd.f32 v2, v7;
	v0 =	vadd.f32 v0, v1  }
0x6d5: {  	v5 =	vadd.f32 v5, v12;
	v4 =	vmul.f32 $2.499999940e-03, v4;
	v59 =	vmul.f32 v57, v56  }
0x6d6: {  	v60 =	vmax.f32 v8, $0.0e+00;
	v0 =	vadd.f32 v58, v0  }
0x6d7: {  	v62 =	vmul.f32 $2.500000120e-04, v5;
	v61 =	vadd.f32 v4, v3;
	v1 =	vadd.f32 v59, v60;
	_ =	sdelay $0x1  }
0x6d8: {  	v63 =	vadd.f32 v62, v61;
	v0 =	vadd.f32 v1, v0;
	_ =	sdelay $0x1  }
0x6d9: {  	s23 =	sadd.s32 $0x1, s23;
	v0 =	vadd.f32 v63, v0  }
0x6da: {  	p0 =	sne.s32 s23, s18  }
.Ltmp1:
0x6db: {  	s5 =	simm.s32 $0xC600;
	[tilespmem:$0xC600] =	vst v0;
	(pc) =	sbr.rel @p0 .LBB2_1-.Ltmp1, $4  }
0x6dc: {  	[hbm4b:s17+s2] =	stream.linear.scatter [tilespmem:s5], [sflag:$0x2], $0x10, $0x38;
	[tilespmem:$0xC610] =	vst v63  }
0x6dd: {  	_ =	swait.ge [sflag:s19], $0x10  }
0x6de: {  	[sflag:s19] =	ssyncset.done $0x0  }
0x6df: {  	[sflag:s19] =	ssyncadd.s32 $0xFFFFFFF0  }
0x6e0: {  	_ =	sfence.sel $0x180000  }
0x6e1: {  	[bflag:$0x0] =	sbarrier.arrive $0xFFFF  }
0x6e2: {  	_ =	strace $0x90000047  }
0x6e3: {  	s0 =	stileid.u32;
	[bflag:$0x2] =	sbarrier.arrive $0xFFFF  }
0x6e4: {  	p0 =	sne.s32 s0, $0x0;
	s0 =	rddreg [dreg:$0x4]  }
0x6e5: {  	s0 =	sadd.s32 @!p0 $0x100000, s0  }
0x6e6: {  	[sflag:s0] =	ssyncadd.tile.s32 @!p0 $0x1;
	_ =	shalt  }
.Lfunc_end2:
_tile_overlayer_lowered:
.L_overlay_start_2:
0x6e7: {  	(tag) =	ssettag $0x2  }
0x6e8: {  	s0 =	rddreg [dreg:$0x0];
	s2 =	stileid.u32  }
0x6e9: {  	s1 =	rddreg [dreg:$0x1];
	p0 =	sne.s32 s2, $0x0  }
0x6ea: {  	s3 =	rddreg [dreg:$0x2];
	[bflag:$0x3] =	sbarrier.arrive $0xFFFF;
	s2 =	simm.s32 @!p0 $0x1C02  }
0x6eb: {  	[timem:s3], [sflag:s2] =	dma.local @!p0 [hbm:s0], s1  }
0x6ec: {  	s0 =	simm.s32 @!p0 $0x2  }
0x6ed: {  	_ =	swait.ge @!p0 [sflag:s0], s1  }
0x6ee: {  	s1 =	ssub.s32 @!p0 $0x0, s1;
	[sflag:s0] =	ssyncset.done @!p0 $0x0  }
0x6ef: {  	[sflag:s0] =	ssyncadd.s32 @!p0 s1  }
0x6f0: {  	[bflag:$0x3] =	sbarrier.arrive $0xFFFF  }
0x6f1: {  	_ =	shalt  }

</sc_bundles>
